<compile_context>
chip_gen: v7x
topology: tpu7x:2x2x1
jax: 0.10.2.dev20260603
libtpu: 0.0.44.dev20260713+nightly
codegen_flags: <defaults>
</compile_context>

<pallas_src>
import jax
import jax.numpy as jnp
from jax import lax
from jax.experimental import pallas as pl
from jax.experimental.pallas import tpu as pltpu
from jax.experimental.pallas import tpu_sc as plsc

_DIM = 64
_B = 16384
_GAMMA = 12.0
_EMB_RANGE = (12.0 + 2.0) / _DIM
_PI = 3.14
_SCALE = _EMB_RANGE / _PI
_HALF_INV_SCALE = 1.0 / (2.0 * _SCALE)
_NREL = 1000

_NC = 2
_NS = 16
_NW = _NC * _NS
_BPW = _B // _NW
_CHUNK = 64
_NCHUNK = _BPW // _CHUNK

_TC_BLK = 2048
_TC_NB = _B // _TC_BLK


def _sc_body(idx_t_hbm, ent_hbm, rel_hbm, de_out, part_out,
             si_all, pi_all, oi_all,
             s0, s1, p0, p1, o0, o1, de0, de1, part_v,
             isem, gsem0, gsem1, wsem0, wsem1):
    s_v = (s0, s1)
    p_v = (p0, p1)
    o_v = (o0, o1)
    de_v = (de0, de1)
    gsem = (gsem0, gsem1)
    wsem = (wsem0, wsem1)

    wid = lax.axis_index("s") * _NC + lax.axis_index("c")
    base = wid * _BPW

    i0 = pltpu.async_copy(idx_t_hbm.at[pl.ds(base, _BPW)], si_all, isem)
    i1 = pltpu.async_copy(idx_t_hbm.at[pl.ds(_B + base, _BPW)], pi_all, isem)
    i2 = pltpu.async_copy(idx_t_hbm.at[pl.ds(2 * _B + base, _BPW)], oi_all,
                          isem)
    i0.wait()
    i1.wait()
    i2.wait()

    def fire(ci, buf):
        sl = pl.ds(ci * _CHUNK, _CHUNK)
        return (
            pltpu.async_copy(ent_hbm.at[si_all.at[sl]], s_v[buf], gsem[buf]),
            pltpu.async_copy(rel_hbm.at[pi_all.at[sl]], p_v[buf], gsem[buf]),
            pltpu.async_copy(ent_hbm.at[oi_all.at[sl]], o_v[buf], gsem[buf]),
        )

    def compute(buf, acc0):
        sv, pv, ov, dv = s_v[buf], p_v[buf], o_v[buf], de_v[buf]

        def unpk(r, woff):
            w = pv[r, pl.ds(woff, 16)]
            a = lax.bitcast_convert_type(w << 16, jnp.float32)
            b = lax.bitcast_convert_type(w & jnp.int32(-65536), jnp.float32)
            return a, b

        @plsc.parallel_loop(0, _CHUNK, unroll=4, carry=acc0)
        def row(r, acc):
            for q in range(2):
                pp = unpk(r, 16 * q)
                av = unpk(r, 32 + 16 * q)
                bv = unpk(r, 64 + 16 * q)
                for h in range(2):
                    c = pl.ds(32 * q + 16 * h, 16)
                    m = pl.ds(_DIM + 32 * q + 16 * h, 16)
                    dv[r, c] = ((sv[r, c] + pp[h]) - ov[r, c]) * \
                        _HALF_INV_SCALE
                    e = sv[r, m] * av[h] - jnp.abs(ov[r, m]) * bv[h]
                    acc = acc + e * e
            return acc

        return row

    ghandles = {0: fire(0, 0)}
    whandles = {}
    acc = jnp.zeros((16,), jnp.float32)
    for ci in range(_NCHUNK):
        buf = ci & 1
        if ci + 1 < _NCHUNK:
            ghandles[ci + 1] = fire(ci + 1, 1 - buf)
        for h in ghandles.pop(ci):
            h.wait()
        if ci >= 2:
            whandles.pop(ci - 2).wait()
        acc = compute(buf, acc)
        whandles[ci] = pltpu.async_copy(
            de_v[buf], de_out.at[pl.ds(base + ci * _CHUNK, _CHUNK), :],
            wsem[buf])
    part_v[...] = acc
    pltpu.sync_copy(part_v, part_out.at[pl.ds(wid * 16, 16)])
    for ci in (_NCHUNK - 2, _NCHUNK - 1):
        whandles.pop(ci).wait()


_sc_gather_fused = pl.kernel(
    _sc_body,
    out_type=(
        jax.ShapeDtypeStruct((_B, _DIM), jnp.float32),
        jax.ShapeDtypeStruct((_NW * 16,), jnp.float32),
    ),
    mesh=plsc.VectorSubcoreMesh(core_axis_name="c", subcore_axis_name="s"),
    scratch_types=[
        pltpu.VMEM((_BPW,), jnp.int32),
        pltpu.VMEM((_BPW,), jnp.int32),
        pltpu.VMEM((_BPW,), jnp.int32),
        pltpu.VMEM((_CHUNK, 2 * _DIM), jnp.float32),
        pltpu.VMEM((_CHUNK, 2 * _DIM), jnp.float32),
        pltpu.VMEM((_CHUNK, 2 * _DIM), jnp.int32),
        pltpu.VMEM((_CHUNK, 2 * _DIM), jnp.int32),
        pltpu.VMEM((_CHUNK, 2 * _DIM), jnp.float32),
        pltpu.VMEM((_CHUNK, 2 * _DIM), jnp.float32),
        pltpu.VMEM((_CHUNK, _DIM), jnp.float32),
        pltpu.VMEM((_CHUNK, _DIM), jnp.float32),
        pltpu.VMEM((16,), jnp.float32),
        pltpu.SemaphoreType.DMA,
        pltpu.SemaphoreType.DMA,
        pltpu.SemaphoreType.DMA,
        pltpu.SemaphoreType.DMA,
        pltpu.SemaphoreType.DMA,
    ],
)


_INV_PI = 0.3183098861837907
_PI_A = 3.140625
_PI_B = 9.67653589793e-4
_S1 = -1.6666654611e-1
_S2 = 8.3321608736e-3
_S3 = -1.9515295891e-4


def _sin_sq(d):
    t = d * _INV_PI
    half = jnp.where(t >= 0.0, 0.5, -0.5)
    k = (t + half).astype(jnp.int32).astype(jnp.float32)
    r = (d - k * _PI_A) - k * _PI_B
    r2 = r * r
    sr = r * (1.0 + r2 * (_S1 + r2 * (_S2 + r2 * _S3)))
    return sr * sr


def _tc_score_body(d_ref, part_ref, out_ref, psq_ref):
    i = pl.program_id(0)
    psq_ref[pl.ds(i * _TC_BLK, _TC_BLK)] = jnp.sum(_sin_sq(d_ref[...]),
                                                   axis=1)

    @pl.when(i == _TC_NB - 1)
    def _():
        mod_term = jnp.sqrt(jnp.sum(part_ref[...]))
        out_ref[...] = (_GAMMA - mod_term) - 0.5 * jnp.sqrt(psq_ref[...])


def _tc_score(d, part):
    return pl.pallas_call(
        _tc_score_body,
        grid=(_TC_NB,),
        in_specs=[
            pl.BlockSpec((_TC_BLK, _DIM), lambda i: (i, 0)),
            pl.BlockSpec((_NW * 16,), lambda i: (0,)),
        ],
        out_specs=pl.BlockSpec((_B,), lambda i: (0,)),
        out_shape=jax.ShapeDtypeStruct((_B,), jnp.float32),
        scratch_shapes=[
            pltpu.VMEM((_B,), jnp.float32),
        ],
    )(d, part)


def _pack_cols(x):
    xb = lax.bitcast_convert_type(x.astype(jnp.bfloat16),
                                  jnp.uint16).astype(jnp.uint32)
    lo = jnp.concatenate([xb[:, 0:16], xb[:, 32:48]], axis=1)
    hi = jnp.concatenate([xb[:, 16:32], xb[:, 48:64]], axis=1)
    return lax.bitcast_convert_type(lo | (hi << 16), jnp.int32)


def kernel(inputs, ent_table, rel_table):
    phase_p = rel_table[:, :_DIM]
    mod_p = rel_table[:, _DIM:2 * _DIM]
    bias_p = rel_table[:, 2 * _DIM:]
    nap = -jnp.abs(mod_p)
    bias_c = jnp.minimum(bias_p, 1.0)
    bias_c = jnp.where(bias_c < nap, nap, bias_c)
    rel_packed = jnp.concatenate(
        [_pack_cols(phase_p), _pack_cols(mod_p + bias_c),
         _pack_cols(1.0 - bias_c),
         jnp.zeros((_NREL, 32), jnp.int32)], axis=1)
    idx_flat = inputs.T.reshape(-1)
    d, part = _sc_gather_fused(idx_flat, ent_table, rel_packed)
    return _tc_score(d, part).reshape(_B, 1)

# --- scband reference (transcript-rebuilt; emitter-appended) ---
"""Pipeline reference for scband-hake-50706383896869 (READ-ONLY COPY).

The authoritative reference and input builder live on the scoring server;
editing this copy changes nothing except your own understanding.
"""

import jax, jax.numpy as jnp
import numpy as np

DIM = 64
NUM_ENTITIES = 1000000
NUM_RELATIONS = 1000
NEG = 2
GAMMA = 12.0
EPSILON = 2.0
PI = 3.14
EMB_RANGE = (GAMMA + EPSILON) / DIM
PHASE_W = 0.5
MOD_W = 1.0
BATCH = 16384


def setup_inputs(seed: int = 0) -> dict:
    key = jax.random.key(seed)
    k1, k2, k3 = jax.random.split(key, 3)
    # indices < NUM_RELATIONS so column 1 is valid for the relation table
    inputs = jax.random.randint(k1, (BATCH, 3), 0, NUM_RELATIONS, dtype=jnp.int32)
    ent_table = jax.random.normal(k2, (NUM_ENTITIES, 2 * DIM), dtype=jnp.float32)
    rel_table = jax.random.normal(k3, (NUM_RELATIONS, 3 * DIM), dtype=jnp.float32)
    return {"inputs": inputs, "ent_table": ent_table, "rel_table": rel_table}


def hake_func(s, p, o):
    phase_s, mod_s = jnp.split(s, 2, axis=-1)
    phase_o, mod_o = jnp.split(o, 2, axis=-1)
    phase_p, mod_p, bias_p = jnp.split(p, 3, axis=-1)
    scale = EMB_RANGE / PI
    phase_s = phase_s / scale
    phase_p = phase_p / scale
    phase_o = phase_o / scale
    bias_p = jnp.minimum(bias_p, 1.0)  # K.clip(bias_p, -inf, 1.0)
    bias_p = jnp.where(bias_p < -jnp.abs(mod_p), -jnp.abs(mod_p), bias_p)
    # tf.norm with no axis -> Frobenius norm over whole tensor (scalar), faithful to original
    mod_term = jnp.linalg.norm(mod_s * (mod_p + bias_p) - jnp.abs(mod_o) * (1.0 - bias_p))
    phase_term = jnp.linalg.norm(jnp.sin((phase_s + phase_p - phase_o) / 2.0), ord=2, axis=-1)
    return GAMMA - (MOD_W * mod_term + PHASE_W * phase_term)


def reference(inputs, ent_table, rel_table):
    s_idx = inputs[:, 0]
    p_idx = inputs[:, 1]
    o_idx = inputs[:, 2]
    s = jnp.take(ent_table, s_idx, axis=0)
    p = jnp.take(rel_table, p_idx, axis=0)
    o = jnp.take(ent_table, o_idx, axis=0)
    true_score = hake_func(s, p, o)
    # negative-sample branch: in the original it only feeds add_loss, not the output
    nk = jax.random.key(1)
    fs_idx = jax.random.randint(jax.random.fold_in(nk, 0), (BATCH * NEG,), 0, NUM_ENTITIES, dtype=jnp.int32)
    fo_idx = jax.random.randint(jax.random.fold_in(nk, 1), (BATCH * NEG,), 0, NUM_ENTITIES, dtype=jnp.int32)
    fp_idx = jnp.repeat(p_idx, NEG)
    fs = jnp.take(ent_table, fs_idx, axis=0)
    fp = jnp.take(rel_table, fp_idx, axis=0)
    fo = jnp.take(ent_table, fo_idx, axis=0)
    _ = hake_func(fs, fp, fo)
    return jnp.expand_dims(true_score, -1)

if __name__ == "__main__":
    import jax
    _d = setup_inputs()
    print(jax.jit(kernel)(*tuple(_d.values())))

</pallas_src>

<mosaic_0001>
#map = affine_map<(d0, d1) -> (0)>
#map1 = affine_map<(d0, d1) -> (0, 0)>
module attributes {stable_mosaic.version = 14 : i64} {
  func.func @_sc_body(%arg0: i32, %arg1: i32, %arg2: memref<49152xi32, #tpu.memory_space<hbm>>, %arg3: memref<1000000x128xf32, #tpu.memory_space<hbm>>, %arg4: memref<1000x128xi32, #tpu.memory_space<hbm>>, %arg5: memref<16384x64xf32, #tpu.memory_space<hbm>>, %arg6: memref<512xf32, #tpu.memory_space<hbm>>, %arg7: memref<512xi32, #tpu.memory_space<vmem>>, %arg8: memref<512xi32, #tpu.memory_space<vmem>>, %arg9: memref<512xi32, #tpu.memory_space<vmem>>, %arg10: memref<64x128xf32, #tpu.memory_space<vmem>>, %arg11: memref<64x128xf32, #tpu.memory_space<vmem>>, %arg12: memref<64x128xi32, #tpu.memory_space<vmem>>, %arg13: memref<64x128xi32, #tpu.memory_space<vmem>>, %arg14: memref<64x128xf32, #tpu.memory_space<vmem>>, %arg15: memref<64x128xf32, #tpu.memory_space<vmem>>, %arg16: memref<64x64xf32, #tpu.memory_space<vmem>>, %arg17: memref<64x64xf32, #tpu.memory_space<vmem>>, %arg18: memref<16xf32, #tpu.memory_space<vmem>>, %arg19: memref<!tpu.dma_semaphore, #tpu.memory_space<semaphore_mem>>, %arg20: memref<!tpu.dma_semaphore, #tpu.memory_space<semaphore_mem>>, %arg21: memref<!tpu.dma_semaphore, #tpu.memory_space<semaphore_mem>>, %arg22: memref<!tpu.dma_semaphore, #tpu.memory_space<semaphore_mem>>, %arg23: memref<!tpu.dma_semaphore, #tpu.memory_space<semaphore_mem>>) attributes {dimension_semantics = [#tpu.dimension_semantics<core_parallel>, #tpu.dimension_semantics<subcore_parallel>], iteration_bounds = array<i64: 2, 16>, scalar_prefetch = 0 : i64, scratch_operands = 17 : i64, tpu.core_type = #tpu.core_type<sc_vector_subcore>, window_params = [{transform_indices = #map}, {transform_indices = #map1}, {transform_indices = #map1}, {transform_indices = #map1}, {transform_indices = #map}]} {
    %mul3A = arith.constant 2 : i32
    %mul3A_0 = arith.muli %arg1, %mul3A : i32
    %add3A = arith.addi %mul3A_0, %arg0 : i32
    %mul3A_1 = arith.constant 512 : i32
    %mul3A_2 = arith.muli %add3A, %mul3A_1 : i32
    %dma_start3A = tpu.memref_slice %arg2[%mul3A_2] : memref<49152xi32, #tpu.memory_space<hbm>> -> memref<512xi32, #tpu.memory_space<hbm>>
    %dma_start3A_3 = tpu.memref_slice %arg2[%mul3A_2] : memref<49152xi32, #tpu.memory_space<hbm>> -> memref<512xi32, #tpu.memory_space<hbm>>
    tpu.enqueue_dma source(%dma_start3A_3 : memref<512xi32, #tpu.memory_space<hbm>>) target(%arg7 : memref<512xi32, #tpu.memory_space<vmem>>) target_semaphore(%arg19 : memref<!tpu.dma_semaphore, #tpu.memory_space<semaphore_mem>>)
    %add3A_4 = arith.constant 16384 : i32
    %add3A_5 = arith.addi %add3A_4, %mul3A_2 : i32
    %dma_start3A_6 = tpu.memref_slice %arg2[%add3A_5] : memref<49152xi32, #tpu.memory_space<hbm>> -> memref<512xi32, #tpu.memory_space<hbm>>
    %dma_start3A_7 = tpu.memref_slice %arg2[%add3A_5] : memref<49152xi32, #tpu.memory_space<hbm>> -> memref<512xi32, #tpu.memory_space<hbm>>
    tpu.enqueue_dma source(%dma_start3A_7 : memref<512xi32, #tpu.memory_space<hbm>>) target(%arg8 : memref<512xi32, #tpu.memory_space<vmem>>) target_semaphore(%arg19 : memref<!tpu.dma_semaphore, #tpu.memory_space<semaphore_mem>>)
    %add3A_8 = arith.constant 32768 : i32
    %add3A_9 = arith.addi %add3A_8, %mul3A_2 : i32
    %dma_start3A_10 = tpu.memref_slice %arg2[%add3A_9] : memref<49152xi32, #tpu.memory_space<hbm>> -> memref<512xi32, #tpu.memory_space<hbm>>
    %dma_start3A_11 = tpu.memref_slice %arg2[%add3A_9] : memref<49152xi32, #tpu.memory_space<hbm>> -> memref<512xi32, #tpu.memory_space<hbm>>
    tpu.enqueue_dma source(%dma_start3A_11 : memref<512xi32, #tpu.memory_space<hbm>>) target(%arg9 : memref<512xi32, #tpu.memory_space<vmem>>) target_semaphore(%arg19 : memref<!tpu.dma_semaphore, #tpu.memory_space<semaphore_mem>>)
    %dma_wait3A = tpu.memref_slice %arg2[%mul3A_2] : memref<49152xi32, #tpu.memory_space<hbm>> -> memref<512xi32, #tpu.memory_space<hbm>>
    %dma_wait3A_12 = tpu.memref_slice %arg2[%mul3A_2] : memref<49152xi32, #tpu.memory_space<hbm>> -> memref<512xi32, #tpu.memory_space<hbm>>
    tpu.wait_dma2 semaphore(%arg19 : memref<!tpu.dma_semaphore, #tpu.memory_space<semaphore_mem>>) src(%dma_wait3A_12 : memref<512xi32, #tpu.memory_space<hbm>>) dst(%arg7 : memref<512xi32, #tpu.memory_space<vmem>>)
    %dma_wait3A_13 = tpu.memref_slice %arg2[%add3A_5] : memref<49152xi32, #tpu.memory_space<hbm>> -> memref<512xi32, #tpu.memory_space<hbm>>
    %dma_wait3A_14 = tpu.memref_slice %arg2[%add3A_5] : memref<49152xi32, #tpu.memory_space<hbm>> -> memref<512xi32, #tpu.memory_space<hbm>>
    tpu.wait_dma2 semaphore(%arg19 : memref<!tpu.dma_semaphore, #tpu.memory_space<semaphore_mem>>) src(%dma_wait3A_14 : memref<512xi32, #tpu.memory_space<hbm>>) dst(%arg8 : memref<512xi32, #tpu.memory_space<vmem>>)
    %dma_wait3A_15 = tpu.memref_slice %arg2[%add3A_9] : memref<49152xi32, #tpu.memory_space<hbm>> -> memref<512xi32, #tpu.memory_space<hbm>>
    %dma_wait3A_16 = tpu.memref_slice %arg2[%add3A_9] : memref<49152xi32, #tpu.memory_space<hbm>> -> memref<512xi32, #tpu.memory_space<hbm>>
    tpu.wait_dma2 semaphore(%arg19 : memref<!tpu.dma_semaphore, #tpu.memory_space<semaphore_mem>>) src(%dma_wait3A_16 : memref<512xi32, #tpu.memory_space<hbm>>) dst(%arg9 : memref<512xi32, #tpu.memory_space<vmem>>)
    %dma_start3A_17 = arith.constant 0 : i32
    %dma_start3A_18 = tpu.memref_slice %arg7[%dma_start3A_17] : memref<512xi32, #tpu.memory_space<vmem>> -> memref<64xi32, #tpu.memory_space<vmem>>
    %dma_start3A_19 = arith.constant 0 : i32
    %dma_start3A_20 = arith.constant 0 : i32
    %dma_start3A_21 = tpu.memref_slice %arg3[%dma_start3A_19, %dma_start3A_20] : memref<1000000x128xf32, #tpu.memory_space<hbm>> -> memref<1000000x128xf32, #tpu.memory_space<hbm>>
    tpu.enqueue_indirect_dma source(%dma_start3A_21 : memref<1000000x128xf32, #tpu.memory_space<hbm>>) target(%arg10 : memref<64x128xf32, #tpu.memory_space<vmem>>) offsets(%dma_start3A_18 : memref<64xi32, #tpu.memory_space<vmem>>) semaphore(%arg20 : memref<!tpu.dma_semaphore, #tpu.memory_space<semaphore_mem>>)
    %dma_start3A_22 = arith.constant 0 : i32
    %dma_start3A_23 = tpu.memref_slice %arg8[%dma_start3A_22] : memref<512xi32, #tpu.memory_space<vmem>> -> memref<64xi32, #tpu.memory_space<vmem>>
    %dma_start3A_24 = arith.constant 0 : i32
    %dma_start3A_25 = arith.constant 0 : i32
    %dma_start3A_26 = tpu.memref_slice %arg4[%dma_start3A_24, %dma_start3A_25] : memref<1000x128xi32, #tpu.memory_space<hbm>> -> memref<1000x128xi32, #tpu.memory_space<hbm>>
    tpu.enqueue_indirect_dma source(%dma_start3A_26 : memref<1000x128xi32, #tpu.memory_space<hbm>>) target(%arg12 : memref<64x128xi32, #tpu.memory_space<vmem>>) offsets(%dma_start3A_23 : memref<64xi32, #tpu.memory_space<vmem>>) semaphore(%arg20 : memref<!tpu.dma_semaphore, #tpu.memory_space<semaphore_mem>>)
    %dma_start3A_27 = arith.constant 0 : i32
    %dma_start3A_28 = tpu.memref_slice %arg9[%dma_start3A_27] : memref<512xi32, #tpu.memory_space<vmem>> -> memref<64xi32, #tpu.memory_space<vmem>>
    %dma_start3A_29 = arith.constant 0 : i32
    %dma_start3A_30 = arith.constant 0 : i32
    %dma_start3A_31 = tpu.memref_slice %arg3[%dma_start3A_29, %dma_start3A_30] : memref<1000000x128xf32, #tpu.memory_space<hbm>> -> memref<1000000x128xf32, #tpu.memory_space<hbm>>
    tpu.enqueue_indirect_dma source(%dma_start3A_31 : memref<1000000x128xf32, #tpu.memory_space<hbm>>) target(%arg14 : memref<64x128xf32, #tpu.memory_space<vmem>>) offsets(%dma_start3A_28 : memref<64xi32, #tpu.memory_space<vmem>>) semaphore(%arg20 : memref<!tpu.dma_semaphore, #tpu.memory_space<semaphore_mem>>)
    %broadcast_in_dim3A = arith.constant 0.000000e+00 : f32
    %broadcast_in_dim3A_32 = vector.broadcast %broadcast_in_dim3A : f32 to vector<16xf32>
    %dma_start3A_33 = arith.constant 64 : i32
    %dma_start3A_34 = tpu.memref_slice %arg7[%dma_start3A_33] : memref<512xi32, #tpu.memory_space<vmem>> -> memref<64xi32, #tpu.memory_space<vmem>>
    %dma_start3A_35 = arith.constant 0 : i32
    %dma_start3A_36 = arith.constant 0 : i32
    %dma_start3A_37 = tpu.memref_slice %arg3[%dma_start3A_35, %dma_start3A_36] : memref<1000000x128xf32, #tpu.memory_space<hbm>> -> memref<1000000x128xf32, #tpu.memory_space<hbm>>
    tpu.enqueue_indirect_dma source(%dma_start3A_37 : memref<1000000x128xf32, #tpu.memory_space<hbm>>) target(%arg11 : memref<64x128xf32, #tpu.memory_space<vmem>>) offsets(%dma_start3A_34 : memref<64xi32, #tpu.memory_space<vmem>>) semaphore(%arg21 : memref<!tpu.dma_semaphore, #tpu.memory_space<semaphore_mem>>)
    %dma_start3A_38 = arith.constant 64 : i32
    %dma_start3A_39 = tpu.memref_slice %arg8[%dma_start3A_38] : memref<512xi32, #tpu.memory_space<vmem>> -> memref<64xi32, #tpu.memory_space<vmem>>
    %dma_start3A_40 = arith.constant 0 : i32
    %dma_start3A_41 = arith.constant 0 : i32
    %dma_start3A_42 = tpu.memref_slice %arg4[%dma_start3A_40, %dma_start3A_41] : memref<1000x128xi32, #tpu.memory_space<hbm>> -> memref<1000x128xi32, #tpu.memory_space<hbm>>
    tpu.enqueue_indirect_dma source(%dma_start3A_42 : memref<1000x128xi32, #tpu.memory_space<hbm>>) target(%arg13 : memref<64x128xi32, #tpu.memory_space<vmem>>) offsets(%dma_start3A_39 : memref<64xi32, #tpu.memory_space<vmem>>) semaphore(%arg21 : memref<!tpu.dma_semaphore, #tpu.memory_space<semaphore_mem>>)
    %dma_start3A_43 = arith.constant 64 : i32
    %dma_start3A_44 = tpu.memref_slice %arg9[%dma_start3A_43] : memref<512xi32, #tpu.memory_space<vmem>> -> memref<64xi32, #tpu.memory_space<vmem>>
    %dma_start3A_45 = arith.constant 0 : i32
    %dma_start3A_46 = arith.constant 0 : i32
    %dma_start3A_47 = tpu.memref_slice %arg3[%dma_start3A_45, %dma_start3A_46] : memref<1000000x128xf32, #tpu.memory_space<hbm>> -> memref<1000000x128xf32, #tpu.memory_space<hbm>>
    tpu.enqueue_indirect_dma source(%dma_start3A_47 : memref<1000000x128xf32, #tpu.memory_space<hbm>>) target(%arg15 : memref<64x128xf32, #tpu.memory_space<vmem>>) offsets(%dma_start3A_44 : memref<64xi32, #tpu.memory_space<vmem>>) semaphore(%arg21 : memref<!tpu.dma_semaphore, #tpu.memory_space<semaphore_mem>>)
    %dma_wait3A_48 = arith.constant 0 : i32
    %dma_wait3A_49 = tpu.memref_slice %arg7[%dma_wait3A_48] : memref<512xi32, #tpu.memory_space<vmem>> -> memref<64xi32, #tpu.memory_space<vmem>>
    %dma_wait3A_50 = arith.constant 0 : i32
    %dma_wait3A_51 = arith.constant 0 : i32
    %dma_wait3A_52 = tpu.memref_slice %arg3[%dma_wait3A_50, %dma_wait3A_51] : memref<1000000x128xf32, #tpu.memory_space<hbm>> -> memref<1000000x128xf32, #tpu.memory_space<hbm>>
    tpu.wait_indirect_dma semaphore(%arg20 : memref<!tpu.dma_semaphore, #tpu.memory_space<semaphore_mem>>) src(%dma_wait3A_52 : memref<1000000x128xf32, #tpu.memory_space<hbm>>) dst(%arg10 : memref<64x128xf32, #tpu.memory_space<vmem>>)
    %dma_wait3A_53 = arith.constant 0 : i32
    %dma_wait3A_54 = tpu.memref_slice %arg8[%dma_wait3A_53] : memref<512xi32, #tpu.memory_space<vmem>> -> memref<64xi32, #tpu.memory_space<vmem>>
    %dma_wait3A_55 = arith.constant 0 : i32
    %dma_wait3A_56 = arith.constant 0 : i32
    %dma_wait3A_57 = tpu.memref_slice %arg4[%dma_wait3A_55, %dma_wait3A_56] : memref<1000x128xi32, #tpu.memory_space<hbm>> -> memref<1000x128xi32, #tpu.memory_space<hbm>>
    tpu.wait_indirect_dma semaphore(%arg20 : memref<!tpu.dma_semaphore, #tpu.memory_space<semaphore_mem>>) src(%dma_wait3A_57 : memref<1000x128xi32, #tpu.memory_space<hbm>>) dst(%arg12 : memref<64x128xi32, #tpu.memory_space<vmem>>)
    %dma_wait3A_58 = arith.constant 0 : i32
    %dma_wait3A_59 = tpu.memref_slice %arg9[%dma_wait3A_58] : memref<512xi32, #tpu.memory_space<vmem>> -> memref<64xi32, #tpu.memory_space<vmem>>
    %dma_wait3A_60 = arith.constant 0 : i32
    %dma_wait3A_61 = arith.constant 0 : i32
    %dma_wait3A_62 = tpu.memref_slice %arg3[%dma_wait3A_60, %dma_wait3A_61] : memref<1000000x128xf32, #tpu.memory_space<hbm>> -> memref<1000000x128xf32, #tpu.memory_space<hbm>>
    tpu.wait_indirect_dma semaphore(%arg20 : memref<!tpu.dma_semaphore, #tpu.memory_space<semaphore_mem>>) src(%dma_wait3A_62 : memref<1000000x128xf32, #tpu.memory_space<hbm>>) dst(%arg14 : memref<64x128xf32, #tpu.memory_space<vmem>>)
    %parallel_loop3A = arith.constant 0 : i32
    %parallel_loop3A_63 = arith.constant 64 : i32
    %parallel_loop3A_64 = arith.constant 1 : i32
    %parallel_loop3A_65 = scf.for %parallel_loop3A_374 = %parallel_loop3A to %parallel_loop3A_63 step %parallel_loop3A_64 iter_args(%parallel_loop3A_375 = %broadcast_in_dim3A_32) -> (vector<16xf32>)  : i32 {
      %parallel_loop3A_376 = arith.index_cast %parallel_loop3A_374 : i32 to index
      %parallel_loop3A_377 = arith.constant 0 : index
      %parallel_loop3A_378 = tpu.vector_load %arg12[%parallel_loop3A_376, %parallel_loop3A_377] {strides = array<i32>} : memref<64x128xi32, #tpu.memory_space<vmem>>, vector<1x16xi32>,
      %parallel_loop3A_379 = vector.shape_cast %parallel_loop3A_378 : vector<1x16xi32> to vector<16xi32>
      %parallel_loop3A_380 = arith.constant 16 : i32
      %parallel_loop3A_381 = vector.broadcast %parallel_loop3A_380 : i32 to vector<16xi32>
      %parallel_loop3A_382 = arith.shli %parallel_loop3A_379, %parallel_loop3A_381 : vector<16xi32>
      %parallel_loop3A_383 = tpu.bitcast %parallel_loop3A_382 : vector<16xi32> -> vector<16xf32>
      %parallel_loop3A_384 = arith.constant -65536 : i32
      %parallel_loop3A_385 = vector.broadcast %parallel_loop3A_384 : i32 to vector<16xi32>
      %parallel_loop3A_386 = arith.andi %parallel_loop3A_379, %parallel_loop3A_385 : vector<16xi32>
      %parallel_loop3A_387 = tpu.bitcast %parallel_loop3A_386 : vector<16xi32> -> vector<16xf32>
      %parallel_loop3A_388 = arith.index_cast %parallel_loop3A_374 : i32 to index
      %parallel_loop3A_389 = arith.constant 32 : index
      %parallel_loop3A_390 = tpu.vector_load %arg12[%parallel_loop3A_388, %parallel_loop3A_389] {strides = array<i32>} : memref<64x128xi32, #tpu.memory_space<vmem>>, vector<1x16xi32>,
      %parallel_loop3A_391 = vector.shape_cast %parallel_loop3A_390 : vector<1x16xi32> to vector<16xi32>
      %parallel_loop3A_392 = arith.constant 16 : i32
      %parallel_loop3A_393 = vector.broadcast %parallel_loop3A_392 : i32 to vector<16xi32>
      %parallel_loop3A_394 = arith.shli %parallel_loop3A_391, %parallel_loop3A_393 : vector<16xi32>
      %parallel_loop3A_395 = tpu.bitcast %parallel_loop3A_394 : vector<16xi32> -> vector<16xf32>
      %parallel_loop3A_396 = arith.constant -65536 : i32
      %parallel_loop3A_397 = vector.broadcast %parallel_loop3A_396 : i32 to vector<16xi32>
      %parallel_loop3A_398 = arith.andi %parallel_loop3A_391, %parallel_loop3A_397 : vector<16xi32>
      %parallel_loop3A_399 = tpu.bitcast %parallel_loop3A_398 : vector<16xi32> -> vector<16xf32>
      %parallel_loop3A_400 = arith.index_cast %parallel_loop3A_374 : i32 to index
      %parallel_loop3A_401 = arith.constant 64 : index
      %parallel_loop3A_402 = tpu.vector_load %arg12[%parallel_loop3A_400, %parallel_loop3A_401] {strides = array<i32>} : memref<64x128xi32, #tpu.memory_space<vmem>>, vector<1x16xi32>,
      %parallel_loop3A_403 = vector.shape_cast %parallel_loop3A_402 : vector<1x16xi32> to vector<16xi32>
      %parallel_loop3A_404 = arith.constant 16 : i32
      %parallel_loop3A_405 = vector.broadcast %parallel_loop3A_404 : i32 to vector<16xi32>
      %parallel_loop3A_406 = arith.shli %parallel_loop3A_403, %parallel_loop3A_405 : vector<16xi32>
      %parallel_loop3A_407 = tpu.bitcast %parallel_loop3A_406 : vector<16xi32> -> vector<16xf32>
      %parallel_loop3A_408 = arith.constant -65536 : i32
      %parallel_loop3A_409 = vector.broadcast %parallel_loop3A_408 : i32 to vector<16xi32>
      %parallel_loop3A_410 = arith.andi %parallel_loop3A_403, %parallel_loop3A_409 : vector<16xi32>
      %parallel_loop3A_411 = tpu.bitcast %parallel_loop3A_410 : vector<16xi32> -> vector<16xf32>
      %parallel_loop3A_412 = arith.index_cast %parallel_loop3A_374 : i32 to index
      %parallel_loop3A_413 = arith.constant 0 : index
      %parallel_loop3A_414 = tpu.vector_load %arg10[%parallel_loop3A_412, %parallel_loop3A_413] {strides = array<i32>} : memref<64x128xf32, #tpu.memory_space<vmem>>, vector<1x16xf32>,
      %parallel_loop3A_415 = vector.shape_cast %parallel_loop3A_414 : vector<1x16xf32> to vector<16xf32>
      %parallel_loop3A_416 = arith.addf %parallel_loop3A_415, %parallel_loop3A_383 : vector<16xf32>
      %parallel_loop3A_417 = arith.index_cast %parallel_loop3A_374 : i32 to index
      %parallel_loop3A_418 = arith.constant 0 : index
      %parallel_loop3A_419 = tpu.vector_load %arg14[%parallel_loop3A_417, %parallel_loop3A_418] {strides = array<i32>} : memref<64x128xf32, #tpu.memory_space<vmem>>, vector<1x16xf32>,
      %parallel_loop3A_420 = vector.shape_cast %parallel_loop3A_419 : vector<1x16xf32> to vector<16xf32>
      %parallel_loop3A_421 = arith.subf %parallel_loop3A_416, %parallel_loop3A_420 : vector<16xf32>
      %parallel_loop3A_422 = arith.constant 7.17714262 : f32
      %parallel_loop3A_423 = vector.broadcast %parallel_loop3A_422 : f32 to vector<16xf32>
      %parallel_loop3A_424 = arith.mulf %parallel_loop3A_421, %parallel_loop3A_423 : vector<16xf32>
      %parallel_loop3A_425 = arith.index_cast %parallel_loop3A_374 : i32 to index
      %parallel_loop3A_426 = arith.constant 0 : index
      %parallel_loop3A_427 = tpu.vector_load %arg16[%parallel_loop3A_425, %parallel_loop3A_426] {strides = array<i32>} : memref<64x64xf32, #tpu.memory_space<vmem>>, vector<1x16xf32>,
      %parallel_loop3A_428 = vector.shape_cast %parallel_loop3A_427 : vector<1x16xf32> to vector<16xf32>
      %parallel_loop3A_429 = vector.shape_cast %parallel_loop3A_424 : vector<16xf32> to vector<1x16xf32>
      tpu.vector_store %arg16[%parallel_loop3A_425, %parallel_loop3A_426], %parallel_loop3A_429 {strides = array<i32>} : memref<64x64xf32, #tpu.memory_space<vmem>>, vector<1x16xf32>,
      %parallel_loop3A_430 = arith.index_cast %parallel_loop3A_374 : i32 to index
      %parallel_loop3A_431 = arith.constant 64 : index
      %parallel_loop3A_432 = tpu.vector_load %arg10[%parallel_loop3A_430, %parallel_loop3A_431] {strides = array<i32>} : memref<64x128xf32, #tpu.memory_space<vmem>>, vector<1x16xf32>,
      %parallel_loop3A_433 = vector.shape_cast %parallel_loop3A_432 : vector<1x16xf32> to vector<16xf32>
      %parallel_loop3A_434 = arith.mulf %parallel_loop3A_433, %parallel_loop3A_395 : vector<16xf32>
      %parallel_loop3A_435 = arith.index_cast %parallel_loop3A_374 : i32 to index
      %parallel_loop3A_436 = arith.constant 64 : index
      %parallel_loop3A_437 = tpu.vector_load %arg14[%parallel_loop3A_435, %parallel_loop3A_436] {strides = array<i32>} : memref<64x128xf32, #tpu.memory_space<vmem>>, vector<1x16xf32>,
      %parallel_loop3A_438 = vector.shape_cast %parallel_loop3A_437 : vector<1x16xf32> to vector<16xf32>
      %parallel_loop3A_439 = math.absf %parallel_loop3A_438 : vector<16xf32>
      %parallel_loop3A_440 = arith.mulf %parallel_loop3A_439, %parallel_loop3A_407 : vector<16xf32>
      %parallel_loop3A_441 = arith.subf %parallel_loop3A_434, %parallel_loop3A_440 : vector<16xf32>
      %parallel_loop3A_442 = arith.mulf %parallel_loop3A_441, %parallel_loop3A_441 : vector<16xf32>
      %parallel_loop3A_443 = arith.addf %parallel_loop3A_375, %parallel_loop3A_442 : vector<16xf32>
      %parallel_loop3A_444 = arith.index_cast %parallel_loop3A_374 : i32 to index
      %parallel_loop3A_445 = arith.constant 16 : index
      %parallel_loop3A_446 = tpu.vector_load %arg10[%parallel_loop3A_444, %parallel_loop3A_445] {strides = array<i32>} : memref<64x128xf32, #tpu.memory_space<vmem>>, vector<1x16xf32>,
      %parallel_loop3A_447 = vector.shape_cast %parallel_loop3A_446 : vector<1x16xf32> to vector<16xf32>
      %parallel_loop3A_448 = arith.addf %parallel_loop3A_447, %parallel_loop3A_387 : vector<16xf32>
      %parallel_loop3A_449 = arith.index_cast %parallel_loop3A_374 : i32 to index
      %parallel_loop3A_450 = arith.constant 16 : index
      %parallel_loop3A_451 = tpu.vector_load %arg14[%parallel_loop3A_449, %parallel_loop3A_450] {strides = array<i32>} : memref<64x128xf32, #tpu.memory_space<vmem>>, vector<1x16xf32>,
      %parallel_loop3A_452 = vector.shape_cast %parallel_loop3A_451 : vector<1x16xf32> to vector<16xf32>
      %parallel_loop3A_453 = arith.subf %parallel_loop3A_448, %parallel_loop3A_452 : vector<16xf32>
      %parallel_loop3A_454 = arith.constant 7.17714262 : f32
      %parallel_loop3A_455 = vector.broadcast %parallel_loop3A_454 : f32 to vector<16xf32>
      %parallel_loop3A_456 = arith.mulf %parallel_loop3A_453, %parallel_loop3A_455 : vector<16xf32>
      %parallel_loop3A_457 = arith.index_cast %parallel_loop3A_374 : i32 to index
      %parallel_loop3A_458 = arith.constant 16 : index
      %parallel_loop3A_459 = tpu.vector_load %arg16[%parallel_loop3A_457, %parallel_loop3A_458] {strides = array<i32>} : memref<64x64xf32, #tpu.memory_space<vmem>>, vector<1x16xf32>,
      %parallel_loop3A_460 = vector.shape_cast %parallel_loop3A_459 : vector<1x16xf32> to vector<16xf32>
      %parallel_loop3A_461 = vector.shape_cast %parallel_loop3A_456 : vector<16xf32> to vector<1x16xf32>
      tpu.vector_store %arg16[%parallel_loop3A_457, %parallel_loop3A_458], %parallel_loop3A_461 {strides = array<i32>} : memref<64x64xf32, #tpu.memory_space<vmem>>, vector<1x16xf32>,
      %parallel_loop3A_462 = arith.index_cast %parallel_loop3A_374 : i32 to index
      %parallel_loop3A_463 = arith.constant 80 : index
      %parallel_loop3A_464 = tpu.vector_load %arg10[%parallel_loop3A_462, %parallel_loop3A_463] {strides = array<i32>} : memref<64x128xf32, #tpu.memory_space<vmem>>, vector<1x16xf32>,
      %parallel_loop3A_465 = vector.shape_cast %parallel_loop3A_464 : vector<1x16xf32> to vector<16xf32>
      %parallel_loop3A_466 = arith.mulf %parallel_loop3A_465, %parallel_loop3A_399 : vector<16xf32>
      %parallel_loop3A_467 = arith.index_cast %parallel_loop3A_374 : i32 to index
      %parallel_loop3A_468 = arith.constant 80 : index
      %parallel_loop3A_469 = tpu.vector_load %arg14[%parallel_loop3A_467, %parallel_loop3A_468] {strides = array<i32>} : memref<64x128xf32, #tpu.memory_space<vmem>>, vector<1x16xf32>,
      %parallel_loop3A_470 = vector.shape_cast %parallel_loop3A_469 : vector<1x16xf32> to vector<16xf32>
      %parallel_loop3A_471 = math.absf %parallel_loop3A_470 : vector<16xf32>
      %parallel_loop3A_472 = arith.mulf %parallel_loop3A_471, %parallel_loop3A_411 : vector<16xf32>
      %parallel_loop3A_473 = arith.subf %parallel_loop3A_466, %parallel_loop3A_472 : vector<16xf32>
      %parallel_loop3A_474 = arith.mulf %parallel_loop3A_473, %parallel_loop3A_473 : vector<16xf32>
      %parallel_loop3A_475 = arith.addf %parallel_loop3A_443, %parallel_loop3A_474 : vector<16xf32>
      %parallel_loop3A_476 = arith.index_cast %parallel_loop3A_374 : i32 to index
      %parallel_loop3A_477 = arith.constant 16 : index
      %parallel_loop3A_478 = tpu.vector_load %arg12[%parallel_loop3A_476, %parallel_loop3A_477] {strides = array<i32>} : memref<64x128xi32, #tpu.memory_space<vmem>>, vector<1x16xi32>,
      %parallel_loop3A_479 = vector.shape_cast %parallel_loop3A_478 : vector<1x16xi32> to vector<16xi32>
      %parallel_loop3A_480 = arith.constant 16 : i32
      %parallel_loop3A_481 = vector.broadcast %parallel_loop3A_480 : i32 to vector<16xi32>
      %parallel_loop3A_482 = arith.shli %parallel_loop3A_479, %parallel_loop3A_481 : vector<16xi32>
      %parallel_loop3A_483 = tpu.bitcast %parallel_loop3A_482 : vector<16xi32> -> vector<16xf32>
      %parallel_loop3A_484 = arith.constant -65536 : i32
      %parallel_loop3A_485 = vector.broadcast %parallel_loop3A_484 : i32 to vector<16xi32>
      %parallel_loop3A_486 = arith.andi %parallel_loop3A_479, %parallel_loop3A_485 : vector<16xi32>
      %parallel_loop3A_487 = tpu.bitcast %parallel_loop3A_486 : vector<16xi32> -> vector<16xf32>
      %parallel_loop3A_488 = arith.index_cast %parallel_loop3A_374 : i32 to index
      %parallel_loop3A_489 = arith.constant 48 : index
      %parallel_loop3A_490 = tpu.vector_load %arg12[%parallel_loop3A_488, %parallel_loop3A_489] {strides = array<i32>} : memref<64x128xi32, #tpu.memory_space<vmem>>, vector<1x16xi32>,
      %parallel_loop3A_491 = vector.shape_cast %parallel_loop3A_490 : vector<1x16xi32> to vector<16xi32>
      %parallel_loop3A_492 = arith.constant 16 : i32
      %parallel_loop3A_493 = vector.broadcast %parallel_loop3A_492 : i32 to vector<16xi32>
      %parallel_loop3A_494 = arith.shli %parallel_loop3A_491, %parallel_loop3A_493 : vector<16xi32>
      %parallel_loop3A_495 = tpu.bitcast %parallel_loop3A_494 : vector<16xi32> -> vector<16xf32>
      %parallel_loop3A_496 = arith.constant -65536 : i32
      %parallel_loop3A_497 = vector.broadcast %parallel_loop3A_496 : i32 to vector<16xi32>
      %parallel_loop3A_498 = arith.andi %parallel_loop3A_491, %parallel_loop3A_497 : vector<16xi32>
      %parallel_loop3A_499 = tpu.bitcast %parallel_loop3A_498 : vector<16xi32> -> vector<16xf32>
      %parallel_loop3A_500 = arith.index_cast %parallel_loop3A_374 : i32 to index
      %parallel_loop3A_501 = arith.constant 80 : index
      %parallel_loop3A_502 = tpu.vector_load %arg12[%parallel_loop3A_500, %parallel_loop3A_501] {strides = array<i32>} : memref<64x128xi32, #tpu.memory_space<vmem>>, vector<1x16xi32>,
      %parallel_loop3A_503 = vector.shape_cast %parallel_loop3A_502 : vector<1x16xi32> to vector<16xi32>
      %parallel_loop3A_504 = arith.constant 16 : i32
      %parallel_loop3A_505 = vector.broadcast %parallel_loop3A_504 : i32 to vector<16xi32>
      %parallel_loop3A_506 = arith.shli %parallel_loop3A_503, %parallel_loop3A_505 : vector<16xi32>
      %parallel_loop3A_507 = tpu.bitcast %parallel_loop3A_506 : vector<16xi32> -> vector<16xf32>
      %parallel_loop3A_508 = arith.constant -65536 : i32
      %parallel_loop3A_509 = vector.broadcast %parallel_loop3A_508 : i32 to vector<16xi32>
      %parallel_loop3A_510 = arith.andi %parallel_loop3A_503, %parallel_loop3A_509 : vector<16xi32>
      %parallel_loop3A_511 = tpu.bitcast %parallel_loop3A_510 : vector<16xi32> -> vector<16xf32>
      %parallel_loop3A_512 = arith.index_cast %parallel_loop3A_374 : i32 to index
      %parallel_loop3A_513 = arith.constant 32 : index
      %parallel_loop3A_514 = tpu.vector_load %arg10[%parallel_loop3A_512, %parallel_loop3A_513] {strides = array<i32>} : memref<64x128xf32, #tpu.memory_space<vmem>>, vector<1x16xf32>,
      %parallel_loop3A_515 = vector.shape_cast %parallel_loop3A_514 : vector<1x16xf32> to vector<16xf32>
      %parallel_loop3A_516 = arith.addf %parallel_loop3A_515, %parallel_loop3A_483 : vector<16xf32>
      %parallel_loop3A_517 = arith.index_cast %parallel_loop3A_374 : i32 to index
      %parallel_loop3A_518 = arith.constant 32 : index
      %parallel_loop3A_519 = tpu.vector_load %arg14[%parallel_loop3A_517, %parallel_loop3A_518] {strides = array<i32>} : memref<64x128xf32, #tpu.memory_space<vmem>>, vector<1x16xf32>,
      %parallel_loop3A_520 = vector.shape_cast %parallel_loop3A_519 : vector<1x16xf32> to vector<16xf32>
      %parallel_loop3A_521 = arith.subf %parallel_loop3A_516, %parallel_loop3A_520 : vector<16xf32>
      %parallel_loop3A_522 = arith.constant 7.17714262 : f32
      %parallel_loop3A_523 = vector.broadcast %parallel_loop3A_522 : f32 to vector<16xf32>
      %parallel_loop3A_524 = arith.mulf %parallel_loop3A_521, %parallel_loop3A_523 : vector<16xf32>
      %parallel_loop3A_525 = arith.index_cast %parallel_loop3A_374 : i32 to index
      %parallel_loop3A_526 = arith.constant 32 : index
      %parallel_loop3A_527 = tpu.vector_load %arg16[%parallel_loop3A_525, %parallel_loop3A_526] {strides = array<i32>} : memref<64x64xf32, #tpu.memory_space<vmem>>, vector<1x16xf32>,
      %parallel_loop3A_528 = vector.shape_cast %parallel_loop3A_527 : vector<1x16xf32> to vector<16xf32>
      %parallel_loop3A_529 = vector.shape_cast %parallel_loop3A_524 : vector<16xf32> to vector<1x16xf32>
      tpu.vector_store %arg16[%parallel_loop3A_525, %parallel_loop3A_526], %parallel_loop3A_529 {strides = array<i32>} : memref<64x64xf32, #tpu.memory_space<vmem>>, vector<1x16xf32>,
      %parallel_loop3A_530 = arith.index_cast %parallel_loop3A_374 : i32 to index
      %parallel_loop3A_531 = arith.constant 96 : index
      %parallel_loop3A_532 = tpu.vector_load %arg10[%parallel_loop3A_530, %parallel_loop3A_531] {strides = array<i32>} : memref<64x128xf32, #tpu.memory_space<vmem>>, vector<1x16xf32>,
      %parallel_loop3A_533 = vector.shape_cast %parallel_loop3A_532 : vector<1x16xf32> to vector<16xf32>
      %parallel_loop3A_534 = arith.mulf %parallel_loop3A_533, %parallel_loop3A_495 : vector<16xf32>
      %parallel_loop3A_535 = arith.index_cast %parallel_loop3A_374 : i32 to index
      %parallel_loop3A_536 = arith.constant 96 : index
      %parallel_loop3A_537 = tpu.vector_load %arg14[%parallel_loop3A_535, %parallel_loop3A_536] {strides = array<i32>} : memref<64x128xf32, #tpu.memory_space<vmem>>, vector<1x16xf32>,
      %parallel_loop3A_538 = vector.shape_cast %parallel_loop3A_537 : vector<1x16xf32> to vector<16xf32>
      %parallel_loop3A_539 = math.absf %parallel_loop3A_538 : vector<16xf32>
      %parallel_loop3A_540 = arith.mulf %parallel_loop3A_539, %parallel_loop3A_507 : vector<16xf32>
      %parallel_loop3A_541 = arith.subf %parallel_loop3A_534, %parallel_loop3A_540 : vector<16xf32>
      %parallel_loop3A_542 = arith.mulf %parallel_loop3A_541, %parallel_loop3A_541 : vector<16xf32>
      %parallel_loop3A_543 = arith.addf %parallel_loop3A_475, %parallel_loop3A_542 : vector<16xf32>
      %parallel_loop3A_544 = arith.index_cast %parallel_loop3A_374 : i32 to index
      %parallel_loop3A_545 = arith.constant 48 : index
      %parallel_loop3A_546 = tpu.vector_load %arg10[%parallel_loop3A_544, %parallel_loop3A_545] {strides = array<i32>} : memref<64x128xf32, #tpu.memory_space<vmem>>, vector<1x16xf32>,
      %parallel_loop3A_547 = vector.shape_cast %parallel_loop3A_546 : vector<1x16xf32> to vector<16xf32>
      %parallel_loop3A_548 = arith.addf %parallel_loop3A_547, %parallel_loop3A_487 : vector<16xf32>
      %parallel_loop3A_549 = arith.index_cast %parallel_loop3A_374 : i32 to index
      %parallel_loop3A_550 = arith.constant 48 : index
      %parallel_loop3A_551 = tpu.vector_load %arg14[%parallel_loop3A_549, %parallel_loop3A_550] {strides = array<i32>} : memref<64x128xf32, #tpu.memory_space<vmem>>, vector<1x16xf32>,
      %parallel_loop3A_552 = vector.shape_cast %parallel_loop3A_551 : vector<1x16xf32> to vector<16xf32>
      %parallel_loop3A_553 = arith.subf %parallel_loop3A_548, %parallel_loop3A_552 : vector<16xf32>
      %parallel_loop3A_554 = arith.constant 7.17714262 : f32
      %parallel_loop3A_555 = vector.broadcast %parallel_loop3A_554 : f32 to vector<16xf32>
      %parallel_loop3A_556 = arith.mulf %parallel_loop3A_553, %parallel_loop3A_555 : vector<16xf32>
      %parallel_loop3A_557 = arith.index_cast %parallel_loop3A_374 : i32 to index
      %parallel_loop3A_558 = arith.constant 48 : index
      %parallel_loop3A_559 = tpu.vector_load %arg16[%parallel_loop3A_557, %parallel_loop3A_558] {strides = array<i32>} : memref<64x64xf32, #tpu.memory_space<vmem>>, vector<1x16xf32>,
      %parallel_loop3A_560 = vector.shape_cast %parallel_loop3A_559 : vector<1x16xf32> to vector<16xf32>
      %parallel_loop3A_561 = vector.shape_cast %parallel_loop3A_556 : vector<16xf32> to vector<1x16xf32>
      tpu.vector_store %arg16[%parallel_loop3A_557, %parallel_loop3A_558], %parallel_loop3A_561 {strides = array<i32>} : memref<64x64xf32, #tpu.memory_space<vmem>>, vector<1x16xf32>,
      %parallel_loop3A_562 = arith.index_cast %parallel_loop3A_374 : i32 to index
      %parallel_loop3A_563 = arith.constant 112 : index
      %parallel_loop3A_564 = tpu.vector_load %arg10[%parallel_loop3A_562, %parallel_loop3A_563] {strides = array<i32>} : memref<64x128xf32, #tpu.memory_space<vmem>>, vector<1x16xf32>,
      %parallel_loop3A_565 = vector.shape_cast %parallel_loop3A_564 : vector<1x16xf32> to vector<16xf32>
      %parallel_loop3A_566 = arith.mulf %parallel_loop3A_565, %parallel_loop3A_499 : vector<16xf32>
      %parallel_loop3A_567 = arith.index_cast %parallel_loop3A_374 : i32 to index
      %parallel_loop3A_568 = arith.constant 112 : index
      %parallel_loop3A_569 = tpu.vector_load %arg14[%parallel_loop3A_567, %parallel_loop3A_568] {strides = array<i32>} : memref<64x128xf32, #tpu.memory_space<vmem>>, vector<1x16xf32>,
      %parallel_loop3A_570 = vector.shape_cast %parallel_loop3A_569 : vector<1x16xf32> to vector<16xf32>
      %parallel_loop3A_571 = math.absf %parallel_loop3A_570 : vector<16xf32>
      %parallel_loop3A_572 = arith.mulf %parallel_loop3A_571, %parallel_loop3A_511 : vector<16xf32>
      %parallel_loop3A_573 = arith.subf %parallel_loop3A_566, %parallel_loop3A_572 : vector<16xf32>
      %parallel_loop3A_574 = arith.mulf %parallel_loop3A_573, %parallel_loop3A_573 : vector<16xf32>
      %parallel_loop3A_575 = arith.addf %parallel_loop3A_543, %parallel_loop3A_574 : vector<16xf32>
      scf.yield %parallel_loop3A_575 : vector<16xf32>
    } {sc.loop_unroll_factor = 4 : i64, sc.parallel_access}
    %add3A_66 = arith.constant 0 : i32
    %add3A_67 = arith.addi %mul3A_2, %add3A_66 : i32
    %dma_start3A_68 = arith.constant 0 : i32
    %dma_start3A_69 = tpu.memref_slice %arg5[%add3A_67, %dma_start3A_68] : memref<16384x64xf32, #tpu.memory_space<hbm>> -> memref<64x64xf32, #tpu.memory_space<hbm>>
    %dma_start3A_70 = arith.constant 0 : i32
    %dma_start3A_71 = tpu.memref_slice %arg5[%add3A_67, %dma_start3A_70] : memref<16384x64xf32, #tpu.memory_space<hbm>> -> memref<64x64xf32, #tpu.memory_space<hbm>>
    tpu.enqueue_dma source(%arg16 : memref<64x64xf32, #tpu.memory_space<vmem>>) target(%dma_start3A_71 : memref<64x64xf32, #tpu.memory_space<hbm>>) target_semaphore(%arg22 : memref<!tpu.dma_semaphore, #tpu.memory_space<semaphore_mem>>)
    %dma_start3A_72 = arith.constant 128 : i32
    %dma_start3A_73 = tpu.memref_slice %arg7[%dma_start3A_72] : memref<512xi32, #tpu.memory_space<vmem>> -> memref<64xi32, #tpu.memory_space<vmem>>
    %dma_start3A_74 = arith.constant 0 : i32
    %dma_start3A_75 = arith.constant 0 : i32
    %dma_start3A_76 = tpu.memref_slice %arg3[%dma_start3A_74, %dma_start3A_75] : memref<1000000x128xf32, #tpu.memory_space<hbm>> -> memref<1000000x128xf32, #tpu.memory_space<hbm>>
    tpu.enqueue_indirect_dma source(%dma_start3A_76 : memref<1000000x128xf32, #tpu.memory_space<hbm>>) target(%arg10 : memref<64x128xf32, #tpu.memory_space<vmem>>) offsets(%dma_start3A_73 : memref<64xi32, #tpu.memory_space<vmem>>) semaphore(%arg20 : memref<!tpu.dma_semaphore, #tpu.memory_space<semaphore_mem>>)
    %dma_start3A_77 = arith.constant 128 : i32
    %dma_start3A_78 = tpu.memref_slice %arg8[%dma_start3A_77] : memref<512xi32, #tpu.memory_space<vmem>> -> memref<64xi32, #tpu.memory_space<vmem>>
    %dma_start3A_79 = arith.constant 0 : i32
    %dma_start3A_80 = arith.constant 0 : i32
    %dma_start3A_81 = tpu.memref_slice %arg4[%dma_start3A_79, %dma_start3A_80] : memref<1000x128xi32, #tpu.memory_space<hbm>> -> memref<1000x128xi32, #tpu.memory_space<hbm>>
    tpu.enqueue_indirect_dma source(%dma_start3A_81 : memref<1000x128xi32, #tpu.memory_space<hbm>>) target(%arg12 : memref<64x128xi32, #tpu.memory_space<vmem>>) offsets(%dma_start3A_78 : memref<64xi32, #tpu.memory_space<vmem>>) semaphore(%arg20 : memref<!tpu.dma_semaphore, #tpu.memory_space<semaphore_mem>>)
    %dma_start3A_82 = arith.constant 128 : i32
    %dma_start3A_83 = tpu.memref_slice %arg9[%dma_start3A_82] : memref<512xi32, #tpu.memory_space<vmem>> -> memref<64xi32, #tpu.memory_space<vmem>>
    %dma_start3A_84 = arith.constant 0 : i32
    %dma_start3A_85 = arith.constant 0 : i32
    %dma_start3A_86 = tpu.memref_slice %arg3[%dma_start3A_84, %dma_start3A_85] : memref<1000000x128xf32, #tpu.memory_space<hbm>> -> memref<1000000x128xf32, #tpu.memory_space<hbm>>
    tpu.enqueue_indirect_dma source(%dma_start3A_86 : memref<1000000x128xf32, #tpu.memory_space<hbm>>) target(%arg14 : memref<64x128xf32, #tpu.memory_space<vmem>>) offsets(%dma_start3A_83 : memref<64xi32, #tpu.memory_space<vmem>>) semaphore(%arg20 : memref<!tpu.dma_semaphore, #tpu.memory_space<semaphore_mem>>)
    %dma_wait3A_87 = arith.constant 64 : i32
    %dma_wait3A_88 = tpu.memref_slice %arg7[%dma_wait3A_87] : memref<512xi32, #tpu.memory_space<vmem>> -> memref<64xi32, #tpu.memory_space<vmem>>
    %dma_wait3A_89 = arith.constant 0 : i32
    %dma_wait3A_90 = arith.constant 0 : i32
    %dma_wait3A_91 = tpu.memref_slice %arg3[%dma_wait3A_89, %dma_wait3A_90] : memref<1000000x128xf32, #tpu.memory_space<hbm>> -> memref<1000000x128xf32, #tpu.memory_space<hbm>>
    tpu.wait_indirect_dma semaphore(%arg21 : memref<!tpu.dma_semaphore, #tpu.memory_space<semaphore_mem>>) src(%dma_wait3A_91 : memref<1000000x128xf32, #tpu.memory_space<hbm>>) dst(%arg11 : memref<64x128xf32, #tpu.memory_space<vmem>>)
    %dma_wait3A_92 = arith.constant 64 : i32
    %dma_wait3A_93 = tpu.memref_slice %arg8[%dma_wait3A_92] : memref<512xi32, #tpu.memory_space<vmem>> -> memref<64xi32, #tpu.memory_space<vmem>>
    %dma_wait3A_94 = arith.constant 0 : i32
    %dma_wait3A_95 = arith.constant 0 : i32
    %dma_wait3A_96 = tpu.memref_slice %arg4[%dma_wait3A_94, %dma_wait3A_95] : memref<1000x128xi32, #tpu.memory_space<hbm>> -> memref<1000x128xi32, #tpu.memory_space<hbm>>
    tpu.wait_indirect_dma semaphore(%arg21 : memref<!tpu.dma_semaphore, #tpu.memory_space<semaphore_mem>>) src(%dma_wait3A_96 : memref<1000x128xi32, #tpu.memory_space<hbm>>) dst(%arg13 : memref<64x128xi32, #tpu.memory_space<vmem>>)
    %dma_wait3A_97 = arith.constant 64 : i32
    %dma_wait3A_98 = tpu.memref_slice %arg9[%dma_wait3A_97] : memref<512xi32, #tpu.memory_space<vmem>> -> memref<64xi32, #tpu.memory_space<vmem>>
    %dma_wait3A_99 = arith.constant 0 : i32
    %dma_wait3A_100 = arith.constant 0 : i32
    %dma_wait3A_101 = tpu.memref_slice %arg3[%dma_wait3A_99, %dma_wait3A_100] : memref<1000000x128xf32, #tpu.memory_space<hbm>> -> memref<1000000x128xf32, #tpu.memory_space<hbm>>
    tpu.wait_indirect_dma semaphore(%arg21 : memref<!tpu.dma_semaphore, #tpu.memory_space<semaphore_mem>>) src(%dma_wait3A_101 : memref<1000000x128xf32, #tpu.memory_space<hbm>>) dst(%arg15 : memref<64x128xf32, #tpu.memory_space<vmem>>)
    %parallel_loop3A_102 = arith.constant 0 : i32
    %parallel_loop3A_103 = arith.constant 64 : i32
    %parallel_loop3A_104 = arith.constant 1 : i32
    %parallel_loop3A_105 = scf.for %parallel_loop3A_374 = %parallel_loop3A_102 to %parallel_loop3A_103 step %parallel_loop3A_104 iter_args(%parallel_loop3A_375 = %parallel_loop3A_65) -> (vector<16xf32>)  : i32 {
      %parallel_loop3A_376 = arith.index_cast %parallel_loop3A_374 : i32 to index
      %parallel_loop3A_377 = arith.constant 0 : index
      %parallel_loop3A_378 = tpu.vector_load %arg13[%parallel_loop3A_376, %parallel_loop3A_377] {strides = array<i32>} : memref<64x128xi32, #tpu.memory_space<vmem>>, vector<1x16xi32>,
      %parallel_loop3A_379 = vector.shape_cast %parallel_loop3A_378 : vector<1x16xi32> to vector<16xi32>
      %parallel_loop3A_380 = arith.constant 16 : i32
      %parallel_loop3A_381 = vector.broadcast %parallel_loop3A_380 : i32 to vector<16xi32>
      %parallel_loop3A_382 = arith.shli %parallel_loop3A_379, %parallel_loop3A_381 : vector<16xi32>
      %parallel_loop3A_383 = tpu.bitcast %parallel_loop3A_382 : vector<16xi32> -> vector<16xf32>
      %parallel_loop3A_384 = arith.constant -65536 : i32
      %parallel_loop3A_385 = vector.broadcast %parallel_loop3A_384 : i32 to vector<16xi32>
      %parallel_loop3A_386 = arith.andi %parallel_loop3A_379, %parallel_loop3A_385 : vector<16xi32>
      %parallel_loop3A_387 = tpu.bitcast %parallel_loop3A_386 : vector<16xi32> -> vector<16xf32>
      %parallel_loop3A_388 = arith.index_cast %parallel_loop3A_374 : i32 to index
      %parallel_loop3A_389 = arith.constant 32 : index
      %parallel_loop3A_390 = tpu.vector_load %arg13[%parallel_loop3A_388, %parallel_loop3A_389] {strides = array<i32>} : memref<64x128xi32, #tpu.memory_space<vmem>>, vector<1x16xi32>,
      %parallel_loop3A_391 = vector.shape_cast %parallel_loop3A_390 : vector<1x16xi32> to vector<16xi32>
      %parallel_loop3A_392 = arith.constant 16 : i32
      %parallel_loop3A_393 = vector.broadcast %parallel_loop3A_392 : i32 to vector<16xi32>
      %parallel_loop3A_394 = arith.shli %parallel_loop3A_391, %parallel_loop3A_393 : vector<16xi32>
      %parallel_loop3A_395 = tpu.bitcast %parallel_loop3A_394 : vector<16xi32> -> vector<16xf32>
      %parallel_loop3A_396 = arith.constant -65536 : i32
      %parallel_loop3A_397 = vector.broadcast %parallel_loop3A_396 : i32 to vector<16xi32>
      %parallel_loop3A_398 = arith.andi %parallel_loop3A_391, %parallel_loop3A_397 : vector<16xi32>
      %parallel_loop3A_399 = tpu.bitcast %parallel_loop3A_398 : vector<16xi32> -> vector<16xf32>
      %parallel_loop3A_400 = arith.index_cast %parallel_loop3A_374 : i32 to index
      %parallel_loop3A_401 = arith.constant 64 : index
      %parallel_loop3A_402 = tpu.vector_load %arg13[%parallel_loop3A_400, %parallel_loop3A_401] {strides = array<i32>} : memref<64x128xi32, #tpu.memory_space<vmem>>, vector<1x16xi32>,
      %parallel_loop3A_403 = vector.shape_cast %parallel_loop3A_402 : vector<1x16xi32> to vector<16xi32>
      %parallel_loop3A_404 = arith.constant 16 : i32
      %parallel_loop3A_405 = vector.broadcast %parallel_loop3A_404 : i32 to vector<16xi32>
      %parallel_loop3A_406 = arith.shli %parallel_loop3A_403, %parallel_loop3A_405 : vector<16xi32>
      %parallel_loop3A_407 = tpu.bitcast %parallel_loop3A_406 : vector<16xi32> -> vector<16xf32>
      %parallel_loop3A_408 = arith.constant -65536 : i32
      %parallel_loop3A_409 = vector.broadcast %parallel_loop3A_408 : i32 to vector<16xi32>
      %parallel_loop3A_410 = arith.andi %parallel_loop3A_403, %parallel_loop3A_409 : vector<16xi32>
      %parallel_loop3A_411 = tpu.bitcast %parallel_loop3A_410 : vector<16xi32> -> vector<16xf32>
      %parallel_loop3A_412 = arith.index_cast %parallel_loop3A_374 : i32 to index
      %parallel_loop3A_413 = arith.constant 0 : index
      %parallel_loop3A_414 = tpu.vector_load %arg11[%parallel_loop3A_412, %parallel_loop3A_413] {strides = array<i32>} : memref<64x128xf32, #tpu.memory_space<vmem>>, vector<1x16xf32>,
      %parallel_loop3A_415 = vector.shape_cast %parallel_loop3A_414 : vector<1x16xf32> to vector<16xf32>
      %parallel_loop3A_416 = arith.addf %parallel_loop3A_415, %parallel_loop3A_383 : vector<16xf32>
      %parallel_loop3A_417 = arith.index_cast %parallel_loop3A_374 : i32 to index
      %parallel_loop3A_418 = arith.constant 0 : index
      %parallel_loop3A_419 = tpu.vector_load %arg15[%parallel_loop3A_417, %parallel_loop3A_418] {strides = array<i32>} : memref<64x128xf32, #tpu.memory_space<vmem>>, vector<1x16xf32>,
      %parallel_loop3A_420 = vector.shape_cast %parallel_loop3A_419 : vector<1x16xf32> to vector<16xf32>
      %parallel_loop3A_421 = arith.subf %parallel_loop3A_416, %parallel_loop3A_420 : vector<16xf32>
      %parallel_loop3A_422 = arith.constant 7.17714262 : f32
      %parallel_loop3A_423 = vector.broadcast %parallel_loop3A_422 : f32 to vector<16xf32>
      %parallel_loop3A_424 = arith.mulf %parallel_loop3A_421, %parallel_loop3A_423 : vector<16xf32>
      %parallel_loop3A_425 = arith.index_cast %parallel_loop3A_374 : i32 to index
      %parallel_loop3A_426 = arith.constant 0 : index
      %parallel_loop3A_427 = tpu.vector_load %arg17[%parallel_loop3A_425, %parallel_loop3A_426] {strides = array<i32>} : memref<64x64xf32, #tpu.memory_space<vmem>>, vector<1x16xf32>,
      %parallel_loop3A_428 = vector.shape_cast %parallel_loop3A_427 : vector<1x16xf32> to vector<16xf32>
      %parallel_loop3A_429 = vector.shape_cast %parallel_loop3A_424 : vector<16xf32> to vector<1x16xf32>
      tpu.vector_store %arg17[%parallel_loop3A_425, %parallel_loop3A_426], %parallel_loop3A_429 {strides = array<i32>} : memref<64x64xf32, #tpu.memory_space<vmem>>, vector<1x16xf32>,
      %parallel_loop3A_430 = arith.index_cast %parallel_loop3A_374 : i32 to index
      %parallel_loop3A_431 = arith.constant 64 : index
      %parallel_loop3A_432 = tpu.vector_load %arg11[%parallel_loop3A_430, %parallel_loop3A_431] {strides = array<i32>} : memref<64x128xf32, #tpu.memory_space<vmem>>, vector<1x16xf32>,
      %parallel_loop3A_433 = vector.shape_cast %parallel_loop3A_432 : vector<1x16xf32> to vector<16xf32>
      %parallel_loop3A_434 = arith.mulf %parallel_loop3A_433, %parallel_loop3A_395 : vector<16xf32>
      %parallel_loop3A_435 = arith.index_cast %parallel_loop3A_374 : i32 to index
      %parallel_loop3A_436 = arith.constant 64 : index
      %parallel_loop3A_437 = tpu.vector_load %arg15[%parallel_loop3A_435, %parallel_loop3A_436] {strides = array<i32>} : memref<64x128xf32, #tpu.memory_space<vmem>>, vector<1x16xf32>,
      %parallel_loop3A_438 = vector.shape_cast %parallel_loop3A_437 : vector<1x16xf32> to vector<16xf32>
      %parallel_loop3A_439 = math.absf %parallel_loop3A_438 : vector<16xf32>
      %parallel_loop3A_440 = arith.mulf %parallel_loop3A_439, %parallel_loop3A_407 : vector<16xf32>
      %parallel_loop3A_441 = arith.subf %parallel_loop3A_434, %parallel_loop3A_440 : vector<16xf32>
      %parallel_loop3A_442 = arith.mulf %parallel_loop3A_441, %parallel_loop3A_441 : vector<16xf32>
      %parallel_loop3A_443 = arith.addf %parallel_loop3A_375, %parallel_loop3A_442 : vector<16xf32>
      %parallel_loop3A_444 = arith.index_cast %parallel_loop3A_374 : i32 to index
      %parallel_loop3A_445 = arith.constant 16 : index
      %parallel_loop3A_446 = tpu.vector_load %arg11[%parallel_loop3A_444, %parallel_loop3A_445] {strides = array<i32>} : memref<64x128xf32, #tpu.memory_space<vmem>>, vector<1x16xf32>,
      %parallel_loop3A_447 = vector.shape_cast %parallel_loop3A_446 : vector<1x16xf32> to vector<16xf32>
      %parallel_loop3A_448 = arith.addf %parallel_loop3A_447, %parallel_loop3A_387 : vector<16xf32>
      %parallel_loop3A_449 = arith.index_cast %parallel_loop3A_374 : i32 to index
      %parallel_loop3A_450 = arith.constant 16 : index
      %parallel_loop3A_451 = tpu.vector_load %arg15[%parallel_loop3A_449, %parallel_loop3A_450] {strides = array<i32>} : memref<64x128xf32, #tpu.memory_space<vmem>>, vector<1x16xf32>,
      %parallel_loop3A_452 = vector.shape_cast %parallel_loop3A_451 : vector<1x16xf32> to vector<16xf32>
      %parallel_loop3A_453 = arith.subf %parallel_loop3A_448, %parallel_loop3A_452 : vector<16xf32>
      %parallel_loop3A_454 = arith.constant 7.17714262 : f32
      %parallel_loop3A_455 = vector.broadcast %parallel_loop3A_454 : f32 to vector<16xf32>
      %parallel_loop3A_456 = arith.mulf %parallel_loop3A_453, %parallel_loop3A_455 : vector<16xf32>
      %parallel_loop3A_457 = arith.index_cast %parallel_loop3A_374 : i32 to index
      %parallel_loop3A_458 = arith.constant 16 : index
      %parallel_loop3A_459 = tpu.vector_load %arg17[%parallel_loop3A_457, %parallel_loop3A_458] {strides = array<i32>} : memref<64x64xf32, #tpu.memory_space<vmem>>, vector<1x16xf32>,
      %parallel_loop3A_460 = vector.shape_cast %parallel_loop3A_459 : vector<1x16xf32> to vector<16xf32>
      %parallel_loop3A_461 = vector.shape_cast %parallel_loop3A_456 : vector<16xf32> to vector<1x16xf32>
      tpu.vector_store %arg17[%parallel_loop3A_457, %parallel_loop3A_458], %parallel_loop3A_461 {strides = array<i32>} : memref<64x64xf32, #tpu.memory_space<vmem>>, vector<1x16xf32>,
      %parallel_loop3A_462 = arith.index_cast %parallel_loop3A_374 : i32 to index
      %parallel_loop3A_463 = arith.constant 80 : index
      %parallel_loop3A_464 = tpu.vector_load %arg11[%parallel_loop3A_462, %parallel_loop3A_463] {strides = array<i32>} : memref<64x128xf32, #tpu.memory_space<vmem>>, vector<1x16xf32>,
      %parallel_loop3A_465 = vector.shape_cast %parallel_loop3A_464 : vector<1x16xf32> to vector<16xf32>
      %parallel_loop3A_466 = arith.mulf %parallel_loop3A_465, %parallel_loop3A_399 : vector<16xf32>
      %parallel_loop3A_467 = arith.index_cast %parallel_loop3A_374 : i32 to index
      %parallel_loop3A_468 = arith.constant 80 : index
      %parallel_loop3A_469 = tpu.vector_load %arg15[%parallel_loop3A_467, %parallel_loop3A_468] {strides = array<i32>} : memref<64x128xf32, #tpu.memory_space<vmem>>, vector<1x16xf32>,
      %parallel_loop3A_470 = vector.shape_cast %parallel_loop3A_469 : vector<1x16xf32> to vector<16xf32>
      %parallel_loop3A_471 = math.absf %parallel_loop3A_470 : vector<16xf32>
      %parallel_loop3A_472 = arith.mulf %parallel_loop3A_471, %parallel_loop3A_411 : vector<16xf32>
      %parallel_loop3A_473 = arith.subf %parallel_loop3A_466, %parallel_loop3A_472 : vector<16xf32>
      %parallel_loop3A_474 = arith.mulf %parallel_loop3A_473, %parallel_loop3A_473 : vector<16xf32>
      %parallel_loop3A_475 = arith.addf %parallel_loop3A_443, %parallel_loop3A_474 : vector<16xf32>
      %parallel_loop3A_476 = arith.index_cast %parallel_loop3A_374 : i32 to index
      %parallel_loop3A_477 = arith.constant 16 : index
      %parallel_loop3A_478 = tpu.vector_load %arg13[%parallel_loop3A_476, %parallel_loop3A_477] {strides = array<i32>} : memref<64x128xi32, #tpu.memory_space<vmem>>, vector<1x16xi32>,
      %parallel_loop3A_479 = vector.shape_cast %parallel_loop3A_478 : vector<1x16xi32> to vector<16xi32>
      %parallel_loop3A_480 = arith.constant 16 : i32
      %parallel_loop3A_481 = vector.broadcast %parallel_loop3A_480 : i32 to vector<16xi32>
      %parallel_loop3A_482 = arith.shli %parallel_loop3A_479, %parallel_loop3A_481 : vector<16xi32>
      %parallel_loop3A_483 = tpu.bitcast %parallel_loop3A_482 : vector<16xi32> -> vector<16xf32>
      %parallel_loop3A_484 = arith.constant -65536 : i32
      %parallel_loop3A_485 = vector.broadcast %parallel_loop3A_484 : i32 to vector<16xi32>
      %parallel_loop3A_486 = arith.andi %parallel_loop3A_479, %parallel_loop3A_485 : vector<16xi32>
      %parallel_loop3A_487 = tpu.bitcast %parallel_loop3A_486 : vector<16xi32> -> vector<16xf32>
      %parallel_loop3A_488 = arith.index_cast %parallel_loop3A_374 : i32 to index
      %parallel_loop3A_489 = arith.constant 48 : index
      %parallel_loop3A_490 = tpu.vector_load %arg13[%parallel_loop3A_488, %parallel_loop3A_489] {strides = array<i32>} : memref<64x128xi32, #tpu.memory_space<vmem>>, vector<1x16xi32>,
      %parallel_loop3A_491 = vector.shape_cast %parallel_loop3A_490 : vector<1x16xi32> to vector<16xi32>
      %parallel_loop3A_492 = arith.constant 16 : i32
      %parallel_loop3A_493 = vector.broadcast %parallel_loop3A_492 : i32 to vector<16xi32>
      %parallel_loop3A_494 = arith.shli %parallel_loop3A_491, %parallel_loop3A_493 : vector<16xi32>
      %parallel_loop3A_495 = tpu.bitcast %parallel_loop3A_494 : vector<16xi32> -> vector<16xf32>
      %parallel_loop3A_496 = arith.constant -65536 : i32
      %parallel_loop3A_497 = vector.broadcast %parallel_loop3A_496 : i32 to vector<16xi32>
      %parallel_loop3A_498 = arith.andi %parallel_loop3A_491, %parallel_loop3A_497 : vector<16xi32>
      %parallel_loop3A_499 = tpu.bitcast %parallel_loop3A_498 : vector<16xi32> -> vector<16xf32>
      %parallel_loop3A_500 = arith.index_cast %parallel_loop3A_374 : i32 to index
      %parallel_loop3A_501 = arith.constant 80 : index
      %parallel_loop3A_502 = tpu.vector_load %arg13[%parallel_loop3A_500, %parallel_loop3A_501] {strides = array<i32>} : memref<64x128xi32, #tpu.memory_space<vmem>>, vector<1x16xi32>,
      %parallel_loop3A_503 = vector.shape_cast %parallel_loop3A_502 : vector<1x16xi32> to vector<16xi32>
      %parallel_loop3A_504 = arith.constant 16 : i32
      %parallel_loop3A_505 = vector.broadcast %parallel_loop3A_504 : i32 to vector<16xi32>
      %parallel_loop3A_506 = arith.shli %parallel_loop3A_503, %parallel_loop3A_505 : vector<16xi32>
      %parallel_loop3A_507 = tpu.bitcast %parallel_loop3A_506 : vector<16xi32> -> vector<16xf32>
      %parallel_loop3A_508 = arith.constant -65536 : i32
      %parallel_loop3A_509 = vector.broadcast %parallel_loop3A_508 : i32 to vector<16xi32>
      %parallel_loop3A_510 = arith.andi %parallel_loop3A_503, %parallel_loop3A_509 : vector<16xi32>
      %parallel_loop3A_511 = tpu.bitcast %parallel_loop3A_510 : vector<16xi32> -> vector<16xf32>
      %parallel_loop3A_512 = arith.index_cast %parallel_loop3A_374 : i32 to index
      %parallel_loop3A_513 = arith.constant 32 : index
      %parallel_loop3A_514 = tpu.vector_load %arg11[%parallel_loop3A_512, %parallel_loop3A_513] {strides = array<i32>} : memref<64x128xf32, #tpu.memory_space<vmem>>, vector<1x16xf32>,
      %parallel_loop3A_515 = vector.shape_cast %parallel_loop3A_514 : vector<1x16xf32> to vector<16xf32>
      %parallel_loop3A_516 = arith.addf %parallel_loop3A_515, %parallel_loop3A_483 : vector<16xf32>
      %parallel_loop3A_517 = arith.index_cast %parallel_loop3A_374 : i32 to index
      %parallel_loop3A_518 = arith.constant 32 : index
      %parallel_loop3A_519 = tpu.vector_load %arg15[%parallel_loop3A_517, %parallel_loop3A_518] {strides = array<i32>} : memref<64x128xf32, #tpu.memory_space<vmem>>, vector<1x16xf32>,
      %parallel_loop3A_520 = vector.shape_cast %parallel_loop3A_519 : vector<1x16xf32> to vector<16xf32>
      %parallel_loop3A_521 = arith.subf %parallel_loop3A_516, %parallel_loop3A_520 : vector<16xf32>
      %parallel_loop3A_522 = arith.constant 7.17714262 : f32
      %parallel_loop3A_523 = vector.broadcast %parallel_loop3A_522 : f32 to vector<16xf32>
      %parallel_loop3A_524 = arith.mulf %parallel_loop3A_521, %parallel_loop3A_523 : vector<16xf32>
      %parallel_loop3A_525 = arith.index_cast %parallel_loop3A_374 : i32 to index
      %parallel_loop3A_526 = arith.constant 32 : index
      %parallel_loop3A_527 = tpu.vector_load %arg17[%parallel_loop3A_525, %parallel_loop3A_526] {strides = array<i32>} : memref<64x64xf32, #tpu.memory_space<vmem>>, vector<1x16xf32>,
      %parallel_loop3A_528 = vector.shape_cast %parallel_loop3A_527 : vector<1x16xf32> to vector<16xf32>
      %parallel_loop3A_529 = vector.shape_cast %parallel_loop3A_524 : vector<16xf32> to vector<1x16xf32>
      tpu.vector_store %arg17[%parallel_loop3A_525, %parallel_loop3A_526], %parallel_loop3A_529 {strides = array<i32>} : memref<64x64xf32, #tpu.memory_space<vmem>>, vector<1x16xf32>,
      %parallel_loop3A_530 = arith.index_cast %parallel_loop3A_374 : i32 to index
      %parallel_loop3A_531 = arith.constant 96 : index
      %parallel_loop3A_532 = tpu.vector_load %arg11[%parallel_loop3A_530, %parallel_loop3A_531] {strides = array<i32>} : memref<64x128xf32, #tpu.memory_space<vmem>>, vector<1x16xf32>,
      %parallel_loop3A_533 = vector.shape_cast %parallel_loop3A_532 : vector<1x16xf32> to vector<16xf32>
      %parallel_loop3A_534 = arith.mulf %parallel_loop3A_533, %parallel_loop3A_495 : vector<16xf32>
      %parallel_loop3A_535 = arith.index_cast %parallel_loop3A_374 : i32 to index
      %parallel_loop3A_536 = arith.constant 96 : index
      %parallel_loop3A_537 = tpu.vector_load %arg15[%parallel_loop3A_535, %parallel_loop3A_536] {strides = array<i32>} : memref<64x128xf32, #tpu.memory_space<vmem>>, vector<1x16xf32>,
      %parallel_loop3A_538 = vector.shape_cast %parallel_loop3A_537 : vector<1x16xf32> to vector<16xf32>
      %parallel_loop3A_539 = math.absf %parallel_loop3A_538 : vector<16xf32>
      %parallel_loop3A_540 = arith.mulf %parallel_loop3A_539, %parallel_loop3A_507 : vector<16xf32>
      %parallel_loop3A_541 = arith.subf %parallel_loop3A_534, %parallel_loop3A_540 : vector<16xf32>
      %parallel_loop3A_542 = arith.mulf %parallel_loop3A_541, %parallel_loop3A_541 : vector<16xf32>
      %parallel_loop3A_543 = arith.addf %parallel_loop3A_475, %parallel_loop3A_542 : vector<16xf32>
      %parallel_loop3A_544 = arith.index_cast %parallel_loop3A_374 : i32 to index
      %parallel_loop3A_545 = arith.constant 48 : index
      %parallel_loop3A_546 = tpu.vector_load %arg11[%parallel_loop3A_544, %parallel_loop3A_545] {strides = array<i32>} : memref<64x128xf32, #tpu.memory_space<vmem>>, vector<1x16xf32>,
      %parallel_loop3A_547 = vector.shape_cast %parallel_loop3A_546 : vector<1x16xf32> to vector<16xf32>
      %parallel_loop3A_548 = arith.addf %parallel_loop3A_547, %parallel_loop3A_487 : vector<16xf32>
      %parallel_loop3A_549 = arith.index_cast %parallel_loop3A_374 : i32 to index
      %parallel_loop3A_550 = arith.constant 48 : index
      %parallel_loop3A_551 = tpu.vector_load %arg15[%parallel_loop3A_549, %parallel_loop3A_550] {strides = array<i32>} : memref<64x128xf32, #tpu.memory_space<vmem>>, vector<1x16xf32>,
      %parallel_loop3A_552 = vector.shape_cast %parallel_loop3A_551 : vector<1x16xf32> to vector<16xf32>
      %parallel_loop3A_553 = arith.subf %parallel_loop3A_548, %parallel_loop3A_552 : vector<16xf32>
      %parallel_loop3A_554 = arith.constant 7.17714262 : f32
      %parallel_loop3A_555 = vector.broadcast %parallel_loop3A_554 : f32 to vector<16xf32>
      %parallel_loop3A_556 = arith.mulf %parallel_loop3A_553, %parallel_loop3A_555 : vector<16xf32>
      %parallel_loop3A_557 = arith.index_cast %parallel_loop3A_374 : i32 to index
      %parallel_loop3A_558 = arith.constant 48 : index
      %parallel_loop3A_559 = tpu.vector_load %arg17[%parallel_loop3A_557, %parallel_loop3A_558] {strides = array<i32>} : memref<64x64xf32, #tpu.memory_space<vmem>>, vector<1x16xf32>,
      %parallel_loop3A_560 = vector.shape_cast %parallel_loop3A_559 : vector<1x16xf32> to vector<16xf32>
      %parallel_loop3A_561 = vector.shape_cast %parallel_loop3A_556 : vector<16xf32> to vector<1x16xf32>
      tpu.vector_store %arg17[%parallel_loop3A_557, %parallel_loop3A_558], %parallel_loop3A_561 {strides = array<i32>} : memref<64x64xf32, #tpu.memory_space<vmem>>, vector<1x16xf32>,
      %parallel_loop3A_562 = arith.index_cast %parallel_loop3A_374 : i32 to index
      %parallel_loop3A_563 = arith.constant 112 : index
      %parallel_loop3A_564 = tpu.vector_load %arg11[%parallel_loop3A_562, %parallel_loop3A_563] {strides = array<i32>} : memref<64x128xf32, #tpu.memory_space<vmem>>, vector<1x16xf32>,
      %parallel_loop3A_565 = vector.shape_cast %parallel_loop3A_564 : vector<1x16xf32> to vector<16xf32>
      %parallel_loop3A_566 = arith.mulf %parallel_loop3A_565, %parallel_loop3A_499 : vector<16xf32>
      %parallel_loop3A_567 = arith.index_cast %parallel_loop3A_374 : i32 to index
      %parallel_loop3A_568 = arith.constant 112 : index
      %parallel_loop3A_569 = tpu.vector_load %arg15[%parallel_loop3A_567, %parallel_loop3A_568] {strides = array<i32>} : memref<64x128xf32, #tpu.memory_space<vmem>>, vector<1x16xf32>,
      %parallel_loop3A_570 = vector.shape_cast %parallel_loop3A_569 : vector<1x16xf32> to vector<16xf32>
      %parallel_loop3A_571 = math.absf %parallel_loop3A_570 : vector<16xf32>
      %parallel_loop3A_572 = arith.mulf %parallel_loop3A_571, %parallel_loop3A_511 : vector<16xf32>
      %parallel_loop3A_573 = arith.subf %parallel_loop3A_566, %parallel_loop3A_572 : vector<16xf32>
      %parallel_loop3A_574 = arith.mulf %parallel_loop3A_573, %parallel_loop3A_573 : vector<16xf32>
      %parallel_loop3A_575 = arith.addf %parallel_loop3A_543, %parallel_loop3A_574 : vector<16xf32>
      scf.yield %parallel_loop3A_575 : vector<16xf32>
    } {sc.loop_unroll_factor = 4 : i64, sc.parallel_access}
    %add3A_106 = arith.constant 64 : i32
    %add3A_107 = arith.addi %mul3A_2, %add3A_106 : i32
    %dma_start3A_108 = arith.constant 0 : i32
    %dma_start3A_109 = tpu.memref_slice %arg5[%add3A_107, %dma_start3A_108] : memref<16384x64xf32, #tpu.memory_space<hbm>> -> memref<64x64xf32, #tpu.memory_space<hbm>>
    %dma_start3A_110 = arith.constant 0 : i32
    %dma_start3A_111 = tpu.memref_slice %arg5[%add3A_107, %dma_start3A_110] : memref<16384x64xf32, #tpu.memory_space<hbm>> -> memref<64x64xf32, #tpu.memory_space<hbm>>
    tpu.enqueue_dma source(%arg17 : memref<64x64xf32, #tpu.memory_space<vmem>>) target(%dma_start3A_111 : memref<64x64xf32, #tpu.memory_space<hbm>>) target_semaphore(%arg23 : memref<!tpu.dma_semaphore, #tpu.memory_space<semaphore_mem>>)
    %dma_start3A_112 = arith.constant 192 : i32
    %dma_start3A_113 = tpu.memref_slice %arg7[%dma_start3A_112] : memref<512xi32, #tpu.memory_space<vmem>> -> memref<64xi32, #tpu.memory_space<vmem>>
    %dma_start3A_114 = arith.constant 0 : i32
    %dma_start3A_115 = arith.constant 0 : i32
    %dma_start3A_116 = tpu.memref_slice %arg3[%dma_start3A_114, %dma_start3A_115] : memref<1000000x128xf32, #tpu.memory_space<hbm>> -> memref<1000000x128xf32, #tpu.memory_space<hbm>>
    tpu.enqueue_indirect_dma source(%dma_start3A_116 : memref<1000000x128xf32, #tpu.memory_space<hbm>>) target(%arg11 : memref<64x128xf32, #tpu.memory_space<vmem>>) offsets(%dma_start3A_113 : memref<64xi32, #tpu.memory_space<vmem>>) semaphore(%arg21 : memref<!tpu.dma_semaphore, #tpu.memory_space<semaphore_mem>>)
    %dma_start3A_117 = arith.constant 192 : i32
    %dma_start3A_118 = tpu.memref_slice %arg8[%dma_start3A_117] : memref<512xi32, #tpu.memory_space<vmem>> -> memref<64xi32, #tpu.memory_space<vmem>>
    %dma_start3A_119 = arith.constant 0 : i32
    %dma_start3A_120 = arith.constant 0 : i32
    %dma_start3A_121 = tpu.memref_slice %arg4[%dma_start3A_119, %dma_start3A_120] : memref<1000x128xi32, #tpu.memory_space<hbm>> -> memref<1000x128xi32, #tpu.memory_space<hbm>>
    tpu.enqueue_indirect_dma source(%dma_start3A_121 : memref<1000x128xi32, #tpu.memory_space<hbm>>) target(%arg13 : memref<64x128xi32, #tpu.memory_space<vmem>>) offsets(%dma_start3A_118 : memref<64xi32, #tpu.memory_space<vmem>>) semaphore(%arg21 : memref<!tpu.dma_semaphore, #tpu.memory_space<semaphore_mem>>)
    %dma_start3A_122 = arith.constant 192 : i32
    %dma_start3A_123 = tpu.memref_slice %arg9[%dma_start3A_122] : memref<512xi32, #tpu.memory_space<vmem>> -> memref<64xi32, #tpu.memory_space<vmem>>
    %dma_start3A_124 = arith.constant 0 : i32
    %dma_start3A_125 = arith.constant 0 : i32
    %dma_start3A_126 = tpu.memref_slice %arg3[%dma_start3A_124, %dma_start3A_125] : memref<1000000x128xf32, #tpu.memory_space<hbm>> -> memref<1000000x128xf32, #tpu.memory_space<hbm>>
    tpu.enqueue_indirect_dma source(%dma_start3A_126 : memref<1000000x128xf32, #tpu.memory_space<hbm>>) target(%arg15 : memref<64x128xf32, #tpu.memory_space<vmem>>) offsets(%dma_start3A_123 : memref<64xi32, #tpu.memory_space<vmem>>) semaphore(%arg21 : memref<!tpu.dma_semaphore, #tpu.memory_space<semaphore_mem>>)
    %dma_wait3A_127 = arith.constant 128 : i32
    %dma_wait3A_128 = tpu.memref_slice %arg7[%dma_wait3A_127] : memref<512xi32, #tpu.memory_space<vmem>> -> memref<64xi32, #tpu.memory_space<vmem>>
    %dma_wait3A_129 = arith.constant 0 : i32
    %dma_wait3A_130 = arith.constant 0 : i32
    %dma_wait3A_131 = tpu.memref_slice %arg3[%dma_wait3A_129, %dma_wait3A_130] : memref<1000000x128xf32, #tpu.memory_space<hbm>> -> memref<1000000x128xf32, #tpu.memory_space<hbm>>
    tpu.wait_indirect_dma semaphore(%arg20 : memref<!tpu.dma_semaphore, #tpu.memory_space<semaphore_mem>>) src(%dma_wait3A_131 : memref<1000000x128xf32, #tpu.memory_space<hbm>>) dst(%arg10 : memref<64x128xf32, #tpu.memory_space<vmem>>)
    %dma_wait3A_132 = arith.constant 128 : i32
    %dma_wait3A_133 = tpu.memref_slice %arg8[%dma_wait3A_132] : memref<512xi32, #tpu.memory_space<vmem>> -> memref<64xi32, #tpu.memory_space<vmem>>
    %dma_wait3A_134 = arith.constant 0 : i32
    %dma_wait3A_135 = arith.constant 0 : i32
    %dma_wait3A_136 = tpu.memref_slice %arg4[%dma_wait3A_134, %dma_wait3A_135] : memref<1000x128xi32, #tpu.memory_space<hbm>> -> memref<1000x128xi32, #tpu.memory_space<hbm>>
    tpu.wait_indirect_dma semaphore(%arg20 : memref<!tpu.dma_semaphore, #tpu.memory_space<semaphore_mem>>) src(%dma_wait3A_136 : memref<1000x128xi32, #tpu.memory_space<hbm>>) dst(%arg12 : memref<64x128xi32, #tpu.memory_space<vmem>>)
    %dma_wait3A_137 = arith.constant 128 : i32
    %dma_wait3A_138 = tpu.memref_slice %arg9[%dma_wait3A_137] : memref<512xi32, #tpu.memory_space<vmem>> -> memref<64xi32, #tpu.memory_space<vmem>>
    %dma_wait3A_139 = arith.constant 0 : i32
    %dma_wait3A_140 = arith.constant 0 : i32
    %dma_wait3A_141 = tpu.memref_slice %arg3[%dma_wait3A_139, %dma_wait3A_140] : memref<1000000x128xf32, #tpu.memory_space<hbm>> -> memref<1000000x128xf32, #tpu.memory_space<hbm>>
    tpu.wait_indirect_dma semaphore(%arg20 : memref<!tpu.dma_semaphore, #tpu.memory_space<semaphore_mem>>) src(%dma_wait3A_141 : memref<1000000x128xf32, #tpu.memory_space<hbm>>) dst(%arg14 : memref<64x128xf32, #tpu.memory_space<vmem>>)
    %dma_wait3A_142 = arith.constant 0 : i32
    %dma_wait3A_143 = tpu.memref_slice %arg5[%add3A_67, %dma_wait3A_142] : memref<16384x64xf32, #tpu.memory_space<hbm>> -> memref<64x64xf32, #tpu.memory_space<hbm>>
    %dma_wait3A_144 = arith.constant 0 : i32
    %dma_wait3A_145 = tpu.memref_slice %arg5[%add3A_67, %dma_wait3A_144] : memref<16384x64xf32, #tpu.memory_space<hbm>> -> memref<64x64xf32, #tpu.memory_space<hbm>>
    tpu.wait_dma2 semaphore(%arg22 : memref<!tpu.dma_semaphore, #tpu.memory_space<semaphore_mem>>) src(%arg16 : memref<64x64xf32, #tpu.memory_space<vmem>>) dst(%dma_wait3A_145 : memref<64x64xf32, #tpu.memory_space<hbm>>)
    %parallel_loop3A_146 = arith.constant 0 : i32
    %parallel_loop3A_147 = arith.constant 64 : i32
    %parallel_loop3A_148 = arith.constant 1 : i32
    %parallel_loop3A_149 = scf.for %parallel_loop3A_374 = %parallel_loop3A_146 to %parallel_loop3A_147 step %parallel_loop3A_148 iter_args(%parallel_loop3A_375 = %parallel_loop3A_105) -> (vector<16xf32>)  : i32 {
      %parallel_loop3A_376 = arith.index_cast %parallel_loop3A_374 : i32 to index
      %parallel_loop3A_377 = arith.constant 0 : index
      %parallel_loop3A_378 = tpu.vector_load %arg12[%parallel_loop3A_376, %parallel_loop3A_377] {strides = array<i32>} : memref<64x128xi32, #tpu.memory_space<vmem>>, vector<1x16xi32>,
      %parallel_loop3A_379 = vector.shape_cast %parallel_loop3A_378 : vector<1x16xi32> to vector<16xi32>
      %parallel_loop3A_380 = arith.constant 16 : i32
      %parallel_loop3A_381 = vector.broadcast %parallel_loop3A_380 : i32 to vector<16xi32>
      %parallel_loop3A_382 = arith.shli %parallel_loop3A_379, %parallel_loop3A_381 : vector<16xi32>
      %parallel_loop3A_383 = tpu.bitcast %parallel_loop3A_382 : vector<16xi32> -> vector<16xf32>
      %parallel_loop3A_384 = arith.constant -65536 : i32
      %parallel_loop3A_385 = vector.broadcast %parallel_loop3A_384 : i32 to vector<16xi32>
      %parallel_loop3A_386 = arith.andi %parallel_loop3A_379, %parallel_loop3A_385 : vector<16xi32>
      %parallel_loop3A_387 = tpu.bitcast %parallel_loop3A_386 : vector<16xi32> -> vector<16xf32>
      %parallel_loop3A_388 = arith.index_cast %parallel_loop3A_374 : i32 to index
      %parallel_loop3A_389 = arith.constant 32 : index
      %parallel_loop3A_390 = tpu.vector_load %arg12[%parallel_loop3A_388, %parallel_loop3A_389] {strides = array<i32>} : memref<64x128xi32, #tpu.memory_space<vmem>>, vector<1x16xi32>,
      %parallel_loop3A_391 = vector.shape_cast %parallel_loop3A_390 : vector<1x16xi32> to vector<16xi32>
      %parallel_loop3A_392 = arith.constant 16 : i32
      %parallel_loop3A_393 = vector.broadcast %parallel_loop3A_392 : i32 to vector<16xi32>
      %parallel_loop3A_394 = arith.shli %parallel_loop3A_391, %parallel_loop3A_393 : vector<16xi32>
      %parallel_loop3A_395 = tpu.bitcast %parallel_loop3A_394 : vector<16xi32> -> vector<16xf32>
      %parallel_loop3A_396 = arith.constant -65536 : i32
      %parallel_loop3A_397 = vector.broadcast %parallel_loop3A_396 : i32 to vector<16xi32>
      %parallel_loop3A_398 = arith.andi %parallel_loop3A_391, %parallel_loop3A_397 : vector<16xi32>
      %parallel_loop3A_399 = tpu.bitcast %parallel_loop3A_398 : vector<16xi32> -> vector<16xf32>
      %parallel_loop3A_400 = arith.index_cast %parallel_loop3A_374 : i32 to index
      %parallel_loop3A_401 = arith.constant 64 : index
      %parallel_loop3A_402 = tpu.vector_load %arg12[%parallel_loop3A_400, %parallel_loop3A_401] {strides = array<i32>} : memref<64x128xi32, #tpu.memory_space<vmem>>, vector<1x16xi32>,
      %parallel_loop3A_403 = vector.shape_cast %parallel_loop3A_402 : vector<1x16xi32> to vector<16xi32>
      %parallel_loop3A_404 = arith.constant 16 : i32
      %parallel_loop3A_405 = vector.broadcast %parallel_loop3A_404 : i32 to vector<16xi32>
      %parallel_loop3A_406 = arith.shli %parallel_loop3A_403, %parallel_loop3A_405 : vector<16xi32>
      %parallel_loop3A_407 = tpu.bitcast %parallel_loop3A_406 : vector<16xi32> -> vector<16xf32>
      %parallel_loop3A_408 = arith.constant -65536 : i32
      %parallel_loop3A_409 = vector.broadcast %parallel_loop3A_408 : i32 to vector<16xi32>
      %parallel_loop3A_410 = arith.andi %parallel_loop3A_403, %parallel_loop3A_409 : vector<16xi32>
      %parallel_loop3A_411 = tpu.bitcast %parallel_loop3A_410 : vector<16xi32> -> vector<16xf32>
      %parallel_loop3A_412 = arith.index_cast %parallel_loop3A_374 : i32 to index
      %parallel_loop3A_413 = arith.constant 0 : index
      %parallel_loop3A_414 = tpu.vector_load %arg10[%parallel_loop3A_412, %parallel_loop3A_413] {strides = array<i32>} : memref<64x128xf32, #tpu.memory_space<vmem>>, vector<1x16xf32>,
      %parallel_loop3A_415 = vector.shape_cast %parallel_loop3A_414 : vector<1x16xf32> to vector<16xf32>
      %parallel_loop3A_416 = arith.addf %parallel_loop3A_415, %parallel_loop3A_383 : vector<16xf32>
      %parallel_loop3A_417 = arith.index_cast %parallel_loop3A_374 : i32 to index
      %parallel_loop3A_418 = arith.constant 0 : index
      %parallel_loop3A_419 = tpu.vector_load %arg14[%parallel_loop3A_417, %parallel_loop3A_418] {strides = array<i32>} : memref<64x128xf32, #tpu.memory_space<vmem>>, vector<1x16xf32>,
      %parallel_loop3A_420 = vector.shape_cast %parallel_loop3A_419 : vector<1x16xf32> to vector<16xf32>
      %parallel_loop3A_421 = arith.subf %parallel_loop3A_416, %parallel_loop3A_420 : vector<16xf32>
      %parallel_loop3A_422 = arith.constant 7.17714262 : f32
      %parallel_loop3A_423 = vector.broadcast %parallel_loop3A_422 : f32 to vector<16xf32>
      %parallel_loop3A_424 = arith.mulf %parallel_loop3A_421, %parallel_loop3A_423 : vector<16xf32>
      %parallel_loop3A_425 = arith.index_cast %parallel_loop3A_374 : i32 to index
      %parallel_loop3A_426 = arith.constant 0 : index
      %parallel_loop3A_427 = tpu.vector_load %arg16[%parallel_loop3A_425, %parallel_loop3A_426] {strides = array<i32>} : memref<64x64xf32, #tpu.memory_space<vmem>>, vector<1x16xf32>,
      %parallel_loop3A_428 = vector.shape_cast %parallel_loop3A_427 : vector<1x16xf32> to vector<16xf32>
      %parallel_loop3A_429 = vector.shape_cast %parallel_loop3A_424 : vector<16xf32> to vector<1x16xf32>
      tpu.vector_store %arg16[%parallel_loop3A_425, %parallel_loop3A_426], %parallel_loop3A_429 {strides = array<i32>} : memref<64x64xf32, #tpu.memory_space<vmem>>, vector<1x16xf32>,
      %parallel_loop3A_430 = arith.index_cast %parallel_loop3A_374 : i32 to index
      %parallel_loop3A_431 = arith.constant 64 : index
      %parallel_loop3A_432 = tpu.vector_load %arg10[%parallel_loop3A_430, %parallel_loop3A_431] {strides = array<i32>} : memref<64x128xf32, #tpu.memory_space<vmem>>, vector<1x16xf32>,
      %parallel_loop3A_433 = vector.shape_cast %parallel_loop3A_432 : vector<1x16xf32> to vector<16xf32>
      %parallel_loop3A_434 = arith.mulf %parallel_loop3A_433, %parallel_loop3A_395 : vector<16xf32>
      %parallel_loop3A_435 = arith.index_cast %parallel_loop3A_374 : i32 to index
      %parallel_loop3A_436 = arith.constant 64 : index
      %parallel_loop3A_437 = tpu.vector_load %arg14[%parallel_loop3A_435, %parallel_loop3A_436] {strides = array<i32>} : memref<64x128xf32, #tpu.memory_space<vmem>>, vector<1x16xf32>,
      %parallel_loop3A_438 = vector.shape_cast %parallel_loop3A_437 : vector<1x16xf32> to vector<16xf32>
      %parallel_loop3A_439 = math.absf %parallel_loop3A_438 : vector<16xf32>
      %parallel_loop3A_440 = arith.mulf %parallel_loop3A_439, %parallel_loop3A_407 : vector<16xf32>
      %parallel_loop3A_441 = arith.subf %parallel_loop3A_434, %parallel_loop3A_440 : vector<16xf32>
      %parallel_loop3A_442 = arith.mulf %parallel_loop3A_441, %parallel_loop3A_441 : vector<16xf32>
      %parallel_loop3A_443 = arith.addf %parallel_loop3A_375, %parallel_loop3A_442 : vector<16xf32>
      %parallel_loop3A_444 = arith.index_cast %parallel_loop3A_374 : i32 to index
      %parallel_loop3A_445 = arith.constant 16 : index
      %parallel_loop3A_446 = tpu.vector_load %arg10[%parallel_loop3A_444, %parallel_loop3A_445] {strides = array<i32>} : memref<64x128xf32, #tpu.memory_space<vmem>>, vector<1x16xf32>,
      %parallel_loop3A_447 = vector.shape_cast %parallel_loop3A_446 : vector<1x16xf32> to vector<16xf32>
      %parallel_loop3A_448 = arith.addf %parallel_loop3A_447, %parallel_loop3A_387 : vector<16xf32>
      %parallel_loop3A_449 = arith.index_cast %parallel_loop3A_374 : i32 to index
      %parallel_loop3A_450 = arith.constant 16 : index
      %parallel_loop3A_451 = tpu.vector_load %arg14[%parallel_loop3A_449, %parallel_loop3A_450] {strides = array<i32>} : memref<64x128xf32, #tpu.memory_space<vmem>>, vector<1x16xf32>,
      %parallel_loop3A_452 = vector.shape_cast %parallel_loop3A_451 : vector<1x16xf32> to vector<16xf32>
      %parallel_loop3A_453 = arith.subf %parallel_loop3A_448, %parallel_loop3A_452 : vector<16xf32>
      %parallel_loop3A_454 = arith.constant 7.17714262 : f32
      %parallel_loop3A_455 = vector.broadcast %parallel_loop3A_454 : f32 to vector<16xf32>
      %parallel_loop3A_456 = arith.mulf %parallel_loop3A_453, %parallel_loop3A_455 : vector<16xf32>
      %parallel_loop3A_457 = arith.index_cast %parallel_loop3A_374 : i32 to index
      %parallel_loop3A_458 = arith.constant 16 : index
      %parallel_loop3A_459 = tpu.vector_load %arg16[%parallel_loop3A_457, %parallel_loop3A_458] {strides = array<i32>} : memref<64x64xf32, #tpu.memory_space<vmem>>, vector<1x16xf32>,
      %parallel_loop3A_460 = vector.shape_cast %parallel_loop3A_459 : vector<1x16xf32> to vector<16xf32>
      %parallel_loop3A_461 = vector.shape_cast %parallel_loop3A_456 : vector<16xf32> to vector<1x16xf32>
      tpu.vector_store %arg16[%parallel_loop3A_457, %parallel_loop3A_458], %parallel_loop3A_461 {strides = array<i32>} : memref<64x64xf32, #tpu.memory_space<vmem>>, vector<1x16xf32>,
      %parallel_loop3A_462 = arith.index_cast %parallel_loop3A_374 : i32 to index
      %parallel_loop3A_463 = arith.constant 80 : index
      %parallel_loop3A_464 = tpu.vector_load %arg10[%parallel_loop3A_462, %parallel_loop3A_463] {strides = array<i32>} : memref<64x128xf32, #tpu.memory_space<vmem>>, vector<1x16xf32>,
      %parallel_loop3A_465 = vector.shape_cast %parallel_loop3A_464 : vector<1x16xf32> to vector<16xf32>
      %parallel_loop3A_466 = arith.mulf %parallel_loop3A_465, %parallel_loop3A_399 : vector<16xf32>
      %parallel_loop3A_467 = arith.index_cast %parallel_loop3A_374 : i32 to index
      %parallel_loop3A_468 = arith.constant 80 : index
      %parallel_loop3A_469 = tpu.vector_load %arg14[%parallel_loop3A_467, %parallel_loop3A_468] {strides = array<i32>} : memref<64x128xf32, #tpu.memory_space<vmem>>, vector<1x16xf32>,
      %parallel_loop3A_470 = vector.shape_cast %parallel_loop3A_469 : vector<1x16xf32> to vector<16xf32>
      %parallel_loop3A_471 = math.absf %parallel_loop3A_470 : vector<16xf32>
      %parallel_loop3A_472 = arith.mulf %parallel_loop3A_471, %parallel_loop3A_411 : vector<16xf32>
      %parallel_loop3A_473 = arith.subf %parallel_loop3A_466, %parallel_loop3A_472 : vector<16xf32>
      %parallel_loop3A_474 = arith.mulf %parallel_loop3A_473, %parallel_loop3A_473 : vector<16xf32>
      %parallel_loop3A_475 = arith.addf %parallel_loop3A_443, %parallel_loop3A_474 : vector<16xf32>
      %parallel_loop3A_476 = arith.index_cast %parallel_loop3A_374 : i32 to index
      %parallel_loop3A_477 = arith.constant 16 : index
      %parallel_loop3A_478 = tpu.vector_load %arg12[%parallel_loop3A_476, %parallel_loop3A_477] {strides = array<i32>} : memref<64x128xi32, #tpu.memory_space<vmem>>, vector<1x16xi32>,
      %parallel_loop3A_479 = vector.shape_cast %parallel_loop3A_478 : vector<1x16xi32> to vector<16xi32>
      %parallel_loop3A_480 = arith.constant 16 : i32
      %parallel_loop3A_481 = vector.broadcast %parallel_loop3A_480 : i32 to vector<16xi32>
      %parallel_loop3A_482 = arith.shli %parallel_loop3A_479, %parallel_loop3A_481 : vector<16xi32>
      %parallel_loop3A_483 = tpu.bitcast %parallel_loop3A_482 : vector<16xi32> -> vector<16xf32>
      %parallel_loop3A_484 = arith.constant -65536 : i32
      %parallel_loop3A_485 = vector.broadcast %parallel_loop3A_484 : i32 to vector<16xi32>
      %parallel_loop3A_486 = arith.andi %parallel_loop3A_479, %parallel_loop3A_485 : vector<16xi32>
      %parallel_loop3A_487 = tpu.bitcast %parallel_loop3A_486 : vector<16xi32> -> vector<16xf32>
      %parallel_loop3A_488 = arith.index_cast %parallel_loop3A_374 : i32 to index
      %parallel_loop3A_489 = arith.constant 48 : index
      %parallel_loop3A_490 = tpu.vector_load %arg12[%parallel_loop3A_488, %parallel_loop3A_489] {strides = array<i32>} : memref<64x128xi32, #tpu.memory_space<vmem>>, vector<1x16xi32>,
      %parallel_loop3A_491 = vector.shape_cast %parallel_loop3A_490 : vector<1x16xi32> to vector<16xi32>
      %parallel_loop3A_492 = arith.constant 16 : i32
      %parallel_loop3A_493 = vector.broadcast %parallel_loop3A_492 : i32 to vector<16xi32>
      %parallel_loop3A_494 = arith.shli %parallel_loop3A_491, %parallel_loop3A_493 : vector<16xi32>
      %parallel_loop3A_495 = tpu.bitcast %parallel_loop3A_494 : vector<16xi32> -> vector<16xf32>
      %parallel_loop3A_496 = arith.constant -65536 : i32
      %parallel_loop3A_497 = vector.broadcast %parallel_loop3A_496 : i32 to vector<16xi32>
      %parallel_loop3A_498 = arith.andi %parallel_loop3A_491, %parallel_loop3A_497 : vector<16xi32>
      %parallel_loop3A_499 = tpu.bitcast %parallel_loop3A_498 : vector<16xi32> -> vector<16xf32>
      %parallel_loop3A_500 = arith.index_cast %parallel_loop3A_374 : i32 to index
      %parallel_loop3A_501 = arith.constant 80 : index
      %parallel_loop3A_502 = tpu.vector_load %arg12[%parallel_loop3A_500, %parallel_loop3A_501] {strides = array<i32>} : memref<64x128xi32, #tpu.memory_space<vmem>>, vector<1x16xi32>,
      %parallel_loop3A_503 = vector.shape_cast %parallel_loop3A_502 : vector<1x16xi32> to vector<16xi32>
      %parallel_loop3A_504 = arith.constant 16 : i32
      %parallel_loop3A_505 = vector.broadcast %parallel_loop3A_504 : i32 to vector<16xi32>
      %parallel_loop3A_506 = arith.shli %parallel_loop3A_503, %parallel_loop3A_505 : vector<16xi32>
      %parallel_loop3A_507 = tpu.bitcast %parallel_loop3A_506 : vector<16xi32> -> vector<16xf32>
      %parallel_loop3A_508 = arith.constant -65536 : i32
      %parallel_loop3A_509 = vector.broadcast %parallel_loop3A_508 : i32 to vector<16xi32>
      %parallel_loop3A_510 = arith.andi %parallel_loop3A_503, %parallel_loop3A_509 : vector<16xi32>
      %parallel_loop3A_511 = tpu.bitcast %parallel_loop3A_510 : vector<16xi32> -> vector<16xf32>
      %parallel_loop3A_512 = arith.index_cast %parallel_loop3A_374 : i32 to index
      %parallel_loop3A_513 = arith.constant 32 : index
      %parallel_loop3A_514 = tpu.vector_load %arg10[%parallel_loop3A_512, %parallel_loop3A_513] {strides = array<i32>} : memref<64x128xf32, #tpu.memory_space<vmem>>, vector<1x16xf32>,
      %parallel_loop3A_515 = vector.shape_cast %parallel_loop3A_514 : vector<1x16xf32> to vector<16xf32>
      %parallel_loop3A_516 = arith.addf %parallel_loop3A_515, %parallel_loop3A_483 : vector<16xf32>
      %parallel_loop3A_517 = arith.index_cast %parallel_loop3A_374 : i32 to index
      %parallel_loop3A_518 = arith.constant 32 : index
      %parallel_loop3A_519 = tpu.vector_load %arg14[%parallel_loop3A_517, %parallel_loop3A_518] {strides = array<i32>} : memref<64x128xf32, #tpu.memory_space<vmem>>, vector<1x16xf32>,
      %parallel_loop3A_520 = vector.shape_cast %parallel_loop3A_519 : vector<1x16xf32> to vector<16xf32>
      %parallel_loop3A_521 = arith.subf %parallel_loop3A_516, %parallel_loop3A_520 : vector<16xf32>
      %parallel_loop3A_522 = arith.constant 7.17714262 : f32
      %parallel_loop3A_523 = vector.broadcast %parallel_loop3A_522 : f32 to vector<16xf32>
      %parallel_loop3A_524 = arith.mulf %parallel_loop3A_521, %parallel_loop3A_523 : vector<16xf32>
      %parallel_loop3A_525 = arith.index_cast %parallel_loop3A_374 : i32 to index
      %parallel_loop3A_526 = arith.constant 32 : index
      %parallel_loop3A_527 = tpu.vector_load %arg16[%parallel_loop3A_525, %parallel_loop3A_526] {strides = array<i32>} : memref<64x64xf32, #tpu.memory_space<vmem>>, vector<1x16xf32>,
      %parallel_loop3A_528 = vector.shape_cast %parallel_loop3A_527 : vector<1x16xf32> to vector<16xf32>
      %parallel_loop3A_529 = vector.shape_cast %parallel_loop3A_524 : vector<16xf32> to vector<1x16xf32>
      tpu.vector_store %arg16[%parallel_loop3A_525, %parallel_loop3A_526], %parallel_loop3A_529 {strides = array<i32>} : memref<64x64xf32, #tpu.memory_space<vmem>>, vector<1x16xf32>,
      %parallel_loop3A_530 = arith.index_cast %parallel_loop3A_374 : i32 to index
      %parallel_loop3A_531 = arith.constant 96 : index
      %parallel_loop3A_532 = tpu.vector_load %arg10[%parallel_loop3A_530, %parallel_loop3A_531] {strides = array<i32>} : memref<64x128xf32, #tpu.memory_space<vmem>>, vector<1x16xf32>,
      %parallel_loop3A_533 = vector.shape_cast %parallel_loop3A_532 : vector<1x16xf32> to vector<16xf32>
      %parallel_loop3A_534 = arith.mulf %parallel_loop3A_533, %parallel_loop3A_495 : vector<16xf32>
      %parallel_loop3A_535 = arith.index_cast %parallel_loop3A_374 : i32 to index
      %parallel_loop3A_536 = arith.constant 96 : index
      %parallel_loop3A_537 = tpu.vector_load %arg14[%parallel_loop3A_535, %parallel_loop3A_536] {strides = array<i32>} : memref<64x128xf32, #tpu.memory_space<vmem>>, vector<1x16xf32>,
      %parallel_loop3A_538 = vector.shape_cast %parallel_loop3A_537 : vector<1x16xf32> to vector<16xf32>
      %parallel_loop3A_539 = math.absf %parallel_loop3A_538 : vector<16xf32>
      %parallel_loop3A_540 = arith.mulf %parallel_loop3A_539, %parallel_loop3A_507 : vector<16xf32>
      %parallel_loop3A_541 = arith.subf %parallel_loop3A_534, %parallel_loop3A_540 : vector<16xf32>
      %parallel_loop3A_542 = arith.mulf %parallel_loop3A_541, %parallel_loop3A_541 : vector<16xf32>
      %parallel_loop3A_543 = arith.addf %parallel_loop3A_475, %parallel_loop3A_542 : vector<16xf32>
      %parallel_loop3A_544 = arith.index_cast %parallel_loop3A_374 : i32 to index
      %parallel_loop3A_545 = arith.constant 48 : index
      %parallel_loop3A_546 = tpu.vector_load %arg10[%parallel_loop3A_544, %parallel_loop3A_545] {strides = array<i32>} : memref<64x128xf32, #tpu.memory_space<vmem>>, vector<1x16xf32>,
      %parallel_loop3A_547 = vector.shape_cast %parallel_loop3A_546 : vector<1x16xf32> to vector<16xf32>
      %parallel_loop3A_548 = arith.addf %parallel_loop3A_547, %parallel_loop3A_487 : vector<16xf32>
      %parallel_loop3A_549 = arith.index_cast %parallel_loop3A_374 : i32 to index
      %parallel_loop3A_550 = arith.constant 48 : index
      %parallel_loop3A_551 = tpu.vector_load %arg14[%parallel_loop3A_549, %parallel_loop3A_550] {strides = array<i32>} : memref<64x128xf32, #tpu.memory_space<vmem>>, vector<1x16xf32>,
      %parallel_loop3A_552 = vector.shape_cast %parallel_loop3A_551 : vector<1x16xf32> to vector<16xf32>
      %parallel_loop3A_553 = arith.subf %parallel_loop3A_548, %parallel_loop3A_552 : vector<16xf32>
      %parallel_loop3A_554 = arith.constant 7.17714262 : f32
      %parallel_loop3A_555 = vector.broadcast %parallel_loop3A_554 : f32 to vector<16xf32>
      %parallel_loop3A_556 = arith.mulf %parallel_loop3A_553, %parallel_loop3A_555 : vector<16xf32>
      %parallel_loop3A_557 = arith.index_cast %parallel_loop3A_374 : i32 to index
      %parallel_loop3A_558 = arith.constant 48 : index
      %parallel_loop3A_559 = tpu.vector_load %arg16[%parallel_loop3A_557, %parallel_loop3A_558] {strides = array<i32>} : memref<64x64xf32, #tpu.memory_space<vmem>>, vector<1x16xf32>,
      %parallel_loop3A_560 = vector.shape_cast %parallel_loop3A_559 : vector<1x16xf32> to vector<16xf32>
      %parallel_loop3A_561 = vector.shape_cast %parallel_loop3A_556 : vector<16xf32> to vector<1x16xf32>
      tpu.vector_store %arg16[%parallel_loop3A_557, %parallel_loop3A_558], %parallel_loop3A_561 {strides = array<i32>} : memref<64x64xf32, #tpu.memory_space<vmem>>, vector<1x16xf32>,
      %parallel_loop3A_562 = arith.index_cast %parallel_loop3A_374 : i32 to index
      %parallel_loop3A_563 = arith.constant 112 : index
      %parallel_loop3A_564 = tpu.vector_load %arg10[%parallel_loop3A_562, %parallel_loop3A_563] {strides = array<i32>} : memref<64x128xf32, #tpu.memory_space<vmem>>, vector<1x16xf32>,
      %parallel_loop3A_565 = vector.shape_cast %parallel_loop3A_564 : vector<1x16xf32> to vector<16xf32>
      %parallel_loop3A_566 = arith.mulf %parallel_loop3A_565, %parallel_loop3A_499 : vector<16xf32>
      %parallel_loop3A_567 = arith.index_cast %parallel_loop3A_374 : i32 to index
      %parallel_loop3A_568 = arith.constant 112 : index
      %parallel_loop3A_569 = tpu.vector_load %arg14[%parallel_loop3A_567, %parallel_loop3A_568] {strides = array<i32>} : memref<64x128xf32, #tpu.memory_space<vmem>>, vector<1x16xf32>,
      %parallel_loop3A_570 = vector.shape_cast %parallel_loop3A_569 : vector<1x16xf32> to vector<16xf32>
      %parallel_loop3A_571 = math.absf %parallel_loop3A_570 : vector<16xf32>
      %parallel_loop3A_572 = arith.mulf %parallel_loop3A_571, %parallel_loop3A_511 : vector<16xf32>
      %parallel_loop3A_573 = arith.subf %parallel_loop3A_566, %parallel_loop3A_572 : vector<16xf32>
      %parallel_loop3A_574 = arith.mulf %parallel_loop3A_573, %parallel_loop3A_573 : vector<16xf32>
      %parallel_loop3A_575 = arith.addf %parallel_loop3A_543, %parallel_loop3A_574 : vector<16xf32>
      scf.yield %parallel_loop3A_575 : vector<16xf32>
    } {sc.loop_unroll_factor = 4 : i64, sc.parallel_access}
    %add3A_150 = arith.constant 128 : i32
    %add3A_151 = arith.addi %mul3A_2, %add3A_150 : i32
    %dma_start3A_152 = arith.constant 0 : i32
    %dma_start3A_153 = tpu.memref_slice %arg5[%add3A_151, %dma_start3A_152] : memref<16384x64xf32, #tpu.memory_space<hbm>> -> memref<64x64xf32, #tpu.memory_space<hbm>>
    %dma_start3A_154 = arith.constant 0 : i32
    %dma_start3A_155 = tpu.memref_slice %arg5[%add3A_151, %dma_start3A_154] : memref<16384x64xf32, #tpu.memory_space<hbm>> -> memref<64x64xf32, #tpu.memory_space<hbm>>
    tpu.enqueue_dma source(%arg16 : memref<64x64xf32, #tpu.memory_space<vmem>>) target(%dma_start3A_155 : memref<64x64xf32, #tpu.memory_space<hbm>>) target_semaphore(%arg22 : memref<!tpu.dma_semaphore, #tpu.memory_space<semaphore_mem>>)
    %dma_start3A_156 = arith.constant 256 : i32
    %dma_start3A_157 = tpu.memref_slice %arg7[%dma_start3A_156] : memref<512xi32, #tpu.memory_space<vmem>> -> memref<64xi32, #tpu.memory_space<vmem>>
    %dma_start3A_158 = arith.constant 0 : i32
    %dma_start3A_159 = arith.constant 0 : i32
    %dma_start3A_160 = tpu.memref_slice %arg3[%dma_start3A_158, %dma_start3A_159] : memref<1000000x128xf32, #tpu.memory_space<hbm>> -> memref<1000000x128xf32, #tpu.memory_space<hbm>>
    tpu.enqueue_indirect_dma source(%dma_start3A_160 : memref<1000000x128xf32, #tpu.memory_space<hbm>>) target(%arg10 : memref<64x128xf32, #tpu.memory_space<vmem>>) offsets(%dma_start3A_157 : memref<64xi32, #tpu.memory_space<vmem>>) semaphore(%arg20 : memref<!tpu.dma_semaphore, #tpu.memory_space<semaphore_mem>>)
    %dma_start3A_161 = arith.constant 256 : i32
    %dma_start3A_162 = tpu.memref_slice %arg8[%dma_start3A_161] : memref<512xi32, #tpu.memory_space<vmem>> -> memref<64xi32, #tpu.memory_space<vmem>>
    %dma_start3A_163 = arith.constant 0 : i32
    %dma_start3A_164 = arith.constant 0 : i32
    %dma_start3A_165 = tpu.memref_slice %arg4[%dma_start3A_163, %dma_start3A_164] : memref<1000x128xi32, #tpu.memory_space<hbm>> -> memref<1000x128xi32, #tpu.memory_space<hbm>>
    tpu.enqueue_indirect_dma source(%dma_start3A_165 : memref<1000x128xi32, #tpu.memory_space<hbm>>) target(%arg12 : memref<64x128xi32, #tpu.memory_space<vmem>>) offsets(%dma_start3A_162 : memref<64xi32, #tpu.memory_space<vmem>>) semaphore(%arg20 : memref<!tpu.dma_semaphore, #tpu.memory_space<semaphore_mem>>)
    %dma_start3A_166 = arith.constant 256 : i32
    %dma_start3A_167 = tpu.memref_slice %arg9[%dma_start3A_166] : memref<512xi32, #tpu.memory_space<vmem>> -> memref<64xi32, #tpu.memory_space<vmem>>
    %dma_start3A_168 = arith.constant 0 : i32
    %dma_start3A_169 = arith.constant 0 : i32
    %dma_start3A_170 = tpu.memref_slice %arg3[%dma_start3A_168, %dma_start3A_169] : memref<1000000x128xf32, #tpu.memory_space<hbm>> -> memref<1000000x128xf32, #tpu.memory_space<hbm>>
    tpu.enqueue_indirect_dma source(%dma_start3A_170 : memref<1000000x128xf32, #tpu.memory_space<hbm>>) target(%arg14 : memref<64x128xf32, #tpu.memory_space<vmem>>) offsets(%dma_start3A_167 : memref<64xi32, #tpu.memory_space<vmem>>) semaphore(%arg20 : memref<!tpu.dma_semaphore, #tpu.memory_space<semaphore_mem>>)
    %dma_wait3A_171 = arith.constant 192 : i32
    %dma_wait3A_172 = tpu.memref_slice %arg7[%dma_wait3A_171] : memref<512xi32, #tpu.memory_space<vmem>> -> memref<64xi32, #tpu.memory_space<vmem>>
    %dma_wait3A_173 = arith.constant 0 : i32
    %dma_wait3A_174 = arith.constant 0 : i32
    %dma_wait3A_175 = tpu.memref_slice %arg3[%dma_wait3A_173, %dma_wait3A_174] : memref<1000000x128xf32, #tpu.memory_space<hbm>> -> memref<1000000x128xf32, #tpu.memory_space<hbm>>
    tpu.wait_indirect_dma semaphore(%arg21 : memref<!tpu.dma_semaphore, #tpu.memory_space<semaphore_mem>>) src(%dma_wait3A_175 : memref<1000000x128xf32, #tpu.memory_space<hbm>>) dst(%arg11 : memref<64x128xf32, #tpu.memory_space<vmem>>)
    %dma_wait3A_176 = arith.constant 192 : i32
    %dma_wait3A_177 = tpu.memref_slice %arg8[%dma_wait3A_176] : memref<512xi32, #tpu.memory_space<vmem>> -> memref<64xi32, #tpu.memory_space<vmem>>
    %dma_wait3A_178 = arith.constant 0 : i32
    %dma_wait3A_179 = arith.constant 0 : i32
    %dma_wait3A_180 = tpu.memref_slice %arg4[%dma_wait3A_178, %dma_wait3A_179] : memref<1000x128xi32, #tpu.memory_space<hbm>> -> memref<1000x128xi32, #tpu.memory_space<hbm>>
    tpu.wait_indirect_dma semaphore(%arg21 : memref<!tpu.dma_semaphore, #tpu.memory_space<semaphore_mem>>) src(%dma_wait3A_180 : memref<1000x128xi32, #tpu.memory_space<hbm>>) dst(%arg13 : memref<64x128xi32, #tpu.memory_space<vmem>>)
    %dma_wait3A_181 = arith.constant 192 : i32
    %dma_wait3A_182 = tpu.memref_slice %arg9[%dma_wait3A_181] : memref<512xi32, #tpu.memory_space<vmem>> -> memref<64xi32, #tpu.memory_space<vmem>>
    %dma_wait3A_183 = arith.constant 0 : i32
    %dma_wait3A_184 = arith.constant 0 : i32
    %dma_wait3A_185 = tpu.memref_slice %arg3[%dma_wait3A_183, %dma_wait3A_184] : memref<1000000x128xf32, #tpu.memory_space<hbm>> -> memref<1000000x128xf32, #tpu.memory_space<hbm>>
    tpu.wait_indirect_dma semaphore(%arg21 : memref<!tpu.dma_semaphore, #tpu.memory_space<semaphore_mem>>) src(%dma_wait3A_185 : memref<1000000x128xf32, #tpu.memory_space<hbm>>) dst(%arg15 : memref<64x128xf32, #tpu.memory_space<vmem>>)
    %dma_wait3A_186 = arith.constant 0 : i32
    %dma_wait3A_187 = tpu.memref_slice %arg5[%add3A_107, %dma_wait3A_186] : memref<16384x64xf32, #tpu.memory_space<hbm>> -> memref<64x64xf32, #tpu.memory_space<hbm>>
    %dma_wait3A_188 = arith.constant 0 : i32
    %dma_wait3A_189 = tpu.memref_slice %arg5[%add3A_107, %dma_wait3A_188] : memref<16384x64xf32, #tpu.memory_space<hbm>> -> memref<64x64xf32, #tpu.memory_space<hbm>>
    tpu.wait_dma2 semaphore(%arg23 : memref<!tpu.dma_semaphore, #tpu.memory_space<semaphore_mem>>) src(%arg17 : memref<64x64xf32, #tpu.memory_space<vmem>>) dst(%dma_wait3A_189 : memref<64x64xf32, #tpu.memory_space<hbm>>)
    %parallel_loop3A_190 = arith.constant 0 : i32
    %parallel_loop3A_191 = arith.constant 64 : i32
    %parallel_loop3A_192 = arith.constant 1 : i32
    %parallel_loop3A_193 = scf.for %parallel_loop3A_374 = %parallel_loop3A_190 to %parallel_loop3A_191 step %parallel_loop3A_192 iter_args(%parallel_loop3A_375 = %parallel_loop3A_149) -> (vector<16xf32>)  : i32 {
      %parallel_loop3A_376 = arith.index_cast %parallel_loop3A_374 : i32 to index
      %parallel_loop3A_377 = arith.constant 0 : index
      %parallel_loop3A_378 = tpu.vector_load %arg13[%parallel_loop3A_376, %parallel_loop3A_377] {strides = array<i32>} : memref<64x128xi32, #tpu.memory_space<vmem>>, vector<1x16xi32>,
      %parallel_loop3A_379 = vector.shape_cast %parallel_loop3A_378 : vector<1x16xi32> to vector<16xi32>
      %parallel_loop3A_380 = arith.constant 16 : i32
      %parallel_loop3A_381 = vector.broadcast %parallel_loop3A_380 : i32 to vector<16xi32>
      %parallel_loop3A_382 = arith.shli %parallel_loop3A_379, %parallel_loop3A_381 : vector<16xi32>
      %parallel_loop3A_383 = tpu.bitcast %parallel_loop3A_382 : vector<16xi32> -> vector<16xf32>
      %parallel_loop3A_384 = arith.constant -65536 : i32
      %parallel_loop3A_385 = vector.broadcast %parallel_loop3A_384 : i32 to vector<16xi32>
      %parallel_loop3A_386 = arith.andi %parallel_loop3A_379, %parallel_loop3A_385 : vector<16xi32>
      %parallel_loop3A_387 = tpu.bitcast %parallel_loop3A_386 : vector<16xi32> -> vector<16xf32>
      %parallel_loop3A_388 = arith.index_cast %parallel_loop3A_374 : i32 to index
      %parallel_loop3A_389 = arith.constant 32 : index
      %parallel_loop3A_390 = tpu.vector_load %arg13[%parallel_loop3A_388, %parallel_loop3A_389] {strides = array<i32>} : memref<64x128xi32, #tpu.memory_space<vmem>>, vector<1x16xi32>,
      %parallel_loop3A_391 = vector.shape_cast %parallel_loop3A_390 : vector<1x16xi32> to vector<16xi32>
      %parallel_loop3A_392 = arith.constant 16 : i32
      %parallel_loop3A_393 = vector.broadcast %parallel_loop3A_392 : i32 to vector<16xi32>
      %parallel_loop3A_394 = arith.shli %parallel_loop3A_391, %parallel_loop3A_393 : vector<16xi32>
      %parallel_loop3A_395 = tpu.bitcast %parallel_loop3A_394 : vector<16xi32> -> vector<16xf32>
      %parallel_loop3A_396 = arith.constant -65536 : i32
      %parallel_loop3A_397 = vector.broadcast %parallel_loop3A_396 : i32 to vector<16xi32>
      %parallel_loop3A_398 = arith.andi %parallel_loop3A_391, %parallel_loop3A_397 : vector<16xi32>
      %parallel_loop3A_399 = tpu.bitcast %parallel_loop3A_398 : vector<16xi32> -> vector<16xf32>
      %parallel_loop3A_400 = arith.index_cast %parallel_loop3A_374 : i32 to index
      %parallel_loop3A_401 = arith.constant 64 : index
      %parallel_loop3A_402 = tpu.vector_load %arg13[%parallel_loop3A_400, %parallel_loop3A_401] {strides = array<i32>} : memref<64x128xi32, #tpu.memory_space<vmem>>, vector<1x16xi32>,
      %parallel_loop3A_403 = vector.shape_cast %parallel_loop3A_402 : vector<1x16xi32> to vector<16xi32>
      %parallel_loop3A_404 = arith.constant 16 : i32
      %parallel_loop3A_405 = vector.broadcast %parallel_loop3A_404 : i32 to vector<16xi32>
      %parallel_loop3A_406 = arith.shli %parallel_loop3A_403, %parallel_loop3A_405 : vector<16xi32>
      %parallel_loop3A_407 = tpu.bitcast %parallel_loop3A_406 : vector<16xi32> -> vector<16xf32>
      %parallel_loop3A_408 = arith.constant -65536 : i32
      %parallel_loop3A_409 = vector.broadcast %parallel_loop3A_408 : i32 to vector<16xi32>
      %parallel_loop3A_410 = arith.andi %parallel_loop3A_403, %parallel_loop3A_409 : vector<16xi32>
      %parallel_loop3A_411 = tpu.bitcast %parallel_loop3A_410 : vector<16xi32> -> vector<16xf32>
      %parallel_loop3A_412 = arith.index_cast %parallel_loop3A_374 : i32 to index
      %parallel_loop3A_413 = arith.constant 0 : index
      %parallel_loop3A_414 = tpu.vector_load %arg11[%parallel_loop3A_412, %parallel_loop3A_413] {strides = array<i32>} : memref<64x128xf32, #tpu.memory_space<vmem>>, vector<1x16xf32>,
      %parallel_loop3A_415 = vector.shape_cast %parallel_loop3A_414 : vector<1x16xf32> to vector<16xf32>
      %parallel_loop3A_416 = arith.addf %parallel_loop3A_415, %parallel_loop3A_383 : vector<16xf32>
      %parallel_loop3A_417 = arith.index_cast %parallel_loop3A_374 : i32 to index
      %parallel_loop3A_418 = arith.constant 0 : index
      %parallel_loop3A_419 = tpu.vector_load %arg15[%parallel_loop3A_417, %parallel_loop3A_418] {strides = array<i32>} : memref<64x128xf32, #tpu.memory_space<vmem>>, vector<1x16xf32>,
      %parallel_loop3A_420 = vector.shape_cast %parallel_loop3A_419 : vector<1x16xf32> to vector<16xf32>
      %parallel_loop3A_421 = arith.subf %parallel_loop3A_416, %parallel_loop3A_420 : vector<16xf32>
      %parallel_loop3A_422 = arith.constant 7.17714262 : f32
      %parallel_loop3A_423 = vector.broadcast %parallel_loop3A_422 : f32 to vector<16xf32>
      %parallel_loop3A_424 = arith.mulf %parallel_loop3A_421, %parallel_loop3A_423 : vector<16xf32>
      %parallel_loop3A_425 = arith.index_cast %parallel_loop3A_374 : i32 to index
      %parallel_loop3A_426 = arith.constant 0 : index
      %parallel_loop3A_427 = tpu.vector_load %arg17[%parallel_loop3A_425, %parallel_loop3A_426] {strides = array<i32>} : memref<64x64xf32, #tpu.memory_space<vmem>>, vector<1x16xf32>,
      %parallel_loop3A_428 = vector.shape_cast %parallel_loop3A_427 : vector<1x16xf32> to vector<16xf32>
      %parallel_loop3A_429 = vector.shape_cast %parallel_loop3A_424 : vector<16xf32> to vector<1x16xf32>
      tpu.vector_store %arg17[%parallel_loop3A_425, %parallel_loop3A_426], %parallel_loop3A_429 {strides = array<i32>} : memref<64x64xf32, #tpu.memory_space<vmem>>, vector<1x16xf32>,
      %parallel_loop3A_430 = arith.index_cast %parallel_loop3A_374 : i32 to index
      %parallel_loop3A_431 = arith.constant 64 : index
      %parallel_loop3A_432 = tpu.vector_load %arg11[%parallel_loop3A_430, %parallel_loop3A_431] {strides = array<i32>} : memref<64x128xf32, #tpu.memory_space<vmem>>, vector<1x16xf32>,
      %parallel_loop3A_433 = vector.shape_cast %parallel_loop3A_432 : vector<1x16xf32> to vector<16xf32>
      %parallel_loop3A_434 = arith.mulf %parallel_loop3A_433, %parallel_loop3A_395 : vector<16xf32>
      %parallel_loop3A_435 = arith.index_cast %parallel_loop3A_374 : i32 to index
      %parallel_loop3A_436 = arith.constant 64 : index
      %parallel_loop3A_437 = tpu.vector_load %arg15[%parallel_loop3A_435, %parallel_loop3A_436] {strides = array<i32>} : memref<64x128xf32, #tpu.memory_space<vmem>>, vector<1x16xf32>,
      %parallel_loop3A_438 = vector.shape_cast %parallel_loop3A_437 : vector<1x16xf32> to vector<16xf32>
      %parallel_loop3A_439 = math.absf %parallel_loop3A_438 : vector<16xf32>
      %parallel_loop3A_440 = arith.mulf %parallel_loop3A_439, %parallel_loop3A_407 : vector<16xf32>
      %parallel_loop3A_441 = arith.subf %parallel_loop3A_434, %parallel_loop3A_440 : vector<16xf32>
      %parallel_loop3A_442 = arith.mulf %parallel_loop3A_441, %parallel_loop3A_441 : vector<16xf32>
      %parallel_loop3A_443 = arith.addf %parallel_loop3A_375, %parallel_loop3A_442 : vector<16xf32>
      %parallel_loop3A_444 = arith.index_cast %parallel_loop3A_374 : i32 to index
      %parallel_loop3A_445 = arith.constant 16 : index
      %parallel_loop3A_446 = tpu.vector_load %arg11[%parallel_loop3A_444, %parallel_loop3A_445] {strides = array<i32>} : memref<64x128xf32, #tpu.memory_space<vmem>>, vector<1x16xf32>,
      %parallel_loop3A_447 = vector.shape_cast %parallel_loop3A_446 : vector<1x16xf32> to vector<16xf32>
      %parallel_loop3A_448 = arith.addf %parallel_loop3A_447, %parallel_loop3A_387 : vector<16xf32>
      %parallel_loop3A_449 = arith.index_cast %parallel_loop3A_374 : i32 to index
      %parallel_loop3A_450 = arith.constant 16 : index
      %parallel_loop3A_451 = tpu.vector_load %arg15[%parallel_loop3A_449, %parallel_loop3A_450] {strides = array<i32>} : memref<64x128xf32, #tpu.memory_space<vmem>>, vector<1x16xf32>,
      %parallel_loop3A_452 = vector.shape_cast %parallel_loop3A_451 : vector<1x16xf32> to vector<16xf32>
      %parallel_loop3A_453 = arith.subf %parallel_loop3A_448, %parallel_loop3A_452 : vector<16xf32>
      %parallel_loop3A_454 = arith.constant 7.17714262 : f32
      %parallel_loop3A_455 = vector.broadcast %parallel_loop3A_454 : f32 to vector<16xf32>
      %parallel_loop3A_456 = arith.mulf %parallel_loop3A_453, %parallel_loop3A_455 : vector<16xf32>
      %parallel_loop3A_457 = arith.index_cast %parallel_loop3A_374 : i32 to index
      %parallel_loop3A_458 = arith.constant 16 : index
      %parallel_loop3A_459 = tpu.vector_load %arg17[%parallel_loop3A_457, %parallel_loop3A_458] {strides = array<i32>} : memref<64x64xf32, #tpu.memory_space<vmem>>, vector<1x16xf32>,
      %parallel_loop3A_460 = vector.shape_cast %parallel_loop3A_459 : vector<1x16xf32> to vector<16xf32>
      %parallel_loop3A_461 = vector.shape_cast %parallel_loop3A_456 : vector<16xf32> to vector<1x16xf32>
      tpu.vector_store %arg17[%parallel_loop3A_457, %parallel_loop3A_458], %parallel_loop3A_461 {strides = array<i32>} : memref<64x64xf32, #tpu.memory_space<vmem>>, vector<1x16xf32>,
      %parallel_loop3A_462 = arith.index_cast %parallel_loop3A_374 : i32 to index
      %parallel_loop3A_463 = arith.constant 80 : index
      %parallel_loop3A_464 = tpu.vector_load %arg11[%parallel_loop3A_462, %parallel_loop3A_463] {strides = array<i32>} : memref<64x128xf32, #tpu.memory_space<vmem>>, vector<1x16xf32>,
      %parallel_loop3A_465 = vector.shape_cast %parallel_loop3A_464 : vector<1x16xf32> to vector<16xf32>
      %parallel_loop3A_466 = arith.mulf %parallel_loop3A_465, %parallel_loop3A_399 : vector<16xf32>
      %parallel_loop3A_467 = arith.index_cast %parallel_loop3A_374 : i32 to index
      %parallel_loop3A_468 = arith.constant 80 : index
      %parallel_loop3A_469 = tpu.vector_load %arg15[%parallel_loop3A_467, %parallel_loop3A_468] {strides = array<i32>} : memref<64x128xf32, #tpu.memory_space<vmem>>, vector<1x16xf32>,
      %parallel_loop3A_470 = vector.shape_cast %parallel_loop3A_469 : vector<1x16xf32> to vector<16xf32>
      %parallel_loop3A_471 = math.absf %parallel_loop3A_470 : vector<16xf32>
      %parallel_loop3A_472 = arith.mulf %parallel_loop3A_471, %parallel_loop3A_411 : vector<16xf32>
      %parallel_loop3A_473 = arith.subf %parallel_loop3A_466, %parallel_loop3A_472 : vector<16xf32>
      %parallel_loop3A_474 = arith.mulf %parallel_loop3A_473, %parallel_loop3A_473 : vector<16xf32>
      %parallel_loop3A_475 = arith.addf %parallel_loop3A_443, %parallel_loop3A_474 : vector<16xf32>
      %parallel_loop3A_476 = arith.index_cast %parallel_loop3A_374 : i32 to index
      %parallel_loop3A_477 = arith.constant 16 : index
      %parallel_loop3A_478 = tpu.vector_load %arg13[%parallel_loop3A_476, %parallel_loop3A_477] {strides = array<i32>} : memref<64x128xi32, #tpu.memory_space<vmem>>, vector<1x16xi32>,
      %parallel_loop3A_479 = vector.shape_cast %parallel_loop3A_478 : vector<1x16xi32> to vector<16xi32>
      %parallel_loop3A_480 = arith.constant 16 : i32
      %parallel_loop3A_481 = vector.broadcast %parallel_loop3A_480 : i32 to vector<16xi32>
      %parallel_loop3A_482 = arith.shli %parallel_loop3A_479, %parallel_loop3A_481 : vector<16xi32>
      %parallel_loop3A_483 = tpu.bitcast %parallel_loop3A_482 : vector<16xi32> -> vector<16xf32>
      %parallel_loop3A_484 = arith.constant -65536 : i32
      %parallel_loop3A_485 = vector.broadcast %parallel_loop3A_484 : i32 to vector<16xi32>
      %parallel_loop3A_486 = arith.andi %parallel_loop3A_479, %parallel_loop3A_485 : vector<16xi32>
      %parallel_loop3A_487 = tpu.bitcast %parallel_loop3A_486 : vector<16xi32> -> vector<16xf32>
      %parallel_loop3A_488 = arith.index_cast %parallel_loop3A_374 : i32 to index
      %parallel_loop3A_489 = arith.constant 48 : index
      %parallel_loop3A_490 = tpu.vector_load %arg13[%parallel_loop3A_488, %parallel_loop3A_489] {strides = array<i32>} : memref<64x128xi32, #tpu.memory_space<vmem>>, vector<1x16xi32>,
      %parallel_loop3A_491 = vector.shape_cast %parallel_loop3A_490 : vector<1x16xi32> to vector<16xi32>
      %parallel_loop3A_492 = arith.constant 16 : i32
      %parallel_loop3A_493 = vector.broadcast %parallel_loop3A_492 : i32 to vector<16xi32>
      %parallel_loop3A_494 = arith.shli %parallel_loop3A_491, %parallel_loop3A_493 : vector<16xi32>
      %parallel_loop3A_495 = tpu.bitcast %parallel_loop3A_494 : vector<16xi32> -> vector<16xf32>
      %parallel_loop3A_496 = arith.constant -65536 : i32
      %parallel_loop3A_497 = vector.broadcast %parallel_loop3A_496 : i32 to vector<16xi32>
      %parallel_loop3A_498 = arith.andi %parallel_loop3A_491, %parallel_loop3A_497 : vector<16xi32>
      %parallel_loop3A_499 = tpu.bitcast %parallel_loop3A_498 : vector<16xi32> -> vector<16xf32>
      %parallel_loop3A_500 = arith.index_cast %parallel_loop3A_374 : i32 to index
      %parallel_loop3A_501 = arith.constant 80 : index
      %parallel_loop3A_502 = tpu.vector_load %arg13[%parallel_loop3A_500, %parallel_loop3A_501] {strides = array<i32>} : memref<64x128xi32, #tpu.memory_space<vmem>>, vector<1x16xi32>,
      %parallel_loop3A_503 = vector.shape_cast %parallel_loop3A_502 : vector<1x16xi32> to vector<16xi32>
      %parallel_loop3A_504 = arith.constant 16 : i32
      %parallel_loop3A_505 = vector.broadcast %parallel_loop3A_504 : i32 to vector<16xi32>
      %parallel_loop3A_506 = arith.shli %parallel_loop3A_503, %parallel_loop3A_505 : vector<16xi32>
      %parallel_loop3A_507 = tpu.bitcast %parallel_loop3A_506 : vector<16xi32> -> vector<16xf32>
      %parallel_loop3A_508 = arith.constant -65536 : i32
      %parallel_loop3A_509 = vector.broadcast %parallel_loop3A_508 : i32 to vector<16xi32>
      %parallel_loop3A_510 = arith.andi %parallel_loop3A_503, %parallel_loop3A_509 : vector<16xi32>
      %parallel_loop3A_511 = tpu.bitcast %parallel_loop3A_510 : vector<16xi32> -> vector<16xf32>
      %parallel_loop3A_512 = arith.index_cast %parallel_loop3A_374 : i32 to index
      %parallel_loop3A_513 = arith.constant 32 : index
      %parallel_loop3A_514 = tpu.vector_load %arg11[%parallel_loop3A_512, %parallel_loop3A_513] {strides = array<i32>} : memref<64x128xf32, #tpu.memory_space<vmem>>, vector<1x16xf32>,
      %parallel_loop3A_515 = vector.shape_cast %parallel_loop3A_514 : vector<1x16xf32> to vector<16xf32>
      %parallel_loop3A_516 = arith.addf %parallel_loop3A_515, %parallel_loop3A_483 : vector<16xf32>
      %parallel_loop3A_517 = arith.index_cast %parallel_loop3A_374 : i32 to index
      %parallel_loop3A_518 = arith.constant 32 : index
      %parallel_loop3A_519 = tpu.vector_load %arg15[%parallel_loop3A_517, %parallel_loop3A_518] {strides = array<i32>} : memref<64x128xf32, #tpu.memory_space<vmem>>, vector<1x16xf32>,
      %parallel_loop3A_520 = vector.shape_cast %parallel_loop3A_519 : vector<1x16xf32> to vector<16xf32>
      %parallel_loop3A_521 = arith.subf %parallel_loop3A_516, %parallel_loop3A_520 : vector<16xf32>
      %parallel_loop3A_522 = arith.constant 7.17714262 : f32
      %parallel_loop3A_523 = vector.broadcast %parallel_loop3A_522 : f32 to vector<16xf32>
      %parallel_loop3A_524 = arith.mulf %parallel_loop3A_521, %parallel_loop3A_523 : vector<16xf32>
      %parallel_loop3A_525 = arith.index_cast %parallel_loop3A_374 : i32 to index
      %parallel_loop3A_526 = arith.constant 32 : index
      %parallel_loop3A_527 = tpu.vector_load %arg17[%parallel_loop3A_525, %parallel_loop3A_526] {strides = array<i32>} : memref<64x64xf32, #tpu.memory_space<vmem>>, vector<1x16xf32>,
      %parallel_loop3A_528 = vector.shape_cast %parallel_loop3A_527 : vector<1x16xf32> to vector<16xf32>
      %parallel_loop3A_529 = vector.shape_cast %parallel_loop3A_524 : vector<16xf32> to vector<1x16xf32>
      tpu.vector_store %arg17[%parallel_loop3A_525, %parallel_loop3A_526], %parallel_loop3A_529 {strides = array<i32>} : memref<64x64xf32, #tpu.memory_space<vmem>>, vector<1x16xf32>,
      %parallel_loop3A_530 = arith.index_cast %parallel_loop3A_374 : i32 to index
      %parallel_loop3A_531 = arith.constant 96 : index
      %parallel_loop3A_532 = tpu.vector_load %arg11[%parallel_loop3A_530, %parallel_loop3A_531] {strides = array<i32>} : memref<64x128xf32, #tpu.memory_space<vmem>>, vector<1x16xf32>,
      %parallel_loop3A_533 = vector.shape_cast %parallel_loop3A_532 : vector<1x16xf32> to vector<16xf32>
      %parallel_loop3A_534 = arith.mulf %parallel_loop3A_533, %parallel_loop3A_495 : vector<16xf32>
      %parallel_loop3A_535 = arith.index_cast %parallel_loop3A_374 : i32 to index
      %parallel_loop3A_536 = arith.constant 96 : index
      %parallel_loop3A_537 = tpu.vector_load %arg15[%parallel_loop3A_535, %parallel_loop3A_536] {strides = array<i32>} : memref<64x128xf32, #tpu.memory_space<vmem>>, vector<1x16xf32>,
      %parallel_loop3A_538 = vector.shape_cast %parallel_loop3A_537 : vector<1x16xf32> to vector<16xf32>
      %parallel_loop3A_539 = math.absf %parallel_loop3A_538 : vector<16xf32>
      %parallel_loop3A_540 = arith.mulf %parallel_loop3A_539, %parallel_loop3A_507 : vector<16xf32>
      %parallel_loop3A_541 = arith.subf %parallel_loop3A_534, %parallel_loop3A_540 : vector<16xf32>
      %parallel_loop3A_542 = arith.mulf %parallel_loop3A_541, %parallel_loop3A_541 : vector<16xf32>
      %parallel_loop3A_543 = arith.addf %parallel_loop3A_475, %parallel_loop3A_542 : vector<16xf32>
      %parallel_loop3A_544 = arith.index_cast %parallel_loop3A_374 : i32 to index
      %parallel_loop3A_545 = arith.constant 48 : index
      %parallel_loop3A_546 = tpu.vector_load %arg11[%parallel_loop3A_544, %parallel_loop3A_545] {strides = array<i32>} : memref<64x128xf32, #tpu.memory_space<vmem>>, vector<1x16xf32>,
      %parallel_loop3A_547 = vector.shape_cast %parallel_loop3A_546 : vector<1x16xf32> to vector<16xf32>
      %parallel_loop3A_548 = arith.addf %parallel_loop3A_547, %parallel_loop3A_487 : vector<16xf32>
      %parallel_loop3A_549 = arith.index_cast %parallel_loop3A_374 : i32 to index
      %parallel_loop3A_550 = arith.constant 48 : index
      %parallel_loop3A_551 = tpu.vector_load %arg15[%parallel_loop3A_549, %parallel_loop3A_550] {strides = array<i32>} : memref<64x128xf32, #tpu.memory_space<vmem>>, vector<1x16xf32>,
      %parallel_loop3A_552 = vector.shape_cast %parallel_loop3A_551 : vector<1x16xf32> to vector<16xf32>
      %parallel_loop3A_553 = arith.subf %parallel_loop3A_548, %parallel_loop3A_552 : vector<16xf32>
      %parallel_loop3A_554 = arith.constant 7.17714262 : f32
      %parallel_loop3A_555 = vector.broadcast %parallel_loop3A_554 : f32 to vector<16xf32>
      %parallel_loop3A_556 = arith.mulf %parallel_loop3A_553, %parallel_loop3A_555 : vector<16xf32>
      %parallel_loop3A_557 = arith.index_cast %parallel_loop3A_374 : i32 to index
      %parallel_loop3A_558 = arith.constant 48 : index
      %parallel_loop3A_559 = tpu.vector_load %arg17[%parallel_loop3A_557, %parallel_loop3A_558] {strides = array<i32>} : memref<64x64xf32, #tpu.memory_space<vmem>>, vector<1x16xf32>,
      %parallel_loop3A_560 = vector.shape_cast %parallel_loop3A_559 : vector<1x16xf32> to vector<16xf32>
      %parallel_loop3A_561 = vector.shape_cast %parallel_loop3A_556 : vector<16xf32> to vector<1x16xf32>
      tpu.vector_store %arg17[%parallel_loop3A_557, %parallel_loop3A_558], %parallel_loop3A_561 {strides = array<i32>} : memref<64x64xf32, #tpu.memory_space<vmem>>, vector<1x16xf32>,
      %parallel_loop3A_562 = arith.index_cast %parallel_loop3A_374 : i32 to index
      %parallel_loop3A_563 = arith.constant 112 : index
      %parallel_loop3A_564 = tpu.vector_load %arg11[%parallel_loop3A_562, %parallel_loop3A_563] {strides = array<i32>} : memref<64x128xf32, #tpu.memory_space<vmem>>, vector<1x16xf32>,
      %parallel_loop3A_565 = vector.shape_cast %parallel_loop3A_564 : vector<1x16xf32> to vector<16xf32>
      %parallel_loop3A_566 = arith.mulf %parallel_loop3A_565, %parallel_loop3A_499 : vector<16xf32>
      %parallel_loop3A_567 = arith.index_cast %parallel_loop3A_374 : i32 to index
      %parallel_loop3A_568 = arith.constant 112 : index
      %parallel_loop3A_569 = tpu.vector_load %arg15[%parallel_loop3A_567, %parallel_loop3A_568] {strides = array<i32>} : memref<64x128xf32, #tpu.memory_space<vmem>>, vector<1x16xf32>,
      %parallel_loop3A_570 = vector.shape_cast %parallel_loop3A_569 : vector<1x16xf32> to vector<16xf32>
      %parallel_loop3A_571 = math.absf %parallel_loop3A_570 : vector<16xf32>
      %parallel_loop3A_572 = arith.mulf %parallel_loop3A_571, %parallel_loop3A_511 : vector<16xf32>
      %parallel_loop3A_573 = arith.subf %parallel_loop3A_566, %parallel_loop3A_572 : vector<16xf32>
      %parallel_loop3A_574 = arith.mulf %parallel_loop3A_573, %parallel_loop3A_573 : vector<16xf32>
      %parallel_loop3A_575 = arith.addf %parallel_loop3A_543, %parallel_loop3A_574 : vector<16xf32>
      scf.yield %parallel_loop3A_575 : vector<16xf32>
    } {sc.loop_unroll_factor = 4 : i64, sc.parallel_access}
    %add3A_194 = arith.constant 192 : i32
    %add3A_195 = arith.addi %mul3A_2, %add3A_194 : i32
    %dma_start3A_196 = arith.constant 0 : i32
    %dma_start3A_197 = tpu.memref_slice %arg5[%add3A_195, %dma_start3A_196] : memref<16384x64xf32, #tpu.memory_space<hbm>> -> memref<64x64xf32, #tpu.memory_space<hbm>>
    %dma_start3A_198 = arith.constant 0 : i32
    %dma_start3A_199 = tpu.memref_slice %arg5[%add3A_195, %dma_start3A_198] : memref<16384x64xf32, #tpu.memory_space<hbm>> -> memref<64x64xf32, #tpu.memory_space<hbm>>
    tpu.enqueue_dma source(%arg17 : memref<64x64xf32, #tpu.memory_space<vmem>>) target(%dma_start3A_199 : memref<64x64xf32, #tpu.memory_space<hbm>>) target_semaphore(%arg23 : memref<!tpu.dma_semaphore, #tpu.memory_space<semaphore_mem>>)
    %dma_start3A_200 = arith.constant 320 : i32
    %dma_start3A_201 = tpu.memref_slice %arg7[%dma_start3A_200] : memref<512xi32, #tpu.memory_space<vmem>> -> memref<64xi32, #tpu.memory_space<vmem>>
    %dma_start3A_202 = arith.constant 0 : i32
    %dma_start3A_203 = arith.constant 0 : i32
    %dma_start3A_204 = tpu.memref_slice %arg3[%dma_start3A_202, %dma_start3A_203] : memref<1000000x128xf32, #tpu.memory_space<hbm>> -> memref<1000000x128xf32, #tpu.memory_space<hbm>>
    tpu.enqueue_indirect_dma source(%dma_start3A_204 : memref<1000000x128xf32, #tpu.memory_space<hbm>>) target(%arg11 : memref<64x128xf32, #tpu.memory_space<vmem>>) offsets(%dma_start3A_201 : memref<64xi32, #tpu.memory_space<vmem>>) semaphore(%arg21 : memref<!tpu.dma_semaphore, #tpu.memory_space<semaphore_mem>>)
    %dma_start3A_205 = arith.constant 320 : i32
    %dma_start3A_206 = tpu.memref_slice %arg8[%dma_start3A_205] : memref<512xi32, #tpu.memory_space<vmem>> -> memref<64xi32, #tpu.memory_space<vmem>>
    %dma_start3A_207 = arith.constant 0 : i32
    %dma_start3A_208 = arith.constant 0 : i32
    %dma_start3A_209 = tpu.memref_slice %arg4[%dma_start3A_207, %dma_start3A_208] : memref<1000x128xi32, #tpu.memory_space<hbm>> -> memref<1000x128xi32, #tpu.memory_space<hbm>>
    tpu.enqueue_indirect_dma source(%dma_start3A_209 : memref<1000x128xi32, #tpu.memory_space<hbm>>) target(%arg13 : memref<64x128xi32, #tpu.memory_space<vmem>>) offsets(%dma_start3A_206 : memref<64xi32, #tpu.memory_space<vmem>>) semaphore(%arg21 : memref<!tpu.dma_semaphore, #tpu.memory_space<semaphore_mem>>)
    %dma_start3A_210 = arith.constant 320 : i32
    %dma_start3A_211 = tpu.memref_slice %arg9[%dma_start3A_210] : memref<512xi32, #tpu.memory_space<vmem>> -> memref<64xi32, #tpu.memory_space<vmem>>
    %dma_start3A_212 = arith.constant 0 : i32
    %dma_start3A_213 = arith.constant 0 : i32
    %dma_start3A_214 = tpu.memref_slice %arg3[%dma_start3A_212, %dma_start3A_213] : memref<1000000x128xf32, #tpu.memory_space<hbm>> -> memref<1000000x128xf32, #tpu.memory_space<hbm>>
    tpu.enqueue_indirect_dma source(%dma_start3A_214 : memref<1000000x128xf32, #tpu.memory_space<hbm>>) target(%arg15 : memref<64x128xf32, #tpu.memory_space<vmem>>) offsets(%dma_start3A_211 : memref<64xi32, #tpu.memory_space<vmem>>) semaphore(%arg21 : memref<!tpu.dma_semaphore, #tpu.memory_space<semaphore_mem>>)
    %dma_wait3A_215 = arith.constant 256 : i32
    %dma_wait3A_216 = tpu.memref_slice %arg7[%dma_wait3A_215] : memref<512xi32, #tpu.memory_space<vmem>> -> memref<64xi32, #tpu.memory_space<vmem>>
    %dma_wait3A_217 = arith.constant 0 : i32
    %dma_wait3A_218 = arith.constant 0 : i32
    %dma_wait3A_219 = tpu.memref_slice %arg3[%dma_wait3A_217, %dma_wait3A_218] : memref<1000000x128xf32, #tpu.memory_space<hbm>> -> memref<1000000x128xf32, #tpu.memory_space<hbm>>
    tpu.wait_indirect_dma semaphore(%arg20 : memref<!tpu.dma_semaphore, #tpu.memory_space<semaphore_mem>>) src(%dma_wait3A_219 : memref<1000000x128xf32, #tpu.memory_space<hbm>>) dst(%arg10 : memref<64x128xf32, #tpu.memory_space<vmem>>)
    %dma_wait3A_220 = arith.constant 256 : i32
    %dma_wait3A_221 = tpu.memref_slice %arg8[%dma_wait3A_220] : memref<512xi32, #tpu.memory_space<vmem>> -> memref<64xi32, #tpu.memory_space<vmem>>
    %dma_wait3A_222 = arith.constant 0 : i32
    %dma_wait3A_223 = arith.constant 0 : i32
    %dma_wait3A_224 = tpu.memref_slice %arg4[%dma_wait3A_222, %dma_wait3A_223] : memref<1000x128xi32, #tpu.memory_space<hbm>> -> memref<1000x128xi32, #tpu.memory_space<hbm>>
    tpu.wait_indirect_dma semaphore(%arg20 : memref<!tpu.dma_semaphore, #tpu.memory_space<semaphore_mem>>) src(%dma_wait3A_224 : memref<1000x128xi32, #tpu.memory_space<hbm>>) dst(%arg12 : memref<64x128xi32, #tpu.memory_space<vmem>>)
    %dma_wait3A_225 = arith.constant 256 : i32
    %dma_wait3A_226 = tpu.memref_slice %arg9[%dma_wait3A_225] : memref<512xi32, #tpu.memory_space<vmem>> -> memref<64xi32, #tpu.memory_space<vmem>>
    %dma_wait3A_227 = arith.constant 0 : i32
    %dma_wait3A_228 = arith.constant 0 : i32
    %dma_wait3A_229 = tpu.memref_slice %arg3[%dma_wait3A_227, %dma_wait3A_228] : memref<1000000x128xf32, #tpu.memory_space<hbm>> -> memref<1000000x128xf32, #tpu.memory_space<hbm>>
    tpu.wait_indirect_dma semaphore(%arg20 : memref<!tpu.dma_semaphore, #tpu.memory_space<semaphore_mem>>) src(%dma_wait3A_229 : memref<1000000x128xf32, #tpu.memory_space<hbm>>) dst(%arg14 : memref<64x128xf32, #tpu.memory_space<vmem>>)
    %dma_wait3A_230 = arith.constant 0 : i32
    %dma_wait3A_231 = tpu.memref_slice %arg5[%add3A_151, %dma_wait3A_230] : memref<16384x64xf32, #tpu.memory_space<hbm>> -> memref<64x64xf32, #tpu.memory_space<hbm>>
    %dma_wait3A_232 = arith.constant 0 : i32
    %dma_wait3A_233 = tpu.memref_slice %arg5[%add3A_151, %dma_wait3A_232] : memref<16384x64xf32, #tpu.memory_space<hbm>> -> memref<64x64xf32, #tpu.memory_space<hbm>>
    tpu.wait_dma2 semaphore(%arg22 : memref<!tpu.dma_semaphore, #tpu.memory_space<semaphore_mem>>) src(%arg16 : memref<64x64xf32, #tpu.memory_space<vmem>>) dst(%dma_wait3A_233 : memref<64x64xf32, #tpu.memory_space<hbm>>)
    %parallel_loop3A_234 = arith.constant 0 : i32
    %parallel_loop3A_235 = arith.constant 64 : i32
    %parallel_loop3A_236 = arith.constant 1 : i32
    %parallel_loop3A_237 = scf.for %parallel_loop3A_374 = %parallel_loop3A_234 to %parallel_loop3A_235 step %parallel_loop3A_236 iter_args(%parallel_loop3A_375 = %parallel_loop3A_193) -> (vector<16xf32>)  : i32 {
      %parallel_loop3A_376 = arith.index_cast %parallel_loop3A_374 : i32 to index
      %parallel_loop3A_377 = arith.constant 0 : index
      %parallel_loop3A_378 = tpu.vector_load %arg12[%parallel_loop3A_376, %parallel_loop3A_377] {strides = array<i32>} : memref<64x128xi32, #tpu.memory_space<vmem>>, vector<1x16xi32>,
      %parallel_loop3A_379 = vector.shape_cast %parallel_loop3A_378 : vector<1x16xi32> to vector<16xi32>
      %parallel_loop3A_380 = arith.constant 16 : i32
      %parallel_loop3A_381 = vector.broadcast %parallel_loop3A_380 : i32 to vector<16xi32>
      %parallel_loop3A_382 = arith.shli %parallel_loop3A_379, %parallel_loop3A_381 : vector<16xi32>
      %parallel_loop3A_383 = tpu.bitcast %parallel_loop3A_382 : vector<16xi32> -> vector<16xf32>
      %parallel_loop3A_384 = arith.constant -65536 : i32
      %parallel_loop3A_385 = vector.broadcast %parallel_loop3A_384 : i32 to vector<16xi32>
      %parallel_loop3A_386 = arith.andi %parallel_loop3A_379, %parallel_loop3A_385 : vector<16xi32>
      %parallel_loop3A_387 = tpu.bitcast %parallel_loop3A_386 : vector<16xi32> -> vector<16xf32>
      %parallel_loop3A_388 = arith.index_cast %parallel_loop3A_374 : i32 to index
      %parallel_loop3A_389 = arith.constant 32 : index
      %parallel_loop3A_390 = tpu.vector_load %arg12[%parallel_loop3A_388, %parallel_loop3A_389] {strides = array<i32>} : memref<64x128xi32, #tpu.memory_space<vmem>>, vector<1x16xi32>,
      %parallel_loop3A_391 = vector.shape_cast %parallel_loop3A_390 : vector<1x16xi32> to vector<16xi32>
      %parallel_loop3A_392 = arith.constant 16 : i32
      %parallel_loop3A_393 = vector.broadcast %parallel_loop3A_392 : i32 to vector<16xi32>
      %parallel_loop3A_394 = arith.shli %parallel_loop3A_391, %parallel_loop3A_393 : vector<16xi32>
      %parallel_loop3A_395 = tpu.bitcast %parallel_loop3A_394 : vector<16xi32> -> vector<16xf32>
      %parallel_loop3A_396 = arith.constant -65536 : i32
      %parallel_loop3A_397 = vector.broadcast %parallel_loop3A_396 : i32 to vector<16xi32>
      %parallel_loop3A_398 = arith.andi %parallel_loop3A_391, %parallel_loop3A_397 : vector<16xi32>
      %parallel_loop3A_399 = tpu.bitcast %parallel_loop3A_398 : vector<16xi32> -> vector<16xf32>
      %parallel_loop3A_400 = arith.index_cast %parallel_loop3A_374 : i32 to index
      %parallel_loop3A_401 = arith.constant 64 : index
      %parallel_loop3A_402 = tpu.vector_load %arg12[%parallel_loop3A_400, %parallel_loop3A_401] {strides = array<i32>} : memref<64x128xi32, #tpu.memory_space<vmem>>, vector<1x16xi32>,
      %parallel_loop3A_403 = vector.shape_cast %parallel_loop3A_402 : vector<1x16xi32> to vector<16xi32>
      %parallel_loop3A_404 = arith.constant 16 : i32
      %parallel_loop3A_405 = vector.broadcast %parallel_loop3A_404 : i32 to vector<16xi32>
      %parallel_loop3A_406 = arith.shli %parallel_loop3A_403, %parallel_loop3A_405 : vector<16xi32>
      %parallel_loop3A_407 = tpu.bitcast %parallel_loop3A_406 : vector<16xi32> -> vector<16xf32>
      %parallel_loop3A_408 = arith.constant -65536 : i32
      %parallel_loop3A_409 = vector.broadcast %parallel_loop3A_408 : i32 to vector<16xi32>
      %parallel_loop3A_410 = arith.andi %parallel_loop3A_403, %parallel_loop3A_409 : vector<16xi32>
      %parallel_loop3A_411 = tpu.bitcast %parallel_loop3A_410 : vector<16xi32> -> vector<16xf32>
      %parallel_loop3A_412 = arith.index_cast %parallel_loop3A_374 : i32 to index
      %parallel_loop3A_413 = arith.constant 0 : index
      %parallel_loop3A_414 = tpu.vector_load %arg10[%parallel_loop3A_412, %parallel_loop3A_413] {strides = array<i32>} : memref<64x128xf32, #tpu.memory_space<vmem>>, vector<1x16xf32>,
      %parallel_loop3A_415 = vector.shape_cast %parallel_loop3A_414 : vector<1x16xf32> to vector<16xf32>
      %parallel_loop3A_416 = arith.addf %parallel_loop3A_415, %parallel_loop3A_383 : vector<16xf32>
      %parallel_loop3A_417 = arith.index_cast %parallel_loop3A_374 : i32 to index
      %parallel_loop3A_418 = arith.constant 0 : index
      %parallel_loop3A_419 = tpu.vector_load %arg14[%parallel_loop3A_417, %parallel_loop3A_418] {strides = array<i32>} : memref<64x128xf32, #tpu.memory_space<vmem>>, vector<1x16xf32>,
      %parallel_loop3A_420 = vector.shape_cast %parallel_loop3A_419 : vector<1x16xf32> to vector<16xf32>
      %parallel_loop3A_421 = arith.subf %parallel_loop3A_416, %parallel_loop3A_420 : vector<16xf32>
      %parallel_loop3A_422 = arith.constant 7.17714262 : f32
      %parallel_loop3A_423 = vector.broadcast %parallel_loop3A_422 : f32 to vector<16xf32>
      %parallel_loop3A_424 = arith.mulf %parallel_loop3A_421, %parallel_loop3A_423 : vector<16xf32>
      %parallel_loop3A_425 = arith.index_cast %parallel_loop3A_374 : i32 to index
      %parallel_loop3A_426 = arith.constant 0 : index
      %parallel_loop3A_427 = tpu.vector_load %arg16[%parallel_loop3A_425, %parallel_loop3A_426] {strides = array<i32>} : memref<64x64xf32, #tpu.memory_space<vmem>>, vector<1x16xf32>,
      %parallel_loop3A_428 = vector.shape_cast %parallel_loop3A_427 : vector<1x16xf32> to vector<16xf32>
      %parallel_loop3A_429 = vector.shape_cast %parallel_loop3A_424 : vector<16xf32> to vector<1x16xf32>
      tpu.vector_store %arg16[%parallel_loop3A_425, %parallel_loop3A_426], %parallel_loop3A_429 {strides = array<i32>} : memref<64x64xf32, #tpu.memory_space<vmem>>, vector<1x16xf32>,
      %parallel_loop3A_430 = arith.index_cast %parallel_loop3A_374 : i32 to index
      %parallel_loop3A_431 = arith.constant 64 : index
      %parallel_loop3A_432 = tpu.vector_load %arg10[%parallel_loop3A_430, %parallel_loop3A_431] {strides = array<i32>} : memref<64x128xf32, #tpu.memory_space<vmem>>, vector<1x16xf32>,
      %parallel_loop3A_433 = vector.shape_cast %parallel_loop3A_432 : vector<1x16xf32> to vector<16xf32>
      %parallel_loop3A_434 = arith.mulf %parallel_loop3A_433, %parallel_loop3A_395 : vector<16xf32>
      %parallel_loop3A_435 = arith.index_cast %parallel_loop3A_374 : i32 to index
      %parallel_loop3A_436 = arith.constant 64 : index
      %parallel_loop3A_437 = tpu.vector_load %arg14[%parallel_loop3A_435, %parallel_loop3A_436] {strides = array<i32>} : memref<64x128xf32, #tpu.memory_space<vmem>>, vector<1x16xf32>,
      %parallel_loop3A_438 = vector.shape_cast %parallel_loop3A_437 : vector<1x16xf32> to vector<16xf32>
      %parallel_loop3A_439 = math.absf %parallel_loop3A_438 : vector<16xf32>
      %parallel_loop3A_440 = arith.mulf %parallel_loop3A_439, %parallel_loop3A_407 : vector<16xf32>
      %parallel_loop3A_441 = arith.subf %parallel_loop3A_434, %parallel_loop3A_440 : vector<16xf32>
      %parallel_loop3A_442 = arith.mulf %parallel_loop3A_441, %parallel_loop3A_441 : vector<16xf32>
      %parallel_loop3A_443 = arith.addf %parallel_loop3A_375, %parallel_loop3A_442 : vector<16xf32>
      %parallel_loop3A_444 = arith.index_cast %parallel_loop3A_374 : i32 to index
      %parallel_loop3A_445 = arith.constant 16 : index
      %parallel_loop3A_446 = tpu.vector_load %arg10[%parallel_loop3A_444, %parallel_loop3A_445] {strides = array<i32>} : memref<64x128xf32, #tpu.memory_space<vmem>>, vector<1x16xf32>,
      %parallel_loop3A_447 = vector.shape_cast %parallel_loop3A_446 : vector<1x16xf32> to vector<16xf32>
      %parallel_loop3A_448 = arith.addf %parallel_loop3A_447, %parallel_loop3A_387 : vector<16xf32>
      %parallel_loop3A_449 = arith.index_cast %parallel_loop3A_374 : i32 to index
      %parallel_loop3A_450 = arith.constant 16 : index
      %parallel_loop3A_451 = tpu.vector_load %arg14[%parallel_loop3A_449, %parallel_loop3A_450] {strides = array<i32>} : memref<64x128xf32, #tpu.memory_space<vmem>>, vector<1x16xf32>,
      %parallel_loop3A_452 = vector.shape_cast %parallel_loop3A_451 : vector<1x16xf32> to vector<16xf32>
      %parallel_loop3A_453 = arith.subf %parallel_loop3A_448, %parallel_loop3A_452 : vector<16xf32>
      %parallel_loop3A_454 = arith.constant 7.17714262 : f32
      %parallel_loop3A_455 = vector.broadcast %parallel_loop3A_454 : f32 to vector<16xf32>
      %parallel_loop3A_456 = arith.mulf %parallel_loop3A_453, %parallel_loop3A_455 : vector<16xf32>
      %parallel_loop3A_457 = arith.index_cast %parallel_loop3A_374 : i32 to index
      %parallel_loop3A_458 = arith.constant 16 : index
      %parallel_loop3A_459 = tpu.vector_load %arg16[%parallel_loop3A_457, %parallel_loop3A_458] {strides = array<i32>} : memref<64x64xf32, #tpu.memory_space<vmem>>, vector<1x16xf32>,
      %parallel_loop3A_460 = vector.shape_cast %parallel_loop3A_459 : vector<1x16xf32> to vector<16xf32>
      %parallel_loop3A_461 = vector.shape_cast %parallel_loop3A_456 : vector<16xf32> to vector<1x16xf32>
      tpu.vector_store %arg16[%parallel_loop3A_457, %parallel_loop3A_458], %parallel_loop3A_461 {strides = array<i32>} : memref<64x64xf32, #tpu.memory_space<vmem>>, vector<1x16xf32>,
      %parallel_loop3A_462 = arith.index_cast %parallel_loop3A_374 : i32 to index
      %parallel_loop3A_463 = arith.constant 80 : index
      %parallel_loop3A_464 = tpu.vector_load %arg10[%parallel_loop3A_462, %parallel_loop3A_463] {strides = array<i32>} : memref<64x128xf32, #tpu.memory_space<vmem>>, vector<1x16xf32>,
      %parallel_loop3A_465 = vector.shape_cast %parallel_loop3A_464 : vector<1x16xf32> to vector<16xf32>
      %parallel_loop3A_466 = arith.mulf %parallel_loop3A_465, %parallel_loop3A_399 : vector<16xf32>
      %parallel_loop3A_467 = arith.index_cast %parallel_loop3A_374 : i32 to index
      %parallel_loop3A_468 = arith.constant 80 : index
      %parallel_loop3A_469 = tpu.vector_load %arg14[%parallel_loop3A_467, %parallel_loop3A_468] {strides = array<i32>} : memref<64x128xf32, #tpu.memory_space<vmem>>, vector<1x16xf32>,
      %parallel_loop3A_470 = vector.shape_cast %parallel_loop3A_469 : vector<1x16xf32> to vector<16xf32>
      %parallel_loop3A_471 = math.absf %parallel_loop3A_470 : vector<16xf32>
      %parallel_loop3A_472 = arith.mulf %parallel_loop3A_471, %parallel_loop3A_411 : vector<16xf32>
      %parallel_loop3A_473 = arith.subf %parallel_loop3A_466, %parallel_loop3A_472 : vector<16xf32>
      %parallel_loop3A_474 = arith.mulf %parallel_loop3A_473, %parallel_loop3A_473 : vector<16xf32>
      %parallel_loop3A_475 = arith.addf %parallel_loop3A_443, %parallel_loop3A_474 : vector<16xf32>
      %parallel_loop3A_476 = arith.index_cast %parallel_loop3A_374 : i32 to index
      %parallel_loop3A_477 = arith.constant 16 : index
      %parallel_loop3A_478 = tpu.vector_load %arg12[%parallel_loop3A_476, %parallel_loop3A_477] {strides = array<i32>} : memref<64x128xi32, #tpu.memory_space<vmem>>, vector<1x16xi32>,
      %parallel_loop3A_479 = vector.shape_cast %parallel_loop3A_478 : vector<1x16xi32> to vector<16xi32>
      %parallel_loop3A_480 = arith.constant 16 : i32
      %parallel_loop3A_481 = vector.broadcast %parallel_loop3A_480 : i32 to vector<16xi32>
      %parallel_loop3A_482 = arith.shli %parallel_loop3A_479, %parallel_loop3A_481 : vector<16xi32>
      %parallel_loop3A_483 = tpu.bitcast %parallel_loop3A_482 : vector<16xi32> -> vector<16xf32>
      %parallel_loop3A_484 = arith.constant -65536 : i32
      %parallel_loop3A_485 = vector.broadcast %parallel_loop3A_484 : i32 to vector<16xi32>
      %parallel_loop3A_486 = arith.andi %parallel_loop3A_479, %parallel_loop3A_485 : vector<16xi32>
      %parallel_loop3A_487 = tpu.bitcast %parallel_loop3A_486 : vector<16xi32> -> vector<16xf32>
      %parallel_loop3A_488 = arith.index_cast %parallel_loop3A_374 : i32 to index
      %parallel_loop3A_489 = arith.constant 48 : index
      %parallel_loop3A_490 = tpu.vector_load %arg12[%parallel_loop3A_488, %parallel_loop3A_489] {strides = array<i32>} : memref<64x128xi32, #tpu.memory_space<vmem>>, vector<1x16xi32>,
      %parallel_loop3A_491 = vector.shape_cast %parallel_loop3A_490 : vector<1x16xi32> to vector<16xi32>
      %parallel_loop3A_492 = arith.constant 16 : i32
      %parallel_loop3A_493 = vector.broadcast %parallel_loop3A_492 : i32 to vector<16xi32>
      %parallel_loop3A_494 = arith.shli %parallel_loop3A_491, %parallel_loop3A_493 : vector<16xi32>
      %parallel_loop3A_495 = tpu.bitcast %parallel_loop3A_494 : vector<16xi32> -> vector<16xf32>
      %parallel_loop3A_496 = arith.constant -65536 : i32
      %parallel_loop3A_497 = vector.broadcast %parallel_loop3A_496 : i32 to vector<16xi32>
      %parallel_loop3A_498 = arith.andi %parallel_loop3A_491, %parallel_loop3A_497 : vector<16xi32>
      %parallel_loop3A_499 = tpu.bitcast %parallel_loop3A_498 : vector<16xi32> -> vector<16xf32>
      %parallel_loop3A_500 = arith.index_cast %parallel_loop3A_374 : i32 to index
      %parallel_loop3A_501 = arith.constant 80 : index
      %parallel_loop3A_502 = tpu.vector_load %arg12[%parallel_loop3A_500, %parallel_loop3A_501] {strides = array<i32>} : memref<64x128xi32, #tpu.memory_space<vmem>>, vector<1x16xi32>,
      %parallel_loop3A_503 = vector.shape_cast %parallel_loop3A_502 : vector<1x16xi32> to vector<16xi32>
      %parallel_loop3A_504 = arith.constant 16 : i32
      %parallel_loop3A_505 = vector.broadcast %parallel_loop3A_504 : i32 to vector<16xi32>
      %parallel_loop3A_506 = arith.shli %parallel_loop3A_503, %parallel_loop3A_505 : vector<16xi32>
      %parallel_loop3A_507 = tpu.bitcast %parallel_loop3A_506 : vector<16xi32> -> vector<16xf32>
      %parallel_loop3A_508 = arith.constant -65536 : i32
      %parallel_loop3A_509 = vector.broadcast %parallel_loop3A_508 : i32 to vector<16xi32>
      %parallel_loop3A_510 = arith.andi %parallel_loop3A_503, %parallel_loop3A_509 : vector<16xi32>
      %parallel_loop3A_511 = tpu.bitcast %parallel_loop3A_510 : vector<16xi32> -> vector<16xf32>
      %parallel_loop3A_512 = arith.index_cast %parallel_loop3A_374 : i32 to index
      %parallel_loop3A_513 = arith.constant 32 : index
      %parallel_loop3A_514 = tpu.vector_load %arg10[%parallel_loop3A_512, %parallel_loop3A_513] {strides = array<i32>} : memref<64x128xf32, #tpu.memory_space<vmem>>, vector<1x16xf32>,
      %parallel_loop3A_515 = vector.shape_cast %parallel_loop3A_514 : vector<1x16xf32> to vector<16xf32>
      %parallel_loop3A_516 = arith.addf %parallel_loop3A_515, %parallel_loop3A_483 : vector<16xf32>
      %parallel_loop3A_517 = arith.index_cast %parallel_loop3A_374 : i32 to index
      %parallel_loop3A_518 = arith.constant 32 : index
      %parallel_loop3A_519 = tpu.vector_load %arg14[%parallel_loop3A_517, %parallel_loop3A_518] {strides = array<i32>} : memref<64x128xf32, #tpu.memory_space<vmem>>, vector<1x16xf32>,
      %parallel_loop3A_520 = vector.shape_cast %parallel_loop3A_519 : vector<1x16xf32> to vector<16xf32>
      %parallel_loop3A_521 = arith.subf %parallel_loop3A_516, %parallel_loop3A_520 : vector<16xf32>
      %parallel_loop3A_522 = arith.constant 7.17714262 : f32
      %parallel_loop3A_523 = vector.broadcast %parallel_loop3A_522 : f32 to vector<16xf32>
      %parallel_loop3A_524 = arith.mulf %parallel_loop3A_521, %parallel_loop3A_523 : vector<16xf32>
      %parallel_loop3A_525 = arith.index_cast %parallel_loop3A_374 : i32 to index
      %parallel_loop3A_526 = arith.constant 32 : index
      %parallel_loop3A_527 = tpu.vector_load %arg16[%parallel_loop3A_525, %parallel_loop3A_526] {strides = array<i32>} : memref<64x64xf32, #tpu.memory_space<vmem>>, vector<1x16xf32>,
      %parallel_loop3A_528 = vector.shape_cast %parallel_loop3A_527 : vector<1x16xf32> to vector<16xf32>
      %parallel_loop3A_529 = vector.shape_cast %parallel_loop3A_524 : vector<16xf32> to vector<1x16xf32>
      tpu.vector_store %arg16[%parallel_loop3A_525, %parallel_loop3A_526], %parallel_loop3A_529 {strides = array<i32>} : memref<64x64xf32, #tpu.memory_space<vmem>>, vector<1x16xf32>,
      %parallel_loop3A_530 = arith.index_cast %parallel_loop3A_374 : i32 to index
      %parallel_loop3A_531 = arith.constant 96 : index
      %parallel_loop3A_532 = tpu.vector_load %arg10[%parallel_loop3A_530, %parallel_loop3A_531] {strides = array<i32>} : memref<64x128xf32, #tpu.memory_space<vmem>>, vector<1x16xf32>,
      %parallel_loop3A_533 = vector.shape_cast %parallel_loop3A_532 : vector<1x16xf32> to vector<16xf32>
      %parallel_loop3A_534 = arith.mulf %parallel_loop3A_533, %parallel_loop3A_495 : vector<16xf32>
      %parallel_loop3A_535 = arith.index_cast %parallel_loop3A_374 : i32 to index
      %parallel_loop3A_536 = arith.constant 96 : index
      %parallel_loop3A_537 = tpu.vector_load %arg14[%parallel_loop3A_535, %parallel_loop3A_536] {strides = array<i32>} : memref<64x128xf32, #tpu.memory_space<vmem>>, vector<1x16xf32>,
      %parallel_loop3A_538 = vector.shape_cast %parallel_loop3A_537 : vector<1x16xf32> to vector<16xf32>
      %parallel_loop3A_539 = math.absf %parallel_loop3A_538 : vector<16xf32>
      %parallel_loop3A_540 = arith.mulf %parallel_loop3A_539, %parallel_loop3A_507 : vector<16xf32>
      %parallel_loop3A_541 = arith.subf %parallel_loop3A_534, %parallel_loop3A_540 : vector<16xf32>
      %parallel_loop3A_542 = arith.mulf %parallel_loop3A_541, %parallel_loop3A_541 : vector<16xf32>
      %parallel_loop3A_543 = arith.addf %parallel_loop3A_475, %parallel_loop3A_542 : vector<16xf32>
      %parallel_loop3A_544 = arith.index_cast %parallel_loop3A_374 : i32 to index
      %parallel_loop3A_545 = arith.constant 48 : index
      %parallel_loop3A_546 = tpu.vector_load %arg10[%parallel_loop3A_544, %parallel_loop3A_545] {strides = array<i32>} : memref<64x128xf32, #tpu.memory_space<vmem>>, vector<1x16xf32>,
      %parallel_loop3A_547 = vector.shape_cast %parallel_loop3A_546 : vector<1x16xf32> to vector<16xf32>
      %parallel_loop3A_548 = arith.addf %parallel_loop3A_547, %parallel_loop3A_487 : vector<16xf32>
      %parallel_loop3A_549 = arith.index_cast %parallel_loop3A_374 : i32 to index
      %parallel_loop3A_550 = arith.constant 48 : index
      %parallel_loop3A_551 = tpu.vector_load %arg14[%parallel_loop3A_549, %parallel_loop3A_550] {strides = array<i32>} : memref<64x128xf32, #tpu.memory_space<vmem>>, vector<1x16xf32>,
      %parallel_loop3A_552 = vector.shape_cast %parallel_loop3A_551 : vector<1x16xf32> to vector<16xf32>
      %parallel_loop3A_553 = arith.subf %parallel_loop3A_548, %parallel_loop3A_552 : vector<16xf32>
      %parallel_loop3A_554 = arith.constant 7.17714262 : f32
      %parallel_loop3A_555 = vector.broadcast %parallel_loop3A_554 : f32 to vector<16xf32>
      %parallel_loop3A_556 = arith.mulf %parallel_loop3A_553, %parallel_loop3A_555 : vector<16xf32>
      %parallel_loop3A_557 = arith.index_cast %parallel_loop3A_374 : i32 to index
      %parallel_loop3A_558 = arith.constant 48 : index
      %parallel_loop3A_559 = tpu.vector_load %arg16[%parallel_loop3A_557, %parallel_loop3A_558] {strides = array<i32>} : memref<64x64xf32, #tpu.memory_space<vmem>>, vector<1x16xf32>,
      %parallel_loop3A_560 = vector.shape_cast %parallel_loop3A_559 : vector<1x16xf32> to vector<16xf32>
      %parallel_loop3A_561 = vector.shape_cast %parallel_loop3A_556 : vector<16xf32> to vector<1x16xf32>
      tpu.vector_store %arg16[%parallel_loop3A_557, %parallel_loop3A_558], %parallel_loop3A_561 {strides = array<i32>} : memref<64x64xf32, #tpu.memory_space<vmem>>, vector<1x16xf32>,
      %parallel_loop3A_562 = arith.index_cast %parallel_loop3A_374 : i32 to index
      %parallel_loop3A_563 = arith.constant 112 : index
      %parallel_loop3A_564 = tpu.vector_load %arg10[%parallel_loop3A_562, %parallel_loop3A_563] {strides = array<i32>} : memref<64x128xf32, #tpu.memory_space<vmem>>, vector<1x16xf32>,
      %parallel_loop3A_565 = vector.shape_cast %parallel_loop3A_564 : vector<1x16xf32> to vector<16xf32>
      %parallel_loop3A_566 = arith.mulf %parallel_loop3A_565, %parallel_loop3A_499 : vector<16xf32>
      %parallel_loop3A_567 = arith.index_cast %parallel_loop3A_374 : i32 to index
      %parallel_loop3A_568 = arith.constant 112 : index
      %parallel_loop3A_569 = tpu.vector_load %arg14[%parallel_loop3A_567, %parallel_loop3A_568] {strides = array<i32>} : memref<64x128xf32, #tpu.memory_space<vmem>>, vector<1x16xf32>,
      %parallel_loop3A_570 = vector.shape_cast %parallel_loop3A_569 : vector<1x16xf32> to vector<16xf32>
      %parallel_loop3A_571 = math.absf %parallel_loop3A_570 : vector<16xf32>
      %parallel_loop3A_572 = arith.mulf %parallel_loop3A_571, %parallel_loop3A_511 : vector<16xf32>
      %parallel_loop3A_573 = arith.subf %parallel_loop3A_566, %parallel_loop3A_572 : vector<16xf32>
      %parallel_loop3A_574 = arith.mulf %parallel_loop3A_573, %parallel_loop3A_573 : vector<16xf32>
      %parallel_loop3A_575 = arith.addf %parallel_loop3A_543, %parallel_loop3A_574 : vector<16xf32>
      scf.yield %parallel_loop3A_575 : vector<16xf32>
    } {sc.loop_unroll_factor = 4 : i64, sc.parallel_access}
    %add3A_238 = arith.constant 256 : i32
    %add3A_239 = arith.addi %mul3A_2, %add3A_238 : i32
    %dma_start3A_240 = arith.constant 0 : i32
    %dma_start3A_241 = tpu.memref_slice %arg5[%add3A_239, %dma_start3A_240] : memref<16384x64xf32, #tpu.memory_space<hbm>> -> memref<64x64xf32, #tpu.memory_space<hbm>>
    %dma_start3A_242 = arith.constant 0 : i32
    %dma_start3A_243 = tpu.memref_slice %arg5[%add3A_239, %dma_start3A_242] : memref<16384x64xf32, #tpu.memory_space<hbm>> -> memref<64x64xf32, #tpu.memory_space<hbm>>
    tpu.enqueue_dma source(%arg16 : memref<64x64xf32, #tpu.memory_space<vmem>>) target(%dma_start3A_243 : memref<64x64xf32, #tpu.memory_space<hbm>>) target_semaphore(%arg22 : memref<!tpu.dma_semaphore, #tpu.memory_space<semaphore_mem>>)
    %dma_start3A_244 = arith.constant 384 : i32
    %dma_start3A_245 = tpu.memref_slice %arg7[%dma_start3A_244] : memref<512xi32, #tpu.memory_space<vmem>> -> memref<64xi32, #tpu.memory_space<vmem>>
    %dma_start3A_246 = arith.constant 0 : i32
    %dma_start3A_247 = arith.constant 0 : i32
    %dma_start3A_248 = tpu.memref_slice %arg3[%dma_start3A_246, %dma_start3A_247] : memref<1000000x128xf32, #tpu.memory_space<hbm>> -> memref<1000000x128xf32, #tpu.memory_space<hbm>>
    tpu.enqueue_indirect_dma source(%dma_start3A_248 : memref<1000000x128xf32, #tpu.memory_space<hbm>>) target(%arg10 : memref<64x128xf32, #tpu.memory_space<vmem>>) offsets(%dma_start3A_245 : memref<64xi32, #tpu.memory_space<vmem>>) semaphore(%arg20 : memref<!tpu.dma_semaphore, #tpu.memory_space<semaphore_mem>>)
    %dma_start3A_249 = arith.constant 384 : i32
    %dma_start3A_250 = tpu.memref_slice %arg8[%dma_start3A_249] : memref<512xi32, #tpu.memory_space<vmem>> -> memref<64xi32, #tpu.memory_space<vmem>>
    %dma_start3A_251 = arith.constant 0 : i32
    %dma_start3A_252 = arith.constant 0 : i32
    %dma_start3A_253 = tpu.memref_slice %arg4[%dma_start3A_251, %dma_start3A_252] : memref<1000x128xi32, #tpu.memory_space<hbm>> -> memref<1000x128xi32, #tpu.memory_space<hbm>>
    tpu.enqueue_indirect_dma source(%dma_start3A_253 : memref<1000x128xi32, #tpu.memory_space<hbm>>) target(%arg12 : memref<64x128xi32, #tpu.memory_space<vmem>>) offsets(%dma_start3A_250 : memref<64xi32, #tpu.memory_space<vmem>>) semaphore(%arg20 : memref<!tpu.dma_semaphore, #tpu.memory_space<semaphore_mem>>)
    %dma_start3A_254 = arith.constant 384 : i32
    %dma_start3A_255 = tpu.memref_slice %arg9[%dma_start3A_254] : memref<512xi32, #tpu.memory_space<vmem>> -> memref<64xi32, #tpu.memory_space<vmem>>
    %dma_start3A_256 = arith.constant 0 : i32
    %dma_start3A_257 = arith.constant 0 : i32
    %dma_start3A_258 = tpu.memref_slice %arg3[%dma_start3A_256, %dma_start3A_257] : memref<1000000x128xf32, #tpu.memory_space<hbm>> -> memref<1000000x128xf32, #tpu.memory_space<hbm>>
    tpu.enqueue_indirect_dma source(%dma_start3A_258 : memref<1000000x128xf32, #tpu.memory_space<hbm>>) target(%arg14 : memref<64x128xf32, #tpu.memory_space<vmem>>) offsets(%dma_start3A_255 : memref<64xi32, #tpu.memory_space<vmem>>) semaphore(%arg20 : memref<!tpu.dma_semaphore, #tpu.memory_space<semaphore_mem>>)
    %dma_wait3A_259 = arith.constant 320 : i32
    %dma_wait3A_260 = tpu.memref_slice %arg7[%dma_wait3A_259] : memref<512xi32, #tpu.memory_space<vmem>> -> memref<64xi32, #tpu.memory_space<vmem>>
    %dma_wait3A_261 = arith.constant 0 : i32
    %dma_wait3A_262 = arith.constant 0 : i32
    %dma_wait3A_263 = tpu.memref_slice %arg3[%dma_wait3A_261, %dma_wait3A_262] : memref<1000000x128xf32, #tpu.memory_space<hbm>> -> memref<1000000x128xf32, #tpu.memory_space<hbm>>
    tpu.wait_indirect_dma semaphore(%arg21 : memref<!tpu.dma_semaphore, #tpu.memory_space<semaphore_mem>>) src(%dma_wait3A_263 : memref<1000000x128xf32, #tpu.memory_space<hbm>>) dst(%arg11 : memref<64x128xf32, #tpu.memory_space<vmem>>)
    %dma_wait3A_264 = arith.constant 320 : i32
    %dma_wait3A_265 = tpu.memref_slice %arg8[%dma_wait3A_264] : memref<512xi32, #tpu.memory_space<vmem>> -> memref<64xi32, #tpu.memory_space<vmem>>
    %dma_wait3A_266 = arith.constant 0 : i32
    %dma_wait3A_267 = arith.constant 0 : i32
    %dma_wait3A_268 = tpu.memref_slice %arg4[%dma_wait3A_266, %dma_wait3A_267] : memref<1000x128xi32, #tpu.memory_space<hbm>> -> memref<1000x128xi32, #tpu.memory_space<hbm>>
    tpu.wait_indirect_dma semaphore(%arg21 : memref<!tpu.dma_semaphore, #tpu.memory_space<semaphore_mem>>) src(%dma_wait3A_268 : memref<1000x128xi32, #tpu.memory_space<hbm>>) dst(%arg13 : memref<64x128xi32, #tpu.memory_space<vmem>>)
    %dma_wait3A_269 = arith.constant 320 : i32
    %dma_wait3A_270 = tpu.memref_slice %arg9[%dma_wait3A_269] : memref<512xi32, #tpu.memory_space<vmem>> -> memref<64xi32, #tpu.memory_space<vmem>>
    %dma_wait3A_271 = arith.constant 0 : i32
    %dma_wait3A_272 = arith.constant 0 : i32
    %dma_wait3A_273 = tpu.memref_slice %arg3[%dma_wait3A_271, %dma_wait3A_272] : memref<1000000x128xf32, #tpu.memory_space<hbm>> -> memref<1000000x128xf32, #tpu.memory_space<hbm>>
    tpu.wait_indirect_dma semaphore(%arg21 : memref<!tpu.dma_semaphore, #tpu.memory_space<semaphore_mem>>) src(%dma_wait3A_273 : memref<1000000x128xf32, #tpu.memory_space<hbm>>) dst(%arg15 : memref<64x128xf32, #tpu.memory_space<vmem>>)
    %dma_wait3A_274 = arith.constant 0 : i32
    %dma_wait3A_275 = tpu.memref_slice %arg5[%add3A_195, %dma_wait3A_274] : memref<16384x64xf32, #tpu.memory_space<hbm>> -> memref<64x64xf32, #tpu.memory_space<hbm>>
    %dma_wait3A_276 = arith.constant 0 : i32
    %dma_wait3A_277 = tpu.memref_slice %arg5[%add3A_195, %dma_wait3A_276] : memref<16384x64xf32, #tpu.memory_space<hbm>> -> memref<64x64xf32, #tpu.memory_space<hbm>>
    tpu.wait_dma2 semaphore(%arg23 : memref<!tpu.dma_semaphore, #tpu.memory_space<semaphore_mem>>) src(%arg17 : memref<64x64xf32, #tpu.memory_space<vmem>>) dst(%dma_wait3A_277 : memref<64x64xf32, #tpu.memory_space<hbm>>)
    %parallel_loop3A_278 = arith.constant 0 : i32
    %parallel_loop3A_279 = arith.constant 64 : i32
    %parallel_loop3A_280 = arith.constant 1 : i32
    %parallel_loop3A_281 = scf.for %parallel_loop3A_374 = %parallel_loop3A_278 to %parallel_loop3A_279 step %parallel_loop3A_280 iter_args(%parallel_loop3A_375 = %parallel_loop3A_237) -> (vector<16xf32>)  : i32 {
      %parallel_loop3A_376 = arith.index_cast %parallel_loop3A_374 : i32 to index
      %parallel_loop3A_377 = arith.constant 0 : index
      %parallel_loop3A_378 = tpu.vector_load %arg13[%parallel_loop3A_376, %parallel_loop3A_377] {strides = array<i32>} : memref<64x128xi32, #tpu.memory_space<vmem>>, vector<1x16xi32>,
      %parallel_loop3A_379 = vector.shape_cast %parallel_loop3A_378 : vector<1x16xi32> to vector<16xi32>
      %parallel_loop3A_380 = arith.constant 16 : i32
      %parallel_loop3A_381 = vector.broadcast %parallel_loop3A_380 : i32 to vector<16xi32>
      %parallel_loop3A_382 = arith.shli %parallel_loop3A_379, %parallel_loop3A_381 : vector<16xi32>
      %parallel_loop3A_383 = tpu.bitcast %parallel_loop3A_382 : vector<16xi32> -> vector<16xf32>
      %parallel_loop3A_384 = arith.constant -65536 : i32
      %parallel_loop3A_385 = vector.broadcast %parallel_loop3A_384 : i32 to vector<16xi32>
      %parallel_loop3A_386 = arith.andi %parallel_loop3A_379, %parallel_loop3A_385 : vector<16xi32>
      %parallel_loop3A_387 = tpu.bitcast %parallel_loop3A_386 : vector<16xi32> -> vector<16xf32>
      %parallel_loop3A_388 = arith.index_cast %parallel_loop3A_374 : i32 to index
      %parallel_loop3A_389 = arith.constant 32 : index
      %parallel_loop3A_390 = tpu.vector_load %arg13[%parallel_loop3A_388, %parallel_loop3A_389] {strides = array<i32>} : memref<64x128xi32, #tpu.memory_space<vmem>>, vector<1x16xi32>,
      %parallel_loop3A_391 = vector.shape_cast %parallel_loop3A_390 : vector<1x16xi32> to vector<16xi32>
      %parallel_loop3A_392 = arith.constant 16 : i32
      %parallel_loop3A_393 = vector.broadcast %parallel_loop3A_392 : i32 to vector<16xi32>
      %parallel_loop3A_394 = arith.shli %parallel_loop3A_391, %parallel_loop3A_393 : vector<16xi32>
      %parallel_loop3A_395 = tpu.bitcast %parallel_loop3A_394 : vector<16xi32> -> vector<16xf32>
      %parallel_loop3A_396 = arith.constant -65536 : i32
      %parallel_loop3A_397 = vector.broadcast %parallel_loop3A_396 : i32 to vector<16xi32>
      %parallel_loop3A_398 = arith.andi %parallel_loop3A_391, %parallel_loop3A_397 : vector<16xi32>
      %parallel_loop3A_399 = tpu.bitcast %parallel_loop3A_398 : vector<16xi32> -> vector<16xf32>
      %parallel_loop3A_400 = arith.index_cast %parallel_loop3A_374 : i32 to index
      %parallel_loop3A_401 = arith.constant 64 : index
      %parallel_loop3A_402 = tpu.vector_load %arg13[%parallel_loop3A_400, %parallel_loop3A_401] {strides = array<i32>} : memref<64x128xi32, #tpu.memory_space<vmem>>, vector<1x16xi32>,
      %parallel_loop3A_403 = vector.shape_cast %parallel_loop3A_402 : vector<1x16xi32> to vector<16xi32>
      %parallel_loop3A_404 = arith.constant 16 : i32
      %parallel_loop3A_405 = vector.broadcast %parallel_loop3A_404 : i32 to vector<16xi32>
      %parallel_loop3A_406 = arith.shli %parallel_loop3A_403, %parallel_loop3A_405 : vector<16xi32>
      %parallel_loop3A_407 = tpu.bitcast %parallel_loop3A_406 : vector<16xi32> -> vector<16xf32>
      %parallel_loop3A_408 = arith.constant -65536 : i32
      %parallel_loop3A_409 = vector.broadcast %parallel_loop3A_408 : i32 to vector<16xi32>
      %parallel_loop3A_410 = arith.andi %parallel_loop3A_403, %parallel_loop3A_409 : vector<16xi32>
      %parallel_loop3A_411 = tpu.bitcast %parallel_loop3A_410 : vector<16xi32> -> vector<16xf32>
      %parallel_loop3A_412 = arith.index_cast %parallel_loop3A_374 : i32 to index
      %parallel_loop3A_413 = arith.constant 0 : index
      %parallel_loop3A_414 = tpu.vector_load %arg11[%parallel_loop3A_412, %parallel_loop3A_413] {strides = array<i32>} : memref<64x128xf32, #tpu.memory_space<vmem>>, vector<1x16xf32>,
      %parallel_loop3A_415 = vector.shape_cast %parallel_loop3A_414 : vector<1x16xf32> to vector<16xf32>
      %parallel_loop3A_416 = arith.addf %parallel_loop3A_415, %parallel_loop3A_383 : vector<16xf32>
      %parallel_loop3A_417 = arith.index_cast %parallel_loop3A_374 : i32 to index
      %parallel_loop3A_418 = arith.constant 0 : index
      %parallel_loop3A_419 = tpu.vector_load %arg15[%parallel_loop3A_417, %parallel_loop3A_418] {strides = array<i32>} : memref<64x128xf32, #tpu.memory_space<vmem>>, vector<1x16xf32>,
      %parallel_loop3A_420 = vector.shape_cast %parallel_loop3A_419 : vector<1x16xf32> to vector<16xf32>
      %parallel_loop3A_421 = arith.subf %parallel_loop3A_416, %parallel_loop3A_420 : vector<16xf32>
      %parallel_loop3A_422 = arith.constant 7.17714262 : f32
      %parallel_loop3A_423 = vector.broadcast %parallel_loop3A_422 : f32 to vector<16xf32>
      %parallel_loop3A_424 = arith.mulf %parallel_loop3A_421, %parallel_loop3A_423 : vector<16xf32>
      %parallel_loop3A_425 = arith.index_cast %parallel_loop3A_374 : i32 to index
      %parallel_loop3A_426 = arith.constant 0 : index
      %parallel_loop3A_427 = tpu.vector_load %arg17[%parallel_loop3A_425, %parallel_loop3A_426] {strides = array<i32>} : memref<64x64xf32, #tpu.memory_space<vmem>>, vector<1x16xf32>,
      %parallel_loop3A_428 = vector.shape_cast %parallel_loop3A_427 : vector<1x16xf32> to vector<16xf32>
      %parallel_loop3A_429 = vector.shape_cast %parallel_loop3A_424 : vector<16xf32> to vector<1x16xf32>
      tpu.vector_store %arg17[%parallel_loop3A_425, %parallel_loop3A_426], %parallel_loop3A_429 {strides = array<i32>} : memref<64x64xf32, #tpu.memory_space<vmem>>, vector<1x16xf32>,
      %parallel_loop3A_430 = arith.index_cast %parallel_loop3A_374 : i32 to index
      %parallel_loop3A_431 = arith.constant 64 : index
      %parallel_loop3A_432 = tpu.vector_load %arg11[%parallel_loop3A_430, %parallel_loop3A_431] {strides = array<i32>} : memref<64x128xf32, #tpu.memory_space<vmem>>, vector<1x16xf32>,
      %parallel_loop3A_433 = vector.shape_cast %parallel_loop3A_432 : vector<1x16xf32> to vector<16xf32>
      %parallel_loop3A_434 = arith.mulf %parallel_loop3A_433, %parallel_loop3A_395 : vector<16xf32>
      %parallel_loop3A_435 = arith.index_cast %parallel_loop3A_374 : i32 to index
      %parallel_loop3A_436 = arith.constant 64 : index
      %parallel_loop3A_437 = tpu.vector_load %arg15[%parallel_loop3A_435, %parallel_loop3A_436] {strides = array<i32>} : memref<64x128xf32, #tpu.memory_space<vmem>>, vector<1x16xf32>,
      %parallel_loop3A_438 = vector.shape_cast %parallel_loop3A_437 : vector<1x16xf32> to vector<16xf32>
      %parallel_loop3A_439 = math.absf %parallel_loop3A_438 : vector<16xf32>
      %parallel_loop3A_440 = arith.mulf %parallel_loop3A_439, %parallel_loop3A_407 : vector<16xf32>
      %parallel_loop3A_441 = arith.subf %parallel_loop3A_434, %parallel_loop3A_440 : vector<16xf32>
      %parallel_loop3A_442 = arith.mulf %parallel_loop3A_441, %parallel_loop3A_441 : vector<16xf32>
      %parallel_loop3A_443 = arith.addf %parallel_loop3A_375, %parallel_loop3A_442 : vector<16xf32>
      %parallel_loop3A_444 = arith.index_cast %parallel_loop3A_374 : i32 to index
      %parallel_loop3A_445 = arith.constant 16 : index
      %parallel_loop3A_446 = tpu.vector_load %arg11[%parallel_loop3A_444, %parallel_loop3A_445] {strides = array<i32>} : memref<64x128xf32, #tpu.memory_space<vmem>>, vector<1x16xf32>,
      %parallel_loop3A_447 = vector.shape_cast %parallel_loop3A_446 : vector<1x16xf32> to vector<16xf32>
      %parallel_loop3A_448 = arith.addf %parallel_loop3A_447, %parallel_loop3A_387 : vector<16xf32>
      %parallel_loop3A_449 = arith.index_cast %parallel_loop3A_374 : i32 to index
      %parallel_loop3A_450 = arith.constant 16 : index
      %parallel_loop3A_451 = tpu.vector_load %arg15[%parallel_loop3A_449, %parallel_loop3A_450] {strides = array<i32>} : memref<64x128xf32, #tpu.memory_space<vmem>>, vector<1x16xf32>,
      %parallel_loop3A_452 = vector.shape_cast %parallel_loop3A_451 : vector<1x16xf32> to vector<16xf32>
      %parallel_loop3A_453 = arith.subf %parallel_loop3A_448, %parallel_loop3A_452 : vector<16xf32>
      %parallel_loop3A_454 = arith.constant 7.17714262 : f32
      %parallel_loop3A_455 = vector.broadcast %parallel_loop3A_454 : f32 to vector<16xf32>
      %parallel_loop3A_456 = arith.mulf %parallel_loop3A_453, %parallel_loop3A_455 : vector<16xf32>
      %parallel_loop3A_457 = arith.index_cast %parallel_loop3A_374 : i32 to index
      %parallel_loop3A_458 = arith.constant 16 : index
      %parallel_loop3A_459 = tpu.vector_load %arg17[%parallel_loop3A_457, %parallel_loop3A_458] {strides = array<i32>} : memref<64x64xf32, #tpu.memory_space<vmem>>, vector<1x16xf32>,
      %parallel_loop3A_460 = vector.shape_cast %parallel_loop3A_459 : vector<1x16xf32> to vector<16xf32>
      %parallel_loop3A_461 = vector.shape_cast %parallel_loop3A_456 : vector<16xf32> to vector<1x16xf32>
      tpu.vector_store %arg17[%parallel_loop3A_457, %parallel_loop3A_458], %parallel_loop3A_461 {strides = array<i32>} : memref<64x64xf32, #tpu.memory_space<vmem>>, vector<1x16xf32>,
      %parallel_loop3A_462 = arith.index_cast %parallel_loop3A_374 : i32 to index
      %parallel_loop3A_463 = arith.constant 80 : index
      %parallel_loop3A_464 = tpu.vector_load %arg11[%parallel_loop3A_462, %parallel_loop3A_463] {strides = array<i32>} : memref<64x128xf32, #tpu.memory_space<vmem>>, vector<1x16xf32>,
      %parallel_loop3A_465 = vector.shape_cast %parallel_loop3A_464 : vector<1x16xf32> to vector<16xf32>
      %parallel_loop3A_466 = arith.mulf %parallel_loop3A_465, %parallel_loop3A_399 : vector<16xf32>
      %parallel_loop3A_467 = arith.index_cast %parallel_loop3A_374 : i32 to index
      %parallel_loop3A_468 = arith.constant 80 : index
      %parallel_loop3A_469 = tpu.vector_load %arg15[%parallel_loop3A_467, %parallel_loop3A_468] {strides = array<i32>} : memref<64x128xf32, #tpu.memory_space<vmem>>, vector<1x16xf32>,
      %parallel_loop3A_470 = vector.shape_cast %parallel_loop3A_469 : vector<1x16xf32> to vector<16xf32>
      %parallel_loop3A_471 = math.absf %parallel_loop3A_470 : vector<16xf32>
      %parallel_loop3A_472 = arith.mulf %parallel_loop3A_471, %parallel_loop3A_411 : vector<16xf32>
      %parallel_loop3A_473 = arith.subf %parallel_loop3A_466, %parallel_loop3A_472 : vector<16xf32>
      %parallel_loop3A_474 = arith.mulf %parallel_loop3A_473, %parallel_loop3A_473 : vector<16xf32>
      %parallel_loop3A_475 = arith.addf %parallel_loop3A_443, %parallel_loop3A_474 : vector<16xf32>
      %parallel_loop3A_476 = arith.index_cast %parallel_loop3A_374 : i32 to index
      %parallel_loop3A_477 = arith.constant 16 : index
      %parallel_loop3A_478 = tpu.vector_load %arg13[%parallel_loop3A_476, %parallel_loop3A_477] {strides = array<i32>} : memref<64x128xi32, #tpu.memory_space<vmem>>, vector<1x16xi32>,
      %parallel_loop3A_479 = vector.shape_cast %parallel_loop3A_478 : vector<1x16xi32> to vector<16xi32>
      %parallel_loop3A_480 = arith.constant 16 : i32
      %parallel_loop3A_481 = vector.broadcast %parallel_loop3A_480 : i32 to vector<16xi32>
      %parallel_loop3A_482 = arith.shli %parallel_loop3A_479, %parallel_loop3A_481 : vector<16xi32>
      %parallel_loop3A_483 = tpu.bitcast %parallel_loop3A_482 : vector<16xi32> -> vector<16xf32>
      %parallel_loop3A_484 = arith.constant -65536 : i32
      %parallel_loop3A_485 = vector.broadcast %parallel_loop3A_484 : i32 to vector<16xi32>
      %parallel_loop3A_486 = arith.andi %parallel_loop3A_479, %parallel_loop3A_485 : vector<16xi32>
      %parallel_loop3A_487 = tpu.bitcast %parallel_loop3A_486 : vector<16xi32> -> vector<16xf32>
      %parallel_loop3A_488 = arith.index_cast %parallel_loop3A_374 : i32 to index
      %parallel_loop3A_489 = arith.constant 48 : index
      %parallel_loop3A_490 = tpu.vector_load %arg13[%parallel_loop3A_488, %parallel_loop3A_489] {strides = array<i32>} : memref<64x128xi32, #tpu.memory_space<vmem>>, vector<1x16xi32>,
      %parallel_loop3A_491 = vector.shape_cast %parallel_loop3A_490 : vector<1x16xi32> to vector<16xi32>
      %parallel_loop3A_492 = arith.constant 16 : i32
      %parallel_loop3A_493 = vector.broadcast %parallel_loop3A_492 : i32 to vector<16xi32>
      %parallel_loop3A_494 = arith.shli %parallel_loop3A_491, %parallel_loop3A_493 : vector<16xi32>
      %parallel_loop3A_495 = tpu.bitcast %parallel_loop3A_494 : vector<16xi32> -> vector<16xf32>
      %parallel_loop3A_496 = arith.constant -65536 : i32
      %parallel_loop3A_497 = vector.broadcast %parallel_loop3A_496 : i32 to vector<16xi32>
      %parallel_loop3A_498 = arith.andi %parallel_loop3A_491, %parallel_loop3A_497 : vector<16xi32>
      %parallel_loop3A_499 = tpu.bitcast %parallel_loop3A_498 : vector<16xi32> -> vector<16xf32>
      %parallel_loop3A_500 = arith.index_cast %parallel_loop3A_374 : i32 to index
      %parallel_loop3A_501 = arith.constant 80 : index
      %parallel_loop3A_502 = tpu.vector_load %arg13[%parallel_loop3A_500, %parallel_loop3A_501] {strides = array<i32>} : memref<64x128xi32, #tpu.memory_space<vmem>>, vector<1x16xi32>,
      %parallel_loop3A_503 = vector.shape_cast %parallel_loop3A_502 : vector<1x16xi32> to vector<16xi32>
      %parallel_loop3A_504 = arith.constant 16 : i32
      %parallel_loop3A_505 = vector.broadcast %parallel_loop3A_504 : i32 to vector<16xi32>
      %parallel_loop3A_506 = arith.shli %parallel_loop3A_503, %parallel_loop3A_505 : vector<16xi32>
      %parallel_loop3A_507 = tpu.bitcast %parallel_loop3A_506 : vector<16xi32> -> vector<16xf32>
      %parallel_loop3A_508 = arith.constant -65536 : i32
      %parallel_loop3A_509 = vector.broadcast %parallel_loop3A_508 : i32 to vector<16xi32>
      %parallel_loop3A_510 = arith.andi %parallel_loop3A_503, %parallel_loop3A_509 : vector<16xi32>
      %parallel_loop3A_511 = tpu.bitcast %parallel_loop3A_510 : vector<16xi32> -> vector<16xf32>
      %parallel_loop3A_512 = arith.index_cast %parallel_loop3A_374 : i32 to index
      %parallel_loop3A_513 = arith.constant 32 : index
      %parallel_loop3A_514 = tpu.vector_load %arg11[%parallel_loop3A_512, %parallel_loop3A_513] {strides = array<i32>} : memref<64x128xf32, #tpu.memory_space<vmem>>, vector<1x16xf32>,
      %parallel_loop3A_515 = vector.shape_cast %parallel_loop3A_514 : vector<1x16xf32> to vector<16xf32>
      %parallel_loop3A_516 = arith.addf %parallel_loop3A_515, %parallel_loop3A_483 : vector<16xf32>
      %parallel_loop3A_517 = arith.index_cast %parallel_loop3A_374 : i32 to index
      %parallel_loop3A_518 = arith.constant 32 : index
      %parallel_loop3A_519 = tpu.vector_load %arg15[%parallel_loop3A_517, %parallel_loop3A_518] {strides = array<i32>} : memref<64x128xf32, #tpu.memory_space<vmem>>, vector<1x16xf32>,
      %parallel_loop3A_520 = vector.shape_cast %parallel_loop3A_519 : vector<1x16xf32> to vector<16xf32>
      %parallel_loop3A_521 = arith.subf %parallel_loop3A_516, %parallel_loop3A_520 : vector<16xf32>
      %parallel_loop3A_522 = arith.constant 7.17714262 : f32
      %parallel_loop3A_523 = vector.broadcast %parallel_loop3A_522 : f32 to vector<16xf32>
      %parallel_loop3A_524 = arith.mulf %parallel_loop3A_521, %parallel_loop3A_523 : vector<16xf32>
      %parallel_loop3A_525 = arith.index_cast %parallel_loop3A_374 : i32 to index
      %parallel_loop3A_526 = arith.constant 32 : index
      %parallel_loop3A_527 = tpu.vector_load %arg17[%parallel_loop3A_525, %parallel_loop3A_526] {strides = array<i32>} : memref<64x64xf32, #tpu.memory_space<vmem>>, vector<1x16xf32>,
      %parallel_loop3A_528 = vector.shape_cast %parallel_loop3A_527 : vector<1x16xf32> to vector<16xf32>
      %parallel_loop3A_529 = vector.shape_cast %parallel_loop3A_524 : vector<16xf32> to vector<1x16xf32>
      tpu.vector_store %arg17[%parallel_loop3A_525, %parallel_loop3A_526], %parallel_loop3A_529 {strides = array<i32>} : memref<64x64xf32, #tpu.memory_space<vmem>>, vector<1x16xf32>,
      %parallel_loop3A_530 = arith.index_cast %parallel_loop3A_374 : i32 to index
      %parallel_loop3A_531 = arith.constant 96 : index
      %parallel_loop3A_532 = tpu.vector_load %arg11[%parallel_loop3A_530, %parallel_loop3A_531] {strides = array<i32>} : memref<64x128xf32, #tpu.memory_space<vmem>>, vector<1x16xf32>,
      %parallel_loop3A_533 = vector.shape_cast %parallel_loop3A_532 : vector<1x16xf32> to vector<16xf32>
      %parallel_loop3A_534 = arith.mulf %parallel_loop3A_533, %parallel_loop3A_495 : vector<16xf32>
      %parallel_loop3A_535 = arith.index_cast %parallel_loop3A_374 : i32 to index
      %parallel_loop3A_536 = arith.constant 96 : index
      %parallel_loop3A_537 = tpu.vector_load %arg15[%parallel_loop3A_535, %parallel_loop3A_536] {strides = array<i32>} : memref<64x128xf32, #tpu.memory_space<vmem>>, vector<1x16xf32>,
      %parallel_loop3A_538 = vector.shape_cast %parallel_loop3A_537 : vector<1x16xf32> to vector<16xf32>
      %parallel_loop3A_539 = math.absf %parallel_loop3A_538 : vector<16xf32>
      %parallel_loop3A_540 = arith.mulf %parallel_loop3A_539, %parallel_loop3A_507 : vector<16xf32>
      %parallel_loop3A_541 = arith.subf %parallel_loop3A_534, %parallel_loop3A_540 : vector<16xf32>
      %parallel_loop3A_542 = arith.mulf %parallel_loop3A_541, %parallel_loop3A_541 : vector<16xf32>
      %parallel_loop3A_543 = arith.addf %parallel_loop3A_475, %parallel_loop3A_542 : vector<16xf32>
      %parallel_loop3A_544 = arith.index_cast %parallel_loop3A_374 : i32 to index
      %parallel_loop3A_545 = arith.constant 48 : index
      %parallel_loop3A_546 = tpu.vector_load %arg11[%parallel_loop3A_544, %parallel_loop3A_545] {strides = array<i32>} : memref<64x128xf32, #tpu.memory_space<vmem>>, vector<1x16xf32>,
      %parallel_loop3A_547 = vector.shape_cast %parallel_loop3A_546 : vector<1x16xf32> to vector<16xf32>
      %parallel_loop3A_548 = arith.addf %parallel_loop3A_547, %parallel_loop3A_487 : vector<16xf32>
      %parallel_loop3A_549 = arith.index_cast %parallel_loop3A_374 : i32 to index
      %parallel_loop3A_550 = arith.constant 48 : index
      %parallel_loop3A_551 = tpu.vector_load %arg15[%parallel_loop3A_549, %parallel_loop3A_550] {strides = array<i32>} : memref<64x128xf32, #tpu.memory_space<vmem>>, vector<1x16xf32>,
      %parallel_loop3A_552 = vector.shape_cast %parallel_loop3A_551 : vector<1x16xf32> to vector<16xf32>
      %parallel_loop3A_553 = arith.subf %parallel_loop3A_548, %parallel_loop3A_552 : vector<16xf32>
      %parallel_loop3A_554 = arith.constant 7.17714262 : f32
      %parallel_loop3A_555 = vector.broadcast %parallel_loop3A_554 : f32 to vector<16xf32>
      %parallel_loop3A_556 = arith.mulf %parallel_loop3A_553, %parallel_loop3A_555 : vector<16xf32>
      %parallel_loop3A_557 = arith.index_cast %parallel_loop3A_374 : i32 to index
      %parallel_loop3A_558 = arith.constant 48 : index
      %parallel_loop3A_559 = tpu.vector_load %arg17[%parallel_loop3A_557, %parallel_loop3A_558] {strides = array<i32>} : memref<64x64xf32, #tpu.memory_space<vmem>>, vector<1x16xf32>,
      %parallel_loop3A_560 = vector.shape_cast %parallel_loop3A_559 : vector<1x16xf32> to vector<16xf32>
      %parallel_loop3A_561 = vector.shape_cast %parallel_loop3A_556 : vector<16xf32> to vector<1x16xf32>
      tpu.vector_store %arg17[%parallel_loop3A_557, %parallel_loop3A_558], %parallel_loop3A_561 {strides = array<i32>} : memref<64x64xf32, #tpu.memory_space<vmem>>, vector<1x16xf32>,
      %parallel_loop3A_562 = arith.index_cast %parallel_loop3A_374 : i32 to index
      %parallel_loop3A_563 = arith.constant 112 : index
      %parallel_loop3A_564 = tpu.vector_load %arg11[%parallel_loop3A_562, %parallel_loop3A_563] {strides = array<i32>} : memref<64x128xf32, #tpu.memory_space<vmem>>, vector<1x16xf32>,
      %parallel_loop3A_565 = vector.shape_cast %parallel_loop3A_564 : vector<1x16xf32> to vector<16xf32>
      %parallel_loop3A_566 = arith.mulf %parallel_loop3A_565, %parallel_loop3A_499 : vector<16xf32>
      %parallel_loop3A_567 = arith.index_cast %parallel_loop3A_374 : i32 to index
      %parallel_loop3A_568 = arith.constant 112 : index
      %parallel_loop3A_569 = tpu.vector_load %arg15[%parallel_loop3A_567, %parallel_loop3A_568] {strides = array<i32>} : memref<64x128xf32, #tpu.memory_space<vmem>>, vector<1x16xf32>,
      %parallel_loop3A_570 = vector.shape_cast %parallel_loop3A_569 : vector<1x16xf32> to vector<16xf32>
      %parallel_loop3A_571 = math.absf %parallel_loop3A_570 : vector<16xf32>
      %parallel_loop3A_572 = arith.mulf %parallel_loop3A_571, %parallel_loop3A_511 : vector<16xf32>
      %parallel_loop3A_573 = arith.subf %parallel_loop3A_566, %parallel_loop3A_572 : vector<16xf32>
      %parallel_loop3A_574 = arith.mulf %parallel_loop3A_573, %parallel_loop3A_573 : vector<16xf32>
      %parallel_loop3A_575 = arith.addf %parallel_loop3A_543, %parallel_loop3A_574 : vector<16xf32>
      scf.yield %parallel_loop3A_575 : vector<16xf32>
    } {sc.loop_unroll_factor = 4 : i64, sc.parallel_access}
    %add3A_282 = arith.constant 320 : i32
    %add3A_283 = arith.addi %mul3A_2, %add3A_282 : i32
    %dma_start3A_284 = arith.constant 0 : i32
    %dma_start3A_285 = tpu.memref_slice %arg5[%add3A_283, %dma_start3A_284] : memref<16384x64xf32, #tpu.memory_space<hbm>> -> memref<64x64xf32, #tpu.memory_space<hbm>>
    %dma_start3A_286 = arith.constant 0 : i32
    %dma_start3A_287 = tpu.memref_slice %arg5[%add3A_283, %dma_start3A_286] : memref<16384x64xf32, #tpu.memory_space<hbm>> -> memref<64x64xf32, #tpu.memory_space<hbm>>
    tpu.enqueue_dma source(%arg17 : memref<64x64xf32, #tpu.memory_space<vmem>>) target(%dma_start3A_287 : memref<64x64xf32, #tpu.memory_space<hbm>>) target_semaphore(%arg23 : memref<!tpu.dma_semaphore, #tpu.memory_space<semaphore_mem>>)
    %dma_start3A_288 = arith.constant 448 : i32
    %dma_start3A_289 = tpu.memref_slice %arg7[%dma_start3A_288] : memref<512xi32, #tpu.memory_space<vmem>> -> memref<64xi32, #tpu.memory_space<vmem>>
    %dma_start3A_290 = arith.constant 0 : i32
    %dma_start3A_291 = arith.constant 0 : i32
    %dma_start3A_292 = tpu.memref_slice %arg3[%dma_start3A_290, %dma_start3A_291] : memref<1000000x128xf32, #tpu.memory_space<hbm>> -> memref<1000000x128xf32, #tpu.memory_space<hbm>>
    tpu.enqueue_indirect_dma source(%dma_start3A_292 : memref<1000000x128xf32, #tpu.memory_space<hbm>>) target(%arg11 : memref<64x128xf32, #tpu.memory_space<vmem>>) offsets(%dma_start3A_289 : memref<64xi32, #tpu.memory_space<vmem>>) semaphore(%arg21 : memref<!tpu.dma_semaphore, #tpu.memory_space<semaphore_mem>>)
    %dma_start3A_293 = arith.constant 448 : i32
    %dma_start3A_294 = tpu.memref_slice %arg8[%dma_start3A_293] : memref<512xi32, #tpu.memory_space<vmem>> -> memref<64xi32, #tpu.memory_space<vmem>>
    %dma_start3A_295 = arith.constant 0 : i32
    %dma_start3A_296 = arith.constant 0 : i32
    %dma_start3A_297 = tpu.memref_slice %arg4[%dma_start3A_295, %dma_start3A_296] : memref<1000x128xi32, #tpu.memory_space<hbm>> -> memref<1000x128xi32, #tpu.memory_space<hbm>>
    tpu.enqueue_indirect_dma source(%dma_start3A_297 : memref<1000x128xi32, #tpu.memory_space<hbm>>) target(%arg13 : memref<64x128xi32, #tpu.memory_space<vmem>>) offsets(%dma_start3A_294 : memref<64xi32, #tpu.memory_space<vmem>>) semaphore(%arg21 : memref<!tpu.dma_semaphore, #tpu.memory_space<semaphore_mem>>)
    %dma_start3A_298 = arith.constant 448 : i32
    %dma_start3A_299 = tpu.memref_slice %arg9[%dma_start3A_298] : memref<512xi32, #tpu.memory_space<vmem>> -> memref<64xi32, #tpu.memory_space<vmem>>
    %dma_start3A_300 = arith.constant 0 : i32
    %dma_start3A_301 = arith.constant 0 : i32
    %dma_start3A_302 = tpu.memref_slice %arg3[%dma_start3A_300, %dma_start3A_301] : memref<1000000x128xf32, #tpu.memory_space<hbm>> -> memref<1000000x128xf32, #tpu.memory_space<hbm>>
    tpu.enqueue_indirect_dma source(%dma_start3A_302 : memref<1000000x128xf32, #tpu.memory_space<hbm>>) target(%arg15 : memref<64x128xf32, #tpu.memory_space<vmem>>) offsets(%dma_start3A_299 : memref<64xi32, #tpu.memory_space<vmem>>) semaphore(%arg21 : memref<!tpu.dma_semaphore, #tpu.memory_space<semaphore_mem>>)
    %dma_wait3A_303 = arith.constant 384 : i32
    %dma_wait3A_304 = tpu.memref_slice %arg7[%dma_wait3A_303] : memref<512xi32, #tpu.memory_space<vmem>> -> memref<64xi32, #tpu.memory_space<vmem>>
    %dma_wait3A_305 = arith.constant 0 : i32
    %dma_wait3A_306 = arith.constant 0 : i32
    %dma_wait3A_307 = tpu.memref_slice %arg3[%dma_wait3A_305, %dma_wait3A_306] : memref<1000000x128xf32, #tpu.memory_space<hbm>> -> memref<1000000x128xf32, #tpu.memory_space<hbm>>
    tpu.wait_indirect_dma semaphore(%arg20 : memref<!tpu.dma_semaphore, #tpu.memory_space<semaphore_mem>>) src(%dma_wait3A_307 : memref<1000000x128xf32, #tpu.memory_space<hbm>>) dst(%arg10 : memref<64x128xf32, #tpu.memory_space<vmem>>)
    %dma_wait3A_308 = arith.constant 384 : i32
    %dma_wait3A_309 = tpu.memref_slice %arg8[%dma_wait3A_308] : memref<512xi32, #tpu.memory_space<vmem>> -> memref<64xi32, #tpu.memory_space<vmem>>
    %dma_wait3A_310 = arith.constant 0 : i32
    %dma_wait3A_311 = arith.constant 0 : i32
    %dma_wait3A_312 = tpu.memref_slice %arg4[%dma_wait3A_310, %dma_wait3A_311] : memref<1000x128xi32, #tpu.memory_space<hbm>> -> memref<1000x128xi32, #tpu.memory_space<hbm>>
    tpu.wait_indirect_dma semaphore(%arg20 : memref<!tpu.dma_semaphore, #tpu.memory_space<semaphore_mem>>) src(%dma_wait3A_312 : memref<1000x128xi32, #tpu.memory_space<hbm>>) dst(%arg12 : memref<64x128xi32, #tpu.memory_space<vmem>>)
    %dma_wait3A_313 = arith.constant 384 : i32
    %dma_wait3A_314 = tpu.memref_slice %arg9[%dma_wait3A_313] : memref<512xi32, #tpu.memory_space<vmem>> -> memref<64xi32, #tpu.memory_space<vmem>>
    %dma_wait3A_315 = arith.constant 0 : i32
    %dma_wait3A_316 = arith.constant 0 : i32
    %dma_wait3A_317 = tpu.memref_slice %arg3[%dma_wait3A_315, %dma_wait3A_316] : memref<1000000x128xf32, #tpu.memory_space<hbm>> -> memref<1000000x128xf32, #tpu.memory_space<hbm>>
    tpu.wait_indirect_dma semaphore(%arg20 : memref<!tpu.dma_semaphore, #tpu.memory_space<semaphore_mem>>) src(%dma_wait3A_317 : memref<1000000x128xf32, #tpu.memory_space<hbm>>) dst(%arg14 : memref<64x128xf32, #tpu.memory_space<vmem>>)
    %dma_wait3A_318 = arith.constant 0 : i32
    %dma_wait3A_319 = tpu.memref_slice %arg5[%add3A_239, %dma_wait3A_318] : memref<16384x64xf32, #tpu.memory_space<hbm>> -> memref<64x64xf32, #tpu.memory_space<hbm>>
    %dma_wait3A_320 = arith.constant 0 : i32
    %dma_wait3A_321 = tpu.memref_slice %arg5[%add3A_239, %dma_wait3A_320] : memref<16384x64xf32, #tpu.memory_space<hbm>> -> memref<64x64xf32, #tpu.memory_space<hbm>>
    tpu.wait_dma2 semaphore(%arg22 : memref<!tpu.dma_semaphore, #tpu.memory_space<semaphore_mem>>) src(%arg16 : memref<64x64xf32, #tpu.memory_space<vmem>>) dst(%dma_wait3A_321 : memref<64x64xf32, #tpu.memory_space<hbm>>)
    %parallel_loop3A_322 = arith.constant 0 : i32
    %parallel_loop3A_323 = arith.constant 64 : i32
    %parallel_loop3A_324 = arith.constant 1 : i32
    %parallel_loop3A_325 = scf.for %parallel_loop3A_374 = %parallel_loop3A_322 to %parallel_loop3A_323 step %parallel_loop3A_324 iter_args(%parallel_loop3A_375 = %parallel_loop3A_281) -> (vector<16xf32>)  : i32 {
      %parallel_loop3A_376 = arith.index_cast %parallel_loop3A_374 : i32 to index
      %parallel_loop3A_377 = arith.constant 0 : index
      %parallel_loop3A_378 = tpu.vector_load %arg12[%parallel_loop3A_376, %parallel_loop3A_377] {strides = array<i32>} : memref<64x128xi32, #tpu.memory_space<vmem>>, vector<1x16xi32>,
      %parallel_loop3A_379 = vector.shape_cast %parallel_loop3A_378 : vector<1x16xi32> to vector<16xi32>
      %parallel_loop3A_380 = arith.constant 16 : i32
      %parallel_loop3A_381 = vector.broadcast %parallel_loop3A_380 : i32 to vector<16xi32>
      %parallel_loop3A_382 = arith.shli %parallel_loop3A_379, %parallel_loop3A_381 : vector<16xi32>
      %parallel_loop3A_383 = tpu.bitcast %parallel_loop3A_382 : vector<16xi32> -> vector<16xf32>
      %parallel_loop3A_384 = arith.constant -65536 : i32
      %parallel_loop3A_385 = vector.broadcast %parallel_loop3A_384 : i32 to vector<16xi32>
      %parallel_loop3A_386 = arith.andi %parallel_loop3A_379, %parallel_loop3A_385 : vector<16xi32>
      %parallel_loop3A_387 = tpu.bitcast %parallel_loop3A_386 : vector<16xi32> -> vector<16xf32>
      %parallel_loop3A_388 = arith.index_cast %parallel_loop3A_374 : i32 to index
      %parallel_loop3A_389 = arith.constant 32 : index
      %parallel_loop3A_390 = tpu.vector_load %arg12[%parallel_loop3A_388, %parallel_loop3A_389] {strides = array<i32>} : memref<64x128xi32, #tpu.memory_space<vmem>>, vector<1x16xi32>,
      %parallel_loop3A_391 = vector.shape_cast %parallel_loop3A_390 : vector<1x16xi32> to vector<16xi32>
      %parallel_loop3A_392 = arith.constant 16 : i32
      %parallel_loop3A_393 = vector.broadcast %parallel_loop3A_392 : i32 to vector<16xi32>
      %parallel_loop3A_394 = arith.shli %parallel_loop3A_391, %parallel_loop3A_393 : vector<16xi32>
      %parallel_loop3A_395 = tpu.bitcast %parallel_loop3A_394 : vector<16xi32> -> vector<16xf32>
      %parallel_loop3A_396 = arith.constant -65536 : i32
      %parallel_loop3A_397 = vector.broadcast %parallel_loop3A_396 : i32 to vector<16xi32>
      %parallel_loop3A_398 = arith.andi %parallel_loop3A_391, %parallel_loop3A_397 : vector<16xi32>
      %parallel_loop3A_399 = tpu.bitcast %parallel_loop3A_398 : vector<16xi32> -> vector<16xf32>
      %parallel_loop3A_400 = arith.index_cast %parallel_loop3A_374 : i32 to index
      %parallel_loop3A_401 = arith.constant 64 : index
      %parallel_loop3A_402 = tpu.vector_load %arg12[%parallel_loop3A_400, %parallel_loop3A_401] {strides = array<i32>} : memref<64x128xi32, #tpu.memory_space<vmem>>, vector<1x16xi32>,
      %parallel_loop3A_403 = vector.shape_cast %parallel_loop3A_402 : vector<1x16xi32> to vector<16xi32>
      %parallel_loop3A_404 = arith.constant 16 : i32
      %parallel_loop3A_405 = vector.broadcast %parallel_loop3A_404 : i32 to vector<16xi32>
      %parallel_loop3A_406 = arith.shli %parallel_loop3A_403, %parallel_loop3A_405 : vector<16xi32>
      %parallel_loop3A_407 = tpu.bitcast %parallel_loop3A_406 : vector<16xi32> -> vector<16xf32>
      %parallel_loop3A_408 = arith.constant -65536 : i32
      %parallel_loop3A_409 = vector.broadcast %parallel_loop3A_408 : i32 to vector<16xi32>
      %parallel_loop3A_410 = arith.andi %parallel_loop3A_403, %parallel_loop3A_409 : vector<16xi32>
      %parallel_loop3A_411 = tpu.bitcast %parallel_loop3A_410 : vector<16xi32> -> vector<16xf32>
      %parallel_loop3A_412 = arith.index_cast %parallel_loop3A_374 : i32 to index
      %parallel_loop3A_413 = arith.constant 0 : index
      %parallel_loop3A_414 = tpu.vector_load %arg10[%parallel_loop3A_412, %parallel_loop3A_413] {strides = array<i32>} : memref<64x128xf32, #tpu.memory_space<vmem>>, vector<1x16xf32>,
      %parallel_loop3A_415 = vector.shape_cast %parallel_loop3A_414 : vector<1x16xf32> to vector<16xf32>
      %parallel_loop3A_416 = arith.addf %parallel_loop3A_415, %parallel_loop3A_383 : vector<16xf32>
      %parallel_loop3A_417 = arith.index_cast %parallel_loop3A_374 : i32 to index
      %parallel_loop3A_418 = arith.constant 0 : index
      %parallel_loop3A_419 = tpu.vector_load %arg14[%parallel_loop3A_417, %parallel_loop3A_418] {strides = array<i32>} : memref<64x128xf32, #tpu.memory_space<vmem>>, vector<1x16xf32>,
      %parallel_loop3A_420 = vector.shape_cast %parallel_loop3A_419 : vector<1x16xf32> to vector<16xf32>
      %parallel_loop3A_421 = arith.subf %parallel_loop3A_416, %parallel_loop3A_420 : vector<16xf32>
      %parallel_loop3A_422 = arith.constant 7.17714262 : f32
      %parallel_loop3A_423 = vector.broadcast %parallel_loop3A_422 : f32 to vector<16xf32>
      %parallel_loop3A_424 = arith.mulf %parallel_loop3A_421, %parallel_loop3A_423 : vector<16xf32>
      %parallel_loop3A_425 = arith.index_cast %parallel_loop3A_374 : i32 to index
      %parallel_loop3A_426 = arith.constant 0 : index
      %parallel_loop3A_427 = tpu.vector_load %arg16[%parallel_loop3A_425, %parallel_loop3A_426] {strides = array<i32>} : memref<64x64xf32, #tpu.memory_space<vmem>>, vector<1x16xf32>,
      %parallel_loop3A_428 = vector.shape_cast %parallel_loop3A_427 : vector<1x16xf32> to vector<16xf32>
      %parallel_loop3A_429 = vector.shape_cast %parallel_loop3A_424 : vector<16xf32> to vector<1x16xf32>
      tpu.vector_store %arg16[%parallel_loop3A_425, %parallel_loop3A_426], %parallel_loop3A_429 {strides = array<i32>} : memref<64x64xf32, #tpu.memory_space<vmem>>, vector<1x16xf32>,
      %parallel_loop3A_430 = arith.index_cast %parallel_loop3A_374 : i32 to index
      %parallel_loop3A_431 = arith.constant 64 : index
      %parallel_loop3A_432 = tpu.vector_load %arg10[%parallel_loop3A_430, %parallel_loop3A_431] {strides = array<i32>} : memref<64x128xf32, #tpu.memory_space<vmem>>, vector<1x16xf32>,
      %parallel_loop3A_433 = vector.shape_cast %parallel_loop3A_432 : vector<1x16xf32> to vector<16xf32>
      %parallel_loop3A_434 = arith.mulf %parallel_loop3A_433, %parallel_loop3A_395 : vector<16xf32>
      %parallel_loop3A_435 = arith.index_cast %parallel_loop3A_374 : i32 to index
      %parallel_loop3A_436 = arith.constant 64 : index
      %parallel_loop3A_437 = tpu.vector_load %arg14[%parallel_loop3A_435, %parallel_loop3A_436] {strides = array<i32>} : memref<64x128xf32, #tpu.memory_space<vmem>>, vector<1x16xf32>,
      %parallel_loop3A_438 = vector.shape_cast %parallel_loop3A_437 : vector<1x16xf32> to vector<16xf32>
      %parallel_loop3A_439 = math.absf %parallel_loop3A_438 : vector<16xf32>
      %parallel_loop3A_440 = arith.mulf %parallel_loop3A_439, %parallel_loop3A_407 : vector<16xf32>
      %parallel_loop3A_441 = arith.subf %parallel_loop3A_434, %parallel_loop3A_440 : vector<16xf32>
      %parallel_loop3A_442 = arith.mulf %parallel_loop3A_441, %parallel_loop3A_441 : vector<16xf32>
      %parallel_loop3A_443 = arith.addf %parallel_loop3A_375, %parallel_loop3A_442 : vector<16xf32>
      %parallel_loop3A_444 = arith.index_cast %parallel_loop3A_374 : i32 to index
      %parallel_loop3A_445 = arith.constant 16 : index
      %parallel_loop3A_446 = tpu.vector_load %arg10[%parallel_loop3A_444, %parallel_loop3A_445] {strides = array<i32>} : memref<64x128xf32, #tpu.memory_space<vmem>>, vector<1x16xf32>,
      %parallel_loop3A_447 = vector.shape_cast %parallel_loop3A_446 : vector<1x16xf32> to vector<16xf32>
      %parallel_loop3A_448 = arith.addf %parallel_loop3A_447, %parallel_loop3A_387 : vector<16xf32>
      %parallel_loop3A_449 = arith.index_cast %parallel_loop3A_374 : i32 to index
      %parallel_loop3A_450 = arith.constant 16 : index
      %parallel_loop3A_451 = tpu.vector_load %arg14[%parallel_loop3A_449, %parallel_loop3A_450] {strides = array<i32>} : memref<64x128xf32, #tpu.memory_space<vmem>>, vector<1x16xf32>,
      %parallel_loop3A_452 = vector.shape_cast %parallel_loop3A_451 : vector<1x16xf32> to vector<16xf32>
      %parallel_loop3A_453 = arith.subf %parallel_loop3A_448, %parallel_loop3A_452 : vector<16xf32>
      %parallel_loop3A_454 = arith.constant 7.17714262 : f32
      %parallel_loop3A_455 = vector.broadcast %parallel_loop3A_454 : f32 to vector<16xf32>
      %parallel_loop3A_456 = arith.mulf %parallel_loop3A_453, %parallel_loop3A_455 : vector<16xf32>
      %parallel_loop3A_457 = arith.index_cast %parallel_loop3A_374 : i32 to index
      %parallel_loop3A_458 = arith.constant 16 : index
      %parallel_loop3A_459 = tpu.vector_load %arg16[%parallel_loop3A_457, %parallel_loop3A_458] {strides = array<i32>} : memref<64x64xf32, #tpu.memory_space<vmem>>, vector<1x16xf32>,
      %parallel_loop3A_460 = vector.shape_cast %parallel_loop3A_459 : vector<1x16xf32> to vector<16xf32>
      %parallel_loop3A_461 = vector.shape_cast %parallel_loop3A_456 : vector<16xf32> to vector<1x16xf32>
      tpu.vector_store %arg16[%parallel_loop3A_457, %parallel_loop3A_458], %parallel_loop3A_461 {strides = array<i32>} : memref<64x64xf32, #tpu.memory_space<vmem>>, vector<1x16xf32>,
      %parallel_loop3A_462 = arith.index_cast %parallel_loop3A_374 : i32 to index
      %parallel_loop3A_463 = arith.constant 80 : index
      %parallel_loop3A_464 = tpu.vector_load %arg10[%parallel_loop3A_462, %parallel_loop3A_463] {strides = array<i32>} : memref<64x128xf32, #tpu.memory_space<vmem>>, vector<1x16xf32>,
      %parallel_loop3A_465 = vector.shape_cast %parallel_loop3A_464 : vector<1x16xf32> to vector<16xf32>
      %parallel_loop3A_466 = arith.mulf %parallel_loop3A_465, %parallel_loop3A_399 : vector<16xf32>
      %parallel_loop3A_467 = arith.index_cast %parallel_loop3A_374 : i32 to index
      %parallel_loop3A_468 = arith.constant 80 : index
      %parallel_loop3A_469 = tpu.vector_load %arg14[%parallel_loop3A_467, %parallel_loop3A_468] {strides = array<i32>} : memref<64x128xf32, #tpu.memory_space<vmem>>, vector<1x16xf32>,
      %parallel_loop3A_470 = vector.shape_cast %parallel_loop3A_469 : vector<1x16xf32> to vector<16xf32>
      %parallel_loop3A_471 = math.absf %parallel_loop3A_470 : vector<16xf32>
      %parallel_loop3A_472 = arith.mulf %parallel_loop3A_471, %parallel_loop3A_411 : vector<16xf32>
      %parallel_loop3A_473 = arith.subf %parallel_loop3A_466, %parallel_loop3A_472 : vector<16xf32>
      %parallel_loop3A_474 = arith.mulf %parallel_loop3A_473, %parallel_loop3A_473 : vector<16xf32>
      %parallel_loop3A_475 = arith.addf %parallel_loop3A_443, %parallel_loop3A_474 : vector<16xf32>
      %parallel_loop3A_476 = arith.index_cast %parallel_loop3A_374 : i32 to index
      %parallel_loop3A_477 = arith.constant 16 : index
      %parallel_loop3A_478 = tpu.vector_load %arg12[%parallel_loop3A_476, %parallel_loop3A_477] {strides = array<i32>} : memref<64x128xi32, #tpu.memory_space<vmem>>, vector<1x16xi32>,
      %parallel_loop3A_479 = vector.shape_cast %parallel_loop3A_478 : vector<1x16xi32> to vector<16xi32>
      %parallel_loop3A_480 = arith.constant 16 : i32
      %parallel_loop3A_481 = vector.broadcast %parallel_loop3A_480 : i32 to vector<16xi32>
      %parallel_loop3A_482 = arith.shli %parallel_loop3A_479, %parallel_loop3A_481 : vector<16xi32>
      %parallel_loop3A_483 = tpu.bitcast %parallel_loop3A_482 : vector<16xi32> -> vector<16xf32>
      %parallel_loop3A_484 = arith.constant -65536 : i32
      %parallel_loop3A_485 = vector.broadcast %parallel_loop3A_484 : i32 to vector<16xi32>
      %parallel_loop3A_486 = arith.andi %parallel_loop3A_479, %parallel_loop3A_485 : vector<16xi32>
      %parallel_loop3A_487 = tpu.bitcast %parallel_loop3A_486 : vector<16xi32> -> vector<16xf32>
      %parallel_loop3A_488 = arith.index_cast %parallel_loop3A_374 : i32 to index
      %parallel_loop3A_489 = arith.constant 48 : index
      %parallel_loop3A_490 = tpu.vector_load %arg12[%parallel_loop3A_488, %parallel_loop3A_489] {strides = array<i32>} : memref<64x128xi32, #tpu.memory_space<vmem>>, vector<1x16xi32>,
      %parallel_loop3A_491 = vector.shape_cast %parallel_loop3A_490 : vector<1x16xi32> to vector<16xi32>
      %parallel_loop3A_492 = arith.constant 16 : i32
      %parallel_loop3A_493 = vector.broadcast %parallel_loop3A_492 : i32 to vector<16xi32>
      %parallel_loop3A_494 = arith.shli %parallel_loop3A_491, %parallel_loop3A_493 : vector<16xi32>
      %parallel_loop3A_495 = tpu.bitcast %parallel_loop3A_494 : vector<16xi32> -> vector<16xf32>
      %parallel_loop3A_496 = arith.constant -65536 : i32
      %parallel_loop3A_497 = vector.broadcast %parallel_loop3A_496 : i32 to vector<16xi32>
      %parallel_loop3A_498 = arith.andi %parallel_loop3A_491, %parallel_loop3A_497 : vector<16xi32>
      %parallel_loop3A_499 = tpu.bitcast %parallel_loop3A_498 : vector<16xi32> -> vector<16xf32>
      %parallel_loop3A_500 = arith.index_cast %parallel_loop3A_374 : i32 to index
      %parallel_loop3A_501 = arith.constant 80 : index
      %parallel_loop3A_502 = tpu.vector_load %arg12[%parallel_loop3A_500, %parallel_loop3A_501] {strides = array<i32>} : memref<64x128xi32, #tpu.memory_space<vmem>>, vector<1x16xi32>,
      %parallel_loop3A_503 = vector.shape_cast %parallel_loop3A_502 : vector<1x16xi32> to vector<16xi32>
      %parallel_loop3A_504 = arith.constant 16 : i32
      %parallel_loop3A_505 = vector.broadcast %parallel_loop3A_504 : i32 to vector<16xi32>
      %parallel_loop3A_506 = arith.shli %parallel_loop3A_503, %parallel_loop3A_505 : vector<16xi32>
      %parallel_loop3A_507 = tpu.bitcast %parallel_loop3A_506 : vector<16xi32> -> vector<16xf32>
      %parallel_loop3A_508 = arith.constant -65536 : i32
      %parallel_loop3A_509 = vector.broadcast %parallel_loop3A_508 : i32 to vector<16xi32>
      %parallel_loop3A_510 = arith.andi %parallel_loop3A_503, %parallel_loop3A_509 : vector<16xi32>
      %parallel_loop3A_511 = tpu.bitcast %parallel_loop3A_510 : vector<16xi32> -> vector<16xf32>
      %parallel_loop3A_512 = arith.index_cast %parallel_loop3A_374 : i32 to index
      %parallel_loop3A_513 = arith.constant 32 : index
      %parallel_loop3A_514 = tpu.vector_load %arg10[%parallel_loop3A_512, %parallel_loop3A_513] {strides = array<i32>} : memref<64x128xf32, #tpu.memory_space<vmem>>, vector<1x16xf32>,
      %parallel_loop3A_515 = vector.shape_cast %parallel_loop3A_514 : vector<1x16xf32> to vector<16xf32>
      %parallel_loop3A_516 = arith.addf %parallel_loop3A_515, %parallel_loop3A_483 : vector<16xf32>
      %parallel_loop3A_517 = arith.index_cast %parallel_loop3A_374 : i32 to index
      %parallel_loop3A_518 = arith.constant 32 : index
      %parallel_loop3A_519 = tpu.vector_load %arg14[%parallel_loop3A_517, %parallel_loop3A_518] {strides = array<i32>} : memref<64x128xf32, #tpu.memory_space<vmem>>, vector<1x16xf32>,
      %parallel_loop3A_520 = vector.shape_cast %parallel_loop3A_519 : vector<1x16xf32> to vector<16xf32>
      %parallel_loop3A_521 = arith.subf %parallel_loop3A_516, %parallel_loop3A_520 : vector<16xf32>
      %parallel_loop3A_522 = arith.constant 7.17714262 : f32
      %parallel_loop3A_523 = vector.broadcast %parallel_loop3A_522 : f32 to vector<16xf32>
      %parallel_loop3A_524 = arith.mulf %parallel_loop3A_521, %parallel_loop3A_523 : vector<16xf32>
      %parallel_loop3A_525 = arith.index_cast %parallel_loop3A_374 : i32 to index
      %parallel_loop3A_526 = arith.constant 32 : index
      %parallel_loop3A_527 = tpu.vector_load %arg16[%parallel_loop3A_525, %parallel_loop3A_526] {strides = array<i32>} : memref<64x64xf32, #tpu.memory_space<vmem>>, vector<1x16xf32>,
      %parallel_loop3A_528 = vector.shape_cast %parallel_loop3A_527 : vector<1x16xf32> to vector<16xf32>
      %parallel_loop3A_529 = vector.shape_cast %parallel_loop3A_524 : vector<16xf32> to vector<1x16xf32>
      tpu.vector_store %arg16[%parallel_loop3A_525, %parallel_loop3A_526], %parallel_loop3A_529 {strides = array<i32>} : memref<64x64xf32, #tpu.memory_space<vmem>>, vector<1x16xf32>,
      %parallel_loop3A_530 = arith.index_cast %parallel_loop3A_374 : i32 to index
      %parallel_loop3A_531 = arith.constant 96 : index
      %parallel_loop3A_532 = tpu.vector_load %arg10[%parallel_loop3A_530, %parallel_loop3A_531] {strides = array<i32>} : memref<64x128xf32, #tpu.memory_space<vmem>>, vector<1x16xf32>,
      %parallel_loop3A_533 = vector.shape_cast %parallel_loop3A_532 : vector<1x16xf32> to vector<16xf32>
      %parallel_loop3A_534 = arith.mulf %parallel_loop3A_533, %parallel_loop3A_495 : vector<16xf32>
      %parallel_loop3A_535 = arith.index_cast %parallel_loop3A_374 : i32 to index
      %parallel_loop3A_536 = arith.constant 96 : index
      %parallel_loop3A_537 = tpu.vector_load %arg14[%parallel_loop3A_535, %parallel_loop3A_536] {strides = array<i32>} : memref<64x128xf32, #tpu.memory_space<vmem>>, vector<1x16xf32>,
      %parallel_loop3A_538 = vector.shape_cast %parallel_loop3A_537 : vector<1x16xf32> to vector<16xf32>
      %parallel_loop3A_539 = math.absf %parallel_loop3A_538 : vector<16xf32>
      %parallel_loop3A_540 = arith.mulf %parallel_loop3A_539, %parallel_loop3A_507 : vector<16xf32>
      %parallel_loop3A_541 = arith.subf %parallel_loop3A_534, %parallel_loop3A_540 : vector<16xf32>
      %parallel_loop3A_542 = arith.mulf %parallel_loop3A_541, %parallel_loop3A_541 : vector<16xf32>
      %parallel_loop3A_543 = arith.addf %parallel_loop3A_475, %parallel_loop3A_542 : vector<16xf32>
      %parallel_loop3A_544 = arith.index_cast %parallel_loop3A_374 : i32 to index
      %parallel_loop3A_545 = arith.constant 48 : index
      %parallel_loop3A_546 = tpu.vector_load %arg10[%parallel_loop3A_544, %parallel_loop3A_545] {strides = array<i32>} : memref<64x128xf32, #tpu.memory_space<vmem>>, vector<1x16xf32>,
      %parallel_loop3A_547 = vector.shape_cast %parallel_loop3A_546 : vector<1x16xf32> to vector<16xf32>
      %parallel_loop3A_548 = arith.addf %parallel_loop3A_547, %parallel_loop3A_487 : vector<16xf32>
      %parallel_loop3A_549 = arith.index_cast %parallel_loop3A_374 : i32 to index
      %parallel_loop3A_550 = arith.constant 48 : index
      %parallel_loop3A_551 = tpu.vector_load %arg14[%parallel_loop3A_549, %parallel_loop3A_550] {strides = array<i32>} : memref<64x128xf32, #tpu.memory_space<vmem>>, vector<1x16xf32>,
      %parallel_loop3A_552 = vector.shape_cast %parallel_loop3A_551 : vector<1x16xf32> to vector<16xf32>
      %parallel_loop3A_553 = arith.subf %parallel_loop3A_548, %parallel_loop3A_552 : vector<16xf32>
      %parallel_loop3A_554 = arith.constant 7.17714262 : f32
      %parallel_loop3A_555 = vector.broadcast %parallel_loop3A_554 : f32 to vector<16xf32>
      %parallel_loop3A_556 = arith.mulf %parallel_loop3A_553, %parallel_loop3A_555 : vector<16xf32>
      %parallel_loop3A_557 = arith.index_cast %parallel_loop3A_374 : i32 to index
      %parallel_loop3A_558 = arith.constant 48 : index
      %parallel_loop3A_559 = tpu.vector_load %arg16[%parallel_loop3A_557, %parallel_loop3A_558] {strides = array<i32>} : memref<64x64xf32, #tpu.memory_space<vmem>>, vector<1x16xf32>,
      %parallel_loop3A_560 = vector.shape_cast %parallel_loop3A_559 : vector<1x16xf32> to vector<16xf32>
      %parallel_loop3A_561 = vector.shape_cast %parallel_loop3A_556 : vector<16xf32> to vector<1x16xf32>
      tpu.vector_store %arg16[%parallel_loop3A_557, %parallel_loop3A_558], %parallel_loop3A_561 {strides = array<i32>} : memref<64x64xf32, #tpu.memory_space<vmem>>, vector<1x16xf32>,
      %parallel_loop3A_562 = arith.index_cast %parallel_loop3A_374 : i32 to index
      %parallel_loop3A_563 = arith.constant 112 : index
      %parallel_loop3A_564 = tpu.vector_load %arg10[%parallel_loop3A_562, %parallel_loop3A_563] {strides = array<i32>} : memref<64x128xf32, #tpu.memory_space<vmem>>, vector<1x16xf32>,
      %parallel_loop3A_565 = vector.shape_cast %parallel_loop3A_564 : vector<1x16xf32> to vector<16xf32>
      %parallel_loop3A_566 = arith.mulf %parallel_loop3A_565, %parallel_loop3A_499 : vector<16xf32>
      %parallel_loop3A_567 = arith.index_cast %parallel_loop3A_374 : i32 to index
      %parallel_loop3A_568 = arith.constant 112 : index
      %parallel_loop3A_569 = tpu.vector_load %arg14[%parallel_loop3A_567, %parallel_loop3A_568] {strides = array<i32>} : memref<64x128xf32, #tpu.memory_space<vmem>>, vector<1x16xf32>,
      %parallel_loop3A_570 = vector.shape_cast %parallel_loop3A_569 : vector<1x16xf32> to vector<16xf32>
      %parallel_loop3A_571 = math.absf %parallel_loop3A_570 : vector<16xf32>
      %parallel_loop3A_572 = arith.mulf %parallel_loop3A_571, %parallel_loop3A_511 : vector<16xf32>
      %parallel_loop3A_573 = arith.subf %parallel_loop3A_566, %parallel_loop3A_572 : vector<16xf32>
      %parallel_loop3A_574 = arith.mulf %parallel_loop3A_573, %parallel_loop3A_573 : vector<16xf32>
      %parallel_loop3A_575 = arith.addf %parallel_loop3A_543, %parallel_loop3A_574 : vector<16xf32>
      scf.yield %parallel_loop3A_575 : vector<16xf32>
    } {sc.loop_unroll_factor = 4 : i64, sc.parallel_access}
    %add3A_326 = arith.constant 384 : i32
    %add3A_327 = arith.addi %mul3A_2, %add3A_326 : i32
    %dma_start3A_328 = arith.constant 0 : i32
    %dma_start3A_329 = tpu.memref_slice %arg5[%add3A_327, %dma_start3A_328] : memref<16384x64xf32, #tpu.memory_space<hbm>> -> memref<64x64xf32, #tpu.memory_space<hbm>>
    %dma_start3A_330 = arith.constant 0 : i32
    %dma_start3A_331 = tpu.memref_slice %arg5[%add3A_327, %dma_start3A_330] : memref<16384x64xf32, #tpu.memory_space<hbm>> -> memref<64x64xf32, #tpu.memory_space<hbm>>
    tpu.enqueue_dma source(%arg16 : memref<64x64xf32, #tpu.memory_space<vmem>>) target(%dma_start3A_331 : memref<64x64xf32, #tpu.memory_space<hbm>>) target_semaphore(%arg22 : memref<!tpu.dma_semaphore, #tpu.memory_space<semaphore_mem>>)
    %dma_wait3A_332 = arith.constant 448 : i32
    %dma_wait3A_333 = tpu.memref_slice %arg7[%dma_wait3A_332] : memref<512xi32, #tpu.memory_space<vmem>> -> memref<64xi32, #tpu.memory_space<vmem>>
    %dma_wait3A_334 = arith.constant 0 : i32
    %dma_wait3A_335 = arith.constant 0 : i32
    %dma_wait3A_336 = tpu.memref_slice %arg3[%dma_wait3A_334, %dma_wait3A_335] : memref<1000000x128xf32, #tpu.memory_space<hbm>> -> memref<1000000x128xf32, #tpu.memory_space<hbm>>
    tpu.wait_indirect_dma semaphore(%arg21 : memref<!tpu.dma_semaphore, #tpu.memory_space<semaphore_mem>>) src(%dma_wait3A_336 : memref<1000000x128xf32, #tpu.memory_space<hbm>>) dst(%arg11 : memref<64x128xf32, #tpu.memory_space<vmem>>)
    %dma_wait3A_337 = arith.constant 448 : i32
    %dma_wait3A_338 = tpu.memref_slice %arg8[%dma_wait3A_337] : memref<512xi32, #tpu.memory_space<vmem>> -> memref<64xi32, #tpu.memory_space<vmem>>
    %dma_wait3A_339 = arith.constant 0 : i32
    %dma_wait3A_340 = arith.constant 0 : i32
    %dma_wait3A_341 = tpu.memref_slice %arg4[%dma_wait3A_339, %dma_wait3A_340] : memref<1000x128xi32, #tpu.memory_space<hbm>> -> memref<1000x128xi32, #tpu.memory_space<hbm>>
    tpu.wait_indirect_dma semaphore(%arg21 : memref<!tpu.dma_semaphore, #tpu.memory_space<semaphore_mem>>) src(%dma_wait3A_341 : memref<1000x128xi32, #tpu.memory_space<hbm>>) dst(%arg13 : memref<64x128xi32, #tpu.memory_space<vmem>>)
    %dma_wait3A_342 = arith.constant 448 : i32
    %dma_wait3A_343 = tpu.memref_slice %arg9[%dma_wait3A_342] : memref<512xi32, #tpu.memory_space<vmem>> -> memref<64xi32, #tpu.memory_space<vmem>>
    %dma_wait3A_344 = arith.constant 0 : i32
    %dma_wait3A_345 = arith.constant 0 : i32
    %dma_wait3A_346 = tpu.memref_slice %arg3[%dma_wait3A_344, %dma_wait3A_345] : memref<1000000x128xf32, #tpu.memory_space<hbm>> -> memref<1000000x128xf32, #tpu.memory_space<hbm>>
    tpu.wait_indirect_dma semaphore(%arg21 : memref<!tpu.dma_semaphore, #tpu.memory_space<semaphore_mem>>) src(%dma_wait3A_346 : memref<1000000x128xf32, #tpu.memory_space<hbm>>) dst(%arg15 : memref<64x128xf32, #tpu.memory_space<vmem>>)
    %dma_wait3A_347 = arith.constant 0 : i32
    %dma_wait3A_348 = tpu.memref_slice %arg5[%add3A_283, %dma_wait3A_347] : memref<16384x64xf32, #tpu.memory_space<hbm>> -> memref<64x64xf32, #tpu.memory_space<hbm>>
    %dma_wait3A_349 = arith.constant 0 : i32
    %dma_wait3A_350 = tpu.memref_slice %arg5[%add3A_283, %dma_wait3A_349] : memref<16384x64xf32, #tpu.memory_space<hbm>> -> memref<64x64xf32, #tpu.memory_space<hbm>>
    tpu.wait_dma2 semaphore(%arg23 : memref<!tpu.dma_semaphore, #tpu.memory_space<semaphore_mem>>) src(%arg17 : memref<64x64xf32, #tpu.memory_space<vmem>>) dst(%dma_wait3A_350 : memref<64x64xf32, #tpu.memory_space<hbm>>)
    %parallel_loop3A_351 = arith.constant 0 : i32
    %parallel_loop3A_352 = arith.constant 64 : i32
    %parallel_loop3A_353 = arith.constant 1 : i32
    %parallel_loop3A_354 = scf.for %parallel_loop3A_374 = %parallel_loop3A_351 to %parallel_loop3A_352 step %parallel_loop3A_353 iter_args(%parallel_loop3A_375 = %parallel_loop3A_325) -> (vector<16xf32>)  : i32 {
      %parallel_loop3A_376 = arith.index_cast %parallel_loop3A_374 : i32 to index
      %parallel_loop3A_377 = arith.constant 0 : index
      %parallel_loop3A_378 = tpu.vector_load %arg13[%parallel_loop3A_376, %parallel_loop3A_377] {strides = array<i32>} : memref<64x128xi32, #tpu.memory_space<vmem>>, vector<1x16xi32>,
      %parallel_loop3A_379 = vector.shape_cast %parallel_loop3A_378 : vector<1x16xi32> to vector<16xi32>
      %parallel_loop3A_380 = arith.constant 16 : i32
      %parallel_loop3A_381 = vector.broadcast %parallel_loop3A_380 : i32 to vector<16xi32>
      %parallel_loop3A_382 = arith.shli %parallel_loop3A_379, %parallel_loop3A_381 : vector<16xi32>
      %parallel_loop3A_383 = tpu.bitcast %parallel_loop3A_382 : vector<16xi32> -> vector<16xf32>
      %parallel_loop3A_384 = arith.constant -65536 : i32
      %parallel_loop3A_385 = vector.broadcast %parallel_loop3A_384 : i32 to vector<16xi32>
      %parallel_loop3A_386 = arith.andi %parallel_loop3A_379, %parallel_loop3A_385 : vector<16xi32>
      %parallel_loop3A_387 = tpu.bitcast %parallel_loop3A_386 : vector<16xi32> -> vector<16xf32>
      %parallel_loop3A_388 = arith.index_cast %parallel_loop3A_374 : i32 to index
      %parallel_loop3A_389 = arith.constant 32 : index
      %parallel_loop3A_390 = tpu.vector_load %arg13[%parallel_loop3A_388, %parallel_loop3A_389] {strides = array<i32>} : memref<64x128xi32, #tpu.memory_space<vmem>>, vector<1x16xi32>,
      %parallel_loop3A_391 = vector.shape_cast %parallel_loop3A_390 : vector<1x16xi32> to vector<16xi32>
      %parallel_loop3A_392 = arith.constant 16 : i32
      %parallel_loop3A_393 = vector.broadcast %parallel_loop3A_392 : i32 to vector<16xi32>
      %parallel_loop3A_394 = arith.shli %parallel_loop3A_391, %parallel_loop3A_393 : vector<16xi32>
      %parallel_loop3A_395 = tpu.bitcast %parallel_loop3A_394 : vector<16xi32> -> vector<16xf32>
      %parallel_loop3A_396 = arith.constant -65536 : i32
      %parallel_loop3A_397 = vector.broadcast %parallel_loop3A_396 : i32 to vector<16xi32>
      %parallel_loop3A_398 = arith.andi %parallel_loop3A_391, %parallel_loop3A_397 : vector<16xi32>
      %parallel_loop3A_399 = tpu.bitcast %parallel_loop3A_398 : vector<16xi32> -> vector<16xf32>
      %parallel_loop3A_400 = arith.index_cast %parallel_loop3A_374 : i32 to index
      %parallel_loop3A_401 = arith.constant 64 : index
      %parallel_loop3A_402 = tpu.vector_load %arg13[%parallel_loop3A_400, %parallel_loop3A_401] {strides = array<i32>} : memref<64x128xi32, #tpu.memory_space<vmem>>, vector<1x16xi32>,
      %parallel_loop3A_403 = vector.shape_cast %parallel_loop3A_402 : vector<1x16xi32> to vector<16xi32>
      %parallel_loop3A_404 = arith.constant 16 : i32
      %parallel_loop3A_405 = vector.broadcast %parallel_loop3A_404 : i32 to vector<16xi32>
      %parallel_loop3A_406 = arith.shli %parallel_loop3A_403, %parallel_loop3A_405 : vector<16xi32>
      %parallel_loop3A_407 = tpu.bitcast %parallel_loop3A_406 : vector<16xi32> -> vector<16xf32>
      %parallel_loop3A_408 = arith.constant -65536 : i32
      %parallel_loop3A_409 = vector.broadcast %parallel_loop3A_408 : i32 to vector<16xi32>
      %parallel_loop3A_410 = arith.andi %parallel_loop3A_403, %parallel_loop3A_409 : vector<16xi32>
      %parallel_loop3A_411 = tpu.bitcast %parallel_loop3A_410 : vector<16xi32> -> vector<16xf32>
      %parallel_loop3A_412 = arith.index_cast %parallel_loop3A_374 : i32 to index
      %parallel_loop3A_413 = arith.constant 0 : index
      %parallel_loop3A_414 = tpu.vector_load %arg11[%parallel_loop3A_412, %parallel_loop3A_413] {strides = array<i32>} : memref<64x128xf32, #tpu.memory_space<vmem>>, vector<1x16xf32>,
      %parallel_loop3A_415 = vector.shape_cast %parallel_loop3A_414 : vector<1x16xf32> to vector<16xf32>
      %parallel_loop3A_416 = arith.addf %parallel_loop3A_415, %parallel_loop3A_383 : vector<16xf32>
      %parallel_loop3A_417 = arith.index_cast %parallel_loop3A_374 : i32 to index
      %parallel_loop3A_418 = arith.constant 0 : index
      %parallel_loop3A_419 = tpu.vector_load %arg15[%parallel_loop3A_417, %parallel_loop3A_418] {strides = array<i32>} : memref<64x128xf32, #tpu.memory_space<vmem>>, vector<1x16xf32>,
      %parallel_loop3A_420 = vector.shape_cast %parallel_loop3A_419 : vector<1x16xf32> to vector<16xf32>
      %parallel_loop3A_421 = arith.subf %parallel_loop3A_416, %parallel_loop3A_420 : vector<16xf32>
      %parallel_loop3A_422 = arith.constant 7.17714262 : f32
      %parallel_loop3A_423 = vector.broadcast %parallel_loop3A_422 : f32 to vector<16xf32>
      %parallel_loop3A_424 = arith.mulf %parallel_loop3A_421, %parallel_loop3A_423 : vector<16xf32>
      %parallel_loop3A_425 = arith.index_cast %parallel_loop3A_374 : i32 to index
      %parallel_loop3A_426 = arith.constant 0 : index
      %parallel_loop3A_427 = tpu.vector_load %arg17[%parallel_loop3A_425, %parallel_loop3A_426] {strides = array<i32>} : memref<64x64xf32, #tpu.memory_space<vmem>>, vector<1x16xf32>,
      %parallel_loop3A_428 = vector.shape_cast %parallel_loop3A_427 : vector<1x16xf32> to vector<16xf32>
      %parallel_loop3A_429 = vector.shape_cast %parallel_loop3A_424 : vector<16xf32> to vector<1x16xf32>
      tpu.vector_store %arg17[%parallel_loop3A_425, %parallel_loop3A_426], %parallel_loop3A_429 {strides = array<i32>} : memref<64x64xf32, #tpu.memory_space<vmem>>, vector<1x16xf32>,
      %parallel_loop3A_430 = arith.index_cast %parallel_loop3A_374 : i32 to index
      %parallel_loop3A_431 = arith.constant 64 : index
      %parallel_loop3A_432 = tpu.vector_load %arg11[%parallel_loop3A_430, %parallel_loop3A_431] {strides = array<i32>} : memref<64x128xf32, #tpu.memory_space<vmem>>, vector<1x16xf32>,
      %parallel_loop3A_433 = vector.shape_cast %parallel_loop3A_432 : vector<1x16xf32> to vector<16xf32>
      %parallel_loop3A_434 = arith.mulf %parallel_loop3A_433, %parallel_loop3A_395 : vector<16xf32>
      %parallel_loop3A_435 = arith.index_cast %parallel_loop3A_374 : i32 to index
      %parallel_loop3A_436 = arith.constant 64 : index
      %parallel_loop3A_437 = tpu.vector_load %arg15[%parallel_loop3A_435, %parallel_loop3A_436] {strides = array<i32>} : memref<64x128xf32, #tpu.memory_space<vmem>>, vector<1x16xf32>,
      %parallel_loop3A_438 = vector.shape_cast %parallel_loop3A_437 : vector<1x16xf32> to vector<16xf32>
      %parallel_loop3A_439 = math.absf %parallel_loop3A_438 : vector<16xf32>
      %parallel_loop3A_440 = arith.mulf %parallel_loop3A_439, %parallel_loop3A_407 : vector<16xf32>
      %parallel_loop3A_441 = arith.subf %parallel_loop3A_434, %parallel_loop3A_440 : vector<16xf32>
      %parallel_loop3A_442 = arith.mulf %parallel_loop3A_441, %parallel_loop3A_441 : vector<16xf32>
      %parallel_loop3A_443 = arith.addf %parallel_loop3A_375, %parallel_loop3A_442 : vector<16xf32>
      %parallel_loop3A_444 = arith.index_cast %parallel_loop3A_374 : i32 to index
      %parallel_loop3A_445 = arith.constant 16 : index
      %parallel_loop3A_446 = tpu.vector_load %arg11[%parallel_loop3A_444, %parallel_loop3A_445] {strides = array<i32>} : memref<64x128xf32, #tpu.memory_space<vmem>>, vector<1x16xf32>,
      %parallel_loop3A_447 = vector.shape_cast %parallel_loop3A_446 : vector<1x16xf32> to vector<16xf32>
      %parallel_loop3A_448 = arith.addf %parallel_loop3A_447, %parallel_loop3A_387 : vector<16xf32>
      %parallel_loop3A_449 = arith.index_cast %parallel_loop3A_374 : i32 to index
      %parallel_loop3A_450 = arith.constant 16 : index
      %parallel_loop3A_451 = tpu.vector_load %arg15[%parallel_loop3A_449, %parallel_loop3A_450] {strides = array<i32>} : memref<64x128xf32, #tpu.memory_space<vmem>>, vector<1x16xf32>,
      %parallel_loop3A_452 = vector.shape_cast %parallel_loop3A_451 : vector<1x16xf32> to vector<16xf32>
      %parallel_loop3A_453 = arith.subf %parallel_loop3A_448, %parallel_loop3A_452 : vector<16xf32>
      %parallel_loop3A_454 = arith.constant 7.17714262 : f32
      %parallel_loop3A_455 = vector.broadcast %parallel_loop3A_454 : f32 to vector<16xf32>
      %parallel_loop3A_456 = arith.mulf %parallel_loop3A_453, %parallel_loop3A_455 : vector<16xf32>
      %parallel_loop3A_457 = arith.index_cast %parallel_loop3A_374 : i32 to index
      %parallel_loop3A_458 = arith.constant 16 : index
      %parallel_loop3A_459 = tpu.vector_load %arg17[%parallel_loop3A_457, %parallel_loop3A_458] {strides = array<i32>} : memref<64x64xf32, #tpu.memory_space<vmem>>, vector<1x16xf32>,
      %parallel_loop3A_460 = vector.shape_cast %parallel_loop3A_459 : vector<1x16xf32> to vector<16xf32>
      %parallel_loop3A_461 = vector.shape_cast %parallel_loop3A_456 : vector<16xf32> to vector<1x16xf32>
      tpu.vector_store %arg17[%parallel_loop3A_457, %parallel_loop3A_458], %parallel_loop3A_461 {strides = array<i32>} : memref<64x64xf32, #tpu.memory_space<vmem>>, vector<1x16xf32>,
      %parallel_loop3A_462 = arith.index_cast %parallel_loop3A_374 : i32 to index
      %parallel_loop3A_463 = arith.constant 80 : index
      %parallel_loop3A_464 = tpu.vector_load %arg11[%parallel_loop3A_462, %parallel_loop3A_463] {strides = array<i32>} : memref<64x128xf32, #tpu.memory_space<vmem>>, vector<1x16xf32>,
      %parallel_loop3A_465 = vector.shape_cast %parallel_loop3A_464 : vector<1x16xf32> to vector<16xf32>
      %parallel_loop3A_466 = arith.mulf %parallel_loop3A_465, %parallel_loop3A_399 : vector<16xf32>
      %parallel_loop3A_467 = arith.index_cast %parallel_loop3A_374 : i32 to index
      %parallel_loop3A_468 = arith.constant 80 : index
      %parallel_loop3A_469 = tpu.vector_load %arg15[%parallel_loop3A_467, %parallel_loop3A_468] {strides = array<i32>} : memref<64x128xf32, #tpu.memory_space<vmem>>, vector<1x16xf32>,
      %parallel_loop3A_470 = vector.shape_cast %parallel_loop3A_469 : vector<1x16xf32> to vector<16xf32>
      %parallel_loop3A_471 = math.absf %parallel_loop3A_470 : vector<16xf32>
      %parallel_loop3A_472 = arith.mulf %parallel_loop3A_471, %parallel_loop3A_411 : vector<16xf32>
      %parallel_loop3A_473 = arith.subf %parallel_loop3A_466, %parallel_loop3A_472 : vector<16xf32>
      %parallel_loop3A_474 = arith.mulf %parallel_loop3A_473, %parallel_loop3A_473 : vector<16xf32>
      %parallel_loop3A_475 = arith.addf %parallel_loop3A_443, %parallel_loop3A_474 : vector<16xf32>
      %parallel_loop3A_476 = arith.index_cast %parallel_loop3A_374 : i32 to index
      %parallel_loop3A_477 = arith.constant 16 : index
      %parallel_loop3A_478 = tpu.vector_load %arg13[%parallel_loop3A_476, %parallel_loop3A_477] {strides = array<i32>} : memref<64x128xi32, #tpu.memory_space<vmem>>, vector<1x16xi32>,
      %parallel_loop3A_479 = vector.shape_cast %parallel_loop3A_478 : vector<1x16xi32> to vector<16xi32>
      %parallel_loop3A_480 = arith.constant 16 : i32
      %parallel_loop3A_481 = vector.broadcast %parallel_loop3A_480 : i32 to vector<16xi32>
      %parallel_loop3A_482 = arith.shli %parallel_loop3A_479, %parallel_loop3A_481 : vector<16xi32>
      %parallel_loop3A_483 = tpu.bitcast %parallel_loop3A_482 : vector<16xi32> -> vector<16xf32>
      %parallel_loop3A_484 = arith.constant -65536 : i32
      %parallel_loop3A_485 = vector.broadcast %parallel_loop3A_484 : i32 to vector<16xi32>
      %parallel_loop3A_486 = arith.andi %parallel_loop3A_479, %parallel_loop3A_485 : vector<16xi32>
      %parallel_loop3A_487 = tpu.bitcast %parallel_loop3A_486 : vector<16xi32> -> vector<16xf32>
      %parallel_loop3A_488 = arith.index_cast %parallel_loop3A_374 : i32 to index
      %parallel_loop3A_489 = arith.constant 48 : index
      %parallel_loop3A_490 = tpu.vector_load %arg13[%parallel_loop3A_488, %parallel_loop3A_489] {strides = array<i32>} : memref<64x128xi32, #tpu.memory_space<vmem>>, vector<1x16xi32>,
      %parallel_loop3A_491 = vector.shape_cast %parallel_loop3A_490 : vector<1x16xi32> to vector<16xi32>
      %parallel_loop3A_492 = arith.constant 16 : i32
      %parallel_loop3A_493 = vector.broadcast %parallel_loop3A_492 : i32 to vector<16xi32>
      %parallel_loop3A_494 = arith.shli %parallel_loop3A_491, %parallel_loop3A_493 : vector<16xi32>
      %parallel_loop3A_495 = tpu.bitcast %parallel_loop3A_494 : vector<16xi32> -> vector<16xf32>
      %parallel_loop3A_496 = arith.constant -65536 : i32
      %parallel_loop3A_497 = vector.broadcast %parallel_loop3A_496 : i32 to vector<16xi32>
      %parallel_loop3A_498 = arith.andi %parallel_loop3A_491, %parallel_loop3A_497 : vector<16xi32>
      %parallel_loop3A_499 = tpu.bitcast %parallel_loop3A_498 : vector<16xi32> -> vector<16xf32>
      %parallel_loop3A_500 = arith.index_cast %parallel_loop3A_374 : i32 to index
      %parallel_loop3A_501 = arith.constant 80 : index
      %parallel_loop3A_502 = tpu.vector_load %arg13[%parallel_loop3A_500, %parallel_loop3A_501] {strides = array<i32>} : memref<64x128xi32, #tpu.memory_space<vmem>>, vector<1x16xi32>,
      %parallel_loop3A_503 = vector.shape_cast %parallel_loop3A_502 : vector<1x16xi32> to vector<16xi32>
      %parallel_loop3A_504 = arith.constant 16 : i32
      %parallel_loop3A_505 = vector.broadcast %parallel_loop3A_504 : i32 to vector<16xi32>
      %parallel_loop3A_506 = arith.shli %parallel_loop3A_503, %parallel_loop3A_505 : vector<16xi32>
      %parallel_loop3A_507 = tpu.bitcast %parallel_loop3A_506 : vector<16xi32> -> vector<16xf32>
      %parallel_loop3A_508 = arith.constant -65536 : i32
      %parallel_loop3A_509 = vector.broadcast %parallel_loop3A_508 : i32 to vector<16xi32>
      %parallel_loop3A_510 = arith.andi %parallel_loop3A_503, %parallel_loop3A_509 : vector<16xi32>
      %parallel_loop3A_511 = tpu.bitcast %parallel_loop3A_510 : vector<16xi32> -> vector<16xf32>
      %parallel_loop3A_512 = arith.index_cast %parallel_loop3A_374 : i32 to index
      %parallel_loop3A_513 = arith.constant 32 : index
      %parallel_loop3A_514 = tpu.vector_load %arg11[%parallel_loop3A_512, %parallel_loop3A_513] {strides = array<i32>} : memref<64x128xf32, #tpu.memory_space<vmem>>, vector<1x16xf32>,
      %parallel_loop3A_515 = vector.shape_cast %parallel_loop3A_514 : vector<1x16xf32> to vector<16xf32>
      %parallel_loop3A_516 = arith.addf %parallel_loop3A_515, %parallel_loop3A_483 : vector<16xf32>
      %parallel_loop3A_517 = arith.index_cast %parallel_loop3A_374 : i32 to index
      %parallel_loop3A_518 = arith.constant 32 : index
      %parallel_loop3A_519 = tpu.vector_load %arg15[%parallel_loop3A_517, %parallel_loop3A_518] {strides = array<i32>} : memref<64x128xf32, #tpu.memory_space<vmem>>, vector<1x16xf32>,
      %parallel_loop3A_520 = vector.shape_cast %parallel_loop3A_519 : vector<1x16xf32> to vector<16xf32>
      %parallel_loop3A_521 = arith.subf %parallel_loop3A_516, %parallel_loop3A_520 : vector<16xf32>
      %parallel_loop3A_522 = arith.constant 7.17714262 : f32
      %parallel_loop3A_523 = vector.broadcast %parallel_loop3A_522 : f32 to vector<16xf32>
      %parallel_loop3A_524 = arith.mulf %parallel_loop3A_521, %parallel_loop3A_523 : vector<16xf32>
      %parallel_loop3A_525 = arith.index_cast %parallel_loop3A_374 : i32 to index
      %parallel_loop3A_526 = arith.constant 32 : index
      %parallel_loop3A_527 = tpu.vector_load %arg17[%parallel_loop3A_525, %parallel_loop3A_526] {strides = array<i32>} : memref<64x64xf32, #tpu.memory_space<vmem>>, vector<1x16xf32>,
      %parallel_loop3A_528 = vector.shape_cast %parallel_loop3A_527 : vector<1x16xf32> to vector<16xf32>
      %parallel_loop3A_529 = vector.shape_cast %parallel_loop3A_524 : vector<16xf32> to vector<1x16xf32>
      tpu.vector_store %arg17[%parallel_loop3A_525, %parallel_loop3A_526], %parallel_loop3A_529 {strides = array<i32>} : memref<64x64xf32, #tpu.memory_space<vmem>>, vector<1x16xf32>,
      %parallel_loop3A_530 = arith.index_cast %parallel_loop3A_374 : i32 to index
      %parallel_loop3A_531 = arith.constant 96 : index
      %parallel_loop3A_532 = tpu.vector_load %arg11[%parallel_loop3A_530, %parallel_loop3A_531] {strides = array<i32>} : memref<64x128xf32, #tpu.memory_space<vmem>>, vector<1x16xf32>,
      %parallel_loop3A_533 = vector.shape_cast %parallel_loop3A_532 : vector<1x16xf32> to vector<16xf32>
      %parallel_loop3A_534 = arith.mulf %parallel_loop3A_533, %parallel_loop3A_495 : vector<16xf32>
      %parallel_loop3A_535 = arith.index_cast %parallel_loop3A_374 : i32 to index
      %parallel_loop3A_536 = arith.constant 96 : index
      %parallel_loop3A_537 = tpu.vector_load %arg15[%parallel_loop3A_535, %parallel_loop3A_536] {strides = array<i32>} : memref<64x128xf32, #tpu.memory_space<vmem>>, vector<1x16xf32>,
      %parallel_loop3A_538 = vector.shape_cast %parallel_loop3A_537 : vector<1x16xf32> to vector<16xf32>
      %parallel_loop3A_539 = math.absf %parallel_loop3A_538 : vector<16xf32>
      %parallel_loop3A_540 = arith.mulf %parallel_loop3A_539, %parallel_loop3A_507 : vector<16xf32>
      %parallel_loop3A_541 = arith.subf %parallel_loop3A_534, %parallel_loop3A_540 : vector<16xf32>
      %parallel_loop3A_542 = arith.mulf %parallel_loop3A_541, %parallel_loop3A_541 : vector<16xf32>
      %parallel_loop3A_543 = arith.addf %parallel_loop3A_475, %parallel_loop3A_542 : vector<16xf32>
      %parallel_loop3A_544 = arith.index_cast %parallel_loop3A_374 : i32 to index
      %parallel_loop3A_545 = arith.constant 48 : index
      %parallel_loop3A_546 = tpu.vector_load %arg11[%parallel_loop3A_544, %parallel_loop3A_545] {strides = array<i32>} : memref<64x128xf32, #tpu.memory_space<vmem>>, vector<1x16xf32>,
      %parallel_loop3A_547 = vector.shape_cast %parallel_loop3A_546 : vector<1x16xf32> to vector<16xf32>
      %parallel_loop3A_548 = arith.addf %parallel_loop3A_547, %parallel_loop3A_487 : vector<16xf32>
      %parallel_loop3A_549 = arith.index_cast %parallel_loop3A_374 : i32 to index
      %parallel_loop3A_550 = arith.constant 48 : index
      %parallel_loop3A_551 = tpu.vector_load %arg15[%parallel_loop3A_549, %parallel_loop3A_550] {strides = array<i32>} : memref<64x128xf32, #tpu.memory_space<vmem>>, vector<1x16xf32>,
      %parallel_loop3A_552 = vector.shape_cast %parallel_loop3A_551 : vector<1x16xf32> to vector<16xf32>
      %parallel_loop3A_553 = arith.subf %parallel_loop3A_548, %parallel_loop3A_552 : vector<16xf32>
      %parallel_loop3A_554 = arith.constant 7.17714262 : f32
      %parallel_loop3A_555 = vector.broadcast %parallel_loop3A_554 : f32 to vector<16xf32>
      %parallel_loop3A_556 = arith.mulf %parallel_loop3A_553, %parallel_loop3A_555 : vector<16xf32>
      %parallel_loop3A_557 = arith.index_cast %parallel_loop3A_374 : i32 to index
      %parallel_loop3A_558 = arith.constant 48 : index
      %parallel_loop3A_559 = tpu.vector_load %arg17[%parallel_loop3A_557, %parallel_loop3A_558] {strides = array<i32>} : memref<64x64xf32, #tpu.memory_space<vmem>>, vector<1x16xf32>,
      %parallel_loop3A_560 = vector.shape_cast %parallel_loop3A_559 : vector<1x16xf32> to vector<16xf32>
      %parallel_loop3A_561 = vector.shape_cast %parallel_loop3A_556 : vector<16xf32> to vector<1x16xf32>
      tpu.vector_store %arg17[%parallel_loop3A_557, %parallel_loop3A_558], %parallel_loop3A_561 {strides = array<i32>} : memref<64x64xf32, #tpu.memory_space<vmem>>, vector<1x16xf32>,
      %parallel_loop3A_562 = arith.index_cast %parallel_loop3A_374 : i32 to index
      %parallel_loop3A_563 = arith.constant 112 : index
      %parallel_loop3A_564 = tpu.vector_load %arg11[%parallel_loop3A_562, %parallel_loop3A_563] {strides = array<i32>} : memref<64x128xf32, #tpu.memory_space<vmem>>, vector<1x16xf32>,
      %parallel_loop3A_565 = vector.shape_cast %parallel_loop3A_564 : vector<1x16xf32> to vector<16xf32>
      %parallel_loop3A_566 = arith.mulf %parallel_loop3A_565, %parallel_loop3A_499 : vector<16xf32>
      %parallel_loop3A_567 = arith.index_cast %parallel_loop3A_374 : i32 to index
      %parallel_loop3A_568 = arith.constant 112 : index
      %parallel_loop3A_569 = tpu.vector_load %arg15[%parallel_loop3A_567, %parallel_loop3A_568] {strides = array<i32>} : memref<64x128xf32, #tpu.memory_space<vmem>>, vector<1x16xf32>,
      %parallel_loop3A_570 = vector.shape_cast %parallel_loop3A_569 : vector<1x16xf32> to vector<16xf32>
      %parallel_loop3A_571 = math.absf %parallel_loop3A_570 : vector<16xf32>
      %parallel_loop3A_572 = arith.mulf %parallel_loop3A_571, %parallel_loop3A_511 : vector<16xf32>
      %parallel_loop3A_573 = arith.subf %parallel_loop3A_566, %parallel_loop3A_572 : vector<16xf32>
      %parallel_loop3A_574 = arith.mulf %parallel_loop3A_573, %parallel_loop3A_573 : vector<16xf32>
      %parallel_loop3A_575 = arith.addf %parallel_loop3A_543, %parallel_loop3A_574 : vector<16xf32>
      scf.yield %parallel_loop3A_575 : vector<16xf32>
    } {sc.loop_unroll_factor = 4 : i64, sc.parallel_access}
    %add3A_355 = arith.constant 448 : i32
    %add3A_356 = arith.addi %mul3A_2, %add3A_355 : i32
    %dma_start3A_357 = arith.constant 0 : i32
    %dma_start3A_358 = tpu.memref_slice %arg5[%add3A_356, %dma_start3A_357] : memref<16384x64xf32, #tpu.memory_space<hbm>> -> memref<64x64xf32, #tpu.memory_space<hbm>>
    %dma_start3A_359 = arith.constant 0 : i32
    %dma_start3A_360 = tpu.memref_slice %arg5[%add3A_356, %dma_start3A_359] : memref<16384x64xf32, #tpu.memory_space<hbm>> -> memref<64x64xf32, #tpu.memory_space<hbm>>
    tpu.enqueue_dma source(%arg17 : memref<64x64xf32, #tpu.memory_space<vmem>>) target(%dma_start3A_360 : memref<64x64xf32, #tpu.memory_space<hbm>>) target_semaphore(%arg23 : memref<!tpu.dma_semaphore, #tpu.memory_space<semaphore_mem>>)
    %swap3A = arith.constant 0 : index
    %swap3A_361 = tpu.vector_load %arg18[%swap3A] {strides = array<i32>} : memref<16xf32, #tpu.memory_space<vmem>>, vector<16xf32>,
    %swap3A_362 = vector.shape_cast %swap3A_361 : vector<16xf32> to vector<16xf32>
    %swap3A_363 = vector.shape_cast %parallel_loop3A_354 : vector<16xf32> to vector<16xf32>
    tpu.vector_store %arg18[%swap3A], %swap3A_363 {strides = array<i32>} : memref<16xf32, #tpu.memory_space<vmem>>, vector<16xf32>,
    %mul3A_364 = arith.constant 16 : i32
    %mul3A_365 = arith.muli %add3A, %mul3A_364 : i32
    "tpu.region"() ({
      %run_scoped3A = tpu.sem_alloc : memref<!tpu.dma_semaphore, #tpu.memory_space<semaphore_mem>>
      %dma_start3A_374 = tpu.memref_slice %arg6[%mul3A_365] : memref<512xf32, #tpu.memory_space<hbm>> -> memref<16xf32, #tpu.memory_space<hbm>>
      %dma_start3A_375 = tpu.memref_slice %arg6[%mul3A_365] : memref<512xf32, #tpu.memory_space<hbm>> -> memref<16xf32, #tpu.memory_space<hbm>>
      tpu.enqueue_dma source(%arg18 : memref<16xf32, #tpu.memory_space<vmem>>) target(%dma_start3A_375 : memref<16xf32, #tpu.memory_space<hbm>>) target_semaphore(%run_scoped3A : memref<!tpu.dma_semaphore, #tpu.memory_space<semaphore_mem>>)
      %dma_wait3A_376 = tpu.memref_slice %arg6[%mul3A_365] : memref<512xf32, #tpu.memory_space<hbm>> -> memref<16xf32, #tpu.memory_space<hbm>>
      %dma_wait3A_377 = tpu.memref_slice %arg6[%mul3A_365] : memref<512xf32, #tpu.memory_space<hbm>> -> memref<16xf32, #tpu.memory_space<hbm>>
      tpu.wait_dma2 semaphore(%run_scoped3A : memref<!tpu.dma_semaphore, #tpu.memory_space<semaphore_mem>>) src(%arg18 : memref<16xf32, #tpu.memory_space<vmem>>) dst(%dma_wait3A_377 : memref<16xf32, #tpu.memory_space<hbm>>)
      tpu.yield
    }) : () -> ()
    %dma_wait3A_366 = arith.constant 0 : i32
    %dma_wait3A_367 = tpu.memref_slice %arg5[%add3A_327, %dma_wait3A_366] : memref<16384x64xf32, #tpu.memory_space<hbm>> -> memref<64x64xf32, #tpu.memory_space<hbm>>
    %dma_wait3A_368 = arith.constant 0 : i32
    %dma_wait3A_369 = tpu.memref_slice %arg5[%add3A_327, %dma_wait3A_368] : memref<16384x64xf32, #tpu.memory_space<hbm>> -> memref<64x64xf32, #tpu.memory_space<hbm>>
    tpu.wait_dma2 semaphore(%arg22 : memref<!tpu.dma_semaphore, #tpu.memory_space<semaphore_mem>>) src(%arg16 : memref<64x64xf32, #tpu.memory_space<vmem>>) dst(%dma_wait3A_369 : memref<64x64xf32, #tpu.memory_space<hbm>>)
    %dma_wait3A_370 = arith.constant 0 : i32
    %dma_wait3A_371 = tpu.memref_slice %arg5[%add3A_356, %dma_wait3A_370] : memref<16384x64xf32, #tpu.memory_space<hbm>> -> memref<64x64xf32, #tpu.memory_space<hbm>>
    %dma_wait3A_372 = arith.constant 0 : i32
    %dma_wait3A_373 = tpu.memref_slice %arg5[%add3A_356, %dma_wait3A_372] : memref<16384x64xf32, #tpu.memory_space<hbm>> -> memref<64x64xf32, #tpu.memory_space<hbm>>
    tpu.wait_dma2 semaphore(%arg23 : memref<!tpu.dma_semaphore, #tpu.memory_space<semaphore_mem>>) src(%arg17 : memref<64x64xf32, #tpu.memory_space<vmem>>) dst(%dma_wait3A_373 : memref<64x64xf32, #tpu.memory_space<hbm>>)
    return
  }
}

module attributes {stable_mosaic.version = 14 : i64} {
  func.func @_tc_score_body(%arg0: i32, %arg1: memref<2048x64xf32, #tpu.memory_space<vmem>>, %arg2: memref<512xf32, #tpu.memory_space<vmem>>, %arg3: memref<16384xf32, #tpu.memory_space<vmem>>, %arg4: memref<16384xf32, #tpu.memory_space<vmem>>) attributes {dimension_semantics = [#tpu.dimension_semantics<arbitrary>], iteration_bounds = array<i64: 8>, scalar_prefetch = 0 : i64, scratch_operands = 1 : i64, tpu.core_type = #tpu.core_type<tc>, window_params = [{transform_indices = @transform_0, window_bounds = array<i64: 2048, 64>}, {pipeline_mode = #tpu.pipeline_mode<synchronous>, transform_indices = @transform_1, window_bounds = array<i64: 512>}, {pipeline_mode = #tpu.pipeline_mode<synchronous>, transform_indices = @transform_2, window_bounds = array<i64: 16384>}]} {
    %get3A = arith.constant 0 : index
    %get3A_0 = arith.constant 0 : index
    %get3A_1 = vector.load %arg1[%get3A, %get3A_0] : memref<2048x64xf32, #tpu.memory_space<vmem>>, vector<2048x64xf32>
    %mul3A = arith.constant 0.318309873 : f32
    %mul3A_2 = vector.broadcast %mul3A : f32 to vector<2048x64xf32>
    %mul3A_3 = arith.mulf %get3A_1, %mul3A_2 : vector<2048x64xf32>
    %ge3A = arith.constant 0.000000e+00 : f32
    %ge3A_4 = vector.broadcast %ge3A : f32 to vector<2048x64xf32>
    %ge3A_5 = arith.cmpf oge, %mul3A_3, %ge3A_4 : vector<2048x64xf32>
    %jit3A = arith.constant 5.000000e-01 : f32
    %jit3A_6 = arith.constant -5.000000e-01 : f32
    %broadcast_in_dim3A = vector.broadcast %jit3A : f32 to vector<2048x64xf32>
    %broadcast_in_dim3A_7 = vector.broadcast %jit3A_6 : f32 to vector<2048x64xf32>
    %select_n3A = arith.select %ge3A_5, %broadcast_in_dim3A, %broadcast_in_dim3A_7 : vector<2048x64xi1>, vector<2048x64xf32>
    %add3A = arith.addf %mul3A_3, %select_n3A : vector<2048x64xf32>
    %convert_element_type3A = arith.fptosi %add3A : vector<2048x64xf32> to vector<2048x64xi32>
    %convert_element_type3A_8 = arith.sitofp %convert_element_type3A : vector<2048x64xi32> to vector<2048x64xf32>
    %mul3A_9 = arith.constant 3.140625 : f32
    %mul3A_10 = vector.broadcast %mul3A_9 : f32 to vector<2048x64xf32>
    %mul3A_11 = arith.mulf %convert_element_type3A_8, %mul3A_10 : vector<2048x64xf32>
    %sub3A = arith.subf %get3A_1, %mul3A_11 : vector<2048x64xf32>
    %mul3A_12 = arith.constant 9.67653584E-4 : f32
    %mul3A_13 = vector.broadcast %mul3A_12 : f32 to vector<2048x64xf32>
    %mul3A_14 = arith.mulf %convert_element_type3A_8, %mul3A_13 : vector<2048x64xf32>
    %sub3A_15 = arith.subf %sub3A, %mul3A_14 : vector<2048x64xf32>
    %mul3A_16 = arith.mulf %sub3A_15, %sub3A_15 : vector<2048x64xf32>
    %mul3A_17 = arith.constant -1.95152956E-4 : f32
    %mul3A_18 = vector.broadcast %mul3A_17 : f32 to vector<2048x64xf32>
    %mul3A_19 = arith.mulf %mul3A_16, %mul3A_18 : vector<2048x64xf32>
    %add3A_20 = arith.constant 0.00833216123 : f32
    %add3A_21 = vector.broadcast %add3A_20 : f32 to vector<2048x64xf32>
    %add3A_22 = arith.addf %add3A_21, %mul3A_19 : vector<2048x64xf32>
    %mul3A_23 = arith.mulf %mul3A_16, %add3A_22 : vector<2048x64xf32>
    %add3A_24 = arith.constant -0.166666552 : f32
    %add3A_25 = vector.broadcast %add3A_24 : f32 to vector<2048x64xf32>
    %add3A_26 = arith.addf %add3A_25, %mul3A_23 : vector<2048x64xf32>
    %mul3A_27 = arith.mulf %mul3A_16, %add3A_26 : vector<2048x64xf32>
    %add3A_28 = arith.constant 1.000000e+00 : f32
    %add3A_29 = vector.broadcast %add3A_28 : f32 to vector<2048x64xf32>
    %add3A_30 = arith.addf %add3A_29, %mul3A_27 : vector<2048x64xf32>
    %mul3A_31 = arith.mulf %sub3A_15, %add3A_30 : vector<2048x64xf32>
    %mul3A_32 = arith.mulf %mul3A_31, %mul3A_31 : vector<2048x64xf32>
    %reduce_sum3A = arith.constant dense<0.000000e+00> : vector<2048xf32>
    %reduce_sum3A_33 = vector.multi_reduction <add>, %mul3A_32, %reduce_sum3A [1] : vector<2048x64xf32> to vector<2048xf32>
    %mul3A_34 = arith.constant 2048 : i32
    %mul3A_35 = arith.muli %arg0, %mul3A_34 : i32
    %swap3A = arith.index_cast %mul3A_35 : i32 to index
    %swap3A_36 = vector.load %arg4[%swap3A] : memref<16384xf32, #tpu.memory_space<vmem>>, vector<2048xf32>
    tpu.vector_store %arg4[%swap3A], %reduce_sum3A_33 {strides = array<i32>} : memref<16384xf32, #tpu.memory_space<vmem>>, vector<2048xf32>,
    %eq3A = arith.constant 7 : i32
    %eq3A_37 = arith.cmpi eq, %arg0, %eq3A : i32
    %convert_element_type3A_38 = arith.extui %eq3A_37 : i1 to i32
    %cond3A = arith.constant 0 : i32
    %cond3A_39 = arith.cmpi ne, %convert_element_type3A_38, %cond3A : i32
    scf.if %cond3A_39 {
      %get3A_40 = arith.constant 0 : index
      %get3A_41 = vector.load %arg2[%get3A_40] : memref<512xf32, #tpu.memory_space<vmem>>, vector<512xf32>
      %reduce_sum3A_42 = vector.shape_cast %get3A_41 : vector<512xf32> to vector<1x512xf32>
      %reduce_sum3A_43 = arith.constant dense<0.000000e+00> : vector<1xf32>
      %reduce_sum3A_44 = vector.multi_reduction <add>, %reduce_sum3A_42, %reduce_sum3A_43 [1] : vector<1x512xf32> to vector<1xf32>
      %reduce_sum3A_45 = vector.shape_cast %reduce_sum3A_44 : vector<1xf32> to vector<1x1xf32>
      %reduce_sum3A_46 = vector.extract %reduce_sum3A_45[0, 0] : f32 from vector<1x1xf32>
      %sqrt3A = math.sqrt %reduce_sum3A_46 : f32
      %sub3A_47 = arith.constant 1.200000e+01 : f32
      %sub3A_48 = arith.subf %sub3A_47, %sqrt3A : f32
      %get3A_49 = arith.constant 0 : index
      %get3A_50 = vector.load %arg4[%get3A_49] : memref<16384xf32, #tpu.memory_space<vmem>>, vector<16384xf32>
      %sqrt3A_51 = math.sqrt %get3A_50 : vector<16384xf32>
      %mul3A_52 = arith.constant 5.000000e-01 : f32
      %mul3A_53 = vector.broadcast %mul3A_52 : f32 to vector<16384xf32>
      %mul3A_54 = arith.mulf %mul3A_53, %sqrt3A_51 : vector<16384xf32>
      %sub3A_55 = vector.broadcast %sub3A_48 : f32 to vector<16384xf32>
      %sub3A_56 = arith.subf %sub3A_55, %mul3A_54 : vector<16384xf32>
      %swap3A_57 = arith.constant 0 : index
      %swap3A_58 = vector.load %arg3[%swap3A_57] : memref<16384xf32, #tpu.memory_space<vmem>>, vector<16384xf32>
      tpu.vector_store %arg3[%swap3A_57], %sub3A_56 {strides = array<i32>} : memref<16384xf32, #tpu.memory_space<vmem>>, vector<16384xf32>,
    } else {
    }
    return
  }
  func.func @transform_0(%arg0: i32) -> (i32, i32) {
    %c0_i32 = arith.constant 0 : i32
    %c0_i32_0 = arith.constant 0 : i32
    return %arg0, %c0_i32 : i32, i32
  }
  func.func @transform_1(%arg0: i32) -> i32 {
    %c0_i32 = arith.constant 0 : i32
    %c0_i32_0 = arith.constant 0 : i32
    return %c0_i32 : i32
  }
  func.func @transform_2(%arg0: i32) -> i32 {
    %c0_i32 = arith.constant 0 : i32
    %c0_i32_0 = arith.constant 0 : i32
    return %c0_i32 : i32
  }
}

</mosaic_0001>

<sc_bundles>
// kernel: kernel.4.cloned.1.call-start
scs
__scs_entry_jumppad:
0x0: {  	(pc) =	sbr.rel $0x88, $3  }
0x1: {  	(tag) =	ssettag $0x0;
	lr =	simm.s32 $0x1  }
0x2: {  	[smem:$0x3F9E] =	sst lr;
	_ =	strace $0xD0000000  }
0x3: {  	_ = 	snop  }
0x4: {  	_ = 	snop  }
0x5: {  	_ = 	snop  }
0x6: {  	_ = 	snop  }
0x7: {  	_ = 	snop  }
__scs_overlays_trampoline_lowered:
0x8: {  	[smem:$0x3FAD] =	sst s0  }
0x9: {  	[smem:$0x3FAE] =	sst s1  }
0xa: {  	[smem:$0x3FAF] =	sst s2  }
0xb: {  	[smem:$0x3FB0] =	sst s3  }
0xc: {  	[smem:$0x3FB1] =	sst s4  }
0xd: {  	[smem:$0x3FB2] =	sst s5  }
0xe: {  	[smem:$0x3FB3] =	sst s6  }
0xf: {  	[smem:$0x3FB4] =	sst s7  }
0x10: {  	[smem:$0x3FB5] =	sst s8  }
0x11: {  	[smem:$0x3FB6] =	sst s9;
	s0 =	simm.s32 @!p0 $0x0  }
0x12: {  	s1 =	sld [smem:$0x3F9C];
	s0 =	simm.s32 @p0 $0x1  }
0x13: {  	[smem:$0x3FB7] =	sst s0;
	s0 =	simm.s32 @!p1 $0x0  }
0x14: {  	s2 =	sld [smem:$0x3F9B];
	s0 =	simm.s32 @p1 $0x1  }
0x15: {  	[smem:$0x3FB8] =	sst s0;
	s0 =	simm.s32 @!p2 $0x0  }
0x16: {  	s3 =	sld [smem:$0x3FDB];
	s0 =	simm.s32 @p2 $0x1  }
0x17: {  	s4 =	simm.s32 $0x1BF5;
	[smem:$0x3FBA] =	sst s0  }
0x18: {  	s0 =	sld [smem:$0x3F9D];
	_ =	swait.ge [sflag:s4], $0x0  }
0x19: {  	s7 =	sld [smem:$0x3F9E]  }
0x1a: {  	s8 =	sadd.s32 $0xFFFFE003, lr  }
0x1b: {  	s9 =	sadd.s32 $0xFFFFFEF7, lr;
	s5 =	simm.s32 $0xFFFFFFFF;
	p2 =	slt.u32 s8, $0xFFFFF086  }
0x1c: {  	p1 =	slt.u32 s9, $0xF7A;
	s5 =	simm.s32 @!p2 $0x0  }
0x1d: {  	s5 =	simm.s32 @p1 $0x1;
	p0 =	seq.s32 s7, s2  }
0x1e: {  	s7 =	smul.u32 @!p0 $0xF7A, s2;
	p2 =	seq.s32 @!p0 s5, $0x0  }
0x1f: {  	s9 =	smul.u32 $0xF7A, s1;
	s8 =	simm.s32 @!p0 $0x1BF5;
	p2 =	por !p2, p0  }
0x20: {  	[sflag:s8] =	ssyncset.s32 @!p0 $0xFFFFF086;
	s6 =	sadd.s32 @!p0 s3, s7;
	s7 =	simm.s32 @!p0 $0x108  }
0x21: {  	s3 =	sadd.s32 s3, s9;
	s6 =	sadd.s32 @!p0 $0x88, s6;
	s7 =	simm.s32 @p2 $0x1082  }
0x22: {  	[simem:s7], [sflag:s8] =	dma.local @!p0 [hbm:s6], $0xF7A  }
0x23: {  	s9 =	sor.u32 $0xD0000000, s2;
	s6 =	simm.s32 $0x108;
	_ =	swait.ge @!p0 [sflag:s8], $0x0  }
0x24: {  	s3 =	sadd.s32 $0x88, s3;
	s6 =	simm.s32 @!p1 $0x1082;
	[sflag:s4] =	ssyncset.s32 $0xFFFFF086  }
0x25: {  	[simem:s6], [sflag:s4] =	dma.local [hbm:s3], $0xF7A  }
0x26: {  	[smem:$0x3F9E] =	sst s1;
	(tag) =	ssettag s2;
	_ =	strace s9  }
0x27: {  	s1 =	sld [smem:$0x3FAE]  }
0x28: {  	s2 =	sld [smem:$0x3FAF]  }
0x29: {  	s4 =	sld [smem:$0x3FB1]  }
0x2a: {  	p0 =	seq.s32 s5, $0x0;
	s5 =	sld [smem:$0x3FB2]  }
0x2b: {  	s6 =	sld [smem:$0x3FB3]  }
0x2c: {  	s7 =	sld [smem:$0x3FB4]  }
0x2d: {  	s3 =	simm.s32 $0x108;
	s8 =	sld [smem:$0x3FB5]  }
0x2e: {  	s3 =	simm.s32 @!p0 $0x1082;
	s9 =	sld [smem:$0x3FB6]  }
0x2f: {  	lr =	sadd.s32 s0, s3;
	s0 =	sld [smem:$0x3FAD]  }
0x30: {  	s3 =	sld [smem:$0x3FB0]  }
0x31: {  	[smem:$0x3FB9] =	sst s10  }
0x32: {  	s10 =	sld [smem:$0x3FB7];
	_ =	sdelay $0x3  }
0x33: {  	p0 =	seq.s32 s10, $0x1;
	s10 =	sld [smem:$0x3FB9];
	_ =	sdelay $0x3  }
0x34: {  	[smem:$0x3FB9] =	sst s10  }
0x35: {  	s10 =	sld [smem:$0x3FB8];
	_ =	sdelay $0x3  }
0x36: {  	p1 =	seq.s32 s10, $0x1;
	s10 =	sld [smem:$0x3FB9];
	_ =	sdelay $0x3  }
0x37: {  	[smem:$0x3FB9] =	sst s10  }
0x38: {  	s10 =	sld [smem:$0x3FBA]  }
0x39: {  	_ = 	snop;
	(pc) =	sbr.ind lr, $3  }
0x3a: {  	_ = 	snop  }
0x3b: {  	_ = 	snop  }
0x3c: {  	p2 =	seq.s32 s10, $0x1;
	s10 =	sld [smem:$0x3FB9]  }
0x3d: {  	_ =	shalt  }
0x3e: {  	_ =	shalt  }
0x3f: {  	_ =	shalt  }
0x40: {  	_ =	shalt  }
0x41: {  	_ =	shalt  }
0x42: {  	_ =	shalt  }
0x43: {  	_ =	shalt  }
0x44: {  	_ =	shalt  }
0x45: {  	_ =	shalt  }
0x46: {  	_ =	shalt  }
0x47: {  	_ =	shalt  }
0x48: {  	_ =	shalt  }
0x49: {  	_ =	shalt  }
0x4a: {  	_ =	shalt  }
0x4b: {  	_ =	shalt  }
0x4c: {  	_ =	shalt  }
0x4d: {  	_ =	shalt  }
0x4e: {  	_ =	shalt  }
0x4f: {  	_ =	shalt  }
0x50: {  	_ =	shalt  }
0x51: {  	_ =	shalt  }
0x52: {  	_ =	shalt  }
0x53: {  	_ =	shalt  }
0x54: {  	_ =	shalt  }
0x55: {  	_ =	shalt  }
0x56: {  	_ =	shalt  }
0x57: {  	_ =	shalt  }
0x58: {  	_ =	shalt  }
0x59: {  	_ =	shalt  }
0x5a: {  	_ =	shalt  }
0x5b: {  	_ =	shalt  }
0x5c: {  	_ =	shalt  }
0x5d: {  	_ =	shalt  }
0x5e: {  	_ =	shalt  }
0x5f: {  	_ =	shalt  }
0x60: {  	_ =	shalt  }
0x61: {  	_ =	shalt  }
0x62: {  	_ =	shalt  }
0x63: {  	_ =	shalt  }
0x64: {  	_ =	shalt  }
0x65: {  	_ =	shalt  }
0x66: {  	_ =	shalt  }
0x67: {  	_ =	shalt  }
0x68: {  	_ =	shalt  }
0x69: {  	_ =	shalt  }
0x6a: {  	_ =	shalt  }
0x6b: {  	_ =	shalt  }
0x6c: {  	_ =	shalt  }
0x6d: {  	_ =	shalt  }
0x6e: {  	_ =	shalt  }
0x6f: {  	_ =	shalt  }
0x70: {  	_ =	shalt  }
0x71: {  	_ =	shalt  }
0x72: {  	_ =	shalt  }
0x73: {  	_ =	shalt  }
0x74: {  	_ =	shalt  }
0x75: {  	_ =	shalt  }
0x76: {  	_ =	shalt  }
0x77: {  	_ =	shalt  }
0x78: {  	_ =	shalt  }
0x79: {  	_ =	shalt  }
0x7a: {  	_ =	shalt  }
0x7b: {  	_ =	shalt  }
0x7c: {  	_ =	shalt  }
0x7d: {  	_ =	shalt  }
0x7e: {  	_ =	shalt  }
0x7f: {  	_ =	shalt  }
0x80: {  	_ =	shalt  }
0x81: {  	_ =	shalt  }
0x82: {  	_ =	shalt  }
0x83: {  	_ =	shalt  }
0x84: {  	_ =	shalt  }
0x85: {  	_ =	shalt  }
0x86: {  	_ =	shalt  }
0x87: {  	_ =	shalt  }
.Lfunc_end0:
.L_simem_size_0:
called_computation_lowered:
.L_overlay_start_0:
0x88: {  	s2 =	sld [smem:$0x3FD9]  }
0x89: {  	s3 =	sld [smem:$0x3FFE];
	_ =	sdelay $0x1  }
0x8a: {  	s1 =	srdreg.scid  }
0x8b: {  	s0 =	sand.u32 $0x1, s1  }
0x8c: {  	s17 =	sshll.u32 s0, $0xA;
	s2 =	sadd.s32 s3, s2  }
0x8d: {  	s2 =	sadd.s32 s2, s17  }
0x8e: {  	[smem:$0x3FC5] =	sst s2  }
0x8f: {  	_ = 	snop  }
0x90: {  	s2 =	sld [smem:$0x3FC8]  }
0x91: {  	s18 =	sld [smem:$0x3FD0];
	(tm) =	ssettm $0x1  }
0x92: {  	s4 =	sld [smem:$0x3FFB];
	_ =	sdelay $0x3  }
0x93: {  	_ =	strace s4  }
0x94: {  	s4 =	sld [smem:$0x3FFC];
	_ =	sdelay $0x3  }
0x95: {  	_ =	strace s4  }
0x96: {  	s4 =	sld [smem:$0x3FFD];
	_ =	sdelay $0x3  }
0x97: {  	_ =	strace s4  }
0x98: {  	_ =	strace $0x8FFFFFFF  }
0x99: {  	s19 =	sld [smem:$0x3FDB];
	_ =	sdelay $0x1  }
0x9a: {  	s5 =	simm.s32 $_scs_section_size  }
0x9b: {  	s6 =	simm.s32 $_size__tile_overlayer_lowered;
	s7 =	simm.s32 $_tile_overlayer_lowered  }
0x9c: {  	s22 =	simm.s32 $0x1BFF;
	s21 =	sshll.u32 s7, $0x1;
	s4 =	sadd.s32 s5, s19  }
0x9d: {  	s8 =	simm.s32 $0x0;
	s20 =	sshll.u32 s6, $0x1;
	s6 =	sadd.s32 s21, s4  }
0x9e: {  	[timem:s8], [sflag:s22] =	dma.local [hbm:s6], s20  }
0x9f: {  	_ =	swait.ge [sflag:s22], s20  }
0xa0: {  	s5 =	ssub.s32 $0x0, s20;
	[sflag:s22] =	ssyncset.done $0x0  }
0xa1: {  	[sflag:s22] =	ssyncadd.s32 s5;
	_ =	sdelay $0x1  }
0xa2: {  	s23 =	simm.s32 $0x1B8B  }
0xa3: {  	_ =	swait.ge [sflag:s23], $0x1  }
0xa4: {  	[sflag:s23] =	ssyncset.done $0x0  }
0xa5: {  	s25 =	simm.s32 $0x1B8E;
	s24 =	sld [smem:$0x3FFE];
	[sflag:s23] =	ssyncadd.s32 $0xFFFFFFFF  }
0xa6: {  	s26 =	simm.s32 $execute0_lowered;
	[smem:$0x3FD2] =	sst s25  }
0xa7: {  	s6 =	sshll.u32 s26, $0x1;
	_ =	strace $0x80000046;
	[dreg:$0x1] =	wrdreg $0xFFFFFFFF  }
0xa8: {  	s28 =	simm.s32 $_size_execute0_lowered;
	s4 =	sadd.s32 s4, s6;
	[dreg:$0x0] =	wrdreg $0x0  }
0xa9: {  	s6 =	sshll.u32 s28, $0x1;
	[dreg:$0x2] =	wrdreg s4  }
0xaa: {  	[dreg:$0x3] =	wrdreg s6  }
0xab: {  	[dreg:$0x4] =	wrdreg $0xC0  }
0xac: {  	_ =	task [dreg:s8], $0x5FFFF  }
0xad: {  	[dreg:$0x1] =	wrdreg $0xFFFFFFFF  }
0xae: {  	[dreg:$0x0] =	wrdreg $0x60  }
0xaf: {  	[dreg:$0x2] =	wrdreg s24  }
0xb0: {  	[dreg:$0x3] =	wrdreg s2  }
0xb1: {  	[dreg:$0x4] =	wrdreg s18  }
0xb2: {  	[dreg:$0x5] =	wrdreg $0x9  }
0xb3: {  	_ =	task.clear_ibuf [dreg:s8], $0x6FFFF;
	_ =	strace $0x90000046  }
0xb4: {  	s29 =	simm.s32 $0x9;
	_ =	strace $0x80000048  }
0xb5: {  	_ =	swait.ge [sflag:s29], $0x1  }
0xb6: {  	[sflag:s29] =	ssyncadd.s32 $0xFFFFFFFF  }
0xb7: {  	_ =	strace $0x90000048  }
0xb8: {  	_ =	sfence  }
0xb9: {  	s30 =	sld [smem:$0x0];
	_ =	sdelay $0x2  }
0xba: {  	s31 =	sshll.u32 s1, $0xD;
	s1 =	sshrl.u32 s1, $0x2  }
0xbb: {  	s3 =	sand.u32 $0x4000, s31;
	s1 =	sadd.s32 s1, s30  }
0xbc: {  	s0 =	sor.u32 s3, s0;
	s1 =	sshll.u32 s1, $0x11  }
0xbd: {  	s0 =	sor.u32 s1, s0  }
0xbe: {  	s0 =	sadd.s32 $0x8F2B, s0  }
0xbf: {  	[sflag:s0] =	ssyncadd.remote.s32 $0x1  }
0xc0: {  	_ =	sfence.sel $0xFFFF  }
0xc1: {  	[dreg:$0x0] =	wrdreg $0xFFFFFFFF;
	(pc) =	sbr.abs _section_cstart, $3  }
0xc2: {  	[dreg:$0x1] =	wrdreg $0xFFFFFFFF  }
0xc3: {  	_ =	task.clear_ibuf [dreg:s8], $0x2FFFF;
	_ =	strace $0x9FFFFFFF  }
0xc4: {  	(tm) =	ssettm $0x7FFFFFFF  }
0xc5: {  	_ =	shalt  }
tec
execute0_lowered:
.L_overlay_start_1:
0x0: {  	(tag) =	ssettag $0x1  }
0x1: {  	s0 =	rddreg [dreg:$0x0]  }
0x2: {  	s2 =	rddreg [dreg:$0x1]  }
0x3: {  	s1 =	rddreg [dreg:$0x2]  }
0x4: {  	s4 =	srdreg.scid;
	s5 =	stileid.u32  }
0x5: {  	s3 =	simm.s32 $0x0;
	s20 =	simm.s32 $0x1;
	s21 =	simm.s32 $0x40  }
0x6: {  	s22 =	simm.s32 $0x600;
	s28 =	simm.s32 $0x6600;
	s30 =	simm.s32 $0xA600  }
0x7: {  	s31 =	simm.s32 $0x2;
	s29 =	simm.s32 $0x4;
	s18 =	simm.s32 $0x5  }
0x8: {  	s4 =	sand.u32 $0x1, s4;
	s5 =	sshll.u32 s5, $0x1;
	[smem:$0x7FF] =	sst s3  }
0x9: {  	s19 =	simm.s32 $0x6;
	s5 =	sor.u32 s4, s5;
	_ =	strace $0x80000047  }
0xa: {  	s8 =	ssub.s32 $0x2, s4;
	s4 =	sadd.s32 $0x2C00, s0;
	s6 =	sshll.u32 s5, $0x6  }
0xb: {  	s7 =	sshll.u32 s5, $0xD;
	s23 =	sshrl.u32 s8, $0x1;
	s5 =	sshll.u32 s5, $0x1  }
0xc: {  	s6 =	sadd.s32 s6, s0;
	s0 =	sadd.s32 s7, s0;
	s7 =	ssub.s32 s8, s23  }
0xd: {  	s16 =	sadd.s32 s1, s5;
	s23 =	simm.s32 $0x4600;
	s1 =	simm.s32 $0x3  }
0xe: {  	s5 =	simm.s32 $0x0;
	s24 =	sadd.s32 $0x1400, s6;
	s25 =	sadd.s32 $0x1C00, s6  }
0xf: {  	s6 =	sadd.s32 $0x2400, s6;
	s26 =	sadd.s32 $0x6C00, s0;
	s9 =	sadd.s32 $0x7000, s0  }
0x10: {  	s10 =	sadd.s32 $0x7400, s0;
	s11 =	sadd.s32 $0x7800, s0;
	[dreg:$0x4] =	wrdreg s24  }
0x11: {  	s12 =	sadd.s32 $0x7C00, s0;
	s13 =	sadd.s32 $0x8000, s0;
	[dreg:$0x5] =	wrdreg s25  }
0x12: {  	s14 =	sadd.s32 $0x8400, s0;
	s15 =	sadd.s32 $0x8800, s0;
	[dreg:$0x6] =	wrdreg s6  }
0x13: {  	s17 =	smax.u32 s7, $0x1;
	s0 =	simm.s32 $0xC600;
	[dreg:$0x7] =	wrdreg s26  }
0x14: {  	s24 =	simm.s32 $0x8600;
	s25 =	simm.s32 $0x2600;
	s26 =	simm.s32 $0xE600  }
.LBB2_1:
0x15: {  	s6 =	rddreg [dreg:$0x4]  }
0x16: {  	[tilespmem:s3], [sflag:$0x1] =	stream.linear.gather [hbm4b:s6+s3], $0x200, $0x38;
	[tilespmem:$0x10680] =	vst v63  }
0x17: {  	s8 =	rddreg [dreg:$0x5];
	s7 =	simm.s32 $0x200  }
0x18: {  	[tilespmem:s7], [sflag:$0x1] =	stream.linear.gather [hbm4b:s8+s3], $0x200, $0x38;
	[tilespmem:$0x10680] =	vst v63  }
0x19: {  	s6 =	rddreg [dreg:$0x6];
	s8 =	simm.s32 $0x400  }
0x1a: {  	[tilespmem:s8], [sflag:$0x1] =	stream.linear.gather [hbm4b:s6+s3], $0x200, $0x38;
	[tilespmem:$0x10680] =	vst v63  }
0x1b: {  	_ =	swait.ge [sflag:s20], $0x200  }
0x1c: {  	[sflag:s20] =	ssyncset.done $0x0  }
0x1d: {  	[sflag:s20] =	ssyncadd.s32 $0xFFFFFE00  }
0x1e: {  	_ =	swait.ge [sflag:s20], $0x200  }
0x1f: {  	[sflag:s20] =	ssyncset.done $0x0  }
0x20: {  	[sflag:s20] =	ssyncadd.s32 $0xFFFFFE00  }
0x21: {  	_ =	swait.ge [sflag:s20], $0x200  }
0x22: {  	[sflag:s20] =	ssyncset.done $0x0  }
0x23: {  	[sflag:s20] =	ssyncadd.s32 $0xFFFFFE00  }
0x24: {  	[tilespmem:s22], [sflag:$0x2] =	stream.indirect.gather [hbm4b:s2+s21], $0x80, s3, s21, $0xb8;
	[tilespmem:$0x10680] =	vst v63  }
0x25: {  	_ = 	snop  }
0x26: {  	[tilespmem:s23], [sflag:$0x2] =	stream.indirect.gather [hbm4b:s4+s21], $0x80, s7, s21, $0xb8;
	[tilespmem:$0x10680] =	vst v63  }
0x27: {  	_ = 	snop  }
0x28: {  	[tilespmem:s24], [sflag:$0x2] =	stream.indirect.gather [hbm4b:s2+s21], $0x80, s8, s21, $0xb8;
	[tilespmem:$0x10680] =	vst v63  }
0x29: {  	_ = 	snop  }
0x2a: {  	[tilespmem:s25], [sflag:$0x3] =	stream.indirect.gather [hbm4b:s2+s21], $0x80, s21, s21, $0xb8;
	[tilespmem:$0x10680] =	vst v63  }
0x2b: {  	s7 =	simm.s32 $0x240  }
0x2c: {  	[tilespmem:s28], [sflag:$0x3] =	stream.indirect.gather [hbm4b:s4+s21], $0x80, s7, s21, $0xb8;
	[tilespmem:$0x10680] =	vst v63  }
0x2d: {  	s8 =	simm.s32 $0x440  }
0x2e: {  	[tilespmem:s30], [sflag:$0x3] =	stream.indirect.gather [hbm4b:s2+s21], $0x80, s8, s21, $0xb8;
	[tilespmem:$0x10680] =	vst v63  }
0x2f: {  	_ =	swait.ge [sflag:s31], $0x2000  }
0x30: {  	[sflag:s31] =	ssyncset.done $0x0  }
0x31: {  	[sflag:s31] =	ssyncadd.s32 $0xFFFFE000  }
0x32: {  	_ =	swait.ge [sflag:s31], $0x2000  }
0x33: {  	[sflag:s31] =	ssyncset.done $0x0  }
0x34: {  	[sflag:s31] =	ssyncadd.s32 $0xFFFFE000  }
0x35: {  	_ =	swait.ge [sflag:s31], $0x2000  }
0x36: {  	[sflag:s31] =	ssyncset.done $0x0  }
0x37: {  	s6 =	simm.s32 $0x0;
	[sflag:s31] =	ssyncadd.s32 $0xFFFFE000  }
0x38: {  	v0 =	vld [tilespmem:s6+$0x8670]  }
0x39: {  	v1 =	vld [tilespmem:s6+$0x660]  }
0x3a: {  	v2 =	vld [tilespmem:s6+$0x4630]  }
0x3b: {  	v3 =	vld [tilespmem:s6+$0x4650]  }
0x3c: {  	v4 =	vld [tilespmem:s6+$0x4620]  }
0x3d: {  	v5 =	vld [tilespmem:s6+$0x4640]  }
0x3e: {  	v6 =	vld [tilespmem:s6+$0x8640]  }
0x3f: {  	v7 =	vld [tilespmem:s6+$0x640]  }
0x40: {  	v8 =	vld [tilespmem:s6+$0x8650]  }
0x41: {  	v9 =	vld [tilespmem:s6+$0x650]  }
0x42: {  	v10 =	vld [tilespmem:s6+$0x8660]  }
0x43: {  	v59 =	vimm.f32 $0.0e+00;
	v11 =	vld [tilespmem:s6+$0x4600];
	v12 =	vshll.u32 v4, $0x10  }
0x44: {  	v58 =	vld [tilespmem:s6+$0x4610];
	v13 =	vshll.u32 v5, $0x10;
	v6 =	vand.u32 $0x7FFFFFFF, v6;
	v15 =	vand.u32 $0xFFFF0000, v2  }
0x45: {  	v14 =	vld [tilespmem:s6+$0x670];
	v4 =	vand.u32 $0xFFFF0000, v4;
	v5 =	vand.u32 $0xFFFF0000, v5;
	v8 =	vand.u32 $0x7FFFFFFF, v8  }
0x46: {  	v16 =	vld [tilespmem:s6+$0x600];
	v17 =	vand.u32 $0xFFFF0000, v3;
	v0 =	vand.u32 $0x7FFFFFFF, v0;
	v7 =	vmul.f32 v12, v7  }
0x47: {  	v2 =	vshll.u32 v2, $0x10;
	v6 =	vmul.f32 v13, v6;
	v5 =	vmul.f32 v5, v8;
	v8 =	vld [tilespmem:s6+$0x620]  }
0x48: {  	v3 =	vshll.u32 v3, $0x10;
	v10 =	vand.u32 $0x7FFFFFFF, v10;
	v4 =	vmul.f32 v4, v9;
	v9 =	vld [tilespmem:s6+$0x630]  }
0x49: {  	v61 =	vshll.u32 v58, $0x10;
	v1 =	vmul.f32 v2, v1;
	v6 =	vsub.f32 v7, v6;
	v7 =	vld [tilespmem:s6+$0x610]  }
0x4a: {  	v2 =	vmul.f32 v3, v10;
	v14 =	vmul.f32 v15, v14;
	v4 =	vsub.f32 v4, v5;
	v5 =	vld [tilespmem:s6+$0x8600]  }
0x4b: {  	v3 =	vshll.u32 v11, $0x10;
	v10 =	vld [tilespmem:s6+$0x8610];
	v0 =	vmul.f32 v17, v0;
	v6 =	vmul.f32 v6, v6  }
0x4c: {  	v60 =	vld [tilespmem:s6+$0x8620];
	v3 =	vadd.f32 v3, v16;
	v1 =	vsub.f32 v1, v2;
	v2 =	vand.u32 $0xFFFF0000, v11  }
0x4d: {  	s7 =	simm.s32 $0x80;
	v11 =	vld [tilespmem:s6+$0x8630];
	v0 =	vsub.f32 v14, v0;
	v4 =	vmul.f32 v4, v4;
	v6 =	vadd.f32 v6, v59  }
0x4e: {  	v62 =	vmul.f32 v1, v1;
	v1 =	vld [tilespmem:s7+$0x660];
	v8 =	vadd.f32 v61, v8;
	v7 =	vadd.f32 v2, v7  }
0x4f: {  	v2 =	vand.u32 $0xFFFF0000, v58;
	v5 =	vsub.f32 v3, v5;
	v3 =	vld [tilespmem:s7+$0x4630];
	v6 =	vadd.f32 v4, v6  }
0x50: {  	v0 =	vmul.f32 v0, v0;
	v4 =	vld [tilespmem:s7+$0x8670];
	v9 =	vadd.f32 v2, v9;
	v7 =	vsub.f32 v7, v10  }
0x51: {  	v63 =	vsub.f32 v8, v60;
	v2 =	vld [tilespmem:s7+$0x4650];
	v10 =	vmul.f32 $7.177142620e+00, v5;
	v6 =	vadd.f32 v62, v6  }
0x52: {  	v5 =	vld [tilespmem:s7+$0x4620];
	v8 =	vmul.f32 $7.177142620e+00, v7;
	v7 =	vsub.f32 v9, v11  }
0x53: {  	s8 =	simm.s32 $0x400;
	v9 =	vmul.f32 $7.177142620e+00, v63;
	v0 =	vadd.f32 v0, v6;
	v6 =	vld [tilespmem:s7+$0x4640];
	[tilespmem:s6+$0xC600] =	vst v10  }
.LBB2_2:
0x54: {  	p0 =	sne.s32 s8, $0x7E00;
	v10 =	vld [tilespmem:s7+$0x8640];
	[tilespmem:s6+$0xC610] =	vst v8;
	v7 =	vmul.f32 $7.177142620e+00, v7  }
0x55: {  	v8 =	vld [tilespmem:s7+$0x640];
	[tilespmem:s6+$0xC620] =	vst v9  }
0x56: {  	v9 =	vld [tilespmem:s7+$0x8650];
	[tilespmem:s6+$0xC630] =	vst v7;
	s6 =	smov.u32 s7  }
0x57: {  	v7 =	vld [tilespmem:s6+$0x650]  }
0x58: {  	v4 =	vand.u32 $0x7FFFFFFF, v4;
	v11 =	vand.u32 $0xFFFF0000, v3;
	v12 =	vand.u32 $0xFFFF0000, v2;
	v13 =	vld [tilespmem:s6+$0x8660]  }
0x59: {  	v15 =	vshll.u32 v5, $0x10;
	v16 =	vshll.u32 v6, $0x10;
	v14 =	vld [tilespmem:s6+$0x4600];
	v10 =	vand.u32 $0x7FFFFFFF, v10  }
0x5a: {  	v3 =	vshll.u32 v3, $0x10;
	v8 =	vmul.f32 v15, v8;
	v10 =	vmul.f32 v16, v10;
	v15 =	vld [tilespmem:s6+$0x670]  }
0x5b: {  	v5 =	vand.u32 $0xFFFF0000, v5;
	v6 =	vand.u32 $0xFFFF0000, v6;
	v9 =	vand.u32 $0x7FFFFFFF, v9;
	v16 =	vld [tilespmem:s6+$0x4610]  }
0x5c: {  	v17 =	vld [tilespmem:s6+$0x600];
	v8 =	vsub.f32 v8, v10;
	v5 =	vmul.f32 v5, v7;
	v6 =	vmul.f32 v6, v9  }
0x5d: {  	v2 =	vshll.u32 v2, $0x10;
	v1 =	vmul.f32 v3, v1;
	v7 =	vld [tilespmem:s6+$0x610];
	v3 =	vand.u32 $0x7FFFFFFF, v13  }
0x5e: {  	v8 =	vmul.f32 v8, v8;
	v5 =	vsub.f32 v5, v6;
	v6 =	vld [tilespmem:s6+$0x620];
	v2 =	vmul.f32 v2, v3  }
0x5f: {  	v4 =	vmul.f32 v12, v4;
	v3 =	vshll.u32 v14, $0x10;
	v9 =	vld [tilespmem:s6+$0x630];
	v10 =	vmul.f32 v11, v15  }
0x60: {  	v11 =	vld [tilespmem:s6+$0x8600];
	v0 =	vadd.f32 v8, v0;
	v5 =	vmul.f32 v5, v5;
	v1 =	vsub.f32 v1, v2  }
0x61: {  	v2 =	vand.u32 $0xFFFF0000, v14;
	v12 =	vshll.u32 v16, $0x10;
	v13 =	vand.u32 $0xFFFF0000, v16;
	v8 =	vld [tilespmem:s6+$0x8610]  }
0x62: {  	v10 =	vsub.f32 v10, v4;
	v0 =	vadd.f32 v5, v0;
	v5 =	vld [tilespmem:s6+$0x8620];
	v1 =	vmul.f32 v1, v1  }
0x63: {  	s7 =	sshra.s32 s8, $0x2;
	v3 =	vadd.f32 v3, v17;
	v2 =	vadd.f32 v2, v7;
	v7 =	vld [tilespmem:s6+$0x8630]  }
0x64: {  	v6 =	vadd.f32 v12, v6;
	v10 =	vmul.f32 v10, v10;
	v4 =	vld [tilespmem:s7+$0x8670];
	v0 =	vadd.f32 v1, v0  }
.Ltmp0:
0x65: {  	v9 =	vadd.f32 v13, v9;
	v1 =	vld [tilespmem:s7+$0x660];
	v11 =	vsub.f32 v3, v11;
	(pc) =	sbr.rel @p0 .LBB2_2-.Ltmp0, $4  }
0x66: {  	v3 =	vld [tilespmem:s7+$0x4630];
	v8 =	vsub.f32 v2, v8;
	v0 =	vadd.f32 v10, v0  }
0x67: {  	v2 =	vld [tilespmem:s7+$0x4650];
	v10 =	vmul.f32 $7.177142620e+00, v11;
	v11 =	vsub.f32 v6, v5  }
0x68: {  	v5 =	vld [tilespmem:s7+$0x4620];
	v8 =	vmul.f32 $7.177142620e+00, v8;
	v7 =	vsub.f32 v9, v7  }
0x69: {  	s8 =	sadd.s32 $0x200, s8;
	v6 =	vld [tilespmem:s7+$0x4640];
	[tilespmem:s6+$0xC600] =	vst v10;
	v9 =	vmul.f32 $7.177142620e+00, v11  }
0x6a: {  	v10 =	vld [tilespmem:s7+$0x8640];
	[tilespmem:s6+$0xC610] =	vst v8;
	v7 =	vmul.f32 $7.177142620e+00, v7  }
0x6b: {  	v8 =	vld [tilespmem:s7+$0x640];
	[tilespmem:s6+$0xC620] =	vst v9  }
0x6c: {  	v9 =	vld [tilespmem:s7+$0x8650];
	[tilespmem:s6+$0xC630] =	vst v7  }
0x6d: {  	v7 =	vld [tilespmem:s7+$0x4600]  }
0x6e: {  	v11 =	vld [tilespmem:s7+$0x4610]  }
0x6f: {  	v12 =	vld [tilespmem:s7+$0x600]  }
0x70: {  	v13 =	vld [tilespmem:s7+$0x610]  }
0x71: {  	v14 =	vld [tilespmem:s7+$0x620]  }
0x72: {  	v15 =	vld [tilespmem:s7+$0x630]  }
0x73: {  	v16 =	vld [tilespmem:s7+$0x8600]  }
0x74: {  	v17 =	vld [tilespmem:s7+$0x8610]  }
0x75: {  	v19 =	vld [tilespmem:s7+$0x8620];
	v18 =	vshll.u32 v7, $0x10  }
0x76: {  	v44 =	vld [tilespmem:s7+$0x8630];
	v7 =	vand.u32 $0xFFFF0000, v7;
	v12 =	vadd.f32 v18, v12  }
0x77: {  	v45 =	vshll.u32 v11, $0x10;
	v7 =	vadd.f32 v7, v13  }
0x78: {  	v11 =	vand.u32 $0xFFFF0000, v11;
	v13 =	vadd.f32 v45, v14;
	v12 =	vsub.f32 v12, v16  }
0x79: {  	v11 =	vadd.f32 v11, v15;
	v7 =	vsub.f32 v7, v17  }
0x7a: {  	v13 =	vsub.f32 v13, v19;
	v12 =	vmul.f32 $7.177142620e+00, v12  }
0x7b: {  	v11 =	vsub.f32 v11, v44;
	v7 =	vmul.f32 $7.177142620e+00, v7  }
0x7c: {  	v49 =	vmul.f32 $7.177142620e+00, v13;
	[tilespmem:s7+$0xC600] =	vst v12  }
0x7d: {  	v46 =	vld [tilespmem:s7+$0x650];
	[tilespmem:s7+$0xC610] =	vst v7;
	v7 =	vmul.f32 $7.177142620e+00, v11  }
0x7e: {  	v47 =	vld [tilespmem:s7+$0x8660];
	[tilespmem:s7+$0xC620] =	vst v49  }
0x7f: {  	s8 =	rddreg [dreg:$0x7];
	v48 =	vld [tilespmem:s7+$0x670];
	[tilespmem:s7+$0xC630] =	vst v7;
	s7 =	simm.s32 $0x0  }
0x80: {  	[hbm4b:s8+s7] =	stream.linear.scatter [tilespmem:s0], [sflag:$0x4], $0x2000, $0x38;
	[tilespmem:$0x10680] =	vst v63  }
0x81: {  	s8 =	simm.s32 $0x80  }
0x82: {  	[tilespmem:s22], [sflag:$0x2] =	stream.indirect.gather [hbm4b:s2+s21], $0x80, s8, s21, $0xb8;
	[tilespmem:$0x10680] =	vst v63  }
0x83: {  	s7 =	simm.s32 $0x280  }
0x84: {  	[tilespmem:s23], [sflag:$0x2] =	stream.indirect.gather [hbm4b:s4+s21], $0x80, s7, s21, $0xb8;
	[tilespmem:$0x10680] =	vst v63  }
0x85: {  	s8 =	simm.s32 $0x480  }
0x86: {  	[tilespmem:s24], [sflag:$0x2] =	stream.indirect.gather [hbm4b:s2+s21], $0x80, s8, s21, $0xb8;
	[tilespmem:$0x10680] =	vst v63  }
0x87: {  	_ =	swait.ge [sflag:s1], $0x2000  }
0x88: {  	[sflag:s1] =	ssyncset.done $0x0  }
0x89: {  	[sflag:s1] =	ssyncadd.s32 $0xFFFFE000  }
0x8a: {  	_ =	swait.ge [sflag:s1], $0x2000  }
0x8b: {  	[sflag:s1] =	ssyncset.done $0x0  }
0x8c: {  	v50 =	vshll.u32 v5, $0x10;
	v51 =	vshll.u32 v6, $0x10;
	v10 =	vand.u32 $0x7FFFFFFF, v10;
	[sflag:s1] =	ssyncadd.s32 $0xFFFFE000  }
0x8d: {  	v8 =	vmul.f32 v50, v8;
	v10 =	vmul.f32 v51, v10;
	_ =	swait.ge [sflag:s1], $0x2000  }
0x8e: {  	v5 =	vand.u32 $0xFFFF0000, v5;
	v6 =	vand.u32 $0xFFFF0000, v6;
	v9 =	vand.u32 $0x7FFFFFFF, v9;
	[sflag:s1] =	ssyncset.done $0x0  }
0x8f: {  	s6 =	simm.s32 $0x0;
	v8 =	vsub.f32 v8, v10;
	v5 =	vmul.f32 v5, v46;
	v6 =	vmul.f32 v6, v9;
	[sflag:s1] =	ssyncadd.s32 $0xFFFFE000  }
0x90: {  	v52 =	vld [tilespmem:s6+$0xA670]  }
0x91: {  	v8 =	vmul.f32 v8, v8;
	v5 =	vsub.f32 v5, v6;
	v53 =	vld [tilespmem:s6+$0x2660]  }
0x92: {  	v11 =	vand.u32 $0xFFFF0000, v2;
	v7 =	vand.u32 $0xFFFF0000, v3;
	v3 =	vshll.u32 v3, $0x10;
	v54 =	vld [tilespmem:s6+$0x6630]  }
0x93: {  	v2 =	vshll.u32 v2, $0x10;
	v1 =	vmul.f32 v3, v1;
	v3 =	vand.u32 $0x7FFFFFFF, v47;
	v9 =	vld [tilespmem:s6+$0x6650]  }
0x94: {  	v2 =	vmul.f32 v2, v3;
	v10 =	vld [tilespmem:s6+$0x6620]  }
0x95: {  	v4 =	vand.u32 $0x7FFFFFFF, v4;
	v0 =	vadd.f32 v8, v0;
	v5 =	vmul.f32 v5, v5;
	v3 =	vld [tilespmem:s6+$0x6640]  }
0x96: {  	v4 =	vmul.f32 v11, v4;
	v6 =	vmul.f32 v7, v48;
	v1 =	vsub.f32 v1, v2;
	v7 =	vld [tilespmem:s6+$0xA640]  }
0x97: {  	v2 =	vld [tilespmem:s6+$0x2640]  }
0x98: {  	v0 =	vadd.f32 v5, v0;
	v4 =	vsub.f32 v6, v4;
	v1 =	vmul.f32 v1, v1;
	v8 =	vld [tilespmem:s6+$0xA650]  }
0x99: {  	v5 =	vld [tilespmem:s6+$0x2650]  }
0x9a: {  	v0 =	vadd.f32 v1, v0;
	v1 =	vmul.f32 v4, v4;
	v6 =	vld [tilespmem:s6+$0xA660]  }
0x9b: {  	v4 =	vld [tilespmem:s6+$0x6600];
	v11 =	vshll.u32 v10, $0x10;
	v55 =	vshll.u32 v3, $0x10;
	v7 =	vand.u32 $0x7FFFFFFF, v7  }
0x9c: {  	v0 =	vadd.f32 v1, v0;
	v56 =	vld [tilespmem:s6+$0x2670];
	v2 =	vmul.f32 v11, v2;
	v7 =	vmul.f32 v55, v7  }
0x9d: {  	v57 =	vld [tilespmem:s6+$0x2600];
	v1 =	vand.u32 $0xFFFF0000, v54;
	v10 =	vand.u32 $0xFFFF0000, v10;
	v3 =	vand.u32 $0xFFFF0000, v3  }
0x9e: {  	v60 =	vld [tilespmem:s6+$0xA610];
	v8 =	vand.u32 $0x7FFFFFFF, v8;
	v58 =	vand.u32 $0xFFFF0000, v9;
	v2 =	vsub.f32 v2, v7  }
0x9f: {  	v13 =	vshll.u32 v54, $0x10;
	v5 =	vmul.f32 v10, v5;
	v3 =	vmul.f32 v3, v8;
	v7 =	vld [tilespmem:s6+$0x2610]  }
0xa0: {  	v9 =	vshll.u32 v9, $0x10;
	v6 =	vand.u32 $0x7FFFFFFF, v6;
	v11 =	vld [tilespmem:s6+$0x6610];
	v2 =	vmul.f32 v2, v2  }
0xa1: {  	v8 =	vld [tilespmem:s6+$0x2620];
	v10 =	vand.u32 $0x7FFFFFFF, v52;
	v12 =	vmul.f32 v13, v53;
	v3 =	vsub.f32 v5, v3  }
0xa2: {  	v6 =	vmul.f32 v9, v6;
	v9 =	vshll.u32 v4, $0x10;
	v5 =	vld [tilespmem:s6+$0xA600];
	v0 =	vadd.f32 v2, v0  }
0xa3: {  	v59 =	vld [tilespmem:s6+$0x2630];
	v2 =	vmul.f32 v3, v3;
	v3 =	vmul.f32 v58, v10;
	v10 =	vand.u32 $0xFFFF0000, v4  }
0xa4: {  	v61 =	vld [tilespmem:s6+$0xA620];
	v1 =	vmul.f32 v1, v56;
	v6 =	vsub.f32 v12, v6;
	v7 =	vadd.f32 v10, v7  }
0xa5: {  	s7 =	simm.s32 $0x80;
	v62 =	vld [tilespmem:s6+$0xA630];
	v63 =	vshll.u32 v11, $0x10;
	v0 =	vadd.f32 v2, v0;
	v2 =	vadd.f32 v9, v57  }
0xa6: {  	v6 =	vmul.f32 v6, v6;
	v4 =	vld [tilespmem:s7+$0xA670];
	v8 =	vadd.f32 v63, v8;
	v9 =	vsub.f32 v1, v3  }
0xa7: {  	v10 =	vand.u32 $0xFFFF0000, v11;
	v1 =	vld [tilespmem:s7+$0x2660];
	v7 =	vsub.f32 v7, v60;
	v5 =	vsub.f32 v2, v5  }
0xa8: {  	v3 =	vld [tilespmem:s7+$0x6630];
	v0 =	vadd.f32 v6, v0;
	v6 =	vmul.f32 v9, v9;
	v9 =	vadd.f32 v10, v59  }
0xa9: {  	v11 =	vsub.f32 v8, v61;
	v2 =	vld [tilespmem:s7+$0x6650];
	v10 =	vmul.f32 $7.177142620e+00, v5  }
0xaa: {  	v8 =	vmul.f32 $7.177142620e+00, v7;
	v5 =	vld [tilespmem:s7+$0x6620];
	v7 =	vsub.f32 v9, v62  }
0xab: {  	s8 =	simm.s32 $0x400;
	v0 =	vadd.f32 v6, v0;
	v6 =	vld [tilespmem:s7+$0x6640];
	v9 =	vmul.f32 $7.177142620e+00, v11;
	[tilespmem:s6+$0xE600] =	vst v10  }
.LBB2_4:
0xac: {  	p0 =	sne.s32 s8, $0x7E00;
	v10 =	vld [tilespmem:s7+$0xA640];
	[tilespmem:s6+$0xE610] =	vst v8;
	v7 =	vmul.f32 $7.177142620e+00, v7  }
0xad: {  	v8 =	vld [tilespmem:s7+$0x2640];
	[tilespmem:s6+$0xE620] =	vst v9  }
0xae: {  	v9 =	vld [tilespmem:s7+$0xA650];
	[tilespmem:s6+$0xE630] =	vst v7;
	s6 =	smov.u32 s7  }
0xaf: {  	v7 =	vld [tilespmem:s6+$0x2650]  }
0xb0: {  	v4 =	vand.u32 $0x7FFFFFFF, v4;
	v11 =	vand.u32 $0xFFFF0000, v3;
	v12 =	vand.u32 $0xFFFF0000, v2;
	v13 =	vld [tilespmem:s6+$0xA660]  }
0xb1: {  	v15 =	vshll.u32 v5, $0x10;
	v16 =	vshll.u32 v6, $0x10;
	v14 =	vld [tilespmem:s6+$0x6600];
	v10 =	vand.u32 $0x7FFFFFFF, v10  }
0xb2: {  	v3 =	vshll.u32 v3, $0x10;
	v8 =	vmul.f32 v15, v8;
	v10 =	vmul.f32 v16, v10;
	v15 =	vld [tilespmem:s6+$0x2670]  }
0xb3: {  	v5 =	vand.u32 $0xFFFF0000, v5;
	v6 =	vand.u32 $0xFFFF0000, v6;
	v9 =	vand.u32 $0x7FFFFFFF, v9;
	v16 =	vld [tilespmem:s6+$0x6610]  }
0xb4: {  	v17 =	vld [tilespmem:s6+$0x2600];
	v8 =	vsub.f32 v8, v10;
	v5 =	vmul.f32 v5, v7;
	v6 =	vmul.f32 v6, v9  }
0xb5: {  	v2 =	vshll.u32 v2, $0x10;
	v1 =	vmul.f32 v3, v1;
	v7 =	vld [tilespmem:s6+$0x2610];
	v3 =	vand.u32 $0x7FFFFFFF, v13  }
0xb6: {  	v8 =	vmul.f32 v8, v8;
	v5 =	vsub.f32 v5, v6;
	v6 =	vld [tilespmem:s6+$0x2620];
	v2 =	vmul.f32 v2, v3  }
0xb7: {  	v4 =	vmul.f32 v12, v4;
	v3 =	vshll.u32 v14, $0x10;
	v9 =	vld [tilespmem:s6+$0x2630];
	v10 =	vmul.f32 v11, v15  }
0xb8: {  	v11 =	vld [tilespmem:s6+$0xA600];
	v0 =	vadd.f32 v8, v0;
	v5 =	vmul.f32 v5, v5;
	v1 =	vsub.f32 v1, v2  }
0xb9: {  	v2 =	vand.u32 $0xFFFF0000, v14;
	v12 =	vshll.u32 v16, $0x10;
	v13 =	vand.u32 $0xFFFF0000, v16;
	v8 =	vld [tilespmem:s6+$0xA610]  }
0xba: {  	v10 =	vsub.f32 v10, v4;
	v0 =	vadd.f32 v5, v0;
	v5 =	vld [tilespmem:s6+$0xA620];
	v1 =	vmul.f32 v1, v1  }
0xbb: {  	s7 =	sshra.s32 s8, $0x2;
	v3 =	vadd.f32 v3, v17;
	v2 =	vadd.f32 v2, v7;
	v7 =	vld [tilespmem:s6+$0xA630]  }
0xbc: {  	v6 =	vadd.f32 v12, v6;
	v10 =	vmul.f32 v10, v10;
	v4 =	vld [tilespmem:s7+$0xA670];
	v0 =	vadd.f32 v1, v0  }
.Ltmp1:
0xbd: {  	v9 =	vadd.f32 v13, v9;
	v1 =	vld [tilespmem:s7+$0x2660];
	v11 =	vsub.f32 v3, v11;
	(pc) =	sbr.rel @p0 .LBB2_4-.Ltmp1, $4  }
0xbe: {  	v3 =	vld [tilespmem:s7+$0x6630];
	v8 =	vsub.f32 v2, v8;
	v0 =	vadd.f32 v10, v0  }
0xbf: {  	v2 =	vld [tilespmem:s7+$0x6650];
	v10 =	vmul.f32 $7.177142620e+00, v11;
	v11 =	vsub.f32 v6, v5  }
0xc0: {  	v5 =	vld [tilespmem:s7+$0x6620];
	v8 =	vmul.f32 $7.177142620e+00, v8;
	v7 =	vsub.f32 v9, v7  }
0xc1: {  	s8 =	sadd.s32 $0x200, s8;
	v6 =	vld [tilespmem:s7+$0x6640];
	[tilespmem:s6+$0xE600] =	vst v10;
	v9 =	vmul.f32 $7.177142620e+00, v11  }
0xc2: {  	v10 =	vld [tilespmem:s7+$0xA640];
	[tilespmem:s6+$0xE610] =	vst v8;
	v7 =	vmul.f32 $7.177142620e+00, v7  }
0xc3: {  	v8 =	vld [tilespmem:s7+$0x2640];
	[tilespmem:s6+$0xE620] =	vst v9  }
0xc4: {  	v9 =	vld [tilespmem:s7+$0xA650];
	[tilespmem:s6+$0xE630] =	vst v7  }
0xc5: {  	v7 =	vld [tilespmem:s7+$0x6600]  }
0xc6: {  	v11 =	vld [tilespmem:s7+$0x6610]  }
0xc7: {  	v12 =	vld [tilespmem:s7+$0x2600]  }
0xc8: {  	v13 =	vld [tilespmem:s7+$0x2610]  }
0xc9: {  	v14 =	vld [tilespmem:s7+$0x2620]  }
0xca: {  	v15 =	vld [tilespmem:s7+$0x2630]  }
0xcb: {  	v16 =	vld [tilespmem:s7+$0xA600]  }
0xcc: {  	v17 =	vld [tilespmem:s7+$0xA610]  }
0xcd: {  	v19 =	vld [tilespmem:s7+$0xA620];
	v18 =	vshll.u32 v7, $0x10  }
0xce: {  	v44 =	vld [tilespmem:s7+$0xA630];
	v7 =	vand.u32 $0xFFFF0000, v7;
	v12 =	vadd.f32 v18, v12  }
0xcf: {  	v45 =	vshll.u32 v11, $0x10;
	v7 =	vadd.f32 v7, v13  }
0xd0: {  	v11 =	vand.u32 $0xFFFF0000, v11;
	v13 =	vadd.f32 v45, v14;
	v12 =	vsub.f32 v12, v16  }
0xd1: {  	v11 =	vadd.f32 v11, v15;
	v7 =	vsub.f32 v7, v17  }
0xd2: {  	v13 =	vsub.f32 v13, v19;
	v12 =	vmul.f32 $7.177142620e+00, v12  }
0xd3: {  	v11 =	vsub.f32 v11, v44;
	v7 =	vmul.f32 $7.177142620e+00, v7  }
0xd4: {  	v49 =	vmul.f32 $7.177142620e+00, v13;
	[tilespmem:s7+$0xE600] =	vst v12  }
0xd5: {  	v46 =	vld [tilespmem:s7+$0x2650];
	[tilespmem:s7+$0xE610] =	vst v7;
	v7 =	vmul.f32 $7.177142620e+00, v11  }
0xd6: {  	v47 =	vld [tilespmem:s7+$0xA660];
	[tilespmem:s7+$0xE620] =	vst v49  }
0xd7: {  	v48 =	vld [tilespmem:s7+$0x2670];
	[tilespmem:s7+$0xE630] =	vst v7;
	s7 =	simm.s32 $0x0  }
0xd8: {  	[hbm4b:s9+s7] =	stream.linear.scatter [tilespmem:s26], [sflag:$0x5], $0x2000, $0x38;
	[tilespmem:$0x10680] =	vst v63  }
0xd9: {  	s8 =	simm.s32 $0xC0  }
0xda: {  	[tilespmem:s25], [sflag:$0x3] =	stream.indirect.gather [hbm4b:s2+s21], $0x80, s8, s21, $0xb8;
	[tilespmem:$0x10680] =	vst v63  }
0xdb: {  	s7 =	simm.s32 $0x2C0  }
0xdc: {  	[tilespmem:s28], [sflag:$0x3] =	stream.indirect.gather [hbm4b:s4+s21], $0x80, s7, s21, $0xb8;
	[tilespmem:$0x10680] =	vst v63  }
0xdd: {  	s8 =	simm.s32 $0x4C0  }
0xde: {  	[tilespmem:s30], [sflag:$0x3] =	stream.indirect.gather [hbm4b:s2+s21], $0x80, s8, s21, $0xb8;
	[tilespmem:$0x10680] =	vst v63  }
0xdf: {  	_ =	swait.ge [sflag:s31], $0x2000  }
0xe0: {  	[sflag:s31] =	ssyncset.done $0x0  }
0xe1: {  	[sflag:s31] =	ssyncadd.s32 $0xFFFFE000  }
0xe2: {  	_ =	swait.ge [sflag:s31], $0x2000  }
0xe3: {  	[sflag:s31] =	ssyncset.done $0x0  }
0xe4: {  	[sflag:s31] =	ssyncadd.s32 $0xFFFFE000  }
0xe5: {  	_ =	swait.ge [sflag:s31], $0x2000  }
0xe6: {  	[sflag:s31] =	ssyncset.done $0x0  }
0xe7: {  	v50 =	vshll.u32 v5, $0x10;
	v51 =	vshll.u32 v6, $0x10;
	v10 =	vand.u32 $0x7FFFFFFF, v10;
	[sflag:s31] =	ssyncadd.s32 $0xFFFFE000  }
0xe8: {  	v8 =	vmul.f32 v50, v8;
	v10 =	vmul.f32 v51, v10;
	_ =	swait.ge [sflag:s29], $0x2000  }
0xe9: {  	v5 =	vand.u32 $0xFFFF0000, v5;
	v6 =	vand.u32 $0xFFFF0000, v6;
	v9 =	vand.u32 $0x7FFFFFFF, v9;
	[sflag:s29] =	ssyncset.done $0x0  }
0xea: {  	s6 =	simm.s32 $0x0;
	v8 =	vsub.f32 v8, v10;
	v5 =	vmul.f32 v5, v46;
	v6 =	vmul.f32 v6, v9;
	[sflag:s29] =	ssyncadd.s32 $0xFFFFE000  }
0xeb: {  	v52 =	vld [tilespmem:s6+$0x8670]  }
0xec: {  	v8 =	vmul.f32 v8, v8;
	v5 =	vsub.f32 v5, v6;
	v53 =	vld [tilespmem:s6+$0x660]  }
0xed: {  	v11 =	vand.u32 $0xFFFF0000, v2;
	v7 =	vand.u32 $0xFFFF0000, v3;
	v3 =	vshll.u32 v3, $0x10;
	v54 =	vld [tilespmem:s6+$0x4630]  }
0xee: {  	v2 =	vshll.u32 v2, $0x10;
	v1 =	vmul.f32 v3, v1;
	v3 =	vand.u32 $0x7FFFFFFF, v47;
	v9 =	vld [tilespmem:s6+$0x4650]  }
0xef: {  	v2 =	vmul.f32 v2, v3;
	v10 =	vld [tilespmem:s6+$0x4620]  }
0xf0: {  	v4 =	vand.u32 $0x7FFFFFFF, v4;
	v0 =	vadd.f32 v8, v0;
	v5 =	vmul.f32 v5, v5;
	v3 =	vld [tilespmem:s6+$0x4640]  }
0xf1: {  	v4 =	vmul.f32 v11, v4;
	v6 =	vmul.f32 v7, v48;
	v1 =	vsub.f32 v1, v2;
	v7 =	vld [tilespmem:s6+$0x8640]  }
0xf2: {  	v2 =	vld [tilespmem:s6+$0x640]  }
0xf3: {  	v0 =	vadd.f32 v5, v0;
	v4 =	vsub.f32 v6, v4;
	v1 =	vmul.f32 v1, v1;
	v8 =	vld [tilespmem:s6+$0x8650]  }
0xf4: {  	v5 =	vld [tilespmem:s6+$0x650]  }
0xf5: {  	v0 =	vadd.f32 v1, v0;
	v1 =	vmul.f32 v4, v4;
	v6 =	vld [tilespmem:s6+$0x8660]  }
0xf6: {  	v4 =	vld [tilespmem:s6+$0x4600];
	v11 =	vshll.u32 v10, $0x10;
	v55 =	vshll.u32 v3, $0x10;
	v7 =	vand.u32 $0x7FFFFFFF, v7  }
0xf7: {  	v0 =	vadd.f32 v1, v0;
	v56 =	vld [tilespmem:s6+$0x670];
	v2 =	vmul.f32 v11, v2;
	v7 =	vmul.f32 v55, v7  }
0xf8: {  	v57 =	vld [tilespmem:s6+$0x600];
	v1 =	vand.u32 $0xFFFF0000, v54;
	v10 =	vand.u32 $0xFFFF0000, v10;
	v3 =	vand.u32 $0xFFFF0000, v3  }
0xf9: {  	v60 =	vld [tilespmem:s6+$0x8610];
	v8 =	vand.u32 $0x7FFFFFFF, v8;
	v58 =	vand.u32 $0xFFFF0000, v9;
	v2 =	vsub.f32 v2, v7  }
0xfa: {  	v13 =	vshll.u32 v54, $0x10;
	v5 =	vmul.f32 v10, v5;
	v3 =	vmul.f32 v3, v8;
	v7 =	vld [tilespmem:s6+$0x610]  }
0xfb: {  	v9 =	vshll.u32 v9, $0x10;
	v6 =	vand.u32 $0x7FFFFFFF, v6;
	v11 =	vld [tilespmem:s6+$0x4610];
	v2 =	vmul.f32 v2, v2  }
0xfc: {  	v8 =	vld [tilespmem:s6+$0x620];
	v10 =	vand.u32 $0x7FFFFFFF, v52;
	v12 =	vmul.f32 v13, v53;
	v3 =	vsub.f32 v5, v3  }
0xfd: {  	v6 =	vmul.f32 v9, v6;
	v9 =	vshll.u32 v4, $0x10;
	v5 =	vld [tilespmem:s6+$0x8600];
	v0 =	vadd.f32 v2, v0  }
0xfe: {  	v59 =	vld [tilespmem:s6+$0x630];
	v2 =	vmul.f32 v3, v3;
	v3 =	vmul.f32 v58, v10;
	v10 =	vand.u32 $0xFFFF0000, v4  }
0xff: {  	v61 =	vld [tilespmem:s6+$0x8620];
	v1 =	vmul.f32 v1, v56;
	v6 =	vsub.f32 v12, v6;
	v7 =	vadd.f32 v10, v7  }
0x100: {  	s7 =	simm.s32 $0x80;
	v62 =	vld [tilespmem:s6+$0x8630];
	v63 =	vshll.u32 v11, $0x10;
	v0 =	vadd.f32 v2, v0;
	v2 =	vadd.f32 v9, v57  }
0x101: {  	v6 =	vmul.f32 v6, v6;
	v4 =	vld [tilespmem:s7+$0x8670];
	v8 =	vadd.f32 v63, v8;
	v9 =	vsub.f32 v1, v3  }
0x102: {  	v10 =	vand.u32 $0xFFFF0000, v11;
	v1 =	vld [tilespmem:s7+$0x660];
	v7 =	vsub.f32 v7, v60;
	v5 =	vsub.f32 v2, v5  }
0x103: {  	v3 =	vld [tilespmem:s7+$0x4630];
	v0 =	vadd.f32 v6, v0;
	v6 =	vmul.f32 v9, v9;
	v9 =	vadd.f32 v10, v59  }
0x104: {  	v11 =	vsub.f32 v8, v61;
	v2 =	vld [tilespmem:s7+$0x4650];
	v10 =	vmul.f32 $7.177142620e+00, v5  }
0x105: {  	v8 =	vmul.f32 $7.177142620e+00, v7;
	v5 =	vld [tilespmem:s7+$0x4620];
	v7 =	vsub.f32 v9, v62  }
0x106: {  	s8 =	simm.s32 $0x400;
	v0 =	vadd.f32 v6, v0;
	v6 =	vld [tilespmem:s7+$0x4640];
	v9 =	vmul.f32 $7.177142620e+00, v11;
	[tilespmem:s6+$0xC600] =	vst v10  }
.LBB2_6:
0x107: {  	p0 =	sne.s32 s8, $0x7E00;
	v10 =	vld [tilespmem:s7+$0x8640];
	[tilespmem:s6+$0xC610] =	vst v8;
	v7 =	vmul.f32 $7.177142620e+00, v7  }
0x108: {  	v8 =	vld [tilespmem:s7+$0x640];
	[tilespmem:s6+$0xC620] =	vst v9  }
0x109: {  	v9 =	vld [tilespmem:s7+$0x8650];
	[tilespmem:s6+$0xC630] =	vst v7;
	s6 =	smov.u32 s7  }
0x10a: {  	v7 =	vld [tilespmem:s6+$0x650]  }
0x10b: {  	v4 =	vand.u32 $0x7FFFFFFF, v4;
	v11 =	vand.u32 $0xFFFF0000, v3;
	v12 =	vand.u32 $0xFFFF0000, v2;
	v13 =	vld [tilespmem:s6+$0x8660]  }
0x10c: {  	v15 =	vshll.u32 v5, $0x10;
	v16 =	vshll.u32 v6, $0x10;
	v14 =	vld [tilespmem:s6+$0x4600];
	v10 =	vand.u32 $0x7FFFFFFF, v10  }
0x10d: {  	v3 =	vshll.u32 v3, $0x10;
	v8 =	vmul.f32 v15, v8;
	v10 =	vmul.f32 v16, v10;
	v15 =	vld [tilespmem:s6+$0x670]  }
0x10e: {  	v5 =	vand.u32 $0xFFFF0000, v5;
	v6 =	vand.u32 $0xFFFF0000, v6;
	v9 =	vand.u32 $0x7FFFFFFF, v9;
	v16 =	vld [tilespmem:s6+$0x4610]  }
0x10f: {  	v17 =	vld [tilespmem:s6+$0x600];
	v8 =	vsub.f32 v8, v10;
	v5 =	vmul.f32 v5, v7;
	v6 =	vmul.f32 v6, v9  }
0x110: {  	v2 =	vshll.u32 v2, $0x10;
	v1 =	vmul.f32 v3, v1;
	v7 =	vld [tilespmem:s6+$0x610];
	v3 =	vand.u32 $0x7FFFFFFF, v13  }
0x111: {  	v8 =	vmul.f32 v8, v8;
	v5 =	vsub.f32 v5, v6;
	v6 =	vld [tilespmem:s6+$0x620];
	v2 =	vmul.f32 v2, v3  }
0x112: {  	v4 =	vmul.f32 v12, v4;
	v3 =	vshll.u32 v14, $0x10;
	v9 =	vld [tilespmem:s6+$0x630];
	v10 =	vmul.f32 v11, v15  }
0x113: {  	v11 =	vld [tilespmem:s6+$0x8600];
	v0 =	vadd.f32 v8, v0;
	v5 =	vmul.f32 v5, v5;
	v1 =	vsub.f32 v1, v2  }
0x114: {  	v2 =	vand.u32 $0xFFFF0000, v14;
	v12 =	vshll.u32 v16, $0x10;
	v13 =	vand.u32 $0xFFFF0000, v16;
	v8 =	vld [tilespmem:s6+$0x8610]  }
0x115: {  	v10 =	vsub.f32 v10, v4;
	v0 =	vadd.f32 v5, v0;
	v5 =	vld [tilespmem:s6+$0x8620];
	v1 =	vmul.f32 v1, v1  }
0x116: {  	s7 =	sshra.s32 s8, $0x2;
	v3 =	vadd.f32 v3, v17;
	v2 =	vadd.f32 v2, v7;
	v7 =	vld [tilespmem:s6+$0x8630]  }
0x117: {  	v6 =	vadd.f32 v12, v6;
	v10 =	vmul.f32 v10, v10;
	v4 =	vld [tilespmem:s7+$0x8670];
	v0 =	vadd.f32 v1, v0  }
.Ltmp2:
0x118: {  	v9 =	vadd.f32 v13, v9;
	v1 =	vld [tilespmem:s7+$0x660];
	v11 =	vsub.f32 v3, v11;
	(pc) =	sbr.rel @p0 .LBB2_6-.Ltmp2, $4  }
0x119: {  	v3 =	vld [tilespmem:s7+$0x4630];
	v8 =	vsub.f32 v2, v8;
	v0 =	vadd.f32 v10, v0  }
0x11a: {  	v2 =	vld [tilespmem:s7+$0x4650];
	v10 =	vmul.f32 $7.177142620e+00, v11;
	v11 =	vsub.f32 v6, v5  }
0x11b: {  	v5 =	vld [tilespmem:s7+$0x4620];
	v8 =	vmul.f32 $7.177142620e+00, v8;
	v7 =	vsub.f32 v9, v7  }
0x11c: {  	s8 =	sadd.s32 $0x200, s8;
	v6 =	vld [tilespmem:s7+$0x4640];
	[tilespmem:s6+$0xC600] =	vst v10;
	v9 =	vmul.f32 $7.177142620e+00, v11  }
0x11d: {  	v10 =	vld [tilespmem:s7+$0x8640];
	[tilespmem:s6+$0xC610] =	vst v8;
	v7 =	vmul.f32 $7.177142620e+00, v7  }
0x11e: {  	v8 =	vld [tilespmem:s7+$0x640];
	[tilespmem:s6+$0xC620] =	vst v9  }
0x11f: {  	v9 =	vld [tilespmem:s7+$0x8650];
	[tilespmem:s6+$0xC630] =	vst v7  }
0x120: {  	v7 =	vld [tilespmem:s7+$0x4600]  }
0x121: {  	v11 =	vld [tilespmem:s7+$0x4610]  }
0x122: {  	v12 =	vld [tilespmem:s7+$0x600]  }
0x123: {  	v13 =	vld [tilespmem:s7+$0x610]  }
0x124: {  	v14 =	vld [tilespmem:s7+$0x620]  }
0x125: {  	v15 =	vld [tilespmem:s7+$0x630]  }
0x126: {  	v16 =	vld [tilespmem:s7+$0x8600]  }
0x127: {  	v17 =	vld [tilespmem:s7+$0x8610]  }
0x128: {  	v19 =	vld [tilespmem:s7+$0x8620];
	v18 =	vshll.u32 v7, $0x10  }
0x129: {  	v44 =	vld [tilespmem:s7+$0x8630];
	v7 =	vand.u32 $0xFFFF0000, v7;
	v12 =	vadd.f32 v18, v12  }
0x12a: {  	v45 =	vshll.u32 v11, $0x10;
	v7 =	vadd.f32 v7, v13  }
0x12b: {  	v11 =	vand.u32 $0xFFFF0000, v11;
	v13 =	vadd.f32 v45, v14;
	v12 =	vsub.f32 v12, v16  }
0x12c: {  	v11 =	vadd.f32 v11, v15;
	v7 =	vsub.f32 v7, v17  }
0x12d: {  	v13 =	vsub.f32 v13, v19;
	v12 =	vmul.f32 $7.177142620e+00, v12  }
0x12e: {  	v11 =	vsub.f32 v11, v44;
	v7 =	vmul.f32 $7.177142620e+00, v7  }
0x12f: {  	v49 =	vmul.f32 $7.177142620e+00, v13;
	[tilespmem:s7+$0xC600] =	vst v12  }
0x130: {  	v46 =	vld [tilespmem:s7+$0x650];
	[tilespmem:s7+$0xC610] =	vst v7;
	v7 =	vmul.f32 $7.177142620e+00, v11  }
0x131: {  	v47 =	vld [tilespmem:s7+$0x8660];
	[tilespmem:s7+$0xC620] =	vst v49  }
0x132: {  	v48 =	vld [tilespmem:s7+$0x670];
	[tilespmem:s7+$0xC630] =	vst v7;
	s7 =	simm.s32 $0x0  }
0x133: {  	[hbm4b:s10+s7] =	stream.linear.scatter [tilespmem:s0], [sflag:$0x4], $0x2000, $0x38;
	[tilespmem:$0x10680] =	vst v63  }
0x134: {  	s8 =	simm.s32 $0x100  }
0x135: {  	[tilespmem:s22], [sflag:$0x2] =	stream.indirect.gather [hbm4b:s2+s21], $0x80, s8, s21, $0xb8;
	[tilespmem:$0x10680] =	vst v63  }
0x136: {  	s7 =	simm.s32 $0x300  }
0x137: {  	[tilespmem:s23], [sflag:$0x2] =	stream.indirect.gather [hbm4b:s4+s21], $0x80, s7, s21, $0xb8;
	[tilespmem:$0x10680] =	vst v63  }
0x138: {  	s8 =	simm.s32 $0x500  }
0x139: {  	[tilespmem:s24], [sflag:$0x2] =	stream.indirect.gather [hbm4b:s2+s21], $0x80, s8, s21, $0xb8;
	[tilespmem:$0x10680] =	vst v63  }
0x13a: {  	_ =	swait.ge [sflag:s1], $0x2000  }
0x13b: {  	[sflag:s1] =	ssyncset.done $0x0  }
0x13c: {  	[sflag:s1] =	ssyncadd.s32 $0xFFFFE000  }
0x13d: {  	_ =	swait.ge [sflag:s1], $0x2000  }
0x13e: {  	[sflag:s1] =	ssyncset.done $0x0  }
0x13f: {  	[sflag:s1] =	ssyncadd.s32 $0xFFFFE000  }
0x140: {  	_ =	swait.ge [sflag:s1], $0x2000  }
0x141: {  	[sflag:s1] =	ssyncset.done $0x0  }
0x142: {  	v50 =	vshll.u32 v5, $0x10;
	v51 =	vshll.u32 v6, $0x10;
	v10 =	vand.u32 $0x7FFFFFFF, v10;
	[sflag:s1] =	ssyncadd.s32 $0xFFFFE000  }
0x143: {  	v8 =	vmul.f32 v50, v8;
	v10 =	vmul.f32 v51, v10;
	_ =	swait.ge [sflag:s18], $0x2000  }
0x144: {  	v5 =	vand.u32 $0xFFFF0000, v5;
	v6 =	vand.u32 $0xFFFF0000, v6;
	v9 =	vand.u32 $0x7FFFFFFF, v9;
	[sflag:s18] =	ssyncset.done $0x0  }
0x145: {  	s6 =	simm.s32 $0x0;
	v8 =	vsub.f32 v8, v10;
	v5 =	vmul.f32 v5, v46;
	v6 =	vmul.f32 v6, v9;
	[sflag:s18] =	ssyncadd.s32 $0xFFFFE000  }
0x146: {  	v52 =	vld [tilespmem:s6+$0xA670]  }
0x147: {  	v8 =	vmul.f32 v8, v8;
	v5 =	vsub.f32 v5, v6;
	v53 =	vld [tilespmem:s6+$0x2660]  }
0x148: {  	v11 =	vand.u32 $0xFFFF0000, v2;
	v7 =	vand.u32 $0xFFFF0000, v3;
	v3 =	vshll.u32 v3, $0x10;
	v54 =	vld [tilespmem:s6+$0x6630]  }
0x149: {  	v2 =	vshll.u32 v2, $0x10;
	v1 =	vmul.f32 v3, v1;
	v3 =	vand.u32 $0x7FFFFFFF, v47;
	v9 =	vld [tilespmem:s6+$0x6650]  }
0x14a: {  	v2 =	vmul.f32 v2, v3;
	v10 =	vld [tilespmem:s6+$0x6620]  }
0x14b: {  	v4 =	vand.u32 $0x7FFFFFFF, v4;
	v0 =	vadd.f32 v8, v0;
	v5 =	vmul.f32 v5, v5;
	v3 =	vld [tilespmem:s6+$0x6640]  }
0x14c: {  	v4 =	vmul.f32 v11, v4;
	v6 =	vmul.f32 v7, v48;
	v1 =	vsub.f32 v1, v2;
	v7 =	vld [tilespmem:s6+$0xA640]  }
0x14d: {  	v2 =	vld [tilespmem:s6+$0x2640]  }
0x14e: {  	v0 =	vadd.f32 v5, v0;
	v4 =	vsub.f32 v6, v4;
	v1 =	vmul.f32 v1, v1;
	v8 =	vld [tilespmem:s6+$0xA650]  }
0x14f: {  	v5 =	vld [tilespmem:s6+$0x2650]  }
0x150: {  	v0 =	vadd.f32 v1, v0;
	v1 =	vmul.f32 v4, v4;
	v6 =	vld [tilespmem:s6+$0xA660]  }
0x151: {  	v4 =	vld [tilespmem:s6+$0x6600];
	v11 =	vshll.u32 v10, $0x10;
	v55 =	vshll.u32 v3, $0x10;
	v7 =	vand.u32 $0x7FFFFFFF, v7  }
0x152: {  	v0 =	vadd.f32 v1, v0;
	v56 =	vld [tilespmem:s6+$0x2670];
	v2 =	vmul.f32 v11, v2;
	v7 =	vmul.f32 v55, v7  }
0x153: {  	v57 =	vld [tilespmem:s6+$0x2600];
	v1 =	vand.u32 $0xFFFF0000, v54;
	v10 =	vand.u32 $0xFFFF0000, v10;
	v3 =	vand.u32 $0xFFFF0000, v3  }
0x154: {  	v60 =	vld [tilespmem:s6+$0xA610];
	v8 =	vand.u32 $0x7FFFFFFF, v8;
	v58 =	vand.u32 $0xFFFF0000, v9;
	v2 =	vsub.f32 v2, v7  }
0x155: {  	v13 =	vshll.u32 v54, $0x10;
	v5 =	vmul.f32 v10, v5;
	v3 =	vmul.f32 v3, v8;
	v7 =	vld [tilespmem:s6+$0x2610]  }
0x156: {  	v9 =	vshll.u32 v9, $0x10;
	v6 =	vand.u32 $0x7FFFFFFF, v6;
	v11 =	vld [tilespmem:s6+$0x6610];
	v2 =	vmul.f32 v2, v2  }
0x157: {  	v8 =	vld [tilespmem:s6+$0x2620];
	v10 =	vand.u32 $0x7FFFFFFF, v52;
	v12 =	vmul.f32 v13, v53;
	v3 =	vsub.f32 v5, v3  }
0x158: {  	v6 =	vmul.f32 v9, v6;
	v9 =	vshll.u32 v4, $0x10;
	v5 =	vld [tilespmem:s6+$0xA600];
	v0 =	vadd.f32 v2, v0  }
0x159: {  	v59 =	vld [tilespmem:s6+$0x2630];
	v2 =	vmul.f32 v3, v3;
	v3 =	vmul.f32 v58, v10;
	v10 =	vand.u32 $0xFFFF0000, v4  }
0x15a: {  	v61 =	vld [tilespmem:s6+$0xA620];
	v1 =	vmul.f32 v1, v56;
	v6 =	vsub.f32 v12, v6;
	v7 =	vadd.f32 v10, v7  }
0x15b: {  	s7 =	simm.s32 $0x80;
	v62 =	vld [tilespmem:s6+$0xA630];
	v63 =	vshll.u32 v11, $0x10;
	v0 =	vadd.f32 v2, v0;
	v2 =	vadd.f32 v9, v57  }
0x15c: {  	v6 =	vmul.f32 v6, v6;
	v4 =	vld [tilespmem:s7+$0xA670];
	v8 =	vadd.f32 v63, v8;
	v9 =	vsub.f32 v1, v3  }
0x15d: {  	v10 =	vand.u32 $0xFFFF0000, v11;
	v1 =	vld [tilespmem:s7+$0x2660];
	v7 =	vsub.f32 v7, v60;
	v5 =	vsub.f32 v2, v5  }
0x15e: {  	v3 =	vld [tilespmem:s7+$0x6630];
	v0 =	vadd.f32 v6, v0;
	v6 =	vmul.f32 v9, v9;
	v9 =	vadd.f32 v10, v59  }
0x15f: {  	v11 =	vsub.f32 v8, v61;
	v2 =	vld [tilespmem:s7+$0x6650];
	v10 =	vmul.f32 $7.177142620e+00, v5  }
0x160: {  	v8 =	vmul.f32 $7.177142620e+00, v7;
	v5 =	vld [tilespmem:s7+$0x6620];
	v7 =	vsub.f32 v9, v62  }
0x161: {  	s8 =	simm.s32 $0x400;
	v0 =	vadd.f32 v6, v0;
	v6 =	vld [tilespmem:s7+$0x6640];
	v9 =	vmul.f32 $7.177142620e+00, v11;
	[tilespmem:s6+$0xE600] =	vst v10  }
.LBB2_8:
0x162: {  	p0 =	sne.s32 s8, $0x7E00;
	v10 =	vld [tilespmem:s7+$0xA640];
	[tilespmem:s6+$0xE610] =	vst v8;
	v7 =	vmul.f32 $7.177142620e+00, v7  }
0x163: {  	v8 =	vld [tilespmem:s7+$0x2640];
	[tilespmem:s6+$0xE620] =	vst v9  }
0x164: {  	v9 =	vld [tilespmem:s7+$0xA650];
	[tilespmem:s6+$0xE630] =	vst v7;
	s6 =	smov.u32 s7  }
0x165: {  	v7 =	vld [tilespmem:s6+$0x2650]  }
0x166: {  	v4 =	vand.u32 $0x7FFFFFFF, v4;
	v11 =	vand.u32 $0xFFFF0000, v3;
	v12 =	vand.u32 $0xFFFF0000, v2;
	v13 =	vld [tilespmem:s6+$0xA660]  }
0x167: {  	v15 =	vshll.u32 v5, $0x10;
	v16 =	vshll.u32 v6, $0x10;
	v14 =	vld [tilespmem:s6+$0x6600];
	v10 =	vand.u32 $0x7FFFFFFF, v10  }
0x168: {  	v3 =	vshll.u32 v3, $0x10;
	v8 =	vmul.f32 v15, v8;
	v10 =	vmul.f32 v16, v10;
	v15 =	vld [tilespmem:s6+$0x2670]  }
0x169: {  	v5 =	vand.u32 $0xFFFF0000, v5;
	v6 =	vand.u32 $0xFFFF0000, v6;
	v9 =	vand.u32 $0x7FFFFFFF, v9;
	v16 =	vld [tilespmem:s6+$0x6610]  }
0x16a: {  	v17 =	vld [tilespmem:s6+$0x2600];
	v8 =	vsub.f32 v8, v10;
	v5 =	vmul.f32 v5, v7;
	v6 =	vmul.f32 v6, v9  }
0x16b: {  	v2 =	vshll.u32 v2, $0x10;
	v1 =	vmul.f32 v3, v1;
	v7 =	vld [tilespmem:s6+$0x2610];
	v3 =	vand.u32 $0x7FFFFFFF, v13  }
0x16c: {  	v8 =	vmul.f32 v8, v8;
	v5 =	vsub.f32 v5, v6;
	v6 =	vld [tilespmem:s6+$0x2620];
	v2 =	vmul.f32 v2, v3  }
0x16d: {  	v4 =	vmul.f32 v12, v4;
	v3 =	vshll.u32 v14, $0x10;
	v9 =	vld [tilespmem:s6+$0x2630];
	v10 =	vmul.f32 v11, v15  }
0x16e: {  	v11 =	vld [tilespmem:s6+$0xA600];
	v0 =	vadd.f32 v8, v0;
	v5 =	vmul.f32 v5, v5;
	v1 =	vsub.f32 v1, v2  }
0x16f: {  	v2 =	vand.u32 $0xFFFF0000, v14;
	v12 =	vshll.u32 v16, $0x10;
	v13 =	vand.u32 $0xFFFF0000, v16;
	v8 =	vld [tilespmem:s6+$0xA610]  }
0x170: {  	v10 =	vsub.f32 v10, v4;
	v0 =	vadd.f32 v5, v0;
	v5 =	vld [tilespmem:s6+$0xA620];
	v1 =	vmul.f32 v1, v1  }
0x171: {  	s7 =	sshra.s32 s8, $0x2;
	v3 =	vadd.f32 v3, v17;
	v2 =	vadd.f32 v2, v7;
	v7 =	vld [tilespmem:s6+$0xA630]  }
0x172: {  	v6 =	vadd.f32 v12, v6;
	v10 =	vmul.f32 v10, v10;
	v4 =	vld [tilespmem:s7+$0xA670];
	v0 =	vadd.f32 v1, v0  }
.Ltmp3:
0x173: {  	v9 =	vadd.f32 v13, v9;
	v1 =	vld [tilespmem:s7+$0x2660];
	v11 =	vsub.f32 v3, v11;
	(pc) =	sbr.rel @p0 .LBB2_8-.Ltmp3, $4  }
0x174: {  	v3 =	vld [tilespmem:s7+$0x6630];
	v8 =	vsub.f32 v2, v8;
	v0 =	vadd.f32 v10, v0  }
0x175: {  	v2 =	vld [tilespmem:s7+$0x6650];
	v10 =	vmul.f32 $7.177142620e+00, v11;
	v11 =	vsub.f32 v6, v5  }
0x176: {  	v5 =	vld [tilespmem:s7+$0x6620];
	v8 =	vmul.f32 $7.177142620e+00, v8;
	v7 =	vsub.f32 v9, v7  }
0x177: {  	s8 =	sadd.s32 $0x200, s8;
	v6 =	vld [tilespmem:s7+$0x6640];
	[tilespmem:s6+$0xE600] =	vst v10;
	v9 =	vmul.f32 $7.177142620e+00, v11  }
0x178: {  	v10 =	vld [tilespmem:s7+$0xA640];
	[tilespmem:s6+$0xE610] =	vst v8;
	v7 =	vmul.f32 $7.177142620e+00, v7  }
0x179: {  	v8 =	vld [tilespmem:s7+$0x2640];
	[tilespmem:s6+$0xE620] =	vst v9  }
0x17a: {  	v9 =	vld [tilespmem:s7+$0xA650];
	[tilespmem:s6+$0xE630] =	vst v7  }
0x17b: {  	v7 =	vld [tilespmem:s7+$0x6600]  }
0x17c: {  	v11 =	vld [tilespmem:s7+$0x6610]  }
0x17d: {  	v12 =	vld [tilespmem:s7+$0x2600]  }
0x17e: {  	v13 =	vld [tilespmem:s7+$0x2610]  }
0x17f: {  	v14 =	vld [tilespmem:s7+$0x2620]  }
0x180: {  	v15 =	vld [tilespmem:s7+$0x2630]  }
0x181: {  	v16 =	vld [tilespmem:s7+$0xA600]  }
0x182: {  	v17 =	vld [tilespmem:s7+$0xA610]  }
0x183: {  	v19 =	vld [tilespmem:s7+$0xA620];
	v18 =	vshll.u32 v7, $0x10  }
0x184: {  	v44 =	vld [tilespmem:s7+$0xA630];
	v7 =	vand.u32 $0xFFFF0000, v7;
	v12 =	vadd.f32 v18, v12  }
0x185: {  	v45 =	vshll.u32 v11, $0x10;
	v7 =	vadd.f32 v7, v13  }
0x186: {  	v11 =	vand.u32 $0xFFFF0000, v11;
	v13 =	vadd.f32 v45, v14;
	v12 =	vsub.f32 v12, v16  }
0x187: {  	v11 =	vadd.f32 v11, v15;
	v7 =	vsub.f32 v7, v17  }
0x188: {  	v13 =	vsub.f32 v13, v19;
	v12 =	vmul.f32 $7.177142620e+00, v12  }
0x189: {  	v11 =	vsub.f32 v11, v44;
	v7 =	vmul.f32 $7.177142620e+00, v7  }
0x18a: {  	v49 =	vmul.f32 $7.177142620e+00, v13;
	[tilespmem:s7+$0xE600] =	vst v12  }
0x18b: {  	v46 =	vld [tilespmem:s7+$0x2650];
	[tilespmem:s7+$0xE610] =	vst v7;
	v7 =	vmul.f32 $7.177142620e+00, v11  }
0x18c: {  	v47 =	vld [tilespmem:s7+$0xA660];
	[tilespmem:s7+$0xE620] =	vst v49  }
0x18d: {  	v48 =	vld [tilespmem:s7+$0x2670];
	[tilespmem:s7+$0xE630] =	vst v7;
	s7 =	simm.s32 $0x0  }
0x18e: {  	[hbm4b:s11+s7] =	stream.linear.scatter [tilespmem:s26], [sflag:$0x5], $0x2000, $0x38;
	[tilespmem:$0x10680] =	vst v63  }
0x18f: {  	s8 =	simm.s32 $0x140  }
0x190: {  	[tilespmem:s25], [sflag:$0x3] =	stream.indirect.gather [hbm4b:s2+s21], $0x80, s8, s21, $0xb8;
	[tilespmem:$0x10680] =	vst v63  }
0x191: {  	s7 =	simm.s32 $0x340  }
0x192: {  	[tilespmem:s28], [sflag:$0x3] =	stream.indirect.gather [hbm4b:s4+s21], $0x80, s7, s21, $0xb8;
	[tilespmem:$0x10680] =	vst v63  }
0x193: {  	s8 =	simm.s32 $0x540  }
0x194: {  	[tilespmem:s30], [sflag:$0x3] =	stream.indirect.gather [hbm4b:s2+s21], $0x80, s8, s21, $0xb8;
	[tilespmem:$0x10680] =	vst v63  }
0x195: {  	_ =	swait.ge [sflag:s31], $0x2000  }
0x196: {  	[sflag:s31] =	ssyncset.done $0x0  }
0x197: {  	[sflag:s31] =	ssyncadd.s32 $0xFFFFE000  }
0x198: {  	_ =	swait.ge [sflag:s31], $0x2000  }
0x199: {  	[sflag:s31] =	ssyncset.done $0x0  }
0x19a: {  	[sflag:s31] =	ssyncadd.s32 $0xFFFFE000  }
0x19b: {  	_ =	swait.ge [sflag:s31], $0x2000  }
0x19c: {  	[sflag:s31] =	ssyncset.done $0x0  }
0x19d: {  	v50 =	vshll.u32 v5, $0x10;
	v51 =	vshll.u32 v6, $0x10;
	v10 =	vand.u32 $0x7FFFFFFF, v10;
	[sflag:s31] =	ssyncadd.s32 $0xFFFFE000  }
0x19e: {  	v8 =	vmul.f32 v50, v8;
	v10 =	vmul.f32 v51, v10;
	_ =	swait.ge [sflag:s29], $0x2000  }
0x19f: {  	v5 =	vand.u32 $0xFFFF0000, v5;
	v6 =	vand.u32 $0xFFFF0000, v6;
	v9 =	vand.u32 $0x7FFFFFFF, v9;
	[sflag:s29] =	ssyncset.done $0x0  }
0x1a0: {  	s6 =	simm.s32 $0x0;
	v8 =	vsub.f32 v8, v10;
	v5 =	vmul.f32 v5, v46;
	v6 =	vmul.f32 v6, v9;
	[sflag:s29] =	ssyncadd.s32 $0xFFFFE000  }
0x1a1: {  	v52 =	vld [tilespmem:s6+$0x8670]  }
0x1a2: {  	v8 =	vmul.f32 v8, v8;
	v5 =	vsub.f32 v5, v6;
	v53 =	vld [tilespmem:s6+$0x660]  }
0x1a3: {  	v11 =	vand.u32 $0xFFFF0000, v2;
	v7 =	vand.u32 $0xFFFF0000, v3;
	v3 =	vshll.u32 v3, $0x10;
	v54 =	vld [tilespmem:s6+$0x4630]  }
0x1a4: {  	v2 =	vshll.u32 v2, $0x10;
	v1 =	vmul.f32 v3, v1;
	v3 =	vand.u32 $0x7FFFFFFF, v47;
	v9 =	vld [tilespmem:s6+$0x4650]  }
0x1a5: {  	v2 =	vmul.f32 v2, v3;
	v10 =	vld [tilespmem:s6+$0x4620]  }
0x1a6: {  	v4 =	vand.u32 $0x7FFFFFFF, v4;
	v0 =	vadd.f32 v8, v0;
	v5 =	vmul.f32 v5, v5;
	v3 =	vld [tilespmem:s6+$0x4640]  }
0x1a7: {  	v4 =	vmul.f32 v11, v4;
	v6 =	vmul.f32 v7, v48;
	v1 =	vsub.f32 v1, v2;
	v7 =	vld [tilespmem:s6+$0x8640]  }
0x1a8: {  	v2 =	vld [tilespmem:s6+$0x640]  }
0x1a9: {  	v0 =	vadd.f32 v5, v0;
	v4 =	vsub.f32 v6, v4;
	v1 =	vmul.f32 v1, v1;
	v8 =	vld [tilespmem:s6+$0x8650]  }
0x1aa: {  	v5 =	vld [tilespmem:s6+$0x650]  }
0x1ab: {  	v0 =	vadd.f32 v1, v0;
	v1 =	vmul.f32 v4, v4;
	v6 =	vld [tilespmem:s6+$0x8660]  }
0x1ac: {  	v4 =	vld [tilespmem:s6+$0x4600];
	v11 =	vshll.u32 v10, $0x10;
	v55 =	vshll.u32 v3, $0x10;
	v7 =	vand.u32 $0x7FFFFFFF, v7  }
0x1ad: {  	v0 =	vadd.f32 v1, v0;
	v56 =	vld [tilespmem:s6+$0x670];
	v2 =	vmul.f32 v11, v2;
	v7 =	vmul.f32 v55, v7  }
0x1ae: {  	v57 =	vld [tilespmem:s6+$0x600];
	v1 =	vand.u32 $0xFFFF0000, v54;
	v10 =	vand.u32 $0xFFFF0000, v10;
	v3 =	vand.u32 $0xFFFF0000, v3  }
0x1af: {  	v60 =	vld [tilespmem:s6+$0x8610];
	v8 =	vand.u32 $0x7FFFFFFF, v8;
	v58 =	vand.u32 $0xFFFF0000, v9;
	v2 =	vsub.f32 v2, v7  }
0x1b0: {  	v13 =	vshll.u32 v54, $0x10;
	v5 =	vmul.f32 v10, v5;
	v3 =	vmul.f32 v3, v8;
	v7 =	vld [tilespmem:s6+$0x610]  }
0x1b1: {  	v9 =	vshll.u32 v9, $0x10;
	v6 =	vand.u32 $0x7FFFFFFF, v6;
	v11 =	vld [tilespmem:s6+$0x4610];
	v2 =	vmul.f32 v2, v2  }
0x1b2: {  	v8 =	vld [tilespmem:s6+$0x620];
	v10 =	vand.u32 $0x7FFFFFFF, v52;
	v12 =	vmul.f32 v13, v53;
	v3 =	vsub.f32 v5, v3  }
0x1b3: {  	v6 =	vmul.f32 v9, v6;
	v9 =	vshll.u32 v4, $0x10;
	v5 =	vld [tilespmem:s6+$0x8600];
	v0 =	vadd.f32 v2, v0  }
0x1b4: {  	v59 =	vld [tilespmem:s6+$0x630];
	v2 =	vmul.f32 v3, v3;
	v3 =	vmul.f32 v58, v10;
	v10 =	vand.u32 $0xFFFF0000, v4  }
0x1b5: {  	v61 =	vld [tilespmem:s6+$0x8620];
	v1 =	vmul.f32 v1, v56;
	v6 =	vsub.f32 v12, v6;
	v7 =	vadd.f32 v10, v7  }
0x1b6: {  	s7 =	simm.s32 $0x80;
	v62 =	vld [tilespmem:s6+$0x8630];
	v63 =	vshll.u32 v11, $0x10;
	v0 =	vadd.f32 v2, v0;
	v2 =	vadd.f32 v9, v57  }
0x1b7: {  	v6 =	vmul.f32 v6, v6;
	v4 =	vld [tilespmem:s7+$0x8670];
	v8 =	vadd.f32 v63, v8;
	v9 =	vsub.f32 v1, v3  }
0x1b8: {  	v10 =	vand.u32 $0xFFFF0000, v11;
	v1 =	vld [tilespmem:s7+$0x660];
	v7 =	vsub.f32 v7, v60;
	v5 =	vsub.f32 v2, v5  }
0x1b9: {  	v3 =	vld [tilespmem:s7+$0x4630];
	v0 =	vadd.f32 v6, v0;
	v6 =	vmul.f32 v9, v9;
	v9 =	vadd.f32 v10, v59  }
0x1ba: {  	v11 =	vsub.f32 v8, v61;
	v2 =	vld [tilespmem:s7+$0x4650];
	v10 =	vmul.f32 $7.177142620e+00, v5  }
0x1bb: {  	v8 =	vmul.f32 $7.177142620e+00, v7;
	v5 =	vld [tilespmem:s7+$0x4620];
	v7 =	vsub.f32 v9, v62  }
0x1bc: {  	s8 =	simm.s32 $0x400;
	v0 =	vadd.f32 v6, v0;
	v6 =	vld [tilespmem:s7+$0x4640];
	v9 =	vmul.f32 $7.177142620e+00, v11;
	[tilespmem:s6+$0xC600] =	vst v10  }
.LBB2_10:
0x1bd: {  	p0 =	sne.s32 s8, $0x7E00;
	v10 =	vld [tilespmem:s7+$0x8640];
	[tilespmem:s6+$0xC610] =	vst v8;
	v7 =	vmul.f32 $7.177142620e+00, v7  }
0x1be: {  	v8 =	vld [tilespmem:s7+$0x640];
	[tilespmem:s6+$0xC620] =	vst v9  }
0x1bf: {  	v9 =	vld [tilespmem:s7+$0x8650];
	[tilespmem:s6+$0xC630] =	vst v7;
	s6 =	smov.u32 s7  }
0x1c0: {  	v7 =	vld [tilespmem:s6+$0x650]  }
0x1c1: {  	v4 =	vand.u32 $0x7FFFFFFF, v4;
	v11 =	vand.u32 $0xFFFF0000, v3;
	v12 =	vand.u32 $0xFFFF0000, v2;
	v13 =	vld [tilespmem:s6+$0x8660]  }
0x1c2: {  	v15 =	vshll.u32 v5, $0x10;
	v16 =	vshll.u32 v6, $0x10;
	v14 =	vld [tilespmem:s6+$0x4600];
	v10 =	vand.u32 $0x7FFFFFFF, v10  }
0x1c3: {  	v3 =	vshll.u32 v3, $0x10;
	v8 =	vmul.f32 v15, v8;
	v10 =	vmul.f32 v16, v10;
	v15 =	vld [tilespmem:s6+$0x670]  }
0x1c4: {  	v5 =	vand.u32 $0xFFFF0000, v5;
	v6 =	vand.u32 $0xFFFF0000, v6;
	v9 =	vand.u32 $0x7FFFFFFF, v9;
	v16 =	vld [tilespmem:s6+$0x4610]  }
0x1c5: {  	v17 =	vld [tilespmem:s6+$0x600];
	v8 =	vsub.f32 v8, v10;
	v5 =	vmul.f32 v5, v7;
	v6 =	vmul.f32 v6, v9  }
0x1c6: {  	v2 =	vshll.u32 v2, $0x10;
	v1 =	vmul.f32 v3, v1;
	v7 =	vld [tilespmem:s6+$0x610];
	v3 =	vand.u32 $0x7FFFFFFF, v13  }
0x1c7: {  	v8 =	vmul.f32 v8, v8;
	v5 =	vsub.f32 v5, v6;
	v6 =	vld [tilespmem:s6+$0x620];
	v2 =	vmul.f32 v2, v3  }
0x1c8: {  	v4 =	vmul.f32 v12, v4;
	v3 =	vshll.u32 v14, $0x10;
	v9 =	vld [tilespmem:s6+$0x630];
	v10 =	vmul.f32 v11, v15  }
0x1c9: {  	v11 =	vld [tilespmem:s6+$0x8600];
	v0 =	vadd.f32 v8, v0;
	v5 =	vmul.f32 v5, v5;
	v1 =	vsub.f32 v1, v2  }
0x1ca: {  	v2 =	vand.u32 $0xFFFF0000, v14;
	v12 =	vshll.u32 v16, $0x10;
	v13 =	vand.u32 $0xFFFF0000, v16;
	v8 =	vld [tilespmem:s6+$0x8610]  }
0x1cb: {  	v10 =	vsub.f32 v10, v4;
	v0 =	vadd.f32 v5, v0;
	v5 =	vld [tilespmem:s6+$0x8620];
	v1 =	vmul.f32 v1, v1  }
0x1cc: {  	s7 =	sshra.s32 s8, $0x2;
	v3 =	vadd.f32 v3, v17;
	v2 =	vadd.f32 v2, v7;
	v7 =	vld [tilespmem:s6+$0x8630]  }
0x1cd: {  	v6 =	vadd.f32 v12, v6;
	v10 =	vmul.f32 v10, v10;
	v4 =	vld [tilespmem:s7+$0x8670];
	v0 =	vadd.f32 v1, v0  }
.Ltmp4:
0x1ce: {  	v9 =	vadd.f32 v13, v9;
	v1 =	vld [tilespmem:s7+$0x660];
	v11 =	vsub.f32 v3, v11;
	(pc) =	sbr.rel @p0 .LBB2_10-.Ltmp4, $4  }
0x1cf: {  	v3 =	vld [tilespmem:s7+$0x4630];
	v8 =	vsub.f32 v2, v8;
	v0 =	vadd.f32 v10, v0  }
0x1d0: {  	v2 =	vld [tilespmem:s7+$0x4650];
	v10 =	vmul.f32 $7.177142620e+00, v11;
	v11 =	vsub.f32 v6, v5  }
0x1d1: {  	v5 =	vld [tilespmem:s7+$0x4620];
	v8 =	vmul.f32 $7.177142620e+00, v8;
	v7 =	vsub.f32 v9, v7  }
0x1d2: {  	s8 =	sadd.s32 $0x200, s8;
	v6 =	vld [tilespmem:s7+$0x4640];
	[tilespmem:s6+$0xC600] =	vst v10;
	v9 =	vmul.f32 $7.177142620e+00, v11  }
0x1d3: {  	v10 =	vld [tilespmem:s7+$0x8640];
	[tilespmem:s6+$0xC610] =	vst v8;
	v7 =	vmul.f32 $7.177142620e+00, v7  }
0x1d4: {  	v8 =	vld [tilespmem:s7+$0x640];
	[tilespmem:s6+$0xC620] =	vst v9  }
0x1d5: {  	v9 =	vld [tilespmem:s7+$0x8650];
	[tilespmem:s6+$0xC630] =	vst v7  }
0x1d6: {  	v7 =	vld [tilespmem:s7+$0x4600]  }
0x1d7: {  	v11 =	vld [tilespmem:s7+$0x4610]  }
0x1d8: {  	v12 =	vld [tilespmem:s7+$0x600]  }
0x1d9: {  	v13 =	vld [tilespmem:s7+$0x610]  }
0x1da: {  	v14 =	vld [tilespmem:s7+$0x620]  }
0x1db: {  	v15 =	vld [tilespmem:s7+$0x630]  }
0x1dc: {  	v16 =	vld [tilespmem:s7+$0x8600]  }
0x1dd: {  	v17 =	vld [tilespmem:s7+$0x8610]  }
0x1de: {  	v19 =	vld [tilespmem:s7+$0x8620];
	v18 =	vshll.u32 v7, $0x10  }
0x1df: {  	v44 =	vld [tilespmem:s7+$0x8630];
	v7 =	vand.u32 $0xFFFF0000, v7;
	v12 =	vadd.f32 v18, v12  }
0x1e0: {  	v45 =	vshll.u32 v11, $0x10;
	v7 =	vadd.f32 v7, v13  }
0x1e1: {  	v11 =	vand.u32 $0xFFFF0000, v11;
	v13 =	vadd.f32 v45, v14;
	v12 =	vsub.f32 v12, v16  }
0x1e2: {  	v11 =	vadd.f32 v11, v15;
	v7 =	vsub.f32 v7, v17  }
0x1e3: {  	v13 =	vsub.f32 v13, v19;
	v12 =	vmul.f32 $7.177142620e+00, v12  }
0x1e4: {  	v11 =	vsub.f32 v11, v44;
	v7 =	vmul.f32 $7.177142620e+00, v7  }
0x1e5: {  	v49 =	vmul.f32 $7.177142620e+00, v13;
	[tilespmem:s7+$0xC600] =	vst v12  }
0x1e6: {  	v46 =	vld [tilespmem:s7+$0x650];
	[tilespmem:s7+$0xC610] =	vst v7;
	v7 =	vmul.f32 $7.177142620e+00, v11  }
0x1e7: {  	v47 =	vld [tilespmem:s7+$0x8660];
	[tilespmem:s7+$0xC620] =	vst v49  }
0x1e8: {  	v48 =	vld [tilespmem:s7+$0x670];
	[tilespmem:s7+$0xC630] =	vst v7;
	s7 =	simm.s32 $0x0  }
0x1e9: {  	[hbm4b:s12+s7] =	stream.linear.scatter [tilespmem:s0], [sflag:$0x4], $0x2000, $0x38;
	[tilespmem:$0x10680] =	vst v63  }
0x1ea: {  	s8 =	simm.s32 $0x180  }
0x1eb: {  	[tilespmem:s22], [sflag:$0x2] =	stream.indirect.gather [hbm4b:s2+s21], $0x80, s8, s21, $0xb8;
	[tilespmem:$0x10680] =	vst v63  }
0x1ec: {  	s7 =	simm.s32 $0x380  }
0x1ed: {  	[tilespmem:s23], [sflag:$0x2] =	stream.indirect.gather [hbm4b:s4+s21], $0x80, s7, s21, $0xb8;
	[tilespmem:$0x10680] =	vst v63  }
0x1ee: {  	s8 =	simm.s32 $0x580  }
0x1ef: {  	[tilespmem:s24], [sflag:$0x2] =	stream.indirect.gather [hbm4b:s2+s21], $0x80, s8, s21, $0xb8;
	[tilespmem:$0x10680] =	vst v63  }
0x1f0: {  	_ =	swait.ge [sflag:s1], $0x2000  }
0x1f1: {  	[sflag:s1] =	ssyncset.done $0x0  }
0x1f2: {  	[sflag:s1] =	ssyncadd.s32 $0xFFFFE000  }
0x1f3: {  	_ =	swait.ge [sflag:s1], $0x2000  }
0x1f4: {  	[sflag:s1] =	ssyncset.done $0x0  }
0x1f5: {  	[sflag:s1] =	ssyncadd.s32 $0xFFFFE000  }
0x1f6: {  	_ =	swait.ge [sflag:s1], $0x2000  }
0x1f7: {  	[sflag:s1] =	ssyncset.done $0x0  }
0x1f8: {  	v50 =	vshll.u32 v5, $0x10;
	v51 =	vshll.u32 v6, $0x10;
	v10 =	vand.u32 $0x7FFFFFFF, v10;
	[sflag:s1] =	ssyncadd.s32 $0xFFFFE000  }
0x1f9: {  	v8 =	vmul.f32 v50, v8;
	v10 =	vmul.f32 v51, v10;
	_ =	swait.ge [sflag:s18], $0x2000  }
0x1fa: {  	v5 =	vand.u32 $0xFFFF0000, v5;
	v6 =	vand.u32 $0xFFFF0000, v6;
	v9 =	vand.u32 $0x7FFFFFFF, v9;
	[sflag:s18] =	ssyncset.done $0x0  }
0x1fb: {  	s6 =	simm.s32 $0x0;
	v8 =	vsub.f32 v8, v10;
	v5 =	vmul.f32 v5, v46;
	v6 =	vmul.f32 v6, v9;
	[sflag:s18] =	ssyncadd.s32 $0xFFFFE000  }
0x1fc: {  	v52 =	vld [tilespmem:s6+$0xA670]  }
0x1fd: {  	v8 =	vmul.f32 v8, v8;
	v5 =	vsub.f32 v5, v6;
	v53 =	vld [tilespmem:s6+$0x2660]  }
0x1fe: {  	v11 =	vand.u32 $0xFFFF0000, v2;
	v7 =	vand.u32 $0xFFFF0000, v3;
	v3 =	vshll.u32 v3, $0x10;
	v54 =	vld [tilespmem:s6+$0x6630]  }
0x1ff: {  	v2 =	vshll.u32 v2, $0x10;
	v1 =	vmul.f32 v3, v1;
	v3 =	vand.u32 $0x7FFFFFFF, v47;
	v9 =	vld [tilespmem:s6+$0x6650]  }
0x200: {  	v2 =	vmul.f32 v2, v3;
	v10 =	vld [tilespmem:s6+$0x6620]  }
0x201: {  	v4 =	vand.u32 $0x7FFFFFFF, v4;
	v0 =	vadd.f32 v8, v0;
	v5 =	vmul.f32 v5, v5;
	v3 =	vld [tilespmem:s6+$0x6640]  }
0x202: {  	v4 =	vmul.f32 v11, v4;
	v6 =	vmul.f32 v7, v48;
	v1 =	vsub.f32 v1, v2;
	v7 =	vld [tilespmem:s6+$0xA640]  }
0x203: {  	v2 =	vld [tilespmem:s6+$0x2640]  }
0x204: {  	v0 =	vadd.f32 v5, v0;
	v4 =	vsub.f32 v6, v4;
	v1 =	vmul.f32 v1, v1;
	v8 =	vld [tilespmem:s6+$0xA650]  }
0x205: {  	v5 =	vld [tilespmem:s6+$0x2650]  }
0x206: {  	v0 =	vadd.f32 v1, v0;
	v1 =	vmul.f32 v4, v4;
	v6 =	vld [tilespmem:s6+$0xA660]  }
0x207: {  	v4 =	vld [tilespmem:s6+$0x6600];
	v11 =	vshll.u32 v10, $0x10;
	v55 =	vshll.u32 v3, $0x10;
	v7 =	vand.u32 $0x7FFFFFFF, v7  }
0x208: {  	v0 =	vadd.f32 v1, v0;
	v56 =	vld [tilespmem:s6+$0x2670];
	v2 =	vmul.f32 v11, v2;
	v7 =	vmul.f32 v55, v7  }
0x209: {  	v57 =	vld [tilespmem:s6+$0x2600];
	v1 =	vand.u32 $0xFFFF0000, v54;
	v10 =	vand.u32 $0xFFFF0000, v10;
	v3 =	vand.u32 $0xFFFF0000, v3  }
0x20a: {  	v60 =	vld [tilespmem:s6+$0xA610];
	v8 =	vand.u32 $0x7FFFFFFF, v8;
	v58 =	vand.u32 $0xFFFF0000, v9;
	v2 =	vsub.f32 v2, v7  }
0x20b: {  	v13 =	vshll.u32 v54, $0x10;
	v5 =	vmul.f32 v10, v5;
	v3 =	vmul.f32 v3, v8;
	v7 =	vld [tilespmem:s6+$0x2610]  }
0x20c: {  	v9 =	vshll.u32 v9, $0x10;
	v6 =	vand.u32 $0x7FFFFFFF, v6;
	v11 =	vld [tilespmem:s6+$0x6610];
	v2 =	vmul.f32 v2, v2  }
0x20d: {  	v8 =	vld [tilespmem:s6+$0x2620];
	v10 =	vand.u32 $0x7FFFFFFF, v52;
	v12 =	vmul.f32 v13, v53;
	v3 =	vsub.f32 v5, v3  }
0x20e: {  	v6 =	vmul.f32 v9, v6;
	v9 =	vshll.u32 v4, $0x10;
	v5 =	vld [tilespmem:s6+$0xA600];
	v0 =	vadd.f32 v2, v0  }
0x20f: {  	v59 =	vld [tilespmem:s6+$0x2630];
	v2 =	vmul.f32 v3, v3;
	v3 =	vmul.f32 v58, v10;
	v10 =	vand.u32 $0xFFFF0000, v4  }
0x210: {  	v61 =	vld [tilespmem:s6+$0xA620];
	v1 =	vmul.f32 v1, v56;
	v6 =	vsub.f32 v12, v6;
	v7 =	vadd.f32 v10, v7  }
0x211: {  	s7 =	simm.s32 $0x80;
	v62 =	vld [tilespmem:s6+$0xA630];
	v63 =	vshll.u32 v11, $0x10;
	v0 =	vadd.f32 v2, v0;
	v2 =	vadd.f32 v9, v57  }
0x212: {  	v6 =	vmul.f32 v6, v6;
	v4 =	vld [tilespmem:s7+$0xA670];
	v8 =	vadd.f32 v63, v8;
	v9 =	vsub.f32 v1, v3  }
0x213: {  	v10 =	vand.u32 $0xFFFF0000, v11;
	v1 =	vld [tilespmem:s7+$0x2660];
	v7 =	vsub.f32 v7, v60;
	v5 =	vsub.f32 v2, v5  }
0x214: {  	v3 =	vld [tilespmem:s7+$0x6630];
	v0 =	vadd.f32 v6, v0;
	v6 =	vmul.f32 v9, v9;
	v9 =	vadd.f32 v10, v59  }
0x215: {  	v11 =	vsub.f32 v8, v61;
	v2 =	vld [tilespmem:s7+$0x6650];
	v10 =	vmul.f32 $7.177142620e+00, v5  }
0x216: {  	v8 =	vmul.f32 $7.177142620e+00, v7;
	v5 =	vld [tilespmem:s7+$0x6620];
	v7 =	vsub.f32 v9, v62  }
0x217: {  	s8 =	simm.s32 $0x400;
	v0 =	vadd.f32 v6, v0;
	v6 =	vld [tilespmem:s7+$0x6640];
	v9 =	vmul.f32 $7.177142620e+00, v11;
	[tilespmem:s6+$0xE600] =	vst v10  }
.LBB2_12:
0x218: {  	p0 =	sne.s32 s8, $0x7E00;
	v10 =	vld [tilespmem:s7+$0xA640];
	[tilespmem:s6+$0xE610] =	vst v8;
	v7 =	vmul.f32 $7.177142620e+00, v7  }
0x219: {  	v8 =	vld [tilespmem:s7+$0x2640];
	[tilespmem:s6+$0xE620] =	vst v9  }
0x21a: {  	v9 =	vld [tilespmem:s7+$0xA650];
	[tilespmem:s6+$0xE630] =	vst v7;
	s6 =	smov.u32 s7  }
0x21b: {  	v7 =	vld [tilespmem:s6+$0x2650]  }
0x21c: {  	v4 =	vand.u32 $0x7FFFFFFF, v4;
	v11 =	vand.u32 $0xFFFF0000, v3;
	v12 =	vand.u32 $0xFFFF0000, v2;
	v13 =	vld [tilespmem:s6+$0xA660]  }
0x21d: {  	v15 =	vshll.u32 v5, $0x10;
	v16 =	vshll.u32 v6, $0x10;
	v14 =	vld [tilespmem:s6+$0x6600];
	v10 =	vand.u32 $0x7FFFFFFF, v10  }
0x21e: {  	v3 =	vshll.u32 v3, $0x10;
	v8 =	vmul.f32 v15, v8;
	v10 =	vmul.f32 v16, v10;
	v15 =	vld [tilespmem:s6+$0x2670]  }
0x21f: {  	v5 =	vand.u32 $0xFFFF0000, v5;
	v6 =	vand.u32 $0xFFFF0000, v6;
	v9 =	vand.u32 $0x7FFFFFFF, v9;
	v16 =	vld [tilespmem:s6+$0x6610]  }
0x220: {  	v17 =	vld [tilespmem:s6+$0x2600];
	v8 =	vsub.f32 v8, v10;
	v5 =	vmul.f32 v5, v7;
	v6 =	vmul.f32 v6, v9  }
0x221: {  	v2 =	vshll.u32 v2, $0x10;
	v1 =	vmul.f32 v3, v1;
	v7 =	vld [tilespmem:s6+$0x2610];
	v3 =	vand.u32 $0x7FFFFFFF, v13  }
0x222: {  	v8 =	vmul.f32 v8, v8;
	v5 =	vsub.f32 v5, v6;
	v6 =	vld [tilespmem:s6+$0x2620];
	v2 =	vmul.f32 v2, v3  }
0x223: {  	v4 =	vmul.f32 v12, v4;
	v3 =	vshll.u32 v14, $0x10;
	v9 =	vld [tilespmem:s6+$0x2630];
	v10 =	vmul.f32 v11, v15  }
0x224: {  	v11 =	vld [tilespmem:s6+$0xA600];
	v0 =	vadd.f32 v8, v0;
	v5 =	vmul.f32 v5, v5;
	v1 =	vsub.f32 v1, v2  }
0x225: {  	v2 =	vand.u32 $0xFFFF0000, v14;
	v12 =	vshll.u32 v16, $0x10;
	v13 =	vand.u32 $0xFFFF0000, v16;
	v8 =	vld [tilespmem:s6+$0xA610]  }
0x226: {  	v10 =	vsub.f32 v10, v4;
	v0 =	vadd.f32 v5, v0;
	v5 =	vld [tilespmem:s6+$0xA620];
	v1 =	vmul.f32 v1, v1  }
0x227: {  	s7 =	sshra.s32 s8, $0x2;
	v3 =	vadd.f32 v3, v17;
	v2 =	vadd.f32 v2, v7;
	v7 =	vld [tilespmem:s6+$0xA630]  }
0x228: {  	v6 =	vadd.f32 v12, v6;
	v10 =	vmul.f32 v10, v10;
	v4 =	vld [tilespmem:s7+$0xA670];
	v0 =	vadd.f32 v1, v0  }
.Ltmp5:
0x229: {  	v9 =	vadd.f32 v13, v9;
	v1 =	vld [tilespmem:s7+$0x2660];
	v11 =	vsub.f32 v3, v11;
	(pc) =	sbr.rel @p0 .LBB2_12-.Ltmp5, $4  }
0x22a: {  	v3 =	vld [tilespmem:s7+$0x6630];
	v8 =	vsub.f32 v2, v8;
	v0 =	vadd.f32 v10, v0  }
0x22b: {  	v2 =	vld [tilespmem:s7+$0x6650];
	v10 =	vmul.f32 $7.177142620e+00, v11;
	v11 =	vsub.f32 v6, v5  }
0x22c: {  	v5 =	vld [tilespmem:s7+$0x6620];
	v8 =	vmul.f32 $7.177142620e+00, v8;
	v7 =	vsub.f32 v9, v7  }
0x22d: {  	s8 =	sadd.s32 $0x200, s8;
	v6 =	vld [tilespmem:s7+$0x6640];
	[tilespmem:s6+$0xE600] =	vst v10;
	v9 =	vmul.f32 $7.177142620e+00, v11  }
0x22e: {  	v10 =	vld [tilespmem:s7+$0xA640];
	[tilespmem:s6+$0xE610] =	vst v8;
	v7 =	vmul.f32 $7.177142620e+00, v7  }
0x22f: {  	v8 =	vld [tilespmem:s7+$0x2640];
	[tilespmem:s6+$0xE620] =	vst v9  }
0x230: {  	v9 =	vld [tilespmem:s7+$0xA650];
	[tilespmem:s6+$0xE630] =	vst v7  }
0x231: {  	v7 =	vld [tilespmem:s7+$0x6600]  }
0x232: {  	v11 =	vld [tilespmem:s7+$0x6610]  }
0x233: {  	v12 =	vld [tilespmem:s7+$0x2600]  }
0x234: {  	v13 =	vld [tilespmem:s7+$0x2610]  }
0x235: {  	v14 =	vld [tilespmem:s7+$0x2620]  }
0x236: {  	v15 =	vld [tilespmem:s7+$0x2630]  }
0x237: {  	v16 =	vld [tilespmem:s7+$0xA600]  }
0x238: {  	v17 =	vld [tilespmem:s7+$0xA610]  }
0x239: {  	v19 =	vld [tilespmem:s7+$0xA620];
	v18 =	vshll.u32 v7, $0x10  }
0x23a: {  	v44 =	vld [tilespmem:s7+$0xA630];
	v7 =	vand.u32 $0xFFFF0000, v7;
	v12 =	vadd.f32 v18, v12  }
0x23b: {  	v45 =	vshll.u32 v11, $0x10;
	v7 =	vadd.f32 v7, v13  }
0x23c: {  	v11 =	vand.u32 $0xFFFF0000, v11;
	v13 =	vadd.f32 v45, v14;
	v12 =	vsub.f32 v12, v16  }
0x23d: {  	v11 =	vadd.f32 v11, v15;
	v7 =	vsub.f32 v7, v17  }
0x23e: {  	v13 =	vsub.f32 v13, v19;
	v12 =	vmul.f32 $7.177142620e+00, v12  }
0x23f: {  	v11 =	vsub.f32 v11, v44;
	v7 =	vmul.f32 $7.177142620e+00, v7  }
0x240: {  	v49 =	vmul.f32 $7.177142620e+00, v13;
	[tilespmem:s7+$0xE600] =	vst v12  }
0x241: {  	v46 =	vld [tilespmem:s7+$0x2650];
	[tilespmem:s7+$0xE610] =	vst v7;
	v7 =	vmul.f32 $7.177142620e+00, v11  }
0x242: {  	v47 =	vld [tilespmem:s7+$0xA660];
	[tilespmem:s7+$0xE620] =	vst v49  }
0x243: {  	v48 =	vld [tilespmem:s7+$0x2670];
	[tilespmem:s7+$0xE630] =	vst v7;
	s7 =	simm.s32 $0x0  }
0x244: {  	[hbm4b:s13+s7] =	stream.linear.scatter [tilespmem:s26], [sflag:$0x5], $0x2000, $0x38;
	[tilespmem:$0x10680] =	vst v63  }
0x245: {  	s8 =	simm.s32 $0x1C0  }
0x246: {  	[tilespmem:s25], [sflag:$0x3] =	stream.indirect.gather [hbm4b:s2+s21], $0x80, s8, s21, $0xb8;
	[tilespmem:$0x10680] =	vst v63  }
0x247: {  	s7 =	simm.s32 $0x3C0  }
0x248: {  	[tilespmem:s28], [sflag:$0x3] =	stream.indirect.gather [hbm4b:s4+s21], $0x80, s7, s21, $0xb8;
	[tilespmem:$0x10680] =	vst v63  }
0x249: {  	s8 =	simm.s32 $0x5C0  }
0x24a: {  	[tilespmem:s30], [sflag:$0x3] =	stream.indirect.gather [hbm4b:s2+s21], $0x80, s8, s21, $0xb8;
	[tilespmem:$0x10680] =	vst v63  }
0x24b: {  	_ =	swait.ge [sflag:s31], $0x2000  }
0x24c: {  	[sflag:s31] =	ssyncset.done $0x0  }
0x24d: {  	[sflag:s31] =	ssyncadd.s32 $0xFFFFE000  }
0x24e: {  	_ =	swait.ge [sflag:s31], $0x2000  }
0x24f: {  	[sflag:s31] =	ssyncset.done $0x0  }
0x250: {  	[sflag:s31] =	ssyncadd.s32 $0xFFFFE000  }
0x251: {  	_ =	swait.ge [sflag:s31], $0x2000  }
0x252: {  	[sflag:s31] =	ssyncset.done $0x0  }
0x253: {  	v50 =	vshll.u32 v5, $0x10;
	v51 =	vshll.u32 v6, $0x10;
	v10 =	vand.u32 $0x7FFFFFFF, v10;
	[sflag:s31] =	ssyncadd.s32 $0xFFFFE000  }
0x254: {  	v8 =	vmul.f32 v50, v8;
	v10 =	vmul.f32 v51, v10;
	_ =	swait.ge [sflag:s29], $0x2000  }
0x255: {  	v5 =	vand.u32 $0xFFFF0000, v5;
	v6 =	vand.u32 $0xFFFF0000, v6;
	v9 =	vand.u32 $0x7FFFFFFF, v9;
	[sflag:s29] =	ssyncset.done $0x0  }
0x256: {  	s6 =	simm.s32 $0x0;
	v8 =	vsub.f32 v8, v10;
	v5 =	vmul.f32 v5, v46;
	v6 =	vmul.f32 v6, v9;
	[sflag:s29] =	ssyncadd.s32 $0xFFFFE000  }
0x257: {  	v52 =	vld [tilespmem:s6+$0x8670]  }
0x258: {  	v8 =	vmul.f32 v8, v8;
	v5 =	vsub.f32 v5, v6;
	v53 =	vld [tilespmem:s6+$0x660]  }
0x259: {  	v11 =	vand.u32 $0xFFFF0000, v2;
	v7 =	vand.u32 $0xFFFF0000, v3;
	v3 =	vshll.u32 v3, $0x10;
	v54 =	vld [tilespmem:s6+$0x4630]  }
0x25a: {  	v2 =	vshll.u32 v2, $0x10;
	v1 =	vmul.f32 v3, v1;
	v3 =	vand.u32 $0x7FFFFFFF, v47;
	v9 =	vld [tilespmem:s6+$0x4650]  }
0x25b: {  	v2 =	vmul.f32 v2, v3;
	v10 =	vld [tilespmem:s6+$0x4620]  }
0x25c: {  	v4 =	vand.u32 $0x7FFFFFFF, v4;
	v0 =	vadd.f32 v8, v0;
	v5 =	vmul.f32 v5, v5;
	v3 =	vld [tilespmem:s6+$0x4640]  }
0x25d: {  	v4 =	vmul.f32 v11, v4;
	v6 =	vmul.f32 v7, v48;
	v1 =	vsub.f32 v1, v2;
	v7 =	vld [tilespmem:s6+$0x8640]  }
0x25e: {  	v2 =	vld [tilespmem:s6+$0x640]  }
0x25f: {  	v0 =	vadd.f32 v5, v0;
	v4 =	vsub.f32 v6, v4;
	v1 =	vmul.f32 v1, v1;
	v8 =	vld [tilespmem:s6+$0x8650]  }
0x260: {  	v5 =	vld [tilespmem:s6+$0x650]  }
0x261: {  	v0 =	vadd.f32 v1, v0;
	v1 =	vmul.f32 v4, v4;
	v6 =	vld [tilespmem:s6+$0x8660]  }
0x262: {  	v4 =	vld [tilespmem:s6+$0x4600];
	v11 =	vshll.u32 v10, $0x10;
	v55 =	vshll.u32 v3, $0x10;
	v7 =	vand.u32 $0x7FFFFFFF, v7  }
0x263: {  	v0 =	vadd.f32 v1, v0;
	v56 =	vld [tilespmem:s6+$0x670];
	v2 =	vmul.f32 v11, v2;
	v7 =	vmul.f32 v55, v7  }
0x264: {  	v57 =	vld [tilespmem:s6+$0x600];
	v1 =	vand.u32 $0xFFFF0000, v54;
	v10 =	vand.u32 $0xFFFF0000, v10;
	v3 =	vand.u32 $0xFFFF0000, v3  }
0x265: {  	v60 =	vld [tilespmem:s6+$0x8610];
	v8 =	vand.u32 $0x7FFFFFFF, v8;
	v58 =	vand.u32 $0xFFFF0000, v9;
	v2 =	vsub.f32 v2, v7  }
0x266: {  	v13 =	vshll.u32 v54, $0x10;
	v5 =	vmul.f32 v10, v5;
	v3 =	vmul.f32 v3, v8;
	v7 =	vld [tilespmem:s6+$0x610]  }
0x267: {  	v9 =	vshll.u32 v9, $0x10;
	v6 =	vand.u32 $0x7FFFFFFF, v6;
	v11 =	vld [tilespmem:s6+$0x4610];
	v2 =	vmul.f32 v2, v2  }
0x268: {  	v8 =	vld [tilespmem:s6+$0x620];
	v10 =	vand.u32 $0x7FFFFFFF, v52;
	v12 =	vmul.f32 v13, v53;
	v3 =	vsub.f32 v5, v3  }
0x269: {  	v6 =	vmul.f32 v9, v6;
	v9 =	vshll.u32 v4, $0x10;
	v5 =	vld [tilespmem:s6+$0x8600];
	v0 =	vadd.f32 v2, v0  }
0x26a: {  	v59 =	vld [tilespmem:s6+$0x630];
	v2 =	vmul.f32 v3, v3;
	v3 =	vmul.f32 v58, v10;
	v10 =	vand.u32 $0xFFFF0000, v4  }
0x26b: {  	v61 =	vld [tilespmem:s6+$0x8620];
	v1 =	vmul.f32 v1, v56;
	v6 =	vsub.f32 v12, v6;
	v7 =	vadd.f32 v10, v7  }
0x26c: {  	s7 =	simm.s32 $0x80;
	v62 =	vld [tilespmem:s6+$0x8630];
	v63 =	vshll.u32 v11, $0x10;
	v0 =	vadd.f32 v2, v0;
	v2 =	vadd.f32 v9, v57  }
0x26d: {  	v6 =	vmul.f32 v6, v6;
	v4 =	vld [tilespmem:s7+$0x8670];
	v8 =	vadd.f32 v63, v8;
	v9 =	vsub.f32 v1, v3  }
0x26e: {  	v10 =	vand.u32 $0xFFFF0000, v11;
	v1 =	vld [tilespmem:s7+$0x660];
	v7 =	vsub.f32 v7, v60;
	v5 =	vsub.f32 v2, v5  }
0x26f: {  	v3 =	vld [tilespmem:s7+$0x4630];
	v0 =	vadd.f32 v6, v0;
	v6 =	vmul.f32 v9, v9;
	v9 =	vadd.f32 v10, v59  }
0x270: {  	v11 =	vsub.f32 v8, v61;
	v2 =	vld [tilespmem:s7+$0x4650];
	v10 =	vmul.f32 $7.177142620e+00, v5  }
0x271: {  	v8 =	vmul.f32 $7.177142620e+00, v7;
	v5 =	vld [tilespmem:s7+$0x4620];
	v7 =	vsub.f32 v9, v62  }
0x272: {  	s8 =	simm.s32 $0x400;
	v0 =	vadd.f32 v6, v0;
	v6 =	vld [tilespmem:s7+$0x4640];
	v9 =	vmul.f32 $7.177142620e+00, v11;
	[tilespmem:s6+$0xC600] =	vst v10  }
.LBB2_14:
0x273: {  	p0 =	sne.s32 s8, $0x7E00;
	v10 =	vld [tilespmem:s7+$0x8640];
	[tilespmem:s6+$0xC610] =	vst v8;
	v7 =	vmul.f32 $7.177142620e+00, v7  }
0x274: {  	v8 =	vld [tilespmem:s7+$0x640];
	[tilespmem:s6+$0xC620] =	vst v9  }
0x275: {  	v9 =	vld [tilespmem:s7+$0x8650];
	[tilespmem:s6+$0xC630] =	vst v7;
	s6 =	smov.u32 s7  }
0x276: {  	v7 =	vld [tilespmem:s6+$0x650]  }
0x277: {  	v4 =	vand.u32 $0x7FFFFFFF, v4;
	v11 =	vand.u32 $0xFFFF0000, v3;
	v12 =	vand.u32 $0xFFFF0000, v2;
	v13 =	vld [tilespmem:s6+$0x8660]  }
0x278: {  	v15 =	vshll.u32 v5, $0x10;
	v16 =	vshll.u32 v6, $0x10;
	v14 =	vld [tilespmem:s6+$0x4600];
	v10 =	vand.u32 $0x7FFFFFFF, v10  }
0x279: {  	v3 =	vshll.u32 v3, $0x10;
	v8 =	vmul.f32 v15, v8;
	v10 =	vmul.f32 v16, v10;
	v15 =	vld [tilespmem:s6+$0x670]  }
0x27a: {  	v5 =	vand.u32 $0xFFFF0000, v5;
	v6 =	vand.u32 $0xFFFF0000, v6;
	v9 =	vand.u32 $0x7FFFFFFF, v9;
	v16 =	vld [tilespmem:s6+$0x4610]  }
0x27b: {  	v17 =	vld [tilespmem:s6+$0x600];
	v8 =	vsub.f32 v8, v10;
	v5 =	vmul.f32 v5, v7;
	v6 =	vmul.f32 v6, v9  }
0x27c: {  	v2 =	vshll.u32 v2, $0x10;
	v1 =	vmul.f32 v3, v1;
	v7 =	vld [tilespmem:s6+$0x610];
	v3 =	vand.u32 $0x7FFFFFFF, v13  }
0x27d: {  	v8 =	vmul.f32 v8, v8;
	v5 =	vsub.f32 v5, v6;
	v6 =	vld [tilespmem:s6+$0x620];
	v2 =	vmul.f32 v2, v3  }
0x27e: {  	v4 =	vmul.f32 v12, v4;
	v3 =	vshll.u32 v14, $0x10;
	v9 =	vld [tilespmem:s6+$0x630];
	v10 =	vmul.f32 v11, v15  }
0x27f: {  	v11 =	vld [tilespmem:s6+$0x8600];
	v0 =	vadd.f32 v8, v0;
	v5 =	vmul.f32 v5, v5;
	v1 =	vsub.f32 v1, v2  }
0x280: {  	v2 =	vand.u32 $0xFFFF0000, v14;
	v12 =	vshll.u32 v16, $0x10;
	v13 =	vand.u32 $0xFFFF0000, v16;
	v8 =	vld [tilespmem:s6+$0x8610]  }
0x281: {  	v10 =	vsub.f32 v10, v4;
	v0 =	vadd.f32 v5, v0;
	v5 =	vld [tilespmem:s6+$0x8620];
	v1 =	vmul.f32 v1, v1  }
0x282: {  	s7 =	sshra.s32 s8, $0x2;
	v3 =	vadd.f32 v3, v17;
	v2 =	vadd.f32 v2, v7;
	v7 =	vld [tilespmem:s6+$0x8630]  }
0x283: {  	v6 =	vadd.f32 v12, v6;
	v10 =	vmul.f32 v10, v10;
	v4 =	vld [tilespmem:s7+$0x8670];
	v0 =	vadd.f32 v1, v0  }
.Ltmp6:
0x284: {  	v9 =	vadd.f32 v13, v9;
	v1 =	vld [tilespmem:s7+$0x660];
	v11 =	vsub.f32 v3, v11;
	(pc) =	sbr.rel @p0 .LBB2_14-.Ltmp6, $4  }
0x285: {  	v3 =	vld [tilespmem:s7+$0x4630];
	v8 =	vsub.f32 v2, v8;
	v0 =	vadd.f32 v10, v0  }
0x286: {  	v2 =	vld [tilespmem:s7+$0x4650];
	v10 =	vmul.f32 $7.177142620e+00, v11;
	v11 =	vsub.f32 v6, v5  }
0x287: {  	v5 =	vld [tilespmem:s7+$0x4620];
	v8 =	vmul.f32 $7.177142620e+00, v8;
	v7 =	vsub.f32 v9, v7  }
0x288: {  	s8 =	sadd.s32 $0x200, s8;
	v6 =	vld [tilespmem:s7+$0x4640];
	[tilespmem:s6+$0xC600] =	vst v10;
	v9 =	vmul.f32 $7.177142620e+00, v11  }
0x289: {  	v10 =	vld [tilespmem:s7+$0x8640];
	[tilespmem:s6+$0xC610] =	vst v8;
	v7 =	vmul.f32 $7.177142620e+00, v7  }
0x28a: {  	v8 =	vld [tilespmem:s7+$0x640];
	[tilespmem:s6+$0xC620] =	vst v9  }
0x28b: {  	v9 =	vld [tilespmem:s7+$0x8650];
	[tilespmem:s6+$0xC630] =	vst v7  }
0x28c: {  	v7 =	vld [tilespmem:s7+$0x4600]  }
0x28d: {  	v11 =	vld [tilespmem:s7+$0x4610]  }
0x28e: {  	v12 =	vld [tilespmem:s7+$0x600]  }
0x28f: {  	v13 =	vld [tilespmem:s7+$0x610]  }
0x290: {  	v14 =	vld [tilespmem:s7+$0x620]  }
0x291: {  	v15 =	vld [tilespmem:s7+$0x630]  }
0x292: {  	v16 =	vld [tilespmem:s7+$0x8600]  }
0x293: {  	v17 =	vld [tilespmem:s7+$0x8610]  }
0x294: {  	v19 =	vld [tilespmem:s7+$0x8620];
	v18 =	vshll.u32 v7, $0x10  }
0x295: {  	v44 =	vld [tilespmem:s7+$0x8630];
	v7 =	vand.u32 $0xFFFF0000, v7;
	v12 =	vadd.f32 v18, v12  }
0x296: {  	v45 =	vshll.u32 v11, $0x10;
	v7 =	vadd.f32 v7, v13  }
0x297: {  	v11 =	vand.u32 $0xFFFF0000, v11;
	v13 =	vadd.f32 v45, v14;
	v12 =	vsub.f32 v12, v16  }
0x298: {  	v11 =	vadd.f32 v11, v15;
	v7 =	vsub.f32 v7, v17  }
0x299: {  	v13 =	vsub.f32 v13, v19;
	v12 =	vmul.f32 $7.177142620e+00, v12  }
0x29a: {  	v11 =	vsub.f32 v11, v44;
	v7 =	vmul.f32 $7.177142620e+00, v7  }
0x29b: {  	v49 =	vmul.f32 $7.177142620e+00, v13;
	[tilespmem:s7+$0xC600] =	vst v12  }
0x29c: {  	[tilespmem:s7+$0xC610] =	vst v7;
	v7 =	vmul.f32 $7.177142620e+00, v11  }
0x29d: {  	v46 =	vld [tilespmem:s7+$0x650];
	[tilespmem:s7+$0xC620] =	vst v49  }
0x29e: {  	s8 =	simm.s32 $0x0;
	v47 =	vld [tilespmem:s7+$0x8660];
	[tilespmem:s7+$0xC630] =	vst v7  }
0x29f: {  	v48 =	vld [tilespmem:s7+$0x670];
	[hbm4b:s14+s8] =	stream.linear.scatter [tilespmem:s0], [sflag:$0x4], $0x2000, $0x38  }
0x2a0: {  	_ =	swait.ge [sflag:s1], $0x2000  }
0x2a1: {  	[sflag:s1] =	ssyncset.done $0x0  }
0x2a2: {  	[sflag:s1] =	ssyncadd.s32 $0xFFFFE000  }
0x2a3: {  	_ =	swait.ge [sflag:s1], $0x2000  }
0x2a4: {  	[sflag:s1] =	ssyncset.done $0x0  }
0x2a5: {  	[sflag:s1] =	ssyncadd.s32 $0xFFFFE000  }
0x2a6: {  	_ =	swait.ge [sflag:s1], $0x2000  }
0x2a7: {  	v50 =	vshll.u32 v5, $0x10;
	v51 =	vshll.u32 v6, $0x10;
	v10 =	vand.u32 $0x7FFFFFFF, v10;
	[sflag:s1] =	ssyncset.done $0x0  }
0x2a8: {  	v8 =	vmul.f32 v50, v8;
	v10 =	vmul.f32 v51, v10;
	[sflag:s1] =	ssyncadd.s32 $0xFFFFE000  }
0x2a9: {  	v5 =	vand.u32 $0xFFFF0000, v5;
	v6 =	vand.u32 $0xFFFF0000, v6;
	v9 =	vand.u32 $0x7FFFFFFF, v9;
	_ =	swait.ge [sflag:s18], $0x2000  }
0x2aa: {  	v8 =	vsub.f32 v8, v10;
	v5 =	vmul.f32 v5, v46;
	v6 =	vmul.f32 v6, v9;
	[sflag:s18] =	ssyncset.done $0x0  }
0x2ab: {  	s6 =	simm.s32 $0x0;
	[sflag:s18] =	ssyncadd.s32 $0xFFFFE000  }
0x2ac: {  	v8 =	vmul.f32 v8, v8;
	v5 =	vsub.f32 v5, v6;
	v52 =	vld [tilespmem:s6+$0xA670]  }
0x2ad: {  	v11 =	vand.u32 $0xFFFF0000, v2;
	v7 =	vand.u32 $0xFFFF0000, v3;
	v3 =	vshll.u32 v3, $0x10;
	v53 =	vld [tilespmem:s6+$0x2660]  }
0x2ae: {  	v2 =	vshll.u32 v2, $0x10;
	v1 =	vmul.f32 v3, v1;
	v3 =	vand.u32 $0x7FFFFFFF, v47;
	v54 =	vld [tilespmem:s6+$0x6630]  }
0x2af: {  	v2 =	vmul.f32 v2, v3;
	v9 =	vld [tilespmem:s6+$0x6650]  }
0x2b0: {  	v4 =	vand.u32 $0x7FFFFFFF, v4;
	v0 =	vadd.f32 v8, v0;
	v5 =	vmul.f32 v5, v5;
	v10 =	vld [tilespmem:s6+$0x6620]  }
0x2b1: {  	v4 =	vmul.f32 v11, v4;
	v6 =	vmul.f32 v7, v48;
	v1 =	vsub.f32 v1, v2;
	v3 =	vld [tilespmem:s6+$0x6640]  }
0x2b2: {  	v7 =	vld [tilespmem:s6+$0xA640]  }
0x2b3: {  	v0 =	vadd.f32 v5, v0;
	v4 =	vsub.f32 v6, v4;
	v1 =	vmul.f32 v1, v1;
	v2 =	vld [tilespmem:s6+$0x2640]  }
0x2b4: {  	v8 =	vld [tilespmem:s6+$0xA650]  }
0x2b5: {  	v0 =	vadd.f32 v1, v0;
	v1 =	vmul.f32 v4, v4;
	v5 =	vld [tilespmem:s6+$0x2650]  }
0x2b6: {  	v6 =	vld [tilespmem:s6+$0xA660]  }
0x2b7: {  	v0 =	vadd.f32 v1, v0;
	v4 =	vld [tilespmem:s6+$0x6600];
	v11 =	vshll.u32 v10, $0x10;
	v55 =	vshll.u32 v3, $0x10  }
0x2b8: {  	v56 =	vld [tilespmem:s6+$0x2670];
	v7 =	vand.u32 $0x7FFFFFFF, v7;
	v1 =	vand.u32 $0xFFFF0000, v54;
	v10 =	vand.u32 $0xFFFF0000, v10  }
0x2b9: {  	v57 =	vld [tilespmem:s6+$0x2600];
	v3 =	vand.u32 $0xFFFF0000, v3;
	v8 =	vand.u32 $0x7FFFFFFF, v8;
	v58 =	vand.u32 $0xFFFF0000, v9  }
0x2ba: {  	v59 =	vld [tilespmem:s6+$0x2630];
	v13 =	vshll.u32 v54, $0x10;
	v9 =	vshll.u32 v9, $0x10;
	v2 =	vmul.f32 v11, v2  }
0x2bb: {  	v6 =	vand.u32 $0x7FFFFFFF, v6;
	v7 =	vmul.f32 v55, v7;
	v11 =	vld [tilespmem:s6+$0x6610];
	v5 =	vmul.f32 v10, v5  }
0x2bc: {  	v3 =	vmul.f32 v3, v8;
	v8 =	vld [tilespmem:s6+$0x2620];
	v10 =	vand.u32 $0x7FFFFFFF, v52;
	v12 =	vmul.f32 v13, v53  }
0x2bd: {  	v6 =	vmul.f32 v9, v6;
	v9 =	vshll.u32 v4, $0x10;
	v2 =	vsub.f32 v2, v7;
	v7 =	vld [tilespmem:s6+$0x2610]  }
0x2be: {  	v1 =	vmul.f32 v1, v56;
	v10 =	vmul.f32 v58, v10;
	v3 =	vsub.f32 v5, v3;
	v5 =	vld [tilespmem:s6+$0xA600]  }
0x2bf: {  	v60 =	vld [tilespmem:s6+$0xA610];
	v9 =	vadd.f32 v9, v57;
	v2 =	vmul.f32 v2, v2  }
0x2c0: {  	v61 =	vld [tilespmem:s6+$0xA620];
	v4 =	vand.u32 $0xFFFF0000, v4;
	v6 =	vsub.f32 v12, v6;
	v1 =	vsub.f32 v1, v10  }
0x2c1: {  	s7 =	simm.s32 $0x80;
	v62 =	vld [tilespmem:s6+$0xA630];
	v63 =	vshll.u32 v11, $0x10;
	v0 =	vadd.f32 v2, v0;
	v2 =	vmul.f32 v3, v3  }
0x2c2: {  	v6 =	vmul.f32 v6, v6;
	v3 =	vld [tilespmem:s7+$0xA670];
	v8 =	vadd.f32 v63, v8;
	v7 =	vadd.f32 v4, v7  }
0x2c3: {  	v10 =	vand.u32 $0xFFFF0000, v11;
	v5 =	vsub.f32 v9, v5;
	v4 =	vld [tilespmem:s7+$0x6630];
	v2 =	vadd.f32 v2, v0  }
0x2c4: {  	v1 =	vmul.f32 v1, v1;
	v9 =	vadd.f32 v10, v59;
	v0 =	vld [tilespmem:s7+$0x2660];
	v7 =	vsub.f32 v7, v60  }
0x2c5: {  	v11 =	vsub.f32 v8, v61;
	v10 =	vmul.f32 $7.177142620e+00, v5;
	v5 =	vld [tilespmem:s7+$0x6620];
	v6 =	vadd.f32 v6, v2  }
0x2c6: {  	v2 =	vld [tilespmem:s7+$0x6650];
	v8 =	vmul.f32 $7.177142620e+00, v7;
	v7 =	vsub.f32 v9, v62  }
0x2c7: {  	s8 =	simm.s32 $0x400;
	v9 =	vmul.f32 $7.177142620e+00, v11;
	v1 =	vadd.f32 v1, v6;
	v6 =	vld [tilespmem:s7+$0x6640];
	[tilespmem:s6+$0xE600] =	vst v10  }
.LBB2_16:
0x2c8: {  	p0 =	sne.s32 s8, $0x7E00;
	v10 =	vld [tilespmem:s7+$0xA640];
	[tilespmem:s6+$0xE610] =	vst v8;
	v7 =	vmul.f32 $7.177142620e+00, v7  }
0x2c9: {  	v8 =	vld [tilespmem:s7+$0x2640];
	[tilespmem:s6+$0xE620] =	vst v9  }
0x2ca: {  	v9 =	vld [tilespmem:s7+$0xA650];
	[tilespmem:s6+$0xE630] =	vst v7;
	s6 =	smov.u32 s7  }
0x2cb: {  	v7 =	vld [tilespmem:s6+$0x2650]  }
0x2cc: {  	v3 =	vand.u32 $0x7FFFFFFF, v3;
	v11 =	vand.u32 $0xFFFF0000, v4;
	v12 =	vand.u32 $0xFFFF0000, v2;
	v13 =	vld [tilespmem:s6+$0xA660]  }
0x2cd: {  	v15 =	vshll.u32 v5, $0x10;
	v16 =	vshll.u32 v6, $0x10;
	v14 =	vld [tilespmem:s6+$0x6600];
	v10 =	vand.u32 $0x7FFFFFFF, v10  }
0x2ce: {  	v4 =	vshll.u32 v4, $0x10;
	v8 =	vmul.f32 v15, v8;
	v10 =	vmul.f32 v16, v10;
	v15 =	vld [tilespmem:s6+$0x2670]  }
0x2cf: {  	v5 =	vand.u32 $0xFFFF0000, v5;
	v6 =	vand.u32 $0xFFFF0000, v6;
	v9 =	vand.u32 $0x7FFFFFFF, v9;
	v16 =	vld [tilespmem:s6+$0x6610]  }
0x2d0: {  	v17 =	vld [tilespmem:s6+$0x2600];
	v8 =	vsub.f32 v8, v10;
	v5 =	vmul.f32 v5, v7;
	v6 =	vmul.f32 v6, v9  }
0x2d1: {  	v2 =	vshll.u32 v2, $0x10;
	v0 =	vmul.f32 v4, v0;
	v7 =	vld [tilespmem:s6+$0x2610];
	v4 =	vand.u32 $0x7FFFFFFF, v13  }
0x2d2: {  	v8 =	vmul.f32 v8, v8;
	v5 =	vsub.f32 v5, v6;
	v6 =	vld [tilespmem:s6+$0x2620];
	v2 =	vmul.f32 v2, v4  }
0x2d3: {  	v3 =	vmul.f32 v12, v3;
	v4 =	vshll.u32 v14, $0x10;
	v9 =	vld [tilespmem:s6+$0x2630];
	v10 =	vmul.f32 v11, v15  }
0x2d4: {  	v11 =	vld [tilespmem:s6+$0xA600];
	v1 =	vadd.f32 v8, v1;
	v5 =	vmul.f32 v5, v5;
	v0 =	vsub.f32 v0, v2  }
0x2d5: {  	v2 =	vand.u32 $0xFFFF0000, v14;
	v12 =	vshll.u32 v16, $0x10;
	v13 =	vand.u32 $0xFFFF0000, v16;
	v8 =	vld [tilespmem:s6+$0xA610]  }
0x2d6: {  	v10 =	vsub.f32 v10, v3;
	v1 =	vadd.f32 v5, v1;
	v5 =	vld [tilespmem:s6+$0xA620];
	v0 =	vmul.f32 v0, v0  }
0x2d7: {  	s7 =	sshra.s32 s8, $0x2;
	v4 =	vadd.f32 v4, v17;
	v2 =	vadd.f32 v2, v7;
	v7 =	vld [tilespmem:s6+$0xA630]  }
0x2d8: {  	v6 =	vadd.f32 v12, v6;
	v10 =	vmul.f32 v10, v10;
	v3 =	vld [tilespmem:s7+$0xA670];
	v1 =	vadd.f32 v0, v1  }
.Ltmp7:
0x2d9: {  	v9 =	vadd.f32 v13, v9;
	v0 =	vld [tilespmem:s7+$0x2660];
	v11 =	vsub.f32 v4, v11;
	(pc) =	sbr.rel @p0 .LBB2_16-.Ltmp7, $4  }
0x2da: {  	v4 =	vld [tilespmem:s7+$0x6630];
	v8 =	vsub.f32 v2, v8;
	v1 =	vadd.f32 v10, v1  }
0x2db: {  	v2 =	vld [tilespmem:s7+$0x6650];
	v10 =	vmul.f32 $7.177142620e+00, v11;
	v11 =	vsub.f32 v6, v5  }
0x2dc: {  	v5 =	vld [tilespmem:s7+$0x6620];
	v8 =	vmul.f32 $7.177142620e+00, v8;
	v7 =	vsub.f32 v9, v7  }
0x2dd: {  	s8 =	sadd.s32 $0x200, s8;
	v6 =	vld [tilespmem:s7+$0x6640];
	[tilespmem:s6+$0xE600] =	vst v10;
	v9 =	vmul.f32 $7.177142620e+00, v11  }
0x2de: {  	v10 =	vld [tilespmem:s7+$0xA640];
	[tilespmem:s6+$0xE610] =	vst v8;
	v7 =	vmul.f32 $7.177142620e+00, v7  }
0x2df: {  	v8 =	vld [tilespmem:s7+$0x2640];
	[tilespmem:s6+$0xE620] =	vst v9  }
0x2e0: {  	v9 =	vld [tilespmem:s7+$0xA650];
	[tilespmem:s6+$0xE630] =	vst v7  }
0x2e1: {  	v7 =	vld [tilespmem:s7+$0x2650]  }
0x2e2: {  	v11 =	vld [tilespmem:s7+$0xA660]  }
0x2e3: {  	v12 =	vld [tilespmem:s7+$0x6600]  }
0x2e4: {  	v3 =	vand.u32 $0x7FFFFFFF, v3;
	v49 =	vshll.u32 v4, $0x10;
	v15 =	vld [tilespmem:s7+$0x2670]  }
0x2e5: {  	v44 =	vand.u32 $0xFFFF0000, v4;
	v17 =	vand.u32 $0xFFFF0000, v2;
	v0 =	vmul.f32 v49, v0;
	v43 =	vld [tilespmem:s7+$0x6610]  }
0x2e6: {  	v13 =	vshll.u32 v5, $0x10;
	v16 =	vld [tilespmem:s7+$0x2600];
	v14 =	vshll.u32 v6, $0x10;
	v10 =	vand.u32 $0x7FFFFFFF, v10  }
0x2e7: {  	v50 =	vshll.u32 v2, $0x10;
	v47 =	vld [tilespmem:s7+$0x2610];
	v8 =	vmul.f32 v13, v8;
	v10 =	vmul.f32 v14, v10  }
0x2e8: {  	v45 =	vand.u32 $0xFFFF0000, v5;
	v48 =	vld [tilespmem:s7+$0x2620];
	v3 =	vmul.f32 v17, v3;
	v46 =	vand.u32 $0xFFFF0000, v6  }
0x2e9: {  	v52 =	vld [tilespmem:s7+$0xA600];
	v9 =	vand.u32 $0x7FFFFFFF, v9;
	v8 =	vsub.f32 v8, v10;
	v5 =	vmul.f32 v45, v7  }
0x2ea: {  	v55 =	vld [tilespmem:s7+$0xA620];
	v6 =	vmul.f32 v46, v9;
	v11 =	vand.u32 $0x7FFFFFFF, v11;
	v53 =	vshll.u32 v12, $0x10  }
0x2eb: {  	v51 =	vld [tilespmem:s7+$0x2630];
	v14 =	vmul.f32 v44, v15;
	v58 =	vshll.u32 v43, $0x10;
	v2 =	vmul.f32 v50, v11  }
0x2ec: {  	v54 =	vld [tilespmem:s7+$0xA610];
	v4 =	vadd.f32 v53, v16;
	v8 =	vmul.f32 v8, v8;
	v5 =	vsub.f32 v5, v6  }
0x2ed: {  	v57 =	vld [tilespmem:s7+$0xA630];
	v56 =	vand.u32 $0xFFFF0000, v12;
	v7 =	vadd.f32 v58, v48;
	v0 =	vsub.f32 v0, v2  }
0x2ee: {  	v2 =	vadd.f32 v56, v47;
	v1 =	vadd.f32 v8, v1;
	v5 =	vmul.f32 v5, v5  }
0x2ef: {  	v59 =	vand.u32 $0xFFFF0000, v43;
	v4 =	vsub.f32 v4, v52;
	v60 =	vsub.f32 v7, v55  }
0x2f0: {  	v1 =	vadd.f32 v5, v1;
	v5 =	vadd.f32 v59, v51  }
0x2f1: {  	v3 =	vsub.f32 v14, v3;
	v2 =	vsub.f32 v2, v54;
	v4 =	vmul.f32 $7.177142620e+00, v4  }
0x2f2: {  	v0 =	vmul.f32 v0, v0;
	v61 =	vmul.f32 $7.177142620e+00, v60;
	v5 =	vsub.f32 v5, v57  }
0x2f3: {  	v2 =	vmul.f32 $7.177142620e+00, v2;
	[tilespmem:s7+$0xE600] =	vst v4  }
0x2f4: {  	v62 =	vmul.f32 v3, v3;
	[tilespmem:s7+$0xE620] =	vst v61;
	v0 =	vadd.f32 v0, v1;
	v63 =	vmul.f32 $7.177142620e+00, v5  }
0x2f5: {  	[tilespmem:s7+$0xE610] =	vst v2  }
0x2f6: {  	v0 =	vadd.f32 v62, v0;
	[tilespmem:s7+$0xE630] =	vst v63  }
0x2f7: {  	[hbm4b:s15+s3] =	stream.linear.scatter [tilespmem:s26], [sflag:$0x5], $0x2000, $0x38;
	[tilespmem:$0x10680] =	vst v63  }
0x2f8: {  	s8 =	simm.s32 $0x10600;
	[tilespmem:$0x10600] =	vst v0  }
0x2f9: {  	[hbm4b:s16+s3] =	stream.linear.scatter [tilespmem:s8], [sflag:$0x6], $0x10, $0x38;
	[tilespmem:$0x10680] =	vst v63  }
0x2fa: {  	_ =	swait.ge [sflag:s19], $0x10  }
0x2fb: {  	[sflag:s19] =	ssyncset.done $0x0  }
0x2fc: {  	s5 =	sadd.s32 $0x1, s5;
	[sflag:s19] =	ssyncadd.s32 $0xFFFFFFF0  }
0x2fd: {  	p0 =	sne.s32 s5, s17;
	_ =	swait.ge [sflag:s29], $0x2000  }
.Ltmp8:
0x2fe: {  	[sflag:s29] =	ssyncset.done $0x0;
	(pc) =	sbr.rel @p0 .LBB2_1-.Ltmp8, $4  }
0x2ff: {  	[sflag:s29] =	ssyncadd.s32 $0xFFFFE000  }
0x300: {  	_ =	swait.ge [sflag:s18], $0x2000  }
0x301: {  	[sflag:s18] =	ssyncset.done $0x0  }
0x302: {  	[sflag:s18] =	ssyncadd.s32 $0xFFFFE000  }
0x303: {  	_ =	sfence.sel $0x180000  }
0x304: {  	[bflag:$0x0] =	sbarrier.arrive $0xFFFF  }
0x305: {  	_ =	strace $0x90000047  }
0x306: {  	s0 =	stileid.u32;
	[bflag:$0x2] =	sbarrier.arrive $0xFFFF  }
0x307: {  	p0 =	sne.s32 s0, $0x0;
	s0 =	rddreg [dreg:$0x3]  }
0x308: {  	s0 =	sadd.s32 @!p0 $0x100000, s0  }
0x309: {  	[sflag:s0] =	ssyncadd.tile.s32 @!p0 $0x1;
	_ =	shalt  }
.Lfunc_end2:
_tile_overlayer_lowered:
.L_overlay_start_2:
0x30a: {  	(tag) =	ssettag $0x2  }
0x30b: {  	s0 =	rddreg [dreg:$0x0];
	s2 =	stileid.u32  }
0x30c: {  	s1 =	rddreg [dreg:$0x1];
	p0 =	sne.s32 s2, $0x0  }
0x30d: {  	s3 =	rddreg [dreg:$0x2];
	[bflag:$0x3] =	sbarrier.arrive $0xFFFF;
	s2 =	simm.s32 @!p0 $0x1C06  }
0x30e: {  	[timem:s3], [sflag:s2] =	dma.local @!p0 [hbm:s0], s1  }
0x30f: {  	s0 =	simm.s32 @!p0 $0x6  }
0x310: {  	_ =	swait.ge @!p0 [sflag:s0], s1  }
0x311: {  	s1 =	ssub.s32 @!p0 $0x0, s1;
	[sflag:s0] =	ssyncset.done @!p0 $0x0  }
0x312: {  	[sflag:s0] =	ssyncadd.s32 @!p0 s1  }
0x313: {  	[bflag:$0x3] =	sbarrier.arrive $0xFFFF  }
0x314: {  	_ =	shalt  }

</sc_bundles>
